<compile_context>
chip_gen: v7x
topology: tpu7x:2x2x1
jax: 0.10.2.dev20260603
libtpu: 0.0.44.dev20260713+nightly
codegen_flags: <defaults>
</compile_context>

<pallas_src>
import functools

import jax
import jax.numpy as jnp
from jax import lax
from jax.experimental import pallas as pl
from jax.experimental.pallas import tpu as pltpu
from jax.experimental.pallas import tpu_sc as plsc

N = 10000
E = 320000
D = 128
NC, NS = 2, 16
NW = NC * NS
NPAD = 10240
LOOK_CHUNK = 80
EPAD = 327680
EDGE_PER_W = EPAD // NW
EW1 = E // NW
ECHUNK = 128
ESTEPS = EDGE_PER_W // ECHUNK
NBUF = 2
HCHUNK = 2000
GPAD = 10240
ROWS_PER_S = GPAD // NS
ZROWS = 64

@functools.cache
def _build_sc_lookup_hist():
    mesh = plsc.VectorSubcoreMesh(core_axis_name="c", subcore_axis_name="s",
                                  num_cores=NC, num_subcores=NS)
    return functools.partial(
        pl.kernel,
        out_type=(
            jax.ShapeDtypeStruct((NPAD, D), jnp.float32),
            jax.ShapeDtypeStruct((NPAD, D), jnp.float32),
            jax.ShapeDtypeStruct((NW, 4, NPAD), jnp.float32),
        ),
        mesh=mesh,
        scratch_types=[
            pltpu.VMEM((NPAD // NW,), jnp.int32),
            pltpu.VMEM((NPAD // NW,), jnp.int32),
            pltpu.VMEM((LOOK_CHUNK, D), jnp.float32),
            pltpu.VMEM((LOOK_CHUNK, D), jnp.float32),
            pltpu.VMEM((EW1,), jnp.int32),
            pltpu.VMEM((EW1,), jnp.int32),
            pltpu.VMEM((NPAD,), jnp.float32),
            pltpu.VMEM((NPAD,), jnp.float32),
            pltpu.VMEM((NPAD,), jnp.float32),
            pltpu.VMEM((NPAD,), jnp.float32),
        ] + [pltpu.SemaphoreType.DMA] * 6,
        compiler_params=pltpu.CompilerParams(needs_layout_passes=False),
    )(_sc_lookup_hist_body)


def _sc_lookup_hist_body(usr_table, itm_table, usr_nid, itm_nid,
                         i_src, i_dst, u_src, u_dst,
                         usr_x, itm_x, hist_out,
                         unid, inid, rows0, rows1, hidx0, hidx1,
                         h0, h1, h2, h3,
                         gsem0, gsem1, osem0, osem1, hsem0, hsem1):
    w = lax.axis_index("s") * NC + lax.axis_index("c")
    npw = NPAD // NW
    rows = (rows0, rows1)
    gsem = (gsem0, gsem1)
    osem = (osem0, osem1)
    hidx = (hidx0, hidx1)
    hsem = (hsem0, hsem1)
    harr = (i_src, i_dst, u_src, u_dst)
    hists = (h0, h1, h2, h3)

    pltpu.async_copy(i_src.at[pl.ds(w * EW1, EW1)], hidx0, hsem0)
    pltpu.sync_copy(usr_nid.at[pl.ds(w * npw, npw)], unid)
    pltpu.sync_copy(itm_nid.at[pl.ds(w * npw, npw)], inid)

    jobs = [(usr_table, unid, usr_x, ci) for ci in range(npw // LOOK_CHUNK)]
    jobs += [(itm_table, inid, itm_x, ci) for ci in range(npw // LOOK_CHUNK)]

    def g_src(p):
        tab, nidv, _, ci = jobs[p]
        return tab.at[nidv.at[pl.ds(ci * LOOK_CHUNK, LOOK_CHUNK)]]

    def o_dst(p):
        _, _, out, ci = jobs[p]
        return out.at[pl.ds(w * npw + ci * LOOK_CHUNK, LOOK_CHUNK)]

    for k in range(2):
        pltpu.async_copy(g_src(k), rows[k], gsem[k])
    for p in range(len(jobs)):
        k = p % 2
        pltpu.make_async_copy(g_src(p), rows[k], gsem[k]).wait()
        pltpu.async_copy(rows[k], o_dst(p), osem[k])
        if p + 2 < len(jobs):
            pltpu.make_async_copy(rows[k], o_dst(p), osem[k]).wait()
            pltpu.async_copy(g_src(p + 2), rows[k], gsem[k])
    for p in (len(jobs) - 2, len(jobs) - 1):
        k = p % 2
        pltpu.make_async_copy(rows[k], o_dst(p), osem[k]).wait()

    zeros16 = jnp.zeros((16,), jnp.float32)
    ones16 = jnp.ones((16,), jnp.float32)
    for h in hists:
        def zero_body(i, _, h=h):
            h[pl.ds(i * 16, 16)] = zeros16
            return 0
        lax.fori_loop(0, NPAD // 16, zero_body, 0)

    for a in range(4):
        k = a % 2
        if a + 1 < 4:
            pltpu.async_copy(harr[a + 1].at[pl.ds(w * EW1, EW1)],
                             hidx[1 - k], hsem[1 - k])
        pltpu.make_async_copy(harr[a].at[pl.ds(w * EW1, EW1)], hidx[k],
                              hsem[k]).wait()

        def acc_body(i, _, h=hists[a], buf=hidx[k]):
            plsc.addupdate_scatter(h, [buf[pl.ds(i * 16, 16)]], ones16)
            return 0
        lax.fori_loop(0, EW1 // 16, acc_body, 0)

    for a, h in enumerate(hists):
        pltpu.async_copy(h, hist_out.at[w, a], hsem0)
    for a, h in enumerate(hists):
        pltpu.make_async_copy(h, hist_out.at[w, a], hsem0).wait()


def _tc_degscale_body(hist_ref, r_ref):
    deg = jnp.sum(hist_ref[...], axis=0)
    r_ref[...] = lax.rsqrt(jnp.maximum(deg, 1.0))


def _tc_degscale(hists):
    return pl.pallas_call(
        _tc_degscale_body,
        out_shape=jax.ShapeDtypeStruct((4, NPAD), jnp.float32),
    )(hists)


def _tc_scale_body(itm_x_ref, usr_x_ref, a_itm_ref, a_usr_ref,
                   h_itm_ref, h_usr_ref):
    h_itm_ref[...] = itm_x_ref[...] * a_itm_ref[...]
    h_usr_ref[...] = usr_x_ref[...] * a_usr_ref[...]


def _tc_scale(itm_x_p, usr_x_p, a_itm_col, a_usr_col):
    rows = 2000
    grid = N // rows
    rowspec = pl.BlockSpec((rows, D), lambda i: (i, 0))
    colspec = pl.BlockSpec((rows, 1), lambda i: (i, 0))
    return pl.pallas_call(
        _tc_scale_body,
        grid=(grid,),
        in_specs=[rowspec, rowspec, colspec, colspec],
        out_specs=[rowspec, rowspec],
        out_shape=[jax.ShapeDtypeStruct((N, D), jnp.float32)] * 2,
    )(itm_x_p, usr_x_p, a_itm_col, a_usr_col)


@functools.cache
def _build_sc_edge_pass():
    mesh = plsc.VectorSubcoreMesh(core_axis_name="c", subcore_axis_name="s",
                                  num_cores=NC, num_subcores=NS)
    return functools.partial(
        pl.kernel,
        out_type=(
            jax.ShapeDtypeStruct((NC, GPAD, D), jnp.float32),
            jax.ShapeDtypeStruct((NC, GPAD, D), jnp.float32),
        ),
        mesh=mesh,
        scratch_types=[
            pltpu.VMEM_SHARED((GPAD, D), jnp.float32),
            pltpu.VMEM((ZROWS, D), jnp.float32),
        ] + [pltpu.VMEM((ECHUNK, D), jnp.float32)] * NBUF
          + [pltpu.VMEM((ECHUNK,), jnp.int32)] * (2 * NBUF)
          + [pltpu.SemaphoreType.DMA] * (3 * NBUF),
        compiler_params=pltpu.CompilerParams(needs_layout_passes=False),
    )(_sc_edge_pass_body)


def _sc_edge_pass_body(h_itm, h_usr, i_src, i_dst, u_src, u_dst,
                       g0_u, g0_i, acc, zbuf, *bufs_and_sems):
    erows = bufs_and_sems[:NBUF]
    sbuf = bufs_and_sems[NBUF:2 * NBUF]
    dbuf = bufs_and_sems[2 * NBUF:3 * NBUF]
    sems = bufs_and_sems[3 * NBUF:]
    gsem = sems[:NBUF]
    isem = sems[NBUF:2 * NBUF]
    dsem = sems[2 * NBUF:3 * NBUF]
    c = lax.axis_index("c")
    s = lax.axis_index("s")
    w = s * NC + c

    for hsrc, esrc, edst, gout in ((h_itm, i_src, i_dst, g0_u),
                                   (h_usr, u_src, u_dst, g0_i)):
        def zb_body(i, _):
            zbuf[i // (D // 16), pl.ds((i % (D // 16)) * 16, 16)] = (
                jnp.zeros((16,), jnp.float32))
            return 0
        lax.fori_loop(0, ZROWS * (D // 16), zb_body, 0)
        for m in range(ROWS_PER_S // ZROWS):
            pltpu.sync_copy(zbuf, acc.at[pl.ds(s * ROWS_PER_S + m * ZROWS,
                                               ZROWS)])
        plsc.subcore_barrier()

        for k in range(NBUF):
            pltpu.sync_copy(esrc.at[pl.ds(w * EDGE_PER_W + k * ECHUNK,
                                          ECHUNK)], sbuf[k])
            pltpu.sync_copy(edst.at[pl.ds(w * EDGE_PER_W + k * ECHUNK,
                                          ECHUNK)], dbuf[k])
            pltpu.async_copy(hsrc.at[sbuf[k]], erows[k], gsem[k])

        def turn(j, k, reload, hsrc, esrc, edst):
            pltpu.make_async_copy(hsrc.at[sbuf[k]], erows[k], gsem[k]).wait()
            if reload:
                nbase = w * EDGE_PER_W + (j + NBUF) * ECHUNK
                pltpu.async_copy(esrc.at[pl.ds(nbase, ECHUNK)], sbuf[k],
                                 isem[k])
            pltpu.sync_copy(erows[k], acc.at[dbuf[k]], add=True)
            if reload:
                nbase = w * EDGE_PER_W + (j + NBUF) * ECHUNK
                pltpu.async_copy(edst.at[pl.ds(nbase, ECHUNK)], dbuf[k],
                                 dsem[k])
                pltpu.make_async_copy(esrc.at[pl.ds(nbase, ECHUNK)], sbuf[k],
                                      isem[k]).wait()
                pltpu.async_copy(hsrc.at[sbuf[k]], erows[k], gsem[k])
                pltpu.make_async_copy(edst.at[pl.ds(nbase, ECHUNK)], dbuf[k],
                                      dsem[k]).wait()

        def outer(o, _, hsrc=hsrc, esrc=esrc, edst=edst):
            for k in range(NBUF):
                turn(o * NBUF + k, k, True, hsrc, esrc, edst)
            return 0
        n_main = ESTEPS // NBUF - 1
        lax.fori_loop(0, n_main, outer, 0)
        for k in range(NBUF):
            turn(n_main * NBUF + k, k, False, hsrc, esrc, edst)
        plsc.subcore_barrier()

        for m in range(ROWS_PER_S // ZROWS):
            row0 = s * ROWS_PER_S + m * ZROWS
            pltpu.sync_copy(acc.at[pl.ds(row0, ZROWS)], zbuf)
            pltpu.sync_copy(zbuf, gout.at[c, pl.ds(row0, ZROWS)])
        plsc.subcore_barrier()


def _tc_final_body(g0u_ref, g0i_ref, usr_x_ref, itm_x_ref, bu_ref, bi_ref,
                   wi_t_ref, wt_t_ref, new_usr_ref, new_itm_ref):
    wi_t = wi_t_ref[...]
    wt_t = wt_t_ref[...]
    for g0_ref, x_ref, b_ref, out_ref in (
            (g0u_ref, usr_x_ref, bu_ref, new_usr_ref),
            (g0i_ref, itm_x_ref, bi_ref, new_itm_ref)):
        x = x_ref[...]
        g = (g0_ref[0] + g0_ref[1]) * b_ref[...]
        z = (jnp.dot(x + g, wi_t, preferred_element_type=jnp.float32)
             + jnp.dot(g * x, wt_t, preferred_element_type=jnp.float32))
        out_ref[...] = 0.5 * x + 0.5 * jnp.where(z >= 0, z, 0.01 * z)


def _tc_final(g0u, g0i, usr_x, itm_x, bu_col, bi_col, wi_t, wt_t):
    rows = 2000
    grid = N // rows
    gspec = pl.BlockSpec((NC, rows, D), lambda i: (0, i, 0))
    rowspec = pl.BlockSpec((rows, D), lambda i: (i, 0))
    colspec = pl.BlockSpec((rows, 1), lambda i: (i, 0))
    wspec = pl.BlockSpec((D, D), lambda i: (0, 0))
    return pl.pallas_call(
        _tc_final_body,
        grid=(grid,),
        in_specs=[gspec, gspec, rowspec, rowspec, colspec, colspec,
                  wspec, wspec],
        out_specs=[rowspec, rowspec],
        out_shape=[jax.ShapeDtypeStruct((N, D), jnp.float32)] * 2,
    )(g0u, g0i, usr_x, itm_x, bu_col, bi_col, wi_t, wt_t)


def kernel(usr_table, itm_table, W_intra_user, W_inter_user,
           W_intra_item, W_inter_item,
           usr_n_id, itm_n_id, usr_edge_index, itm_edge_index):
    del W_intra_item, W_inter_item
    usr_n_id = usr_n_id.astype(jnp.int32)
    itm_n_id = itm_n_id.astype(jnp.int32)

    pad = NPAD - N
    usr_nid_p = jnp.pad(usr_n_id, (0, pad))
    itm_nid_p = jnp.pad(itm_n_id, (0, pad))
    i_src = itm_edge_index[0].astype(jnp.int32)
    i_dst = itm_edge_index[1].astype(jnp.int32)
    u_src = usr_edge_index[0].astype(jnp.int32)
    u_dst = usr_edge_index[1].astype(jnp.int32)
    epad = EPAD - E
    pad_src = (jnp.arange(epad, dtype=jnp.int32) * 37) % N
    pad_dst = N + (jnp.arange(epad, dtype=jnp.int32) % (GPAD - N))
    i_src_p = jnp.concatenate([i_src, pad_src])
    i_dst_p = jnp.concatenate([i_dst, pad_dst])
    u_src_p = jnp.concatenate([u_src, pad_src])
    u_dst_p = jnp.concatenate([u_dst, pad_dst])

    usr_x_p, itm_x_p, hists = _build_sc_lookup_hist()(
        usr_table, itm_table, usr_nid_p, itm_nid_p,
        i_src, i_dst, u_src, u_dst)

    r = _tc_degscale(hists)
    a_itm_col = r[0, :N].reshape(N, 1)
    b_u_col = r[1, :N].reshape(N, 1)
    a_usr_col = r[2, :N].reshape(N, 1)
    b_i_col = r[3, :N].reshape(N, 1)

    h_itm, h_usr = _tc_scale(itm_x_p, usr_x_p, a_itm_col, a_usr_col)

    g0_u_p, g0_i_p = _build_sc_edge_pass()(h_itm, h_usr, i_src_p, i_dst_p,
                                           u_src_p, u_dst_p)

    new_usr, new_itm = _tc_final(
        g0_u_p, g0_i_p, usr_x_p, itm_x_p, b_u_col, b_i_col,
        W_intra_user.T, W_inter_user.T)
    return (new_usr, new_itm)

# --- scband reference (transcript-rebuilt; emitter-appended) ---
"""Pipeline reference for scband-ngcfembedding-73976516706690 (READ-ONLY COPY).

The authoritative reference and input builder live on the scoring server;
editing this copy changes nothing except your own understanding.
"""

import jax, jax.numpy as jnp
import numpy as np

NU = 10000
NI = 10000
E = 320000
D = 128


def _make_weight(edge_index, n_src, n_dst):
    # symmetric sqrt-degree normalization (NGCF laplacian norm)
    src = edge_index[0]
    dst = edge_index[1]
    ones = jnp.ones(src.shape[0], dtype=jnp.float32)
    deg_src = jax.ops.segment_sum(ones, src, num_segments=n_src)
    deg_dst = jax.ops.segment_sum(ones, dst, num_segments=n_dst)
    w = 1.0 / jnp.sqrt(jnp.maximum(deg_src[src], 1.0) * jnp.maximum(deg_dst[dst], 1.0))
    return w[:, None]


def _cell(src_x, dst_x, edge_index, edge_weight, W_intra, W_inter):
    # EmbPropCell.forward, eval mode (dropout = identity)
    src_idx = edge_index[0]
    dst_idx = edge_index[1]
    s2s_msgs = (src_x @ W_intra.T)[src_idx]
    i2s_msgs = (src_x[src_idx] * dst_x[dst_idx]) @ W_inter.T
    src_msgs = edge_weight * (s2s_msgs + i2s_msgs)
    self_msg = dst_x @ W_intra.T
    src_msg = jax.ops.segment_sum(src_msgs, dst_idx, num_segments=dst_x.shape[0])
    return jax.nn.leaky_relu(self_msg + src_msg, negative_slope=0.01)


def _forward(usr_table, itm_table, W_intra_user, W_inter_user, W_intra_item, W_inter_item,
             usr_n_id, itm_n_id, usr_edge_index, itm_edge_index):
    # NodeEmbedding lookup
    usr_x = usr_table[usr_n_id]
    itm_x = itm_table[itm_n_id]
    # undirected=False -> edge indices used as given
    usr_ew = _make_weight(usr_edge_index, usr_x.shape[0], itm_x.shape[0])
    itm_ew = _make_weight(itm_edge_index, itm_x.shape[0], usr_x.shape[0])
    weights = [0.5, 0.5]  # default: 1/len(dims), dims=[128,128]
    new_usr = weights[0] * usr_x
    new_itm = weights[0] * itm_x
    # NOTE: original EmbPropLayer.forward calls self.user for BOTH directions (bug preserved)
    nu = _cell(itm_x, usr_x, itm_edge_index, itm_ew, W_intra_user, W_inter_user)
    ni = _cell(usr_x, itm_x, usr_edge_index, usr_ew, W_intra_user, W_inter_user)
    new_usr = new_usr + weights[1] * nu
    new_itm = new_itm + weights[1] * ni
    return (new_usr, new_itm)


def setup_inputs(seed: int = 0) -> dict:
    key = jax.random.key(seed)
    ks = jax.random.split(key, 10)
    xav = (2.0 / (D + D)) ** 0.5
    return {
        "usr_table": jax.random.normal(ks[0], (NU, D), dtype=jnp.float32) * 0.1,
        "itm_table": jax.random.normal(ks[1], (NI, D), dtype=jnp.float32) * 0.1,
        "W_intra_user": jax.random.normal(ks[2], (D, D), dtype=jnp.float32) * xav,
        "W_inter_user": jax.random.normal(ks[3], (D, D), dtype=jnp.float32) * xav,
        "W_intra_item": jax.random.normal(ks[4], (D, D), dtype=jnp.float32) * xav,
        "W_inter_item": jax.random.normal(ks[5], (D, D), dtype=jnp.float32) * xav,
        "usr_n_id": jax.random.randint(ks[6], (NU,), 0, NU, dtype=jnp.int64) if jax.config.jax_enable_x64 else jax.random.randint(ks[6], (NU,), 0, NU).astype(jnp.int32),
        "itm_n_id": jax.random.randint(ks[7], (NI,), 0, NI).astype(jnp.int32),
        "usr_edge_index": jax.random.randint(ks[8], (2, E), 0, NU).astype(jnp.int32),
        "itm_edge_index": jax.random.randint(ks[9], (2, E), 0, NI).astype(jnp.int32),
    }


def reference(usr_table, itm_table, W_intra_user, W_inter_user, W_intra_item, W_inter_item,
              usr_n_id, itm_n_id, usr_edge_index, itm_edge_index):
    usr_n_id = usr_n_id.astype(jnp.int32) if usr_n_id.dtype != jnp.int32 else usr_n_id
    return _forward(usr_table, itm_table, W_intra_user, W_inter_user, W_intra_item, W_inter_item,
                    usr_n_id, itm_n_id, usr_edge_index, itm_edge_index)

if __name__ == "__main__":
    import jax
    _d = setup_inputs()
    print(jax.jit(kernel)(*tuple(_d.values())))

</pallas_src>

<mosaic_0001>
#map = affine_map<(d0, d1) -> (0, 0)>
#map1 = affine_map<(d0, d1) -> (0)>
#map2 = affine_map<(d0, d1) -> (0, 0, 0)>
module attributes {stable_mosaic.version = 14 : i64} {
  func.func @_sc_lookup_hist_body(%arg0: i32, %arg1: i32, %arg2: memref<10000x128xf32, #tpu.memory_space<hbm>>, %arg3: memref<10000x128xf32, #tpu.memory_space<hbm>>, %arg4: memref<10240xi32, #tpu.memory_space<hbm>>, %arg5: memref<10240xi32, #tpu.memory_space<hbm>>, %arg6: memref<320000xi32, #tpu.memory_space<hbm>>, %arg7: memref<320000xi32, #tpu.memory_space<hbm>>, %arg8: memref<320000xi32, #tpu.memory_space<hbm>>, %arg9: memref<320000xi32, #tpu.memory_space<hbm>>, %arg10: memref<10240x128xf32, #tpu.memory_space<hbm>>, %arg11: memref<10240x128xf32, #tpu.memory_space<hbm>>, %arg12: memref<32x4x10240xf32, #tpu.memory_space<hbm>>, %arg13: memref<320xi32, #tpu.memory_space<vmem>>, %arg14: memref<320xi32, #tpu.memory_space<vmem>>, %arg15: memref<80x128xf32, #tpu.memory_space<vmem>>, %arg16: memref<80x128xf32, #tpu.memory_space<vmem>>, %arg17: memref<10000xi32, #tpu.memory_space<vmem>>, %arg18: memref<10000xi32, #tpu.memory_space<vmem>>, %arg19: memref<10240xf32, #tpu.memory_space<vmem>>, %arg20: memref<10240xf32, #tpu.memory_space<vmem>>, %arg21: memref<10240xf32, #tpu.memory_space<vmem>>, %arg22: memref<10240xf32, #tpu.memory_space<vmem>>, %arg23: memref<!tpu.dma_semaphore, #tpu.memory_space<semaphore_mem>>, %arg24: memref<!tpu.dma_semaphore, #tpu.memory_space<semaphore_mem>>, %arg25: memref<!tpu.dma_semaphore, #tpu.memory_space<semaphore_mem>>, %arg26: memref<!tpu.dma_semaphore, #tpu.memory_space<semaphore_mem>>, %arg27: memref<!tpu.dma_semaphore, #tpu.memory_space<semaphore_mem>>, %arg28: memref<!tpu.dma_semaphore, #tpu.memory_space<semaphore_mem>>) attributes {dimension_semantics = [#tpu.dimension_semantics<core_parallel>, #tpu.dimension_semantics<subcore_parallel>], iteration_bounds = array<i64: 2, 16>, scalar_prefetch = 0 : i64, scratch_operands = 16 : i64, tpu.core_type = #tpu.core_type<sc_vector_subcore>, window_params = [{transform_indices = #map}, {transform_indices = #map}, {transform_indices = #map1}, {transform_indices = #map1}, {transform_indices = #map1}, {transform_indices = #map1}, {transform_indices = #map1}, {transform_indices = #map1}, {transform_indices = #map}, {transform_indices = #map}, {transform_indices = #map2}]} {
    %mul3A = arith.constant 2 : i32
    %mul3A_0 = arith.muli %arg1, %mul3A : i32
    %add3A = arith.addi %mul3A_0, %arg0 : i32
    %mul3A_1 = arith.constant 10000 : i32
    %mul3A_2 = arith.muli %add3A, %mul3A_1 : i32
    %dma_start3A = tpu.memref_slice %arg6[%mul3A_2] : memref<320000xi32, #tpu.memory_space<hbm>> -> memref<10000xi32, #tpu.memory_space<hbm>>
    %dma_start3A_3 = tpu.memref_slice %arg6[%mul3A_2] : memref<320000xi32, #tpu.memory_space<hbm>> -> memref<10000xi32, #tpu.memory_space<hbm>>
    tpu.enqueue_dma source(%dma_start3A_3 : memref<10000xi32, #tpu.memory_space<hbm>>) target(%arg17 : memref<10000xi32, #tpu.memory_space<vmem>>) target_semaphore(%arg27 : memref<!tpu.dma_semaphore, #tpu.memory_space<semaphore_mem>>)
    %mul3A_4 = arith.constant 320 : i32
    %mul3A_5 = arith.muli %add3A, %mul3A_4 : i32
    "tpu.region"() ({
      %run_scoped3A = tpu.sem_alloc : memref<!tpu.dma_semaphore, #tpu.memory_space<semaphore_mem>>
      %dma_start3A_357 = tpu.memref_slice %arg4[%mul3A_5] : memref<10240xi32, #tpu.memory_space<hbm>> -> memref<320xi32, #tpu.memory_space<hbm>>
      %dma_start3A_358 = tpu.memref_slice %arg4[%mul3A_5] : memref<10240xi32, #tpu.memory_space<hbm>> -> memref<320xi32, #tpu.memory_space<hbm>>
      tpu.enqueue_dma source(%dma_start3A_358 : memref<320xi32, #tpu.memory_space<hbm>>) target(%arg13 : memref<320xi32, #tpu.memory_space<vmem>>) target_semaphore(%run_scoped3A : memref<!tpu.dma_semaphore, #tpu.memory_space<semaphore_mem>>)
      %dma_wait3A_359 = tpu.memref_slice %arg4[%mul3A_5] : memref<10240xi32, #tpu.memory_space<hbm>> -> memref<320xi32, #tpu.memory_space<hbm>>
      %dma_wait3A_360 = tpu.memref_slice %arg4[%mul3A_5] : memref<10240xi32, #tpu.memory_space<hbm>> -> memref<320xi32, #tpu.memory_space<hbm>>
      tpu.wait_dma2 semaphore(%run_scoped3A : memref<!tpu.dma_semaphore, #tpu.memory_space<semaphore_mem>>) src(%dma_wait3A_360 : memref<320xi32, #tpu.memory_space<hbm>>) dst(%arg13 : memref<320xi32, #tpu.memory_space<vmem>>)
      tpu.yield
    }) : () -> ()
    %mul3A_6 = arith.constant 320 : i32
    %mul3A_7 = arith.muli %add3A, %mul3A_6 : i32
    "tpu.region"() ({
      %run_scoped3A = tpu.sem_alloc : memref<!tpu.dma_semaphore, #tpu.memory_space<semaphore_mem>>
      %dma_start3A_357 = tpu.memref_slice %arg5[%mul3A_7] : memref<10240xi32, #tpu.memory_space<hbm>> -> memref<320xi32, #tpu.memory_space<hbm>>
      %dma_start3A_358 = tpu.memref_slice %arg5[%mul3A_7] : memref<10240xi32, #tpu.memory_space<hbm>> -> memref<320xi32, #tpu.memory_space<hbm>>
      tpu.enqueue_dma source(%dma_start3A_358 : memref<320xi32, #tpu.memory_space<hbm>>) target(%arg14 : memref<320xi32, #tpu.memory_space<vmem>>) target_semaphore(%run_scoped3A : memref<!tpu.dma_semaphore, #tpu.memory_space<semaphore_mem>>)
      %dma_wait3A_359 = tpu.memref_slice %arg5[%mul3A_7] : memref<10240xi32, #tpu.memory_space<hbm>> -> memref<320xi32, #tpu.memory_space<hbm>>
      %dma_wait3A_360 = tpu.memref_slice %arg5[%mul3A_7] : memref<10240xi32, #tpu.memory_space<hbm>> -> memref<320xi32, #tpu.memory_space<hbm>>
      tpu.wait_dma2 semaphore(%run_scoped3A : memref<!tpu.dma_semaphore, #tpu.memory_space<semaphore_mem>>) src(%dma_wait3A_360 : memref<320xi32, #tpu.memory_space<hbm>>) dst(%arg14 : memref<320xi32, #tpu.memory_space<vmem>>)
      tpu.yield
    }) : () -> ()
    %dma_start3A_8 = arith.constant 0 : i32
    %dma_start3A_9 = tpu.memref_slice %arg13[%dma_start3A_8] : memref<320xi32, #tpu.memory_space<vmem>> -> memref<80xi32, #tpu.memory_space<vmem>>
    %dma_start3A_10 = arith.constant 0 : i32
    %dma_start3A_11 = arith.constant 0 : i32
    %dma_start3A_12 = tpu.memref_slice %arg2[%dma_start3A_10, %dma_start3A_11] : memref<10000x128xf32, #tpu.memory_space<hbm>> -> memref<10000x128xf32, #tpu.memory_space<hbm>>
    tpu.enqueue_indirect_dma source(%dma_start3A_12 : memref<10000x128xf32, #tpu.memory_space<hbm>>) target(%arg15 : memref<80x128xf32, #tpu.memory_space<vmem>>) offsets(%dma_start3A_9 : memref<80xi32, #tpu.memory_space<vmem>>) semaphore(%arg23 : memref<!tpu.dma_semaphore, #tpu.memory_space<semaphore_mem>>)
    %dma_start3A_13 = arith.constant 80 : i32
    %dma_start3A_14 = tpu.memref_slice %arg13[%dma_start3A_13] : memref<320xi32, #tpu.memory_space<vmem>> -> memref<80xi32, #tpu.memory_space<vmem>>
    %dma_start3A_15 = arith.constant 0 : i32
    %dma_start3A_16 = arith.constant 0 : i32
    %dma_start3A_17 = tpu.memref_slice %arg2[%dma_start3A_15, %dma_start3A_16] : memref<10000x128xf32, #tpu.memory_space<hbm>> -> memref<10000x128xf32, #tpu.memory_space<hbm>>
    tpu.enqueue_indirect_dma source(%dma_start3A_17 : memref<10000x128xf32, #tpu.memory_space<hbm>>) target(%arg16 : memref<80x128xf32, #tpu.memory_space<vmem>>) offsets(%dma_start3A_14 : memref<80xi32, #tpu.memory_space<vmem>>) semaphore(%arg24 : memref<!tpu.dma_semaphore, #tpu.memory_space<semaphore_mem>>)
    %dma_wait3A = arith.constant 0 : i32
    %dma_wait3A_18 = tpu.memref_slice %arg13[%dma_wait3A] : memref<320xi32, #tpu.memory_space<vmem>> -> memref<80xi32, #tpu.memory_space<vmem>>
    %dma_wait3A_19 = arith.constant 0 : i32
    %dma_wait3A_20 = arith.constant 0 : i32
    %dma_wait3A_21 = tpu.memref_slice %arg2[%dma_wait3A_19, %dma_wait3A_20] : memref<10000x128xf32, #tpu.memory_space<hbm>> -> memref<10000x128xf32, #tpu.memory_space<hbm>>
    tpu.wait_indirect_dma semaphore(%arg23 : memref<!tpu.dma_semaphore, #tpu.memory_space<semaphore_mem>>) src(%dma_wait3A_21 : memref<10000x128xf32, #tpu.memory_space<hbm>>) dst(%arg15 : memref<80x128xf32, #tpu.memory_space<vmem>>)
    %mul3A_22 = arith.constant 320 : i32
    %mul3A_23 = arith.muli %add3A, %mul3A_22 : i32
    %add3A_24 = arith.constant 0 : i32
    %add3A_25 = arith.addi %mul3A_23, %add3A_24 : i32
    %dma_start3A_26 = arith.constant 0 : i32
    %dma_start3A_27 = tpu.memref_slice %arg10[%add3A_25, %dma_start3A_26] : memref<10240x128xf32, #tpu.memory_space<hbm>> -> memref<80x128xf32, #tpu.memory_space<hbm>>
    %dma_start3A_28 = arith.constant 0 : i32
    %dma_start3A_29 = tpu.memref_slice %arg10[%add3A_25, %dma_start3A_28] : memref<10240x128xf32, #tpu.memory_space<hbm>> -> memref<80x128xf32, #tpu.memory_space<hbm>>
    tpu.enqueue_dma source(%arg15 : memref<80x128xf32, #tpu.memory_space<vmem>>) target(%dma_start3A_29 : memref<80x128xf32, #tpu.memory_space<hbm>>) target_semaphore(%arg25 : memref<!tpu.dma_semaphore, #tpu.memory_space<semaphore_mem>>)
    %mul3A_30 = arith.constant 320 : i32
    %mul3A_31 = arith.muli %add3A, %mul3A_30 : i32
    %add3A_32 = arith.constant 0 : i32
    %add3A_33 = arith.addi %mul3A_31, %add3A_32 : i32
    %dma_wait3A_34 = arith.constant 0 : i32
    %dma_wait3A_35 = tpu.memref_slice %arg10[%add3A_33, %dma_wait3A_34] : memref<10240x128xf32, #tpu.memory_space<hbm>> -> memref<80x128xf32, #tpu.memory_space<hbm>>
    %dma_wait3A_36 = arith.constant 0 : i32
    %dma_wait3A_37 = tpu.memref_slice %arg10[%add3A_33, %dma_wait3A_36] : memref<10240x128xf32, #tpu.memory_space<hbm>> -> memref<80x128xf32, #tpu.memory_space<hbm>>
    tpu.wait_dma2 semaphore(%arg25 : memref<!tpu.dma_semaphore, #tpu.memory_space<semaphore_mem>>) src(%arg15 : memref<80x128xf32, #tpu.memory_space<vmem>>) dst(%dma_wait3A_37 : memref<80x128xf32, #tpu.memory_space<hbm>>)
    %dma_start3A_38 = arith.constant 160 : i32
    %dma_start3A_39 = tpu.memref_slice %arg13[%dma_start3A_38] : memref<320xi32, #tpu.memory_space<vmem>> -> memref<80xi32, #tpu.memory_space<vmem>>
    %dma_start3A_40 = arith.constant 0 : i32
    %dma_start3A_41 = arith.constant 0 : i32
    %dma_start3A_42 = tpu.memref_slice %arg2[%dma_start3A_40, %dma_start3A_41] : memref<10000x128xf32, #tpu.memory_space<hbm>> -> memref<10000x128xf32, #tpu.memory_space<hbm>>
    tpu.enqueue_indirect_dma source(%dma_start3A_42 : memref<10000x128xf32, #tpu.memory_space<hbm>>) target(%arg15 : memref<80x128xf32, #tpu.memory_space<vmem>>) offsets(%dma_start3A_39 : memref<80xi32, #tpu.memory_space<vmem>>) semaphore(%arg23 : memref<!tpu.dma_semaphore, #tpu.memory_space<semaphore_mem>>)
    %dma_wait3A_43 = arith.constant 80 : i32
    %dma_wait3A_44 = tpu.memref_slice %arg13[%dma_wait3A_43] : memref<320xi32, #tpu.memory_space<vmem>> -> memref<80xi32, #tpu.memory_space<vmem>>
    %dma_wait3A_45 = arith.constant 0 : i32
    %dma_wait3A_46 = arith.constant 0 : i32
    %dma_wait3A_47 = tpu.memref_slice %arg2[%dma_wait3A_45, %dma_wait3A_46] : memref<10000x128xf32, #tpu.memory_space<hbm>> -> memref<10000x128xf32, #tpu.memory_space<hbm>>
    tpu.wait_indirect_dma semaphore(%arg24 : memref<!tpu.dma_semaphore, #tpu.memory_space<semaphore_mem>>) src(%dma_wait3A_47 : memref<10000x128xf32, #tpu.memory_space<hbm>>) dst(%arg16 : memref<80x128xf32, #tpu.memory_space<vmem>>)
    %mul3A_48 = arith.constant 320 : i32
    %mul3A_49 = arith.muli %add3A, %mul3A_48 : i32
    %add3A_50 = arith.constant 80 : i32
    %add3A_51 = arith.addi %mul3A_49, %add3A_50 : i32
    %dma_start3A_52 = arith.constant 0 : i32
    %dma_start3A_53 = tpu.memref_slice %arg10[%add3A_51, %dma_start3A_52] : memref<10240x128xf32, #tpu.memory_space<hbm>> -> memref<80x128xf32, #tpu.memory_space<hbm>>
    %dma_start3A_54 = arith.constant 0 : i32
    %dma_start3A_55 = tpu.memref_slice %arg10[%add3A_51, %dma_start3A_54] : memref<10240x128xf32, #tpu.memory_space<hbm>> -> memref<80x128xf32, #tpu.memory_space<hbm>>
    tpu.enqueue_dma source(%arg16 : memref<80x128xf32, #tpu.memory_space<vmem>>) target(%dma_start3A_55 : memref<80x128xf32, #tpu.memory_space<hbm>>) target_semaphore(%arg26 : memref<!tpu.dma_semaphore, #tpu.memory_space<semaphore_mem>>)
    %mul3A_56 = arith.constant 320 : i32
    %mul3A_57 = arith.muli %add3A, %mul3A_56 : i32
    %add3A_58 = arith.constant 80 : i32
    %add3A_59 = arith.addi %mul3A_57, %add3A_58 : i32
    %dma_wait3A_60 = arith.constant 0 : i32
    %dma_wait3A_61 = tpu.memref_slice %arg10[%add3A_59, %dma_wait3A_60] : memref<10240x128xf32, #tpu.memory_space<hbm>> -> memref<80x128xf32, #tpu.memory_space<hbm>>
    %dma_wait3A_62 = arith.constant 0 : i32
    %dma_wait3A_63 = tpu.memref_slice %arg10[%add3A_59, %dma_wait3A_62] : memref<10240x128xf32, #tpu.memory_space<hbm>> -> memref<80x128xf32, #tpu.memory_space<hbm>>
    tpu.wait_dma2 semaphore(%arg26 : memref<!tpu.dma_semaphore, #tpu.memory_space<semaphore_mem>>) src(%arg16 : memref<80x128xf32, #tpu.memory_space<vmem>>) dst(%dma_wait3A_63 : memref<80x128xf32, #tpu.memory_space<hbm>>)
    %dma_start3A_64 = arith.constant 240 : i32
    %dma_start3A_65 = tpu.memref_slice %arg13[%dma_start3A_64] : memref<320xi32, #tpu.memory_space<vmem>> -> memref<80xi32, #tpu.memory_space<vmem>>
    %dma_start3A_66 = arith.constant 0 : i32
    %dma_start3A_67 = arith.constant 0 : i32
    %dma_start3A_68 = tpu.memref_slice %arg2[%dma_start3A_66, %dma_start3A_67] : memref<10000x128xf32, #tpu.memory_space<hbm>> -> memref<10000x128xf32, #tpu.memory_space<hbm>>
    tpu.enqueue_indirect_dma source(%dma_start3A_68 : memref<10000x128xf32, #tpu.memory_space<hbm>>) target(%arg16 : memref<80x128xf32, #tpu.memory_space<vmem>>) offsets(%dma_start3A_65 : memref<80xi32, #tpu.memory_space<vmem>>) semaphore(%arg24 : memref<!tpu.dma_semaphore, #tpu.memory_space<semaphore_mem>>)
    %dma_wait3A_69 = arith.constant 160 : i32
    %dma_wait3A_70 = tpu.memref_slice %arg13[%dma_wait3A_69] : memref<320xi32, #tpu.memory_space<vmem>> -> memref<80xi32, #tpu.memory_space<vmem>>
    %dma_wait3A_71 = arith.constant 0 : i32
    %dma_wait3A_72 = arith.constant 0 : i32
    %dma_wait3A_73 = tpu.memref_slice %arg2[%dma_wait3A_71, %dma_wait3A_72] : memref<10000x128xf32, #tpu.memory_space<hbm>> -> memref<10000x128xf32, #tpu.memory_space<hbm>>
    tpu.wait_indirect_dma semaphore(%arg23 : memref<!tpu.dma_semaphore, #tpu.memory_space<semaphore_mem>>) src(%dma_wait3A_73 : memref<10000x128xf32, #tpu.memory_space<hbm>>) dst(%arg15 : memref<80x128xf32, #tpu.memory_space<vmem>>)
    %mul3A_74 = arith.constant 320 : i32
    %mul3A_75 = arith.muli %add3A, %mul3A_74 : i32
    %add3A_76 = arith.constant 160 : i32
    %add3A_77 = arith.addi %mul3A_75, %add3A_76 : i32
    %dma_start3A_78 = arith.constant 0 : i32
    %dma_start3A_79 = tpu.memref_slice %arg10[%add3A_77, %dma_start3A_78] : memref<10240x128xf32, #tpu.memory_space<hbm>> -> memref<80x128xf32, #tpu.memory_space<hbm>>
    %dma_start3A_80 = arith.constant 0 : i32
    %dma_start3A_81 = tpu.memref_slice %arg10[%add3A_77, %dma_start3A_80] : memref<10240x128xf32, #tpu.memory_space<hbm>> -> memref<80x128xf32, #tpu.memory_space<hbm>>
    tpu.enqueue_dma source(%arg15 : memref<80x128xf32, #tpu.memory_space<vmem>>) target(%dma_start3A_81 : memref<80x128xf32, #tpu.memory_space<hbm>>) target_semaphore(%arg25 : memref<!tpu.dma_semaphore, #tpu.memory_space<semaphore_mem>>)
    %mul3A_82 = arith.constant 320 : i32
    %mul3A_83 = arith.muli %add3A, %mul3A_82 : i32
    %add3A_84 = arith.constant 160 : i32
    %add3A_85 = arith.addi %mul3A_83, %add3A_84 : i32
    %dma_wait3A_86 = arith.constant 0 : i32
    %dma_wait3A_87 = tpu.memref_slice %arg10[%add3A_85, %dma_wait3A_86] : memref<10240x128xf32, #tpu.memory_space<hbm>> -> memref<80x128xf32, #tpu.memory_space<hbm>>
    %dma_wait3A_88 = arith.constant 0 : i32
    %dma_wait3A_89 = tpu.memref_slice %arg10[%add3A_85, %dma_wait3A_88] : memref<10240x128xf32, #tpu.memory_space<hbm>> -> memref<80x128xf32, #tpu.memory_space<hbm>>
    tpu.wait_dma2 semaphore(%arg25 : memref<!tpu.dma_semaphore, #tpu.memory_space<semaphore_mem>>) src(%arg15 : memref<80x128xf32, #tpu.memory_space<vmem>>) dst(%dma_wait3A_89 : memref<80x128xf32, #tpu.memory_space<hbm>>)
    %dma_start3A_90 = arith.constant 0 : i32
    %dma_start3A_91 = tpu.memref_slice %arg14[%dma_start3A_90] : memref<320xi32, #tpu.memory_space<vmem>> -> memref<80xi32, #tpu.memory_space<vmem>>
    %dma_start3A_92 = arith.constant 0 : i32
    %dma_start3A_93 = arith.constant 0 : i32
    %dma_start3A_94 = tpu.memref_slice %arg3[%dma_start3A_92, %dma_start3A_93] : memref<10000x128xf32, #tpu.memory_space<hbm>> -> memref<10000x128xf32, #tpu.memory_space<hbm>>
    tpu.enqueue_indirect_dma source(%dma_start3A_94 : memref<10000x128xf32, #tpu.memory_space<hbm>>) target(%arg15 : memref<80x128xf32, #tpu.memory_space<vmem>>) offsets(%dma_start3A_91 : memref<80xi32, #tpu.memory_space<vmem>>) semaphore(%arg23 : memref<!tpu.dma_semaphore, #tpu.memory_space<semaphore_mem>>)
    %dma_wait3A_95 = arith.constant 240 : i32
    %dma_wait3A_96 = tpu.memref_slice %arg13[%dma_wait3A_95] : memref<320xi32, #tpu.memory_space<vmem>> -> memref<80xi32, #tpu.memory_space<vmem>>
    %dma_wait3A_97 = arith.constant 0 : i32
    %dma_wait3A_98 = arith.constant 0 : i32
    %dma_wait3A_99 = tpu.memref_slice %arg2[%dma_wait3A_97, %dma_wait3A_98] : memref<10000x128xf32, #tpu.memory_space<hbm>> -> memref<10000x128xf32, #tpu.memory_space<hbm>>
    tpu.wait_indirect_dma semaphore(%arg24 : memref<!tpu.dma_semaphore, #tpu.memory_space<semaphore_mem>>) src(%dma_wait3A_99 : memref<10000x128xf32, #tpu.memory_space<hbm>>) dst(%arg16 : memref<80x128xf32, #tpu.memory_space<vmem>>)
    %mul3A_100 = arith.constant 320 : i32
    %mul3A_101 = arith.muli %add3A, %mul3A_100 : i32
    %add3A_102 = arith.constant 240 : i32
    %add3A_103 = arith.addi %mul3A_101, %add3A_102 : i32
    %dma_start3A_104 = arith.constant 0 : i32
    %dma_start3A_105 = tpu.memref_slice %arg10[%add3A_103, %dma_start3A_104] : memref<10240x128xf32, #tpu.memory_space<hbm>> -> memref<80x128xf32, #tpu.memory_space<hbm>>
    %dma_start3A_106 = arith.constant 0 : i32
    %dma_start3A_107 = tpu.memref_slice %arg10[%add3A_103, %dma_start3A_106] : memref<10240x128xf32, #tpu.memory_space<hbm>> -> memref<80x128xf32, #tpu.memory_space<hbm>>
    tpu.enqueue_dma source(%arg16 : memref<80x128xf32, #tpu.memory_space<vmem>>) target(%dma_start3A_107 : memref<80x128xf32, #tpu.memory_space<hbm>>) target_semaphore(%arg26 : memref<!tpu.dma_semaphore, #tpu.memory_space<semaphore_mem>>)
    %mul3A_108 = arith.constant 320 : i32
    %mul3A_109 = arith.muli %add3A, %mul3A_108 : i32
    %add3A_110 = arith.constant 240 : i32
    %add3A_111 = arith.addi %mul3A_109, %add3A_110 : i32
    %dma_wait3A_112 = arith.constant 0 : i32
    %dma_wait3A_113 = tpu.memref_slice %arg10[%add3A_111, %dma_wait3A_112] : memref<10240x128xf32, #tpu.memory_space<hbm>> -> memref<80x128xf32, #tpu.memory_space<hbm>>
    %dma_wait3A_114 = arith.constant 0 : i32
    %dma_wait3A_115 = tpu.memref_slice %arg10[%add3A_111, %dma_wait3A_114] : memref<10240x128xf32, #tpu.memory_space<hbm>> -> memref<80x128xf32, #tpu.memory_space<hbm>>
    tpu.wait_dma2 semaphore(%arg26 : memref<!tpu.dma_semaphore, #tpu.memory_space<semaphore_mem>>) src(%arg16 : memref<80x128xf32, #tpu.memory_space<vmem>>) dst(%dma_wait3A_115 : memref<80x128xf32, #tpu.memory_space<hbm>>)
    %dma_start3A_116 = arith.constant 80 : i32
    %dma_start3A_117 = tpu.memref_slice %arg14[%dma_start3A_116] : memref<320xi32, #tpu.memory_space<vmem>> -> memref<80xi32, #tpu.memory_space<vmem>>
    %dma_start3A_118 = arith.constant 0 : i32
    %dma_start3A_119 = arith.constant 0 : i32
    %dma_start3A_120 = tpu.memref_slice %arg3[%dma_start3A_118, %dma_start3A_119] : memref<10000x128xf32, #tpu.memory_space<hbm>> -> memref<10000x128xf32, #tpu.memory_space<hbm>>
    tpu.enqueue_indirect_dma source(%dma_start3A_120 : memref<10000x128xf32, #tpu.memory_space<hbm>>) target(%arg16 : memref<80x128xf32, #tpu.memory_space<vmem>>) offsets(%dma_start3A_117 : memref<80xi32, #tpu.memory_space<vmem>>) semaphore(%arg24 : memref<!tpu.dma_semaphore, #tpu.memory_space<semaphore_mem>>)
    %dma_wait3A_121 = arith.constant 0 : i32
    %dma_wait3A_122 = tpu.memref_slice %arg14[%dma_wait3A_121] : memref<320xi32, #tpu.memory_space<vmem>> -> memref<80xi32, #tpu.memory_space<vmem>>
    %dma_wait3A_123 = arith.constant 0 : i32
    %dma_wait3A_124 = arith.constant 0 : i32
    %dma_wait3A_125 = tpu.memref_slice %arg3[%dma_wait3A_123, %dma_wait3A_124] : memref<10000x128xf32, #tpu.memory_space<hbm>> -> memref<10000x128xf32, #tpu.memory_space<hbm>>
    tpu.wait_indirect_dma semaphore(%arg23 : memref<!tpu.dma_semaphore, #tpu.memory_space<semaphore_mem>>) src(%dma_wait3A_125 : memref<10000x128xf32, #tpu.memory_space<hbm>>) dst(%arg15 : memref<80x128xf32, #tpu.memory_space<vmem>>)
    %mul3A_126 = arith.constant 320 : i32
    %mul3A_127 = arith.muli %add3A, %mul3A_126 : i32
    %add3A_128 = arith.constant 0 : i32
    %add3A_129 = arith.addi %mul3A_127, %add3A_128 : i32
    %dma_start3A_130 = arith.constant 0 : i32
    %dma_start3A_131 = tpu.memref_slice %arg11[%add3A_129, %dma_start3A_130] : memref<10240x128xf32, #tpu.memory_space<hbm>> -> memref<80x128xf32, #tpu.memory_space<hbm>>
    %dma_start3A_132 = arith.constant 0 : i32
    %dma_start3A_133 = tpu.memref_slice %arg11[%add3A_129, %dma_start3A_132] : memref<10240x128xf32, #tpu.memory_space<hbm>> -> memref<80x128xf32, #tpu.memory_space<hbm>>
    tpu.enqueue_dma source(%arg15 : memref<80x128xf32, #tpu.memory_space<vmem>>) target(%dma_start3A_133 : memref<80x128xf32, #tpu.memory_space<hbm>>) target_semaphore(%arg25 : memref<!tpu.dma_semaphore, #tpu.memory_space<semaphore_mem>>)
    %mul3A_134 = arith.constant 320 : i32
    %mul3A_135 = arith.muli %add3A, %mul3A_134 : i32
    %add3A_136 = arith.constant 0 : i32
    %add3A_137 = arith.addi %mul3A_135, %add3A_136 : i32
    %dma_wait3A_138 = arith.constant 0 : i32
    %dma_wait3A_139 = tpu.memref_slice %arg11[%add3A_137, %dma_wait3A_138] : memref<10240x128xf32, #tpu.memory_space<hbm>> -> memref<80x128xf32, #tpu.memory_space<hbm>>
    %dma_wait3A_140 = arith.constant 0 : i32
    %dma_wait3A_141 = tpu.memref_slice %arg11[%add3A_137, %dma_wait3A_140] : memref<10240x128xf32, #tpu.memory_space<hbm>> -> memref<80x128xf32, #tpu.memory_space<hbm>>
    tpu.wait_dma2 semaphore(%arg25 : memref<!tpu.dma_semaphore, #tpu.memory_space<semaphore_mem>>) src(%arg15 : memref<80x128xf32, #tpu.memory_space<vmem>>) dst(%dma_wait3A_141 : memref<80x128xf32, #tpu.memory_space<hbm>>)
    %dma_start3A_142 = arith.constant 160 : i32
    %dma_start3A_143 = tpu.memref_slice %arg14[%dma_start3A_142] : memref<320xi32, #tpu.memory_space<vmem>> -> memref<80xi32, #tpu.memory_space<vmem>>
    %dma_start3A_144 = arith.constant 0 : i32
    %dma_start3A_145 = arith.constant 0 : i32
    %dma_start3A_146 = tpu.memref_slice %arg3[%dma_start3A_144, %dma_start3A_145] : memref<10000x128xf32, #tpu.memory_space<hbm>> -> memref<10000x128xf32, #tpu.memory_space<hbm>>
    tpu.enqueue_indirect_dma source(%dma_start3A_146 : memref<10000x128xf32, #tpu.memory_space<hbm>>) target(%arg15 : memref<80x128xf32, #tpu.memory_space<vmem>>) offsets(%dma_start3A_143 : memref<80xi32, #tpu.memory_space<vmem>>) semaphore(%arg23 : memref<!tpu.dma_semaphore, #tpu.memory_space<semaphore_mem>>)
    %dma_wait3A_147 = arith.constant 80 : i32
    %dma_wait3A_148 = tpu.memref_slice %arg14[%dma_wait3A_147] : memref<320xi32, #tpu.memory_space<vmem>> -> memref<80xi32, #tpu.memory_space<vmem>>
    %dma_wait3A_149 = arith.constant 0 : i32
    %dma_wait3A_150 = arith.constant 0 : i32
    %dma_wait3A_151 = tpu.memref_slice %arg3[%dma_wait3A_149, %dma_wait3A_150] : memref<10000x128xf32, #tpu.memory_space<hbm>> -> memref<10000x128xf32, #tpu.memory_space<hbm>>
    tpu.wait_indirect_dma semaphore(%arg24 : memref<!tpu.dma_semaphore, #tpu.memory_space<semaphore_mem>>) src(%dma_wait3A_151 : memref<10000x128xf32, #tpu.memory_space<hbm>>) dst(%arg16 : memref<80x128xf32, #tpu.memory_space<vmem>>)
    %mul3A_152 = arith.constant 320 : i32
    %mul3A_153 = arith.muli %add3A, %mul3A_152 : i32
    %add3A_154 = arith.constant 80 : i32
    %add3A_155 = arith.addi %mul3A_153, %add3A_154 : i32
    %dma_start3A_156 = arith.constant 0 : i32
    %dma_start3A_157 = tpu.memref_slice %arg11[%add3A_155, %dma_start3A_156] : memref<10240x128xf32, #tpu.memory_space<hbm>> -> memref<80x128xf32, #tpu.memory_space<hbm>>
    %dma_start3A_158 = arith.constant 0 : i32
    %dma_start3A_159 = tpu.memref_slice %arg11[%add3A_155, %dma_start3A_158] : memref<10240x128xf32, #tpu.memory_space<hbm>> -> memref<80x128xf32, #tpu.memory_space<hbm>>
    tpu.enqueue_dma source(%arg16 : memref<80x128xf32, #tpu.memory_space<vmem>>) target(%dma_start3A_159 : memref<80x128xf32, #tpu.memory_space<hbm>>) target_semaphore(%arg26 : memref<!tpu.dma_semaphore, #tpu.memory_space<semaphore_mem>>)
    %mul3A_160 = arith.constant 320 : i32
    %mul3A_161 = arith.muli %add3A, %mul3A_160 : i32
    %add3A_162 = arith.constant 80 : i32
    %add3A_163 = arith.addi %mul3A_161, %add3A_162 : i32
    %dma_wait3A_164 = arith.constant 0 : i32
    %dma_wait3A_165 = tpu.memref_slice %arg11[%add3A_163, %dma_wait3A_164] : memref<10240x128xf32, #tpu.memory_space<hbm>> -> memref<80x128xf32, #tpu.memory_space<hbm>>
    %dma_wait3A_166 = arith.constant 0 : i32
    %dma_wait3A_167 = tpu.memref_slice %arg11[%add3A_163, %dma_wait3A_166] : memref<10240x128xf32, #tpu.memory_space<hbm>> -> memref<80x128xf32, #tpu.memory_space<hbm>>
    tpu.wait_dma2 semaphore(%arg26 : memref<!tpu.dma_semaphore, #tpu.memory_space<semaphore_mem>>) src(%arg16 : memref<80x128xf32, #tpu.memory_space<vmem>>) dst(%dma_wait3A_167 : memref<80x128xf32, #tpu.memory_space<hbm>>)
    %dma_start3A_168 = arith.constant 240 : i32
    %dma_start3A_169 = tpu.memref_slice %arg14[%dma_start3A_168] : memref<320xi32, #tpu.memory_space<vmem>> -> memref<80xi32, #tpu.memory_space<vmem>>
    %dma_start3A_170 = arith.constant 0 : i32
    %dma_start3A_171 = arith.constant 0 : i32
    %dma_start3A_172 = tpu.memref_slice %arg3[%dma_start3A_170, %dma_start3A_171] : memref<10000x128xf32, #tpu.memory_space<hbm>> -> memref<10000x128xf32, #tpu.memory_space<hbm>>
    tpu.enqueue_indirect_dma source(%dma_start3A_172 : memref<10000x128xf32, #tpu.memory_space<hbm>>) target(%arg16 : memref<80x128xf32, #tpu.memory_space<vmem>>) offsets(%dma_start3A_169 : memref<80xi32, #tpu.memory_space<vmem>>) semaphore(%arg24 : memref<!tpu.dma_semaphore, #tpu.memory_space<semaphore_mem>>)
    %dma_wait3A_173 = arith.constant 160 : i32
    %dma_wait3A_174 = tpu.memref_slice %arg14[%dma_wait3A_173] : memref<320xi32, #tpu.memory_space<vmem>> -> memref<80xi32, #tpu.memory_space<vmem>>
    %dma_wait3A_175 = arith.constant 0 : i32
    %dma_wait3A_176 = arith.constant 0 : i32
    %dma_wait3A_177 = tpu.memref_slice %arg3[%dma_wait3A_175, %dma_wait3A_176] : memref<10000x128xf32, #tpu.memory_space<hbm>> -> memref<10000x128xf32, #tpu.memory_space<hbm>>
    tpu.wait_indirect_dma semaphore(%arg23 : memref<!tpu.dma_semaphore, #tpu.memory_space<semaphore_mem>>) src(%dma_wait3A_177 : memref<10000x128xf32, #tpu.memory_space<hbm>>) dst(%arg15 : memref<80x128xf32, #tpu.memory_space<vmem>>)
    %mul3A_178 = arith.constant 320 : i32
    %mul3A_179 = arith.muli %add3A, %mul3A_178 : i32
    %add3A_180 = arith.constant 160 : i32
    %add3A_181 = arith.addi %mul3A_179, %add3A_180 : i32
    %dma_start3A_182 = arith.constant 0 : i32
    %dma_start3A_183 = tpu.memref_slice %arg11[%add3A_181, %dma_start3A_182] : memref<10240x128xf32, #tpu.memory_space<hbm>> -> memref<80x128xf32, #tpu.memory_space<hbm>>
    %dma_start3A_184 = arith.constant 0 : i32
    %dma_start3A_185 = tpu.memref_slice %arg11[%add3A_181, %dma_start3A_184] : memref<10240x128xf32, #tpu.memory_space<hbm>> -> memref<80x128xf32, #tpu.memory_space<hbm>>
    tpu.enqueue_dma source(%arg15 : memref<80x128xf32, #tpu.memory_space<vmem>>) target(%dma_start3A_185 : memref<80x128xf32, #tpu.memory_space<hbm>>) target_semaphore(%arg25 : memref<!tpu.dma_semaphore, #tpu.memory_space<semaphore_mem>>)
    %dma_wait3A_186 = arith.constant 240 : i32
    %dma_wait3A_187 = tpu.memref_slice %arg14[%dma_wait3A_186] : memref<320xi32, #tpu.memory_space<vmem>> -> memref<80xi32, #tpu.memory_space<vmem>>
    %dma_wait3A_188 = arith.constant 0 : i32
    %dma_wait3A_189 = arith.constant 0 : i32
    %dma_wait3A_190 = tpu.memref_slice %arg3[%dma_wait3A_188, %dma_wait3A_189] : memref<10000x128xf32, #tpu.memory_space<hbm>> -> memref<10000x128xf32, #tpu.memory_space<hbm>>
    tpu.wait_indirect_dma semaphore(%arg24 : memref<!tpu.dma_semaphore, #tpu.memory_space<semaphore_mem>>) src(%dma_wait3A_190 : memref<10000x128xf32, #tpu.memory_space<hbm>>) dst(%arg16 : memref<80x128xf32, #tpu.memory_space<vmem>>)
    %mul3A_191 = arith.constant 320 : i32
    %mul3A_192 = arith.muli %add3A, %mul3A_191 : i32
    %add3A_193 = arith.constant 240 : i32
    %add3A_194 = arith.addi %mul3A_192, %add3A_193 : i32
    %dma_start3A_195 = arith.constant 0 : i32
    %dma_start3A_196 = tpu.memref_slice %arg11[%add3A_194, %dma_start3A_195] : memref<10240x128xf32, #tpu.memory_space<hbm>> -> memref<80x128xf32, #tpu.memory_space<hbm>>
    %dma_start3A_197 = arith.constant 0 : i32
    %dma_start3A_198 = tpu.memref_slice %arg11[%add3A_194, %dma_start3A_197] : memref<10240x128xf32, #tpu.memory_space<hbm>> -> memref<80x128xf32, #tpu.memory_space<hbm>>
    tpu.enqueue_dma source(%arg16 : memref<80x128xf32, #tpu.memory_space<vmem>>) target(%dma_start3A_198 : memref<80x128xf32, #tpu.memory_space<hbm>>) target_semaphore(%arg26 : memref<!tpu.dma_semaphore, #tpu.memory_space<semaphore_mem>>)
    %mul3A_199 = arith.constant 320 : i32
    %mul3A_200 = arith.muli %add3A, %mul3A_199 : i32
    %add3A_201 = arith.constant 160 : i32
    %add3A_202 = arith.addi %mul3A_200, %add3A_201 : i32
    %dma_wait3A_203 = arith.constant 0 : i32
    %dma_wait3A_204 = tpu.memref_slice %arg11[%add3A_202, %dma_wait3A_203] : memref<10240x128xf32, #tpu.memory_space<hbm>> -> memref<80x128xf32, #tpu.memory_space<hbm>>
    %dma_wait3A_205 = arith.constant 0 : i32
    %dma_wait3A_206 = tpu.memref_slice %arg11[%add3A_202, %dma_wait3A_205] : memref<10240x128xf32, #tpu.memory_space<hbm>> -> memref<80x128xf32, #tpu.memory_space<hbm>>
    tpu.wait_dma2 semaphore(%arg25 : memref<!tpu.dma_semaphore, #tpu.memory_space<semaphore_mem>>) src(%arg15 : memref<80x128xf32, #tpu.memory_space<vmem>>) dst(%dma_wait3A_206 : memref<80x128xf32, #tpu.memory_space<hbm>>)
    %mul3A_207 = arith.constant 320 : i32
    %mul3A_208 = arith.muli %add3A, %mul3A_207 : i32
    %add3A_209 = arith.constant 240 : i32
    %add3A_210 = arith.addi %mul3A_208, %add3A_209 : i32
    %dma_wait3A_211 = arith.constant 0 : i32
    %dma_wait3A_212 = tpu.memref_slice %arg11[%add3A_210, %dma_wait3A_211] : memref<10240x128xf32, #tpu.memory_space<hbm>> -> memref<80x128xf32, #tpu.memory_space<hbm>>
    %dma_wait3A_213 = arith.constant 0 : i32
    %dma_wait3A_214 = tpu.memref_slice %arg11[%add3A_210, %dma_wait3A_213] : memref<10240x128xf32, #tpu.memory_space<hbm>> -> memref<80x128xf32, #tpu.memory_space<hbm>>
    tpu.wait_dma2 semaphore(%arg26 : memref<!tpu.dma_semaphore, #tpu.memory_space<semaphore_mem>>) src(%arg16 : memref<80x128xf32, #tpu.memory_space<vmem>>) dst(%dma_wait3A_214 : memref<80x128xf32, #tpu.memory_space<hbm>>)
    %broadcast_in_dim3A = arith.constant 0.000000e+00 : f32
    %broadcast_in_dim3A_215 = vector.broadcast %broadcast_in_dim3A : f32 to vector<16xf32>
    %broadcast_in_dim3A_216 = arith.constant 1.000000e+00 : f32
    %broadcast_in_dim3A_217 = vector.broadcast %broadcast_in_dim3A_216 : f32 to vector<16xf32>
    %scan3A = arith.constant 0 : i32
    %scan3A_218 = arith.constant 0 : i32
    %scan3A_219 = arith.constant 640 : i32
    %scan3A_220 = arith.addi %scan3A_218, %scan3A_219 : i32
    %scan3A_221 = arith.constant 1 : i32
    %scan3A_222 = scf.for %scan3A_357 = %scan3A_218 to %scan3A_220 step %scan3A_221 iter_args(%scan3A_358 = %scan3A) -> (i32)  : i32 {
      %mul3A_359 = arith.constant 16 : i32
      %mul3A_360 = arith.muli %scan3A_357, %mul3A_359 : i32
      %swap3A = arith.index_cast %mul3A_360 : i32 to index
      %swap3A_361 = tpu.vector_load %arg19[%swap3A] {strides = array<i32>} : memref<10240xf32, #tpu.memory_space<vmem>>, vector<16xf32>,
      tpu.vector_store %arg19[%swap3A], %broadcast_in_dim3A_215 {strides = array<i32>} : memref<10240xf32, #tpu.memory_space<vmem>>, vector<16xf32>,
      %scan3A_362 = arith.constant 0 : i32
      scf.yield %scan3A_362 : i32
    }
    %scan3A_223 = arith.constant 640 : i32
    %scan3A_224 = arith.constant 0 : i32
    %scan3A_225 = arith.constant 0 : i32
    %scan3A_226 = arith.constant 640 : i32
    %scan3A_227 = arith.addi %scan3A_225, %scan3A_226 : i32
    %scan3A_228 = arith.constant 1 : i32
    %scan3A_229 = scf.for %scan3A_357 = %scan3A_225 to %scan3A_227 step %scan3A_228 iter_args(%scan3A_358 = %scan3A_224) -> (i32)  : i32 {
      %mul3A_359 = arith.constant 16 : i32
      %mul3A_360 = arith.muli %scan3A_357, %mul3A_359 : i32
      %swap3A = arith.index_cast %mul3A_360 : i32 to index
      %swap3A_361 = tpu.vector_load %arg20[%swap3A] {strides = array<i32>} : memref<10240xf32, #tpu.memory_space<vmem>>, vector<16xf32>,
      tpu.vector_store %arg20[%swap3A], %broadcast_in_dim3A_215 {strides = array<i32>} : memref<10240xf32, #tpu.memory_space<vmem>>, vector<16xf32>,
      %scan3A_362 = arith.constant 0 : i32
      scf.yield %scan3A_362 : i32
    }
    %scan3A_230 = arith.constant 640 : i32
    %scan3A_231 = arith.constant 0 : i32
    %scan3A_232 = arith.constant 0 : i32
    %scan3A_233 = arith.constant 640 : i32
    %scan3A_234 = arith.addi %scan3A_232, %scan3A_233 : i32
    %scan3A_235 = arith.constant 1 : i32
    %scan3A_236 = scf.for %scan3A_357 = %scan3A_232 to %scan3A_234 step %scan3A_235 iter_args(%scan3A_358 = %scan3A_231) -> (i32)  : i32 {
      %mul3A_359 = arith.constant 16 : i32
      %mul3A_360 = arith.muli %scan3A_357, %mul3A_359 : i32
      %swap3A = arith.index_cast %mul3A_360 : i32 to index
      %swap3A_361 = tpu.vector_load %arg21[%swap3A] {strides = array<i32>} : memref<10240xf32, #tpu.memory_space<vmem>>, vector<16xf32>,
      tpu.vector_store %arg21[%swap3A], %broadcast_in_dim3A_215 {strides = array<i32>} : memref<10240xf32, #tpu.memory_space<vmem>>, vector<16xf32>,
      %scan3A_362 = arith.constant 0 : i32
      scf.yield %scan3A_362 : i32
    }
    %scan3A_237 = arith.constant 640 : i32
    %scan3A_238 = arith.constant 0 : i32
    %scan3A_239 = arith.constant 0 : i32
    %scan3A_240 = arith.constant 640 : i32
    %scan3A_241 = arith.addi %scan3A_239, %scan3A_240 : i32
    %scan3A_242 = arith.constant 1 : i32
    %scan3A_243 = scf.for %scan3A_357 = %scan3A_239 to %scan3A_241 step %scan3A_242 iter_args(%scan3A_358 = %scan3A_238) -> (i32)  : i32 {
      %mul3A_359 = arith.constant 16 : i32
      %mul3A_360 = arith.muli %scan3A_357, %mul3A_359 : i32
      %swap3A = arith.index_cast %mul3A_360 : i32 to index
      %swap3A_361 = tpu.vector_load %arg22[%swap3A] {strides = array<i32>} : memref<10240xf32, #tpu.memory_space<vmem>>, vector<16xf32>,
      tpu.vector_store %arg22[%swap3A], %broadcast_in_dim3A_215 {strides = array<i32>} : memref<10240xf32, #tpu.memory_space<vmem>>, vector<16xf32>,
      %scan3A_362 = arith.constant 0 : i32
      scf.yield %scan3A_362 : i32
    }
    %scan3A_244 = arith.constant 640 : i32
    %mul3A_245 = arith.constant 10000 : i32
    %mul3A_246 = arith.muli %add3A, %mul3A_245 : i32
    %dma_start3A_247 = tpu.memref_slice %arg7[%mul3A_246] : memref<320000xi32, #tpu.memory_space<hbm>> -> memref<10000xi32, #tpu.memory_space<hbm>>
    %dma_start3A_248 = tpu.memref_slice %arg7[%mul3A_246] : memref<320000xi32, #tpu.memory_space<hbm>> -> memref<10000xi32, #tpu.memory_space<hbm>>
    tpu.enqueue_dma source(%dma_start3A_248 : memref<10000xi32, #tpu.memory_space<hbm>>) target(%arg18 : memref<10000xi32, #tpu.memory_space<vmem>>) target_semaphore(%arg28 : memref<!tpu.dma_semaphore, #tpu.memory_space<semaphore_mem>>)
    %mul3A_249 = arith.constant 10000 : i32
    %mul3A_250 = arith.muli %add3A, %mul3A_249 : i32
    %dma_wait3A_251 = tpu.memref_slice %arg6[%mul3A_250] : memref<320000xi32, #tpu.memory_space<hbm>> -> memref<10000xi32, #tpu.memory_space<hbm>>
    %dma_wait3A_252 = tpu.memref_slice %arg6[%mul3A_250] : memref<320000xi32, #tpu.memory_space<hbm>> -> memref<10000xi32, #tpu.memory_space<hbm>>
    tpu.wait_dma2 semaphore(%arg27 : memref<!tpu.dma_semaphore, #tpu.memory_space<semaphore_mem>>) src(%dma_wait3A_252 : memref<10000xi32, #tpu.memory_space<hbm>>) dst(%arg17 : memref<10000xi32, #tpu.memory_space<vmem>>)
    %scan3A_253 = arith.constant 0 : i32
    %scan3A_254 = arith.constant 0 : i32
    %scan3A_255 = arith.constant 625 : i32
    %scan3A_256 = arith.addi %scan3A_254, %scan3A_255 : i32
    %scan3A_257 = arith.constant 1 : i32
    %scan3A_258 = scf.for %scan3A_357 = %scan3A_254 to %scan3A_256 step %scan3A_257 iter_args(%scan3A_358 = %scan3A_253) -> (i32)  : i32 {
      %mul3A_359 = arith.constant 16 : i32
      %mul3A_360 = arith.muli %scan3A_357, %mul3A_359 : i32
      %get3A = arith.index_cast %mul3A_360 : i32 to index
      %get3A_361 = tpu.vector_load %arg17[%get3A] {strides = array<i32>} : memref<10000xi32, #tpu.memory_space<vmem>>, vector<16xi32>,
      tpu.vector_store_idx %arg19[%get3A_361], %broadcast_in_dim3A_217 {add = true} : memref<10240xf32, #tpu.memory_space<vmem>>[vector<16xi32>], vector<16xf32>,
      %scan3A_362 = arith.constant 0 : i32
      scf.yield %scan3A_362 : i32
    }
    %scan3A_259 = arith.constant 625 : i32
    %mul3A_260 = arith.constant 10000 : i32
    %mul3A_261 = arith.muli %add3A, %mul3A_260 : i32
    %dma_start3A_262 = tpu.memref_slice %arg8[%mul3A_261] : memref<320000xi32, #tpu.memory_space<hbm>> -> memref<10000xi32, #tpu.memory_space<hbm>>
    %dma_start3A_263 = tpu.memref_slice %arg8[%mul3A_261] : memref<320000xi32, #tpu.memory_space<hbm>> -> memref<10000xi32, #tpu.memory_space<hbm>>
    tpu.enqueue_dma source(%dma_start3A_263 : memref<10000xi32, #tpu.memory_space<hbm>>) target(%arg17 : memref<10000xi32, #tpu.memory_space<vmem>>) target_semaphore(%arg27 : memref<!tpu.dma_semaphore, #tpu.memory_space<semaphore_mem>>)
    %mul3A_264 = arith.constant 10000 : i32
    %mul3A_265 = arith.muli %add3A, %mul3A_264 : i32
    %dma_wait3A_266 = tpu.memref_slice %arg7[%mul3A_265] : memref<320000xi32, #tpu.memory_space<hbm>> -> memref<10000xi32, #tpu.memory_space<hbm>>
    %dma_wait3A_267 = tpu.memref_slice %arg7[%mul3A_265] : memref<320000xi32, #tpu.memory_space<hbm>> -> memref<10000xi32, #tpu.memory_space<hbm>>
    tpu.wait_dma2 semaphore(%arg28 : memref<!tpu.dma_semaphore, #tpu.memory_space<semaphore_mem>>) src(%dma_wait3A_267 : memref<10000xi32, #tpu.memory_space<hbm>>) dst(%arg18 : memref<10000xi32, #tpu.memory_space<vmem>>)
    %scan3A_268 = arith.constant 0 : i32
    %scan3A_269 = arith.constant 0 : i32
    %scan3A_270 = arith.constant 625 : i32
    %scan3A_271 = arith.addi %scan3A_269, %scan3A_270 : i32
    %scan3A_272 = arith.constant 1 : i32
    %scan3A_273 = scf.for %scan3A_357 = %scan3A_269 to %scan3A_271 step %scan3A_272 iter_args(%scan3A_358 = %scan3A_268) -> (i32)  : i32 {
      %mul3A_359 = arith.constant 16 : i32
      %mul3A_360 = arith.muli %scan3A_357, %mul3A_359 : i32
      %get3A = arith.index_cast %mul3A_360 : i32 to index
      %get3A_361 = tpu.vector_load %arg18[%get3A] {strides = array<i32>} : memref<10000xi32, #tpu.memory_space<vmem>>, vector<16xi32>,
      tpu.vector_store_idx %arg20[%get3A_361], %broadcast_in_dim3A_217 {add = true} : memref<10240xf32, #tpu.memory_space<vmem>>[vector<16xi32>], vector<16xf32>,
      %scan3A_362 = arith.constant 0 : i32
      scf.yield %scan3A_362 : i32
    }
    %scan3A_274 = arith.constant 625 : i32
    %mul3A_275 = arith.constant 10000 : i32
    %mul3A_276 = arith.muli %add3A, %mul3A_275 : i32
    %dma_start3A_277 = tpu.memref_slice %arg9[%mul3A_276] : memref<320000xi32, #tpu.memory_space<hbm>> -> memref<10000xi32, #tpu.memory_space<hbm>>
    %dma_start3A_278 = tpu.memref_slice %arg9[%mul3A_276] : memref<320000xi32, #tpu.memory_space<hbm>> -> memref<10000xi32, #tpu.memory_space<hbm>>
    tpu.enqueue_dma source(%dma_start3A_278 : memref<10000xi32, #tpu.memory_space<hbm>>) target(%arg18 : memref<10000xi32, #tpu.memory_space<vmem>>) target_semaphore(%arg28 : memref<!tpu.dma_semaphore, #tpu.memory_space<semaphore_mem>>)
    %mul3A_279 = arith.constant 10000 : i32
    %mul3A_280 = arith.muli %add3A, %mul3A_279 : i32
    %dma_wait3A_281 = tpu.memref_slice %arg8[%mul3A_280] : memref<320000xi32, #tpu.memory_space<hbm>> -> memref<10000xi32, #tpu.memory_space<hbm>>
    %dma_wait3A_282 = tpu.memref_slice %arg8[%mul3A_280] : memref<320000xi32, #tpu.memory_space<hbm>> -> memref<10000xi32, #tpu.memory_space<hbm>>
    tpu.wait_dma2 semaphore(%arg27 : memref<!tpu.dma_semaphore, #tpu.memory_space<semaphore_mem>>) src(%dma_wait3A_282 : memref<10000xi32, #tpu.memory_space<hbm>>) dst(%arg17 : memref<10000xi32, #tpu.memory_space<vmem>>)
    %scan3A_283 = arith.constant 0 : i32
    %scan3A_284 = arith.constant 0 : i32
    %scan3A_285 = arith.constant 625 : i32
    %scan3A_286 = arith.addi %scan3A_284, %scan3A_285 : i32
    %scan3A_287 = arith.constant 1 : i32
    %scan3A_288 = scf.for %scan3A_357 = %scan3A_284 to %scan3A_286 step %scan3A_287 iter_args(%scan3A_358 = %scan3A_283) -> (i32)  : i32 {
      %mul3A_359 = arith.constant 16 : i32
      %mul3A_360 = arith.muli %scan3A_357, %mul3A_359 : i32
      %get3A = arith.index_cast %mul3A_360 : i32 to index
      %get3A_361 = tpu.vector_load %arg17[%get3A] {strides = array<i32>} : memref<10000xi32, #tpu.memory_space<vmem>>, vector<16xi32>,
      tpu.vector_store_idx %arg21[%get3A_361], %broadcast_in_dim3A_217 {add = true} : memref<10240xf32, #tpu.memory_space<vmem>>[vector<16xi32>], vector<16xf32>,
      %scan3A_362 = arith.constant 0 : i32
      scf.yield %scan3A_362 : i32
    }
    %scan3A_289 = arith.constant 625 : i32
    %mul3A_290 = arith.constant 10000 : i32
    %mul3A_291 = arith.muli %add3A, %mul3A_290 : i32
    %dma_wait3A_292 = tpu.memref_slice %arg9[%mul3A_291] : memref<320000xi32, #tpu.memory_space<hbm>> -> memref<10000xi32, #tpu.memory_space<hbm>>
    %dma_wait3A_293 = tpu.memref_slice %arg9[%mul3A_291] : memref<320000xi32, #tpu.memory_space<hbm>> -> memref<10000xi32, #tpu.memory_space<hbm>>
    tpu.wait_dma2 semaphore(%arg28 : memref<!tpu.dma_semaphore, #tpu.memory_space<semaphore_mem>>) src(%dma_wait3A_293 : memref<10000xi32, #tpu.memory_space<hbm>>) dst(%arg18 : memref<10000xi32, #tpu.memory_space<vmem>>)
    %scan3A_294 = arith.constant 0 : i32
    %scan3A_295 = arith.constant 0 : i32
    %scan3A_296 = arith.constant 625 : i32
    %scan3A_297 = arith.addi %scan3A_295, %scan3A_296 : i32
    %scan3A_298 = arith.constant 1 : i32
    %scan3A_299 = scf.for %scan3A_357 = %scan3A_295 to %scan3A_297 step %scan3A_298 iter_args(%scan3A_358 = %scan3A_294) -> (i32)  : i32 {
      %mul3A_359 = arith.constant 16 : i32
      %mul3A_360 = arith.muli %scan3A_357, %mul3A_359 : i32
      %get3A = arith.index_cast %mul3A_360 : i32 to index
      %get3A_361 = tpu.vector_load %arg18[%get3A] {strides = array<i32>} : memref<10000xi32, #tpu.memory_space<vmem>>, vector<16xi32>,
      tpu.vector_store_idx %arg22[%get3A_361], %broadcast_in_dim3A_217 {add = true} : memref<10240xf32, #tpu.memory_space<vmem>>[vector<16xi32>], vector<16xf32>,
      %scan3A_362 = arith.constant 0 : i32
      scf.yield %scan3A_362 : i32
    }
    %scan3A_300 = arith.constant 625 : i32
    %dma_start3A_301 = arith.constant 0 : i32
    %dma_start3A_302 = arith.constant 0 : i32
    %dma_start3A_303 = tpu.memref_slice %arg12[%add3A, %dma_start3A_301, %dma_start3A_302] : memref<32x4x10240xf32, #tpu.memory_space<hbm>> -> memref<1x1x10240xf32, #tpu.memory_space<hbm>>
    %dma_start3A_304 = tpu.memref_squeeze %dma_start3A_303 : memref<1x1x10240xf32, #tpu.memory_space<hbm>> -> memref<10240xf32, #tpu.memory_space<hbm>>
    %dma_start3A_305 = arith.constant 0 : i32
    %dma_start3A_306 = tpu.memref_slice %arg12[%add3A, %dma_start3A_301, %dma_start3A_305] : memref<32x4x10240xf32, #tpu.memory_space<hbm>> -> memref<1x1x10240xf32, #tpu.memory_space<hbm>>
    %dma_start3A_307 = tpu.memref_squeeze %dma_start3A_306 : memref<1x1x10240xf32, #tpu.memory_space<hbm>> -> memref<10240xf32, #tpu.memory_space<hbm>>
    tpu.enqueue_dma source(%arg19 : memref<10240xf32, #tpu.memory_space<vmem>>) target(%dma_start3A_307 : memref<10240xf32, #tpu.memory_space<hbm>>) target_semaphore(%arg27 : memref<!tpu.dma_semaphore, #tpu.memory_space<semaphore_mem>>)
    %dma_start3A_308 = arith.constant 1 : i32
    %dma_start3A_309 = arith.constant 0 : i32
    %dma_start3A_310 = tpu.memref_slice %arg12[%add3A, %dma_start3A_308, %dma_start3A_309] : memref<32x4x10240xf32, #tpu.memory_space<hbm>> -> memref<1x1x10240xf32, #tpu.memory_space<hbm>>
    %dma_start3A_311 = tpu.memref_squeeze %dma_start3A_310 : memref<1x1x10240xf32, #tpu.memory_space<hbm>> -> memref<10240xf32, #tpu.memory_space<hbm>>
    %dma_start3A_312 = arith.constant 0 : i32
    %dma_start3A_313 = tpu.memref_slice %arg12[%add3A, %dma_start3A_308, %dma_start3A_312] : memref<32x4x10240xf32, #tpu.memory_space<hbm>> -> memref<1x1x10240xf32, #tpu.memory_space<hbm>>
    %dma_start3A_314 = tpu.memref_squeeze %dma_start3A_313 : memref<1x1x10240xf32, #tpu.memory_space<hbm>> -> memref<10240xf32, #tpu.memory_space<hbm>>
    tpu.enqueue_dma source(%arg20 : memref<10240xf32, #tpu.memory_space<vmem>>) target(%dma_start3A_314 : memref<10240xf32, #tpu.memory_space<hbm>>) target_semaphore(%arg27 : memref<!tpu.dma_semaphore, #tpu.memory_space<semaphore_mem>>)
    %dma_start3A_315 = arith.constant 2 : i32
    %dma_start3A_316 = arith.constant 0 : i32
    %dma_start3A_317 = tpu.memref_slice %arg12[%add3A, %dma_start3A_315, %dma_start3A_316] : memref<32x4x10240xf32, #tpu.memory_space<hbm>> -> memref<1x1x10240xf32, #tpu.memory_space<hbm>>
    %dma_start3A_318 = tpu.memref_squeeze %dma_start3A_317 : memref<1x1x10240xf32, #tpu.memory_space<hbm>> -> memref<10240xf32, #tpu.memory_space<hbm>>
    %dma_start3A_319 = arith.constant 0 : i32
    %dma_start3A_320 = tpu.memref_slice %arg12[%add3A, %dma_start3A_315, %dma_start3A_319] : memref<32x4x10240xf32, #tpu.memory_space<hbm>> -> memref<1x1x10240xf32, #tpu.memory_space<hbm>>
    %dma_start3A_321 = tpu.memref_squeeze %dma_start3A_320 : memref<1x1x10240xf32, #tpu.memory_space<hbm>> -> memref<10240xf32, #tpu.memory_space<hbm>>
    tpu.enqueue_dma source(%arg21 : memref<10240xf32, #tpu.memory_space<vmem>>) target(%dma_start3A_321 : memref<10240xf32, #tpu.memory_space<hbm>>) target_semaphore(%arg27 : memref<!tpu.dma_semaphore, #tpu.memory_space<semaphore_mem>>)
    %dma_start3A_322 = arith.constant 3 : i32
    %dma_start3A_323 = arith.constant 0 : i32
    %dma_start3A_324 = tpu.memref_slice %arg12[%add3A, %dma_start3A_322, %dma_start3A_323] : memref<32x4x10240xf32, #tpu.memory_space<hbm>> -> memref<1x1x10240xf32, #tpu.memory_space<hbm>>
    %dma_start3A_325 = tpu.memref_squeeze %dma_start3A_324 : memref<1x1x10240xf32, #tpu.memory_space<hbm>> -> memref<10240xf32, #tpu.memory_space<hbm>>
    %dma_start3A_326 = arith.constant 0 : i32
    %dma_start3A_327 = tpu.memref_slice %arg12[%add3A, %dma_start3A_322, %dma_start3A_326] : memref<32x4x10240xf32, #tpu.memory_space<hbm>> -> memref<1x1x10240xf32, #tpu.memory_space<hbm>>
    %dma_start3A_328 = tpu.memref_squeeze %dma_start3A_327 : memref<1x1x10240xf32, #tpu.memory_space<hbm>> -> memref<10240xf32, #tpu.memory_space<hbm>>
    tpu.enqueue_dma source(%arg22 : memref<10240xf32, #tpu.memory_space<vmem>>) target(%dma_start3A_328 : memref<10240xf32, #tpu.memory_space<hbm>>) target_semaphore(%arg27 : memref<!tpu.dma_semaphore, #tpu.memory_space<semaphore_mem>>)
    %dma_wait3A_329 = arith.constant 0 : i32
    %dma_wait3A_330 = arith.constant 0 : i32
    %dma_wait3A_331 = tpu.memref_slice %arg12[%add3A, %dma_wait3A_329, %dma_wait3A_330] : memref<32x4x10240xf32, #tpu.memory_space<hbm>> -> memref<1x1x10240xf32, #tpu.memory_space<hbm>>
    %dma_wait3A_332 = tpu.memref_squeeze %dma_wait3A_331 : memref<1x1x10240xf32, #tpu.memory_space<hbm>> -> memref<10240xf32, #tpu.memory_space<hbm>>
    %dma_wait3A_333 = arith.constant 0 : i32
    %dma_wait3A_334 = tpu.memref_slice %arg12[%add3A, %dma_wait3A_329, %dma_wait3A_333] : memref<32x4x10240xf32, #tpu.memory_space<hbm>> -> memref<1x1x10240xf32, #tpu.memory_space<hbm>>
    %dma_wait3A_335 = tpu.memref_squeeze %dma_wait3A_334 : memref<1x1x10240xf32, #tpu.memory_space<hbm>> -> memref<10240xf32, #tpu.memory_space<hbm>>
    tpu.wait_dma2 semaphore(%arg27 : memref<!tpu.dma_semaphore, #tpu.memory_space<semaphore_mem>>) src(%arg19 : memref<10240xf32, #tpu.memory_space<vmem>>) dst(%dma_wait3A_335 : memref<10240xf32, #tpu.memory_space<hbm>>)
    %dma_wait3A_336 = arith.constant 1 : i32
    %dma_wait3A_337 = arith.constant 0 : i32
    %dma_wait3A_338 = tpu.memref_slice %arg12[%add3A, %dma_wait3A_336, %dma_wait3A_337] : memref<32x4x10240xf32, #tpu.memory_space<hbm>> -> memref<1x1x10240xf32, #tpu.memory_space<hbm>>
    %dma_wait3A_339 = tpu.memref_squeeze %dma_wait3A_338 : memref<1x1x10240xf32, #tpu.memory_space<hbm>> -> memref<10240xf32, #tpu.memory_space<hbm>>
    %dma_wait3A_340 = arith.constant 0 : i32
    %dma_wait3A_341 = tpu.memref_slice %arg12[%add3A, %dma_wait3A_336, %dma_wait3A_340] : memref<32x4x10240xf32, #tpu.memory_space<hbm>> -> memref<1x1x10240xf32, #tpu.memory_space<hbm>>
    %dma_wait3A_342 = tpu.memref_squeeze %dma_wait3A_341 : memref<1x1x10240xf32, #tpu.memory_space<hbm>> -> memref<10240xf32, #tpu.memory_space<hbm>>
    tpu.wait_dma2 semaphore(%arg27 : memref<!tpu.dma_semaphore, #tpu.memory_space<semaphore_mem>>) src(%arg20 : memref<10240xf32, #tpu.memory_space<vmem>>) dst(%dma_wait3A_342 : memref<10240xf32, #tpu.memory_space<hbm>>)
    %dma_wait3A_343 = arith.constant 2 : i32
    %dma_wait3A_344 = arith.constant 0 : i32
    %dma_wait3A_345 = tpu.memref_slice %arg12[%add3A, %dma_wait3A_343, %dma_wait3A_344] : memref<32x4x10240xf32, #tpu.memory_space<hbm>> -> memref<1x1x10240xf32, #tpu.memory_space<hbm>>
    %dma_wait3A_346 = tpu.memref_squeeze %dma_wait3A_345 : memref<1x1x10240xf32, #tpu.memory_space<hbm>> -> memref<10240xf32, #tpu.memory_space<hbm>>
    %dma_wait3A_347 = arith.constant 0 : i32
    %dma_wait3A_348 = tpu.memref_slice %arg12[%add3A, %dma_wait3A_343, %dma_wait3A_347] : memref<32x4x10240xf32, #tpu.memory_space<hbm>> -> memref<1x1x10240xf32, #tpu.memory_space<hbm>>
    %dma_wait3A_349 = tpu.memref_squeeze %dma_wait3A_348 : memref<1x1x10240xf32, #tpu.memory_space<hbm>> -> memref<10240xf32, #tpu.memory_space<hbm>>
    tpu.wait_dma2 semaphore(%arg27 : memref<!tpu.dma_semaphore, #tpu.memory_space<semaphore_mem>>) src(%arg21 : memref<10240xf32, #tpu.memory_space<vmem>>) dst(%dma_wait3A_349 : memref<10240xf32, #tpu.memory_space<hbm>>)
    %dma_wait3A_350 = arith.constant 3 : i32
    %dma_wait3A_351 = arith.constant 0 : i32
    %dma_wait3A_352 = tpu.memref_slice %arg12[%add3A, %dma_wait3A_350, %dma_wait3A_351] : memref<32x4x10240xf32, #tpu.memory_space<hbm>> -> memref<1x1x10240xf32, #tpu.memory_space<hbm>>
    %dma_wait3A_353 = tpu.memref_squeeze %dma_wait3A_352 : memref<1x1x10240xf32, #tpu.memory_space<hbm>> -> memref<10240xf32, #tpu.memory_space<hbm>>
    %dma_wait3A_354 = arith.constant 0 : i32
    %dma_wait3A_355 = tpu.memref_slice %arg12[%add3A, %dma_wait3A_350, %dma_wait3A_354] : memref<32x4x10240xf32, #tpu.memory_space<hbm>> -> memref<1x1x10240xf32, #tpu.memory_space<hbm>>
    %dma_wait3A_356 = tpu.memref_squeeze %dma_wait3A_355 : memref<1x1x10240xf32, #tpu.memory_space<hbm>> -> memref<10240xf32, #tpu.memory_space<hbm>>
    tpu.wait_dma2 semaphore(%arg27 : memref<!tpu.dma_semaphore, #tpu.memory_space<semaphore_mem>>) src(%arg22 : memref<10240xf32, #tpu.memory_space<vmem>>) dst(%dma_wait3A_356 : memref<10240xf32, #tpu.memory_space<hbm>>)
    return
  }
}

#map = affine_map<(d0, d1) -> (0, 0)>
#map1 = affine_map<(d0, d1) -> (0)>
#map2 = affine_map<(d0, d1) -> (0, 0, 0)>
module attributes {stable_mosaic.version = 14 : i64} {
  func.func @_sc_edge_pass_body(%arg0: i32, %arg1: i32, %arg2: memref<10000x128xf32, #tpu.memory_space<hbm>>, %arg3: memref<10000x128xf32, #tpu.memory_space<hbm>>, %arg4: memref<327680xi32, #tpu.memory_space<hbm>>, %arg5: memref<327680xi32, #tpu.memory_space<hbm>>, %arg6: memref<327680xi32, #tpu.memory_space<hbm>>, %arg7: memref<327680xi32, #tpu.memory_space<hbm>>, %arg8: memref<2x10240x128xf32, #tpu.memory_space<hbm>>, %arg9: memref<2x10240x128xf32, #tpu.memory_space<hbm>>, %arg10: memref<10240x128xf32, #tpu.memory_space<vmem_shared>>, %arg11: memref<64x128xf32, #tpu.memory_space<vmem>>, %arg12: memref<128x128xf32, #tpu.memory_space<vmem>>, %arg13: memref<128x128xf32, #tpu.memory_space<vmem>>, %arg14: memref<128xi32, #tpu.memory_space<vmem>>, %arg15: memref<128xi32, #tpu.memory_space<vmem>>, %arg16: memref<128xi32, #tpu.memory_space<vmem>>, %arg17: memref<128xi32, #tpu.memory_space<vmem>>, %arg18: memref<!tpu.dma_semaphore, #tpu.memory_space<semaphore_mem>>, %arg19: memref<!tpu.dma_semaphore, #tpu.memory_space<semaphore_mem>>, %arg20: memref<!tpu.dma_semaphore, #tpu.memory_space<semaphore_mem>>, %arg21: memref<!tpu.dma_semaphore, #tpu.memory_space<semaphore_mem>>, %arg22: memref<!tpu.dma_semaphore, #tpu.memory_space<semaphore_mem>>, %arg23: memref<!tpu.dma_semaphore, #tpu.memory_space<semaphore_mem>>) attributes {dimension_semantics = [#tpu.dimension_semantics<core_parallel>, #tpu.dimension_semantics<subcore_parallel>], iteration_bounds = array<i64: 2, 16>, scalar_prefetch = 0 : i64, scratch_operands = 14 : i64, tpu.core_type = #tpu.core_type<sc_vector_subcore>, window_params = [{transform_indices = #map}, {transform_indices = #map}, {transform_indices = #map1}, {transform_indices = #map1}, {transform_indices = #map1}, {transform_indices = #map1}, {transform_indices = #map2}, {transform_indices = #map2}]} {
    %mul3A = arith.constant 2 : i32
    %mul3A_0 = arith.muli %arg1, %mul3A : i32
    %add3A = arith.addi %mul3A_0, %arg0 : i32
    %scan3A = arith.constant 0 : i32
    %scan3A_1 = arith.constant 0 : i32
    %scan3A_2 = arith.constant 512 : i32
    %scan3A_3 = arith.addi %scan3A_1, %scan3A_2 : i32
    %scan3A_4 = arith.constant 1 : i32
    %scan3A_5 = scf.for %scan3A_247 = %scan3A_1 to %scan3A_3 step %scan3A_4 iter_args(%scan3A_248 = %scan3A) -> (i32)  : i32 {
      %broadcast_in_dim3A = arith.constant 0.000000e+00 : f32
      %broadcast_in_dim3A_249 = vector.broadcast %broadcast_in_dim3A : f32 to vector<16xf32>
      %jit3A = arith.constant 8 : i32
      %div3A = arith.divsi %scan3A_247, %jit3A : i32
      %sign3A = arith.constant 0 : i32
      %sign3A_250 = arith.cmpi sgt, %scan3A_247, %sign3A : i32
      %sign3A_251 = arith.extui %sign3A_250 : i1 to i32
      %sign3A_252 = arith.constant 0 : i32
      %sign3A_253 = arith.cmpi slt, %scan3A_247, %sign3A_252 : i32
      %sign3A_254 = arith.extui %sign3A_253 : i1 to i32
      %sign3A_255 = arith.subi %sign3A_251, %sign3A_254 : i32
      %sign3A_256 = arith.constant 0 : i32
      %sign3A_257 = arith.cmpi sgt, %jit3A, %sign3A_256 : i32
      %sign3A_258 = arith.extui %sign3A_257 : i1 to i32
      %sign3A_259 = arith.constant 0 : i32
      %sign3A_260 = arith.cmpi slt, %jit3A, %sign3A_259 : i32
      %sign3A_261 = arith.extui %sign3A_260 : i1 to i32
      %sign3A_262 = arith.subi %sign3A_258, %sign3A_261 : i32
      %ne3A = arith.cmpi ne, %sign3A_255, %sign3A_262 : i32
      %rem3A = arith.remsi %scan3A_247, %jit3A : i32
      %ne3A_263 = arith.constant 0 : i32
      %ne3A_264 = arith.cmpi ne, %rem3A, %ne3A_263 : i32
      %and3A = arith.andi %ne3A, %ne3A_264 : i1
      %sub3A = arith.constant 1 : i32
      %sub3A_265 = arith.subi %div3A, %sub3A : i32
      %select_n3A = arith.select %and3A, %sub3A_265, %div3A : i32
      %jit3A_266 = arith.constant 8 : i32
      %eq3A = arith.constant 0 : i32
      %eq3A_267 = arith.cmpi eq, %jit3A_266, %eq3A : i32
      %jit3A_268 = arith.constant 1 : i32
      %select_n3A_269 = arith.select %eq3A_267, %jit3A_268, %jit3A_266 : i32
      %rem3A_270 = arith.remsi %scan3A_247, %select_n3A_269 : i32
      %ne3A_271 = arith.constant 0 : i32
      %ne3A_272 = arith.cmpi ne, %rem3A_270, %ne3A_271 : i32
      %lt3A = arith.constant 0 : i32
      %lt3A_273 = arith.cmpi slt, %rem3A_270, %lt3A : i32
      %lt3A_274 = arith.constant 0 : i32
      %lt3A_275 = arith.cmpi slt, %select_n3A_269, %lt3A_274 : i32
      %ne3A_276 = arith.xori %lt3A_273, %lt3A_275 : i1
      %and3A_277 = arith.andi %ne3A_276, %ne3A_272 : i1
      %add3A_278 = arith.addi %rem3A_270, %select_n3A_269 : i32
      %select_n3A_279 = arith.select %and3A_277, %add3A_278, %rem3A_270 : i32
      %mul3A_280 = arith.constant 16 : i32
      %mul3A_281 = arith.muli %select_n3A_279, %mul3A_280 : i32
      %swap3A = arith.index_cast %select_n3A : i32 to index
      %swap3A_282 = arith.index_cast %mul3A_281 : i32 to index
      %swap3A_283 = tpu.vector_load %arg11[%swap3A, %swap3A_282] {strides = array<i32>} : memref<64x128xf32, #tpu.memory_space<vmem>>, vector<16xf32>,
      tpu.vector_store %arg11[%swap3A, %swap3A_282], %broadcast_in_dim3A_249 {strides = array<i32>} : memref<64x128xf32, #tpu.memory_space<vmem>>, vector<16xf32>,
      %scan3A_284 = arith.constant 0 : i32
      scf.yield %scan3A_284 : i32
    }
    %scan3A_6 = arith.constant 512 : i32
    %mul3A_7 = arith.constant 640 : i32
    %mul3A_8 = arith.muli %arg1, %mul3A_7 : i32
    %add3A_9 = arith.constant 0 : i32
    %add3A_10 = arith.addi %mul3A_8, %add3A_9 : i32
    "tpu.region"() ({
      %run_scoped3A = tpu.sem_alloc : memref<!tpu.dma_semaphore, #tpu.memory_space<semaphore_mem>>
      %dma_start3A_247 = arith.constant 0 : i32
      %dma_start3A_248 = tpu.memref_slice %arg10[%add3A_10, %dma_start3A_247] : memref<10240x128xf32, #tpu.memory_space<vmem_shared>> -> memref<64x128xf32, #tpu.memory_space<vmem_shared>>
      %dma_start3A_249 = arith.constant 0 : i32
      %dma_start3A_250 = tpu.memref_slice %arg10[%add3A_10, %dma_start3A_249] : memref<10240x128xf32, #tpu.memory_space<vmem_shared>> -> memref<64x128xf32, #tpu.memory_space<vmem_shared>>
      tpu.enqueue_dma source(%arg11 : memref<64x128xf32, #tpu.memory_space<vmem>>) target(%dma_start3A_250 : memref<64x128xf32, #tpu.memory_space<vmem_shared>>) target_semaphore(%run_scoped3A : memref<!tpu.dma_semaphore, #tpu.memory_space<semaphore_mem>>)
      %dma_wait3A_251 = arith.constant 0 : i32
      %dma_wait3A_252 = tpu.memref_slice %arg10[%add3A_10, %dma_wait3A_251] : memref<10240x128xf32, #tpu.memory_space<vmem_shared>> -> memref<64x128xf32, #tpu.memory_space<vmem_shared>>
      %dma_wait3A_253 = arith.constant 0 : i32
      %dma_wait3A_254 = tpu.memref_slice %arg10[%add3A_10, %dma_wait3A_253] : memref<10240x128xf32, #tpu.memory_space<vmem_shared>> -> memref<64x128xf32, #tpu.memory_space<vmem_shared>>
      tpu.wait_dma2 semaphore(%run_scoped3A : memref<!tpu.dma_semaphore, #tpu.memory_space<semaphore_mem>>) src(%arg11 : memref<64x128xf32, #tpu.memory_space<vmem>>) dst(%dma_wait3A_254 : memref<64x128xf32, #tpu.memory_space<vmem_shared>>)
      tpu.yield
    }) : () -> ()
    %mul3A_11 = arith.constant 640 : i32
    %mul3A_12 = arith.muli %arg1, %mul3A_11 : i32
    %add3A_13 = arith.constant 64 : i32
    %add3A_14 = arith.addi %mul3A_12, %add3A_13 : i32
    "tpu.region"() ({
      %run_scoped3A = tpu.sem_alloc : memref<!tpu.dma_semaphore, #tpu.memory_space<semaphore_mem>>
      %dma_start3A_247 = arith.constant 0 : i32
      %dma_start3A_248 = tpu.memref_slice %arg10[%add3A_14, %dma_start3A_247] : memref<10240x128xf32, #tpu.memory_space<vmem_shared>> -> memref<64x128xf32, #tpu.memory_space<vmem_shared>>
      %dma_start3A_249 = arith.constant 0 : i32
      %dma_start3A_250 = tpu.memref_slice %arg10[%add3A_14, %dma_start3A_249] : memref<10240x128xf32, #tpu.memory_space<vmem_shared>> -> memref<64x128xf32, #tpu.memory_space<vmem_shared>>
      tpu.enqueue_dma source(%arg11 : memref<64x128xf32, #tpu.memory_space<vmem>>) target(%dma_start3A_250 : memref<64x128xf32, #tpu.memory_space<vmem_shared>>) target_semaphore(%run_scoped3A : memref<!tpu.dma_semaphore, #tpu.memory_space<semaphore_mem>>)
      %dma_wait3A_251 = arith.constant 0 : i32
      %dma_wait3A_252 = tpu.memref_slice %arg10[%add3A_14, %dma_wait3A_251] : memref<10240x128xf32, #tpu.memory_space<vmem_shared>> -> memref<64x128xf32, #tpu.memory_space<vmem_shared>>
      %dma_wait3A_253 = arith.constant 0 : i32
      %dma_wait3A_254 = tpu.memref_slice %arg10[%add3A_14, %dma_wait3A_253] : memref<10240x128xf32, #tpu.memory_space<vmem_shared>> -> memref<64x128xf32, #tpu.memory_space<vmem_shared>>
      tpu.wait_dma2 semaphore(%run_scoped3A : memref<!tpu.dma_semaphore, #tpu.memory_space<semaphore_mem>>) src(%arg11 : memref<64x128xf32, #tpu.memory_space<vmem>>) dst(%dma_wait3A_254 : memref<64x128xf32, #tpu.memory_space<vmem_shared>>)
      tpu.yield
    }) : () -> ()
    %mul3A_15 = arith.constant 640 : i32
    %mul3A_16 = arith.muli %arg1, %mul3A_15 : i32
    %add3A_17 = arith.constant 128 : i32
    %add3A_18 = arith.addi %mul3A_16, %add3A_17 : i32
    "tpu.region"() ({
      %run_scoped3A = tpu.sem_alloc : memref<!tpu.dma_semaphore, #tpu.memory_space<semaphore_mem>>
      %dma_start3A_247 = arith.constant 0 : i32
      %dma_start3A_248 = tpu.memref_slice %arg10[%add3A_18, %dma_start3A_247] : memref<10240x128xf32, #tpu.memory_space<vmem_shared>> -> memref<64x128xf32, #tpu.memory_space<vmem_shared>>
      %dma_start3A_249 = arith.constant 0 : i32
      %dma_start3A_250 = tpu.memref_slice %arg10[%add3A_18, %dma_start3A_249] : memref<10240x128xf32, #tpu.memory_space<vmem_shared>> -> memref<64x128xf32, #tpu.memory_space<vmem_shared>>
      tpu.enqueue_dma source(%arg11 : memref<64x128xf32, #tpu.memory_space<vmem>>) target(%dma_start3A_250 : memref<64x128xf32, #tpu.memory_space<vmem_shared>>) target_semaphore(%run_scoped3A : memref<!tpu.dma_semaphore, #tpu.memory_space<semaphore_mem>>)
      %dma_wait3A_251 = arith.constant 0 : i32
      %dma_wait3A_252 = tpu.memref_slice %arg10[%add3A_18, %dma_wait3A_251] : memref<10240x128xf32, #tpu.memory_space<vmem_shared>> -> memref<64x128xf32, #tpu.memory_space<vmem_shared>>
      %dma_wait3A_253 = arith.constant 0 : i32
      %dma_wait3A_254 = tpu.memref_slice %arg10[%add3A_18, %dma_wait3A_253] : memref<10240x128xf32, #tpu.memory_space<vmem_shared>> -> memref<64x128xf32, #tpu.memory_space<vmem_shared>>
      tpu.wait_dma2 semaphore(%run_scoped3A : memref<!tpu.dma_semaphore, #tpu.memory_space<semaphore_mem>>) src(%arg11 : memref<64x128xf32, #tpu.memory_space<vmem>>) dst(%dma_wait3A_254 : memref<64x128xf32, #tpu.memory_space<vmem_shared>>)
      tpu.yield
    }) : () -> ()
    %mul3A_19 = arith.constant 640 : i32
    %mul3A_20 = arith.muli %arg1, %mul3A_19 : i32
    %add3A_21 = arith.constant 192 : i32
    %add3A_22 = arith.addi %mul3A_20, %add3A_21 : i32
    "tpu.region"() ({
      %run_scoped3A = tpu.sem_alloc : memref<!tpu.dma_semaphore, #tpu.memory_space<semaphore_mem>>
      %dma_start3A_247 = arith.constant 0 : i32
      %dma_start3A_248 = tpu.memref_slice %arg10[%add3A_22, %dma_start3A_247] : memref<10240x128xf32, #tpu.memory_space<vmem_shared>> -> memref<64x128xf32, #tpu.memory_space<vmem_shared>>
      %dma_start3A_249 = arith.constant 0 : i32
      %dma_start3A_250 = tpu.memref_slice %arg10[%add3A_22, %dma_start3A_249] : memref<10240x128xf32, #tpu.memory_space<vmem_shared>> -> memref<64x128xf32, #tpu.memory_space<vmem_shared>>
      tpu.enqueue_dma source(%arg11 : memref<64x128xf32, #tpu.memory_space<vmem>>) target(%dma_start3A_250 : memref<64x128xf32, #tpu.memory_space<vmem_shared>>) target_semaphore(%run_scoped3A : memref<!tpu.dma_semaphore, #tpu.memory_space<semaphore_mem>>)
      %dma_wait3A_251 = arith.constant 0 : i32
      %dma_wait3A_252 = tpu.memref_slice %arg10[%add3A_22, %dma_wait3A_251] : memref<10240x128xf32, #tpu.memory_space<vmem_shared>> -> memref<64x128xf32, #tpu.memory_space<vmem_shared>>
      %dma_wait3A_253 = arith.constant 0 : i32
      %dma_wait3A_254 = tpu.memref_slice %arg10[%add3A_22, %dma_wait3A_253] : memref<10240x128xf32, #tpu.memory_space<vmem_shared>> -> memref<64x128xf32, #tpu.memory_space<vmem_shared>>
      tpu.wait_dma2 semaphore(%run_scoped3A : memref<!tpu.dma_semaphore, #tpu.memory_space<semaphore_mem>>) src(%arg11 : memref<64x128xf32, #tpu.memory_space<vmem>>) dst(%dma_wait3A_254 : memref<64x128xf32, #tpu.memory_space<vmem_shared>>)
      tpu.yield
    }) : () -> ()
    %mul3A_23 = arith.constant 640 : i32
    %mul3A_24 = arith.muli %arg1, %mul3A_23 : i32
    %add3A_25 = arith.constant 256 : i32
    %add3A_26 = arith.addi %mul3A_24, %add3A_25 : i32
    "tpu.region"() ({
      %run_scoped3A = tpu.sem_alloc : memref<!tpu.dma_semaphore, #tpu.memory_space<semaphore_mem>>
      %dma_start3A_247 = arith.constant 0 : i32
      %dma_start3A_248 = tpu.memref_slice %arg10[%add3A_26, %dma_start3A_247] : memref<10240x128xf32, #tpu.memory_space<vmem_shared>> -> memref<64x128xf32, #tpu.memory_space<vmem_shared>>
      %dma_start3A_249 = arith.constant 0 : i32
      %dma_start3A_250 = tpu.memref_slice %arg10[%add3A_26, %dma_start3A_249] : memref<10240x128xf32, #tpu.memory_space<vmem_shared>> -> memref<64x128xf32, #tpu.memory_space<vmem_shared>>
      tpu.enqueue_dma source(%arg11 : memref<64x128xf32, #tpu.memory_space<vmem>>) target(%dma_start3A_250 : memref<64x128xf32, #tpu.memory_space<vmem_shared>>) target_semaphore(%run_scoped3A : memref<!tpu.dma_semaphore, #tpu.memory_space<semaphore_mem>>)
      %dma_wait3A_251 = arith.constant 0 : i32
      %dma_wait3A_252 = tpu.memref_slice %arg10[%add3A_26, %dma_wait3A_251] : memref<10240x128xf32, #tpu.memory_space<vmem_shared>> -> memref<64x128xf32, #tpu.memory_space<vmem_shared>>
      %dma_wait3A_253 = arith.constant 0 : i32
      %dma_wait3A_254 = tpu.memref_slice %arg10[%add3A_26, %dma_wait3A_253] : memref<10240x128xf32, #tpu.memory_space<vmem_shared>> -> memref<64x128xf32, #tpu.memory_space<vmem_shared>>
      tpu.wait_dma2 semaphore(%run_scoped3A : memref<!tpu.dma_semaphore, #tpu.memory_space<semaphore_mem>>) src(%arg11 : memref<64x128xf32, #tpu.memory_space<vmem>>) dst(%dma_wait3A_254 : memref<64x128xf32, #tpu.memory_space<vmem_shared>>)
      tpu.yield
    }) : () -> ()
    %mul3A_27 = arith.constant 640 : i32
    %mul3A_28 = arith.muli %arg1, %mul3A_27 : i32
    %add3A_29 = arith.constant 320 : i32
    %add3A_30 = arith.addi %mul3A_28, %add3A_29 : i32
    "tpu.region"() ({
      %run_scoped3A = tpu.sem_alloc : memref<!tpu.dma_semaphore, #tpu.memory_space<semaphore_mem>>
      %dma_start3A_247 = arith.constant 0 : i32
      %dma_start3A_248 = tpu.memref_slice %arg10[%add3A_30, %dma_start3A_247] : memref<10240x128xf32, #tpu.memory_space<vmem_shared>> -> memref<64x128xf32, #tpu.memory_space<vmem_shared>>
      %dma_start3A_249 = arith.constant 0 : i32
      %dma_start3A_250 = tpu.memref_slice %arg10[%add3A_30, %dma_start3A_249] : memref<10240x128xf32, #tpu.memory_space<vmem_shared>> -> memref<64x128xf32, #tpu.memory_space<vmem_shared>>
      tpu.enqueue_dma source(%arg11 : memref<64x128xf32, #tpu.memory_space<vmem>>) target(%dma_start3A_250 : memref<64x128xf32, #tpu.memory_space<vmem_shared>>) target_semaphore(%run_scoped3A : memref<!tpu.dma_semaphore, #tpu.memory_space<semaphore_mem>>)
      %dma_wait3A_251 = arith.constant 0 : i32
      %dma_wait3A_252 = tpu.memref_slice %arg10[%add3A_30, %dma_wait3A_251] : memref<10240x128xf32, #tpu.memory_space<vmem_shared>> -> memref<64x128xf32, #tpu.memory_space<vmem_shared>>
      %dma_wait3A_253 = arith.constant 0 : i32
      %dma_wait3A_254 = tpu.memref_slice %arg10[%add3A_30, %dma_wait3A_253] : memref<10240x128xf32, #tpu.memory_space<vmem_shared>> -> memref<64x128xf32, #tpu.memory_space<vmem_shared>>
      tpu.wait_dma2 semaphore(%run_scoped3A : memref<!tpu.dma_semaphore, #tpu.memory_space<semaphore_mem>>) src(%arg11 : memref<64x128xf32, #tpu.memory_space<vmem>>) dst(%dma_wait3A_254 : memref<64x128xf32, #tpu.memory_space<vmem_shared>>)
      tpu.yield
    }) : () -> ()
    %mul3A_31 = arith.constant 640 : i32
    %mul3A_32 = arith.muli %arg1, %mul3A_31 : i32
    %add3A_33 = arith.constant 384 : i32
    %add3A_34 = arith.addi %mul3A_32, %add3A_33 : i32
    "tpu.region"() ({
      %run_scoped3A = tpu.sem_alloc : memref<!tpu.dma_semaphore, #tpu.memory_space<semaphore_mem>>
      %dma_start3A_247 = arith.constant 0 : i32
      %dma_start3A_248 = tpu.memref_slice %arg10[%add3A_34, %dma_start3A_247] : memref<10240x128xf32, #tpu.memory_space<vmem_shared>> -> memref<64x128xf32, #tpu.memory_space<vmem_shared>>
      %dma_start3A_249 = arith.constant 0 : i32
      %dma_start3A_250 = tpu.memref_slice %arg10[%add3A_34, %dma_start3A_249] : memref<10240x128xf32, #tpu.memory_space<vmem_shared>> -> memref<64x128xf32, #tpu.memory_space<vmem_shared>>
      tpu.enqueue_dma source(%arg11 : memref<64x128xf32, #tpu.memory_space<vmem>>) target(%dma_start3A_250 : memref<64x128xf32, #tpu.memory_space<vmem_shared>>) target_semaphore(%run_scoped3A : memref<!tpu.dma_semaphore, #tpu.memory_space<semaphore_mem>>)
      %dma_wait3A_251 = arith.constant 0 : i32
      %dma_wait3A_252 = tpu.memref_slice %arg10[%add3A_34, %dma_wait3A_251] : memref<10240x128xf32, #tpu.memory_space<vmem_shared>> -> memref<64x128xf32, #tpu.memory_space<vmem_shared>>
      %dma_wait3A_253 = arith.constant 0 : i32
      %dma_wait3A_254 = tpu.memref_slice %arg10[%add3A_34, %dma_wait3A_253] : memref<10240x128xf32, #tpu.memory_space<vmem_shared>> -> memref<64x128xf32, #tpu.memory_space<vmem_shared>>
      tpu.wait_dma2 semaphore(%run_scoped3A : memref<!tpu.dma_semaphore, #tpu.memory_space<semaphore_mem>>) src(%arg11 : memref<64x128xf32, #tpu.memory_space<vmem>>) dst(%dma_wait3A_254 : memref<64x128xf32, #tpu.memory_space<vmem_shared>>)
      tpu.yield
    }) : () -> ()
    %mul3A_35 = arith.constant 640 : i32
    %mul3A_36 = arith.muli %arg1, %mul3A_35 : i32
    %add3A_37 = arith.constant 448 : i32
    %add3A_38 = arith.addi %mul3A_36, %add3A_37 : i32
    "tpu.region"() ({
      %run_scoped3A = tpu.sem_alloc : memref<!tpu.dma_semaphore, #tpu.memory_space<semaphore_mem>>
      %dma_start3A_247 = arith.constant 0 : i32
      %dma_start3A_248 = tpu.memref_slice %arg10[%add3A_38, %dma_start3A_247] : memref<10240x128xf32, #tpu.memory_space<vmem_shared>> -> memref<64x128xf32, #tpu.memory_space<vmem_shared>>
      %dma_start3A_249 = arith.constant 0 : i32
      %dma_start3A_250 = tpu.memref_slice %arg10[%add3A_38, %dma_start3A_249] : memref<10240x128xf32, #tpu.memory_space<vmem_shared>> -> memref<64x128xf32, #tpu.memory_space<vmem_shared>>
      tpu.enqueue_dma source(%arg11 : memref<64x128xf32, #tpu.memory_space<vmem>>) target(%dma_start3A_250 : memref<64x128xf32, #tpu.memory_space<vmem_shared>>) target_semaphore(%run_scoped3A : memref<!tpu.dma_semaphore, #tpu.memory_space<semaphore_mem>>)
      %dma_wait3A_251 = arith.constant 0 : i32
      %dma_wait3A_252 = tpu.memref_slice %arg10[%add3A_38, %dma_wait3A_251] : memref<10240x128xf32, #tpu.memory_space<vmem_shared>> -> memref<64x128xf32, #tpu.memory_space<vmem_shared>>
      %dma_wait3A_253 = arith.constant 0 : i32
      %dma_wait3A_254 = tpu.memref_slice %arg10[%add3A_38, %dma_wait3A_253] : memref<10240x128xf32, #tpu.memory_space<vmem_shared>> -> memref<64x128xf32, #tpu.memory_space<vmem_shared>>
      tpu.wait_dma2 semaphore(%run_scoped3A : memref<!tpu.dma_semaphore, #tpu.memory_space<semaphore_mem>>) src(%arg11 : memref<64x128xf32, #tpu.memory_space<vmem>>) dst(%dma_wait3A_254 : memref<64x128xf32, #tpu.memory_space<vmem_shared>>)
      tpu.yield
    }) : () -> ()
    %mul3A_39 = arith.constant 640 : i32
    %mul3A_40 = arith.muli %arg1, %mul3A_39 : i32
    %add3A_41 = arith.constant 512 : i32
    %add3A_42 = arith.addi %mul3A_40, %add3A_41 : i32
    "tpu.region"() ({
      %run_scoped3A = tpu.sem_alloc : memref<!tpu.dma_semaphore, #tpu.memory_space<semaphore_mem>>
      %dma_start3A_247 = arith.constant 0 : i32
      %dma_start3A_248 = tpu.memref_slice %arg10[%add3A_42, %dma_start3A_247] : memref<10240x128xf32, #tpu.memory_space<vmem_shared>> -> memref<64x128xf32, #tpu.memory_space<vmem_shared>>
      %dma_start3A_249 = arith.constant 0 : i32
      %dma_start3A_250 = tpu.memref_slice %arg10[%add3A_42, %dma_start3A_249] : memref<10240x128xf32, #tpu.memory_space<vmem_shared>> -> memref<64x128xf32, #tpu.memory_space<vmem_shared>>
      tpu.enqueue_dma source(%arg11 : memref<64x128xf32, #tpu.memory_space<vmem>>) target(%dma_start3A_250 : memref<64x128xf32, #tpu.memory_space<vmem_shared>>) target_semaphore(%run_scoped3A : memref<!tpu.dma_semaphore, #tpu.memory_space<semaphore_mem>>)
      %dma_wait3A_251 = arith.constant 0 : i32
      %dma_wait3A_252 = tpu.memref_slice %arg10[%add3A_42, %dma_wait3A_251] : memref<10240x128xf32, #tpu.memory_space<vmem_shared>> -> memref<64x128xf32, #tpu.memory_space<vmem_shared>>
      %dma_wait3A_253 = arith.constant 0 : i32
      %dma_wait3A_254 = tpu.memref_slice %arg10[%add3A_42, %dma_wait3A_253] : memref<10240x128xf32, #tpu.memory_space<vmem_shared>> -> memref<64x128xf32, #tpu.memory_space<vmem_shared>>
      tpu.wait_dma2 semaphore(%run_scoped3A : memref<!tpu.dma_semaphore, #tpu.memory_space<semaphore_mem>>) src(%arg11 : memref<64x128xf32, #tpu.memory_space<vmem>>) dst(%dma_wait3A_254 : memref<64x128xf32, #tpu.memory_space<vmem_shared>>)
      tpu.yield
    }) : () -> ()
    %mul3A_43 = arith.constant 640 : i32
    %mul3A_44 = arith.muli %arg1, %mul3A_43 : i32
    %add3A_45 = arith.constant 576 : i32
    %add3A_46 = arith.addi %mul3A_44, %add3A_45 : i32
    "tpu.region"() ({
      %run_scoped3A = tpu.sem_alloc : memref<!tpu.dma_semaphore, #tpu.memory_space<semaphore_mem>>
      %dma_start3A_247 = arith.constant 0 : i32
      %dma_start3A_248 = tpu.memref_slice %arg10[%add3A_46, %dma_start3A_247] : memref<10240x128xf32, #tpu.memory_space<vmem_shared>> -> memref<64x128xf32, #tpu.memory_space<vmem_shared>>
      %dma_start3A_249 = arith.constant 0 : i32
      %dma_start3A_250 = tpu.memref_slice %arg10[%add3A_46, %dma_start3A_249] : memref<10240x128xf32, #tpu.memory_space<vmem_shared>> -> memref<64x128xf32, #tpu.memory_space<vmem_shared>>
      tpu.enqueue_dma source(%arg11 : memref<64x128xf32, #tpu.memory_space<vmem>>) target(%dma_start3A_250 : memref<64x128xf32, #tpu.memory_space<vmem_shared>>) target_semaphore(%run_scoped3A : memref<!tpu.dma_semaphore, #tpu.memory_space<semaphore_mem>>)
      %dma_wait3A_251 = arith.constant 0 : i32
      %dma_wait3A_252 = tpu.memref_slice %arg10[%add3A_46, %dma_wait3A_251] : memref<10240x128xf32, #tpu.memory_space<vmem_shared>> -> memref<64x128xf32, #tpu.memory_space<vmem_shared>>
      %dma_wait3A_253 = arith.constant 0 : i32
      %dma_wait3A_254 = tpu.memref_slice %arg10[%add3A_46, %dma_wait3A_253] : memref<10240x128xf32, #tpu.memory_space<vmem_shared>> -> memref<64x128xf32, #tpu.memory_space<vmem_shared>>
      tpu.wait_dma2 semaphore(%run_scoped3A : memref<!tpu.dma_semaphore, #tpu.memory_space<semaphore_mem>>) src(%arg11 : memref<64x128xf32, #tpu.memory_space<vmem>>) dst(%dma_wait3A_254 : memref<64x128xf32, #tpu.memory_space<vmem_shared>>)
      tpu.yield
    }) : () -> ()
    %barrier3A = arith.constant 0 : index
    tpu.barrier barrier_id(%barrier3A)
    %mul3A_47 = arith.constant 10240 : i32
    %mul3A_48 = arith.muli %add3A, %mul3A_47 : i32
    %add3A_49 = arith.constant 0 : i32
    %add3A_50 = arith.addi %mul3A_48, %add3A_49 : i32
    "tpu.region"() ({
      %run_scoped3A = tpu.sem_alloc : memref<!tpu.dma_semaphore, #tpu.memory_space<semaphore_mem>>
      %dma_start3A_247 = tpu.memref_slice %arg4[%add3A_50] : memref<327680xi32, #tpu.memory_space<hbm>> -> memref<128xi32, #tpu.memory_space<hbm>>
      %dma_start3A_248 = tpu.memref_slice %arg4[%add3A_50] : memref<327680xi32, #tpu.memory_space<hbm>> -> memref<128xi32, #tpu.memory_space<hbm>>
      tpu.enqueue_dma source(%dma_start3A_248 : memref<128xi32, #tpu.memory_space<hbm>>) target(%arg14 : memref<128xi32, #tpu.memory_space<vmem>>) target_semaphore(%run_scoped3A : memref<!tpu.dma_semaphore, #tpu.memory_space<semaphore_mem>>)
      %dma_wait3A_249 = tpu.memref_slice %arg4[%add3A_50] : memref<327680xi32, #tpu.memory_space<hbm>> -> memref<128xi32, #tpu.memory_space<hbm>>
      %dma_wait3A_250 = tpu.memref_slice %arg4[%add3A_50] : memref<327680xi32, #tpu.memory_space<hbm>> -> memref<128xi32, #tpu.memory_space<hbm>>
      tpu.wait_dma2 semaphore(%run_scoped3A : memref<!tpu.dma_semaphore, #tpu.memory_space<semaphore_mem>>) src(%dma_wait3A_250 : memref<128xi32, #tpu.memory_space<hbm>>) dst(%arg14 : memref<128xi32, #tpu.memory_space<vmem>>)
      tpu.yield
    }) : () -> ()
    %mul3A_51 = arith.constant 10240 : i32
    %mul3A_52 = arith.muli %add3A, %mul3A_51 : i32
    %add3A_53 = arith.constant 0 : i32
    %add3A_54 = arith.addi %mul3A_52, %add3A_53 : i32
    "tpu.region"() ({
      %run_scoped3A = tpu.sem_alloc : memref<!tpu.dma_semaphore, #tpu.memory_space<semaphore_mem>>
      %dma_start3A_247 = tpu.memref_slice %arg5[%add3A_54] : memref<327680xi32, #tpu.memory_space<hbm>> -> memref<128xi32, #tpu.memory_space<hbm>>
      %dma_start3A_248 = tpu.memref_slice %arg5[%add3A_54] : memref<327680xi32, #tpu.memory_space<hbm>> -> memref<128xi32, #tpu.memory_space<hbm>>
      tpu.enqueue_dma source(%dma_start3A_248 : memref<128xi32, #tpu.memory_space<hbm>>) target(%arg16 : memref<128xi32, #tpu.memory_space<vmem>>) target_semaphore(%run_scoped3A : memref<!tpu.dma_semaphore, #tpu.memory_space<semaphore_mem>>)
      %dma_wait3A_249 = tpu.memref_slice %arg5[%add3A_54] : memref<327680xi32, #tpu.memory_space<hbm>> -> memref<128xi32, #tpu.memory_space<hbm>>
      %dma_wait3A_250 = tpu.memref_slice %arg5[%add3A_54] : memref<327680xi32, #tpu.memory_space<hbm>> -> memref<128xi32, #tpu.memory_space<hbm>>
      tpu.wait_dma2 semaphore(%run_scoped3A : memref<!tpu.dma_semaphore, #tpu.memory_space<semaphore_mem>>) src(%dma_wait3A_250 : memref<128xi32, #tpu.memory_space<hbm>>) dst(%arg16 : memref<128xi32, #tpu.memory_space<vmem>>)
      tpu.yield
    }) : () -> ()
    %dma_start3A = arith.constant 0 : i32
    %dma_start3A_55 = arith.constant 0 : i32
    %dma_start3A_56 = tpu.memref_slice %arg2[%dma_start3A, %dma_start3A_55] : memref<10000x128xf32, #tpu.memory_space<hbm>> -> memref<10000x128xf32, #tpu.memory_space<hbm>>
    tpu.enqueue_indirect_dma source(%dma_start3A_56 : memref<10000x128xf32, #tpu.memory_space<hbm>>) target(%arg12 : memref<128x128xf32, #tpu.memory_space<vmem>>) offsets(%arg14 : memref<128xi32, #tpu.memory_space<vmem>>) semaphore(%arg18 : memref<!tpu.dma_semaphore, #tpu.memory_space<semaphore_mem>>)
    %mul3A_57 = arith.constant 10240 : i32
    %mul3A_58 = arith.muli %add3A, %mul3A_57 : i32
    %add3A_59 = arith.constant 128 : i32
    %add3A_60 = arith.addi %mul3A_58, %add3A_59 : i32
    "tpu.region"() ({
      %run_scoped3A = tpu.sem_alloc : memref<!tpu.dma_semaphore, #tpu.memory_space<semaphore_mem>>
      %dma_start3A_247 = tpu.memref_slice %arg4[%add3A_60] : memref<327680xi32, #tpu.memory_space<hbm>> -> memref<128xi32, #tpu.memory_space<hbm>>
      %dma_start3A_248 = tpu.memref_slice %arg4[%add3A_60] : memref<327680xi32, #tpu.memory_space<hbm>> -> memref<128xi32, #tpu.memory_space<hbm>>
      tpu.enqueue_dma source(%dma_start3A_248 : memref<128xi32, #tpu.memory_space<hbm>>) target(%arg15 : memref<128xi32, #tpu.memory_space<vmem>>) target_semaphore(%run_scoped3A : memref<!tpu.dma_semaphore, #tpu.memory_space<semaphore_mem>>)
      %dma_wait3A_249 = tpu.memref_slice %arg4[%add3A_60] : memref<327680xi32, #tpu.memory_space<hbm>> -> memref<128xi32, #tpu.memory_space<hbm>>
      %dma_wait3A_250 = tpu.memref_slice %arg4[%add3A_60] : memref<327680xi32, #tpu.memory_space<hbm>> -> memref<128xi32, #tpu.memory_space<hbm>>
      tpu.wait_dma2 semaphore(%run_scoped3A : memref<!tpu.dma_semaphore, #tpu.memory_space<semaphore_mem>>) src(%dma_wait3A_250 : memref<128xi32, #tpu.memory_space<hbm>>) dst(%arg15 : memref<128xi32, #tpu.memory_space<vmem>>)
      tpu.yield
    }) : () -> ()
    %mul3A_61 = arith.constant 10240 : i32
    %mul3A_62 = arith.muli %add3A, %mul3A_61 : i32
    %add3A_63 = arith.constant 128 : i32
    %add3A_64 = arith.addi %mul3A_62, %add3A_63 : i32
    "tpu.region"() ({
      %run_scoped3A = tpu.sem_alloc : memref<!tpu.dma_semaphore, #tpu.memory_space<semaphore_mem>>
      %dma_start3A_247 = tpu.memref_slice %arg5[%add3A_64] : memref<327680xi32, #tpu.memory_space<hbm>> -> memref<128xi32, #tpu.memory_space<hbm>>
      %dma_start3A_248 = tpu.memref_slice %arg5[%add3A_64] : memref<327680xi32, #tpu.memory_space<hbm>> -> memref<128xi32, #tpu.memory_space<hbm>>
      tpu.enqueue_dma source(%dma_start3A_248 : memref<128xi32, #tpu.memory_space<hbm>>) target(%arg17 : memref<128xi32, #tpu.memory_space<vmem>>) target_semaphore(%run_scoped3A : memref<!tpu.dma_semaphore, #tpu.memory_space<semaphore_mem>>)
      %dma_wait3A_249 = tpu.memref_slice %arg5[%add3A_64] : memref<327680xi32, #tpu.memory_space<hbm>> -> memref<128xi32, #tpu.memory_space<hbm>>
      %dma_wait3A_250 = tpu.memref_slice %arg5[%add3A_64] : memref<327680xi32, #tpu.memory_space<hbm>> -> memref<128xi32, #tpu.memory_space<hbm>>
      tpu.wait_dma2 semaphore(%run_scoped3A : memref<!tpu.dma_semaphore, #tpu.memory_space<semaphore_mem>>) src(%dma_wait3A_250 : memref<128xi32, #tpu.memory_space<hbm>>) dst(%arg17 : memref<128xi32, #tpu.memory_space<vmem>>)
      tpu.yield
    }) : () -> ()
    %dma_start3A_65 = arith.constant 0 : i32
    %dma_start3A_66 = arith.constant 0 : i32
    %dma_start3A_67 = tpu.memref_slice %arg2[%dma_start3A_65, %dma_start3A_66] : memref<10000x128xf32, #tpu.memory_space<hbm>> -> memref<10000x128xf32, #tpu.memory_space<hbm>>
    tpu.enqueue_indirect_dma source(%dma_start3A_67 : memref<10000x128xf32, #tpu.memory_space<hbm>>) target(%arg13 : memref<128x128xf32, #tpu.memory_space<vmem>>) offsets(%arg15 : memref<128xi32, #tpu.memory_space<vmem>>) semaphore(%arg19 : memref<!tpu.dma_semaphore, #tpu.memory_space<semaphore_mem>>)
    %scan3A_68 = arith.constant 0 : i32
    %scan3A_69 = arith.constant 0 : i32
    %scan3A_70 = arith.constant 39 : i32
    %scan3A_71 = arith.addi %scan3A_69, %scan3A_70 : i32
    %scan3A_72 = arith.constant 1 : i32
    %scan3A_73 = scf.for %scan3A_247 = %scan3A_69 to %scan3A_71 step %scan3A_72 iter_args(%scan3A_248 = %scan3A_68) -> (i32)  : i32 {
      %mul3A_249 = arith.constant 2 : i32
      %mul3A_250 = arith.muli %scan3A_247, %mul3A_249 : i32
      %add3A_251 = arith.constant 0 : i32
      %add3A_252 = arith.addi %mul3A_250, %add3A_251 : i32
      %dma_wait3A_253 = arith.constant 0 : i32
      %dma_wait3A_254 = arith.constant 0 : i32
      %dma_wait3A_255 = tpu.memref_slice %arg2[%dma_wait3A_253, %dma_wait3A_254] : memref<10000x128xf32, #tpu.memory_space<hbm>> -> memref<10000x128xf32, #tpu.memory_space<hbm>>
      tpu.wait_indirect_dma semaphore(%arg18 : memref<!tpu.dma_semaphore, #tpu.memory_space<semaphore_mem>>) src(%dma_wait3A_255 : memref<10000x128xf32, #tpu.memory_space<hbm>>) dst(%arg12 : memref<128x128xf32, #tpu.memory_space<vmem>>)
      %mul3A_256 = arith.constant 10240 : i32
      %mul3A_257 = arith.muli %add3A, %mul3A_256 : i32
      %add3A_258 = arith.constant 2 : i32
      %add3A_259 = arith.addi %add3A_252, %add3A_258 : i32
      %mul3A_260 = arith.constant 128 : i32
      %mul3A_261 = arith.muli %add3A_259, %mul3A_260 : i32
      %add3A_262 = arith.addi %mul3A_257, %mul3A_261 : i32
      %dma_start3A_263 = tpu.memref_slice %arg4[%add3A_262] : memref<327680xi32, #tpu.memory_space<hbm>> -> memref<128xi32, #tpu.memory_space<hbm>>
      %dma_start3A_264 = tpu.memref_slice %arg4[%add3A_262] : memref<327680xi32, #tpu.memory_space<hbm>> -> memref<128xi32, #tpu.memory_space<hbm>>
      tpu.enqueue_dma source(%dma_start3A_264 : memref<128xi32, #tpu.memory_space<hbm>>) target(%arg14 : memref<128xi32, #tpu.memory_space<vmem>>) target_semaphore(%arg20 : memref<!tpu.dma_semaphore, #tpu.memory_space<semaphore_mem>>)
      "tpu.region"() ({
        %run_scoped3A = tpu.sem_alloc : memref<!tpu.dma_semaphore, #tpu.memory_space<semaphore_mem>>
        %dma_start3A_314 = arith.constant 0 : i32
        %dma_start3A_315 = arith.constant 0 : i32
        %dma_start3A_316 = tpu.memref_slice %arg10[%dma_start3A_314, %dma_start3A_315] : memref<10240x128xf32, #tpu.memory_space<vmem_shared>> -> memref<10240x128xf32, #tpu.memory_space<vmem_shared>>
        tpu.enqueue_indirect_dma source(%arg12 : memref<128x128xf32, #tpu.memory_space<vmem>>) target(%dma_start3A_316 : memref<10240x128xf32, #tpu.memory_space<vmem_shared>>) offsets(%arg16 : memref<128xi32, #tpu.memory_space<vmem>>) semaphore(%run_scoped3A : memref<!tpu.dma_semaphore, #tpu.memory_space<semaphore_mem>>) {add = true}
        %dma_wait3A_317 = arith.constant 0 : i32
        %dma_wait3A_318 = arith.constant 0 : i32
        %dma_wait3A_319 = tpu.memref_slice %arg10[%dma_wait3A_317, %dma_wait3A_318] : memref<10240x128xf32, #tpu.memory_space<vmem_shared>> -> memref<10240x128xf32, #tpu.memory_space<vmem_shared>>
        tpu.wait_indirect_dma semaphore(%run_scoped3A : memref<!tpu.dma_semaphore, #tpu.memory_space<semaphore_mem>>) src(%arg12 : memref<128x128xf32, #tpu.memory_space<vmem>>) dst(%dma_wait3A_319 : memref<10240x128xf32, #tpu.memory_space<vmem_shared>>)
        tpu.yield
      }) : () -> ()
      %mul3A_265 = arith.constant 10240 : i32
      %mul3A_266 = arith.muli %add3A, %mul3A_265 : i32
      %add3A_267 = arith.constant 2 : i32
      %add3A_268 = arith.addi %add3A_252, %add3A_267 : i32
      %mul3A_269 = arith.constant 128 : i32
      %mul3A_270 = arith.muli %add3A_268, %mul3A_269 : i32
      %add3A_271 = arith.addi %mul3A_266, %mul3A_270 : i32
      %dma_start3A_272 = tpu.memref_slice %arg5[%add3A_271] : memref<327680xi32, #tpu.memory_space<hbm>> -> memref<128xi32, #tpu.memory_space<hbm>>
      %dma_start3A_273 = tpu.memref_slice %arg5[%add3A_271] : memref<327680xi32, #tpu.memory_space<hbm>> -> memref<128xi32, #tpu.memory_space<hbm>>
      tpu.enqueue_dma source(%dma_start3A_273 : memref<128xi32, #tpu.memory_space<hbm>>) target(%arg16 : memref<128xi32, #tpu.memory_space<vmem>>) target_semaphore(%arg22 : memref<!tpu.dma_semaphore, #tpu.memory_space<semaphore_mem>>)
      %dma_wait3A_274 = tpu.memref_slice %arg4[%add3A_271] : memref<327680xi32, #tpu.memory_space<hbm>> -> memref<128xi32, #tpu.memory_space<hbm>>
      %dma_wait3A_275 = tpu.memref_slice %arg4[%add3A_271] : memref<327680xi32, #tpu.memory_space<hbm>> -> memref<128xi32, #tpu.memory_space<hbm>>
      tpu.wait_dma2 semaphore(%arg20 : memref<!tpu.dma_semaphore, #tpu.memory_space<semaphore_mem>>) src(%dma_wait3A_275 : memref<128xi32, #tpu.memory_space<hbm>>) dst(%arg14 : memref<128xi32, #tpu.memory_space<vmem>>)
      %dma_start3A_276 = arith.constant 0 : i32
      %dma_start3A_277 = arith.constant 0 : i32
      %dma_start3A_278 = tpu.memref_slice %arg2[%dma_start3A_276, %dma_start3A_277] : memref<10000x128xf32, #tpu.memory_space<hbm>> -> memref<10000x128xf32, #tpu.memory_space<hbm>>
      tpu.enqueue_indirect_dma source(%dma_start3A_278 : memref<10000x128xf32, #tpu.memory_space<hbm>>) target(%arg12 : memref<128x128xf32, #tpu.memory_space<vmem>>) offsets(%arg14 : memref<128xi32, #tpu.memory_space<vmem>>) semaphore(%arg18 : memref<!tpu.dma_semaphore, #tpu.memory_space<semaphore_mem>>)
      %dma_wait3A_279 = tpu.memref_slice %arg5[%add3A_271] : memref<327680xi32, #tpu.memory_space<hbm>> -> memref<128xi32, #tpu.memory_space<hbm>>
      %dma_wait3A_280 = tpu.memref_slice %arg5[%add3A_271] : memref<327680xi32, #tpu.memory_space<hbm>> -> memref<128xi32, #tpu.memory_space<hbm>>
      tpu.wait_dma2 semaphore(%arg22 : memref<!tpu.dma_semaphore, #tpu.memory_space<semaphore_mem>>) src(%dma_wait3A_280 : memref<128xi32, #tpu.memory_space<hbm>>) dst(%arg16 : memref<128xi32, #tpu.memory_space<vmem>>)
      %mul3A_281 = arith.constant 2 : i32
      %mul3A_282 = arith.muli %scan3A_247, %mul3A_281 : i32
      %add3A_283 = arith.constant 1 : i32
      %add3A_284 = arith.addi %mul3A_282, %add3A_283 : i32
      %dma_wait3A_285 = arith.constant 0 : i32
      %dma_wait3A_286 = arith.constant 0 : i32
      %dma_wait3A_287 = tpu.memref_slice %arg2[%dma_wait3A_285, %dma_wait3A_286] : memref<10000x128xf32, #tpu.memory_space<hbm>> -> memref<10000x128xf32, #tpu.memory_space<hbm>>
      tpu.wait_indirect_dma semaphore(%arg19 : memref<!tpu.dma_semaphore, #tpu.memory_space<semaphore_mem>>) src(%dma_wait3A_287 : memref<10000x128xf32, #tpu.memory_space<hbm>>) dst(%arg13 : memref<128x128xf32, #tpu.memory_space<vmem>>)
      %mul3A_288 = arith.constant 10240 : i32
      %mul3A_289 = arith.muli %add3A, %mul3A_288 : i32
      %add3A_290 = arith.constant 2 : i32
      %add3A_291 = arith.addi %add3A_284, %add3A_290 : i32
      %mul3A_292 = arith.constant 128 : i32
      %mul3A_293 = arith.muli %add3A_291, %mul3A_292 : i32
      %add3A_294 = arith.addi %mul3A_289, %mul3A_293 : i32
      %dma_start3A_295 = tpu.memref_slice %arg4[%add3A_294] : memref<327680xi32, #tpu.memory_space<hbm>> -> memref<128xi32, #tpu.memory_space<hbm>>
      %dma_start3A_296 = tpu.memref_slice %arg4[%add3A_294] : memref<327680xi32, #tpu.memory_space<hbm>> -> memref<128xi32, #tpu.memory_space<hbm>>
      tpu.enqueue_dma source(%dma_start3A_296 : memref<128xi32, #tpu.memory_space<hbm>>) target(%arg15 : memref<128xi32, #tpu.memory_space<vmem>>) target_semaphore(%arg21 : memref<!tpu.dma_semaphore, #tpu.memory_space<semaphore_mem>>)
      "tpu.region"() ({
        %run_scoped3A = tpu.sem_alloc : memref<!tpu.dma_semaphore, #tpu.memory_space<semaphore_mem>>
        %dma_start3A_314 = arith.constant 0 : i32
        %dma_start3A_315 = arith.constant 0 : i32
        %dma_start3A_316 = tpu.memref_slice %arg10[%dma_start3A_314, %dma_start3A_315] : memref<10240x128xf32, #tpu.memory_space<vmem_shared>> -> memref<10240x128xf32, #tpu.memory_space<vmem_shared>>
        tpu.enqueue_indirect_dma source(%arg13 : memref<128x128xf32, #tpu.memory_space<vmem>>) target(%dma_start3A_316 : memref<10240x128xf32, #tpu.memory_space<vmem_shared>>) offsets(%arg17 : memref<128xi32, #tpu.memory_space<vmem>>) semaphore(%run_scoped3A : memref<!tpu.dma_semaphore, #tpu.memory_space<semaphore_mem>>) {add = true}
        %dma_wait3A_317 = arith.constant 0 : i32
        %dma_wait3A_318 = arith.constant 0 : i32
        %dma_wait3A_319 = tpu.memref_slice %arg10[%dma_wait3A_317, %dma_wait3A_318] : memref<10240x128xf32, #tpu.memory_space<vmem_shared>> -> memref<10240x128xf32, #tpu.memory_space<vmem_shared>>
        tpu.wait_indirect_dma semaphore(%run_scoped3A : memref<!tpu.dma_semaphore, #tpu.memory_space<semaphore_mem>>) src(%arg13 : memref<128x128xf32, #tpu.memory_space<vmem>>) dst(%dma_wait3A_319 : memref<10240x128xf32, #tpu.memory_space<vmem_shared>>)
        tpu.yield
      }) : () -> ()
      %mul3A_297 = arith.constant 10240 : i32
      %mul3A_298 = arith.muli %add3A, %mul3A_297 : i32
      %add3A_299 = arith.constant 2 : i32
      %add3A_300 = arith.addi %add3A_284, %add3A_299 : i32
      %mul3A_301 = arith.constant 128 : i32
      %mul3A_302 = arith.muli %add3A_300, %mul3A_301 : i32
      %add3A_303 = arith.addi %mul3A_298, %mul3A_302 : i32
      %dma_start3A_304 = tpu.memref_slice %arg5[%add3A_303] : memref<327680xi32, #tpu.memory_space<hbm>> -> memref<128xi32, #tpu.memory_space<hbm>>
      %dma_start3A_305 = tpu.memref_slice %arg5[%add3A_303] : memref<327680xi32, #tpu.memory_space<hbm>> -> memref<128xi32, #tpu.memory_space<hbm>>
      tpu.enqueue_dma source(%dma_start3A_305 : memref<128xi32, #tpu.memory_space<hbm>>) target(%arg17 : memref<128xi32, #tpu.memory_space<vmem>>) target_semaphore(%arg23 : memref<!tpu.dma_semaphore, #tpu.memory_space<semaphore_mem>>)
      %dma_wait3A_306 = tpu.memref_slice %arg4[%add3A_303] : memref<327680xi32, #tpu.memory_space<hbm>> -> memref<128xi32, #tpu.memory_space<hbm>>
      %dma_wait3A_307 = tpu.memref_slice %arg4[%add3A_303] : memref<327680xi32, #tpu.memory_space<hbm>> -> memref<128xi32, #tpu.memory_space<hbm>>
      tpu.wait_dma2 semaphore(%arg21 : memref<!tpu.dma_semaphore, #tpu.memory_space<semaphore_mem>>) src(%dma_wait3A_307 : memref<128xi32, #tpu.memory_space<hbm>>) dst(%arg15 : memref<128xi32, #tpu.memory_space<vmem>>)
      %dma_start3A_308 = arith.constant 0 : i32
      %dma_start3A_309 = arith.constant 0 : i32
      %dma_start3A_310 = tpu.memref_slice %arg2[%dma_start3A_308, %dma_start3A_309] : memref<10000x128xf32, #tpu.memory_space<hbm>> -> memref<10000x128xf32, #tpu.memory_space<hbm>>
      tpu.enqueue_indirect_dma source(%dma_start3A_310 : memref<10000x128xf32, #tpu.memory_space<hbm>>) target(%arg13 : memref<128x128xf32, #tpu.memory_space<vmem>>) offsets(%arg15 : memref<128xi32, #tpu.memory_space<vmem>>) semaphore(%arg19 : memref<!tpu.dma_semaphore, #tpu.memory_space<semaphore_mem>>)
      %dma_wait3A_311 = tpu.memref_slice %arg5[%add3A_303] : memref<327680xi32, #tpu.memory_space<hbm>> -> memref<128xi32, #tpu.memory_space<hbm>>
      %dma_wait3A_312 = tpu.memref_slice %arg5[%add3A_303] : memref<327680xi32, #tpu.memory_space<hbm>> -> memref<128xi32, #tpu.memory_space<hbm>>
      tpu.wait_dma2 semaphore(%arg23 : memref<!tpu.dma_semaphore, #tpu.memory_space<semaphore_mem>>) src(%dma_wait3A_312 : memref<128xi32, #tpu.memory_space<hbm>>) dst(%arg17 : memref<128xi32, #tpu.memory_space<vmem>>)
      %scan3A_313 = arith.constant 0 : i32
      scf.yield %scan3A_313 : i32
    }
    %scan3A_74 = arith.constant 39 : i32
    %dma_wait3A = arith.constant 0 : i32
    %dma_wait3A_75 = arith.constant 0 : i32
    %dma_wait3A_76 = tpu.memref_slice %arg2[%dma_wait3A, %dma_wait3A_75] : memref<10000x128xf32, #tpu.memory_space<hbm>> -> memref<10000x128xf32, #tpu.memory_space<hbm>>
    tpu.wait_indirect_dma semaphore(%arg18 : memref<!tpu.dma_semaphore, #tpu.memory_space<semaphore_mem>>) src(%dma_wait3A_76 : memref<10000x128xf32, #tpu.memory_space<hbm>>) dst(%arg12 : memref<128x128xf32, #tpu.memory_space<vmem>>)
    "tpu.region"() ({
      %run_scoped3A = tpu.sem_alloc : memref<!tpu.dma_semaphore, #tpu.memory_space<semaphore_mem>>
      %dma_start3A_247 = arith.constant 0 : i32
      %dma_start3A_248 = arith.constant 0 : i32
      %dma_start3A_249 = tpu.memref_slice %arg10[%dma_start3A_247, %dma_start3A_248] : memref<10240x128xf32, #tpu.memory_space<vmem_shared>> -> memref<10240x128xf32, #tpu.memory_space<vmem_shared>>
      tpu.enqueue_indirect_dma source(%arg12 : memref<128x128xf32, #tpu.memory_space<vmem>>) target(%dma_start3A_249 : memref<10240x128xf32, #tpu.memory_space<vmem_shared>>) offsets(%arg16 : memref<128xi32, #tpu.memory_space<vmem>>) semaphore(%run_scoped3A : memref<!tpu.dma_semaphore, #tpu.memory_space<semaphore_mem>>) {add = true}
      %dma_wait3A_250 = arith.constant 0 : i32
      %dma_wait3A_251 = arith.constant 0 : i32
      %dma_wait3A_252 = tpu.memref_slice %arg10[%dma_wait3A_250, %dma_wait3A_251] : memref<10240x128xf32, #tpu.memory_space<vmem_shared>> -> memref<10240x128xf32, #tpu.memory_space<vmem_shared>>
      tpu.wait_indirect_dma semaphore(%run_scoped3A : memref<!tpu.dma_semaphore, #tpu.memory_space<semaphore_mem>>) src(%arg12 : memref<128x128xf32, #tpu.memory_space<vmem>>) dst(%dma_wait3A_252 : memref<10240x128xf32, #tpu.memory_space<vmem_shared>>)
      tpu.yield
    }) : () -> ()
    %dma_wait3A_77 = arith.constant 0 : i32
    %dma_wait3A_78 = arith.constant 0 : i32
    %dma_wait3A_79 = tpu.memref_slice %arg2[%dma_wait3A_77, %dma_wait3A_78] : memref<10000x128xf32, #tpu.memory_space<hbm>> -> memref<10000x128xf32, #tpu.memory_space<hbm>>
    tpu.wait_indirect_dma semaphore(%arg19 : memref<!tpu.dma_semaphore, #tpu.memory_space<semaphore_mem>>) src(%dma_wait3A_79 : memref<10000x128xf32, #tpu.memory_space<hbm>>) dst(%arg13 : memref<128x128xf32, #tpu.memory_space<vmem>>)
    "tpu.region"() ({
      %run_scoped3A = tpu.sem_alloc : memref<!tpu.dma_semaphore, #tpu.memory_space<semaphore_mem>>
      %dma_start3A_247 = arith.constant 0 : i32
      %dma_start3A_248 = arith.constant 0 : i32
      %dma_start3A_249 = tpu.memref_slice %arg10[%dma_start3A_247, %dma_start3A_248] : memref<10240x128xf32, #tpu.memory_space<vmem_shared>> -> memref<10240x128xf32, #tpu.memory_space<vmem_shared>>
      tpu.enqueue_indirect_dma source(%arg13 : memref<128x128xf32, #tpu.memory_space<vmem>>) target(%dma_start3A_249 : memref<10240x128xf32, #tpu.memory_space<vmem_shared>>) offsets(%arg17 : memref<128xi32, #tpu.memory_space<vmem>>) semaphore(%run_scoped3A : memref<!tpu.dma_semaphore, #tpu.memory_space<semaphore_mem>>) {add = true}
      %dma_wait3A_250 = arith.constant 0 : i32
      %dma_wait3A_251 = arith.constant 0 : i32
      %dma_wait3A_252 = tpu.memref_slice %arg10[%dma_wait3A_250, %dma_wait3A_251] : memref<10240x128xf32, #tpu.memory_space<vmem_shared>> -> memref<10240x128xf32, #tpu.memory_space<vmem_shared>>
      tpu.wait_indirect_dma semaphore(%run_scoped3A : memref<!tpu.dma_semaphore, #tpu.memory_space<semaphore_mem>>) src(%arg13 : memref<128x128xf32, #tpu.memory_space<vmem>>) dst(%dma_wait3A_252 : memref<10240x128xf32, #tpu.memory_space<vmem_shared>>)
      tpu.yield
    }) : () -> ()
    %barrier3A_80 = arith.constant 0 : index
    tpu.barrier barrier_id(%barrier3A_80)
    %mul3A_81 = arith.constant 640 : i32
    %mul3A_82 = arith.muli %arg1, %mul3A_81 : i32
    %add3A_83 = arith.constant 0 : i32
    %add3A_84 = arith.addi %mul3A_82, %add3A_83 : i32
    "tpu.region"() ({
      %run_scoped3A = tpu.sem_alloc : memref<!tpu.dma_semaphore, #tpu.memory_space<semaphore_mem>>
      %dma_start3A_247 = arith.constant 0 : i32
      %dma_start3A_248 = tpu.memref_slice %arg10[%add3A_84, %dma_start3A_247] : memref<10240x128xf32, #tpu.memory_space<vmem_shared>> -> memref<64x128xf32, #tpu.memory_space<vmem_shared>>
      %dma_start3A_249 = arith.constant 0 : i32
      %dma_start3A_250 = tpu.memref_slice %arg10[%add3A_84, %dma_start3A_249] : memref<10240x128xf32, #tpu.memory_space<vmem_shared>> -> memref<64x128xf32, #tpu.memory_space<vmem_shared>>
      tpu.enqueue_dma source(%dma_start3A_250 : memref<64x128xf32, #tpu.memory_space<vmem_shared>>) target(%arg11 : memref<64x128xf32, #tpu.memory_space<vmem>>) target_semaphore(%run_scoped3A : memref<!tpu.dma_semaphore, #tpu.memory_space<semaphore_mem>>)
      %dma_wait3A_251 = arith.constant 0 : i32
      %dma_wait3A_252 = tpu.memref_slice %arg10[%add3A_84, %dma_wait3A_251] : memref<10240x128xf32, #tpu.memory_space<vmem_shared>> -> memref<64x128xf32, #tpu.memory_space<vmem_shared>>
      %dma_wait3A_253 = arith.constant 0 : i32
      %dma_wait3A_254 = tpu.memref_slice %arg10[%add3A_84, %dma_wait3A_253] : memref<10240x128xf32, #tpu.memory_space<vmem_shared>> -> memref<64x128xf32, #tpu.memory_space<vmem_shared>>
      tpu.wait_dma2 semaphore(%run_scoped3A : memref<!tpu.dma_semaphore, #tpu.memory_space<semaphore_mem>>) src(%dma_wait3A_254 : memref<64x128xf32, #tpu.memory_space<vmem_shared>>) dst(%arg11 : memref<64x128xf32, #tpu.memory_space<vmem>>)
      tpu.yield
    }) : () -> ()
    "tpu.region"() ({
      %run_scoped3A = tpu.sem_alloc : memref<!tpu.dma_semaphore, #tpu.memory_space<semaphore_mem>>
      %dma_start3A_247 = arith.constant 0 : i32
      %dma_start3A_248 = tpu.memref_slice %arg8[%arg0, %add3A_84, %dma_start3A_247] : memref<2x10240x128xf32, #tpu.memory_space<hbm>> -> memref<1x64x128xf32, #tpu.memory_space<hbm>>
      %dma_start3A_249 = tpu.memref_squeeze %dma_start3A_248 : memref<1x64x128xf32, #tpu.memory_space<hbm>> -> memref<64x128xf32, #tpu.memory_space<hbm>>
      %dma_start3A_250 = arith.constant 0 : i32
      %dma_start3A_251 = tpu.memref_slice %arg8[%arg0, %add3A_84, %dma_start3A_250] : memref<2x10240x128xf32, #tpu.memory_space<hbm>> -> memref<1x64x128xf32, #tpu.memory_space<hbm>>
      %dma_start3A_252 = tpu.memref_squeeze %dma_start3A_251 : memref<1x64x128xf32, #tpu.memory_space<hbm>> -> memref<64x128xf32, #tpu.memory_space<hbm>>
      tpu.enqueue_dma source(%arg11 : memref<64x128xf32, #tpu.memory_space<vmem>>) target(%dma_start3A_252 : memref<64x128xf32, #tpu.memory_space<hbm>>) target_semaphore(%run_scoped3A : memref<!tpu.dma_semaphore, #tpu.memory_space<semaphore_mem>>)
      %dma_wait3A_253 = arith.constant 0 : i32
      %dma_wait3A_254 = tpu.memref_slice %arg8[%arg0, %add3A_84, %dma_wait3A_253] : memref<2x10240x128xf32, #tpu.memory_space<hbm>> -> memref<1x64x128xf32, #tpu.memory_space<hbm>>
      %dma_wait3A_255 = tpu.memref_squeeze %dma_wait3A_254 : memref<1x64x128xf32, #tpu.memory_space<hbm>> -> memref<64x128xf32, #tpu.memory_space<hbm>>
      %dma_wait3A_256 = arith.constant 0 : i32
      %dma_wait3A_257 = tpu.memref_slice %arg8[%arg0, %add3A_84, %dma_wait3A_256] : memref<2x10240x128xf32, #tpu.memory_space<hbm>> -> memref<1x64x128xf32, #tpu.memory_space<hbm>>
      %dma_wait3A_258 = tpu.memref_squeeze %dma_wait3A_257 : memref<1x64x128xf32, #tpu.memory_space<hbm>> -> memref<64x128xf32, #tpu.memory_space<hbm>>
      tpu.wait_dma2 semaphore(%run_scoped3A : memref<!tpu.dma_semaphore, #tpu.memory_space<semaphore_mem>>) src(%arg11 : memref<64x128xf32, #tpu.memory_space<vmem>>) dst(%dma_wait3A_258 : memref<64x128xf32, #tpu.memory_space<hbm>>)
      tpu.yield
    }) : () -> ()
    %mul3A_85 = arith.constant 640 : i32
    %mul3A_86 = arith.muli %arg1, %mul3A_85 : i32
    %add3A_87 = arith.constant 64 : i32
    %add3A_88 = arith.addi %mul3A_86, %add3A_87 : i32
    "tpu.region"() ({
      %run_scoped3A = tpu.sem_alloc : memref<!tpu.dma_semaphore, #tpu.memory_space<semaphore_mem>>
      %dma_start3A_247 = arith.constant 0 : i32
      %dma_start3A_248 = tpu.memref_slice %arg10[%add3A_88, %dma_start3A_247] : memref<10240x128xf32, #tpu.memory_space<vmem_shared>> -> memref<64x128xf32, #tpu.memory_space<vmem_shared>>
      %dma_start3A_249 = arith.constant 0 : i32
      %dma_start3A_250 = tpu.memref_slice %arg10[%add3A_88, %dma_start3A_249] : memref<10240x128xf32, #tpu.memory_space<vmem_shared>> -> memref<64x128xf32, #tpu.memory_space<vmem_shared>>
      tpu.enqueue_dma source(%dma_start3A_250 : memref<64x128xf32, #tpu.memory_space<vmem_shared>>) target(%arg11 : memref<64x128xf32, #tpu.memory_space<vmem>>) target_semaphore(%run_scoped3A : memref<!tpu.dma_semaphore, #tpu.memory_space<semaphore_mem>>)
      %dma_wait3A_251 = arith.constant 0 : i32
      %dma_wait3A_252 = tpu.memref_slice %arg10[%add3A_88, %dma_wait3A_251] : memref<10240x128xf32, #tpu.memory_space<vmem_shared>> -> memref<64x128xf32, #tpu.memory_space<vmem_shared>>
      %dma_wait3A_253 = arith.constant 0 : i32
      %dma_wait3A_254 = tpu.memref_slice %arg10[%add3A_88, %dma_wait3A_253] : memref<10240x128xf32, #tpu.memory_space<vmem_shared>> -> memref<64x128xf32, #tpu.memory_space<vmem_shared>>
      tpu.wait_dma2 semaphore(%run_scoped3A : memref<!tpu.dma_semaphore, #tpu.memory_space<semaphore_mem>>) src(%dma_wait3A_254 : memref<64x128xf32, #tpu.memory_space<vmem_shared>>) dst(%arg11 : memref<64x128xf32, #tpu.memory_space<vmem>>)
      tpu.yield
    }) : () -> ()
    "tpu.region"() ({
      %run_scoped3A = tpu.sem_alloc : memref<!tpu.dma_semaphore, #tpu.memory_space<semaphore_mem>>
      %dma_start3A_247 = arith.constant 0 : i32
      %dma_start3A_248 = tpu.memref_slice %arg8[%arg0, %add3A_88, %dma_start3A_247] : memref<2x10240x128xf32, #tpu.memory_space<hbm>> -> memref<1x64x128xf32, #tpu.memory_space<hbm>>
      %dma_start3A_249 = tpu.memref_squeeze %dma_start3A_248 : memref<1x64x128xf32, #tpu.memory_space<hbm>> -> memref<64x128xf32, #tpu.memory_space<hbm>>
      %dma_start3A_250 = arith.constant 0 : i32
      %dma_start3A_251 = tpu.memref_slice %arg8[%arg0, %add3A_88, %dma_start3A_250] : memref<2x10240x128xf32, #tpu.memory_space<hbm>> -> memref<1x64x128xf32, #tpu.memory_space<hbm>>
      %dma_start3A_252 = tpu.memref_squeeze %dma_start3A_251 : memref<1x64x128xf32, #tpu.memory_space<hbm>> -> memref<64x128xf32, #tpu.memory_space<hbm>>
      tpu.enqueue_dma source(%arg11 : memref<64x128xf32, #tpu.memory_space<vmem>>) target(%dma_start3A_252 : memref<64x128xf32, #tpu.memory_space<hbm>>) target_semaphore(%run_scoped3A : memref<!tpu.dma_semaphore, #tpu.memory_space<semaphore_mem>>)
      %dma_wait3A_253 = arith.constant 0 : i32
      %dma_wait3A_254 = tpu.memref_slice %arg8[%arg0, %add3A_88, %dma_wait3A_253] : memref<2x10240x128xf32, #tpu.memory_space<hbm>> -> memref<1x64x128xf32, #tpu.memory_space<hbm>>
      %dma_wait3A_255 = tpu.memref_squeeze %dma_wait3A_254 : memref<1x64x128xf32, #tpu.memory_space<hbm>> -> memref<64x128xf32, #tpu.memory_space<hbm>>
      %dma_wait3A_256 = arith.constant 0 : i32
      %dma_wait3A_257 = tpu.memref_slice %arg8[%arg0, %add3A_88, %dma_wait3A_256] : memref<2x10240x128xf32, #tpu.memory_space<hbm>> -> memref<1x64x128xf32, #tpu.memory_space<hbm>>
      %dma_wait3A_258 = tpu.memref_squeeze %dma_wait3A_257 : memref<1x64x128xf32, #tpu.memory_space<hbm>> -> memref<64x128xf32, #tpu.memory_space<hbm>>
      tpu.wait_dma2 semaphore(%run_scoped3A : memref<!tpu.dma_semaphore, #tpu.memory_space<semaphore_mem>>) src(%arg11 : memref<64x128xf32, #tpu.memory_space<vmem>>) dst(%dma_wait3A_258 : memref<64x128xf32, #tpu.memory_space<hbm>>)
      tpu.yield
    }) : () -> ()
    %mul3A_89 = arith.constant 640 : i32
    %mul3A_90 = arith.muli %arg1, %mul3A_89 : i32
    %add3A_91 = arith.constant 128 : i32
    %add3A_92 = arith.addi %mul3A_90, %add3A_91 : i32
    "tpu.region"() ({
      %run_scoped3A = tpu.sem_alloc : memref<!tpu.dma_semaphore, #tpu.memory_space<semaphore_mem>>
      %dma_start3A_247 = arith.constant 0 : i32
      %dma_start3A_248 = tpu.memref_slice %arg10[%add3A_92, %dma_start3A_247] : memref<10240x128xf32, #tpu.memory_space<vmem_shared>> -> memref<64x128xf32, #tpu.memory_space<vmem_shared>>
      %dma_start3A_249 = arith.constant 0 : i32
      %dma_start3A_250 = tpu.memref_slice %arg10[%add3A_92, %dma_start3A_249] : memref<10240x128xf32, #tpu.memory_space<vmem_shared>> -> memref<64x128xf32, #tpu.memory_space<vmem_shared>>
      tpu.enqueue_dma source(%dma_start3A_250 : memref<64x128xf32, #tpu.memory_space<vmem_shared>>) target(%arg11 : memref<64x128xf32, #tpu.memory_space<vmem>>) target_semaphore(%run_scoped3A : memref<!tpu.dma_semaphore, #tpu.memory_space<semaphore_mem>>)
      %dma_wait3A_251 = arith.constant 0 : i32
      %dma_wait3A_252 = tpu.memref_slice %arg10[%add3A_92, %dma_wait3A_251] : memref<10240x128xf32, #tpu.memory_space<vmem_shared>> -> memref<64x128xf32, #tpu.memory_space<vmem_shared>>
      %dma_wait3A_253 = arith.constant 0 : i32
      %dma_wait3A_254 = tpu.memref_slice %arg10[%add3A_92, %dma_wait3A_253] : memref<10240x128xf32, #tpu.memory_space<vmem_shared>> -> memref<64x128xf32, #tpu.memory_space<vmem_shared>>
      tpu.wait_dma2 semaphore(%run_scoped3A : memref<!tpu.dma_semaphore, #tpu.memory_space<semaphore_mem>>) src(%dma_wait3A_254 : memref<64x128xf32, #tpu.memory_space<vmem_shared>>) dst(%arg11 : memref<64x128xf32, #tpu.memory_space<vmem>>)
      tpu.yield
    }) : () -> ()
    "tpu.region"() ({
      %run_scoped3A = tpu.sem_alloc : memref<!tpu.dma_semaphore, #tpu.memory_space<semaphore_mem>>
      %dma_start3A_247 = arith.constant 0 : i32
      %dma_start3A_248 = tpu.memref_slice %arg8[%arg0, %add3A_92, %dma_start3A_247] : memref<2x10240x128xf32, #tpu.memory_space<hbm>> -> memref<1x64x128xf32, #tpu.memory_space<hbm>>
      %dma_start3A_249 = tpu.memref_squeeze %dma_start3A_248 : memref<1x64x128xf32, #tpu.memory_space<hbm>> -> memref<64x128xf32, #tpu.memory_space<hbm>>
      %dma_start3A_250 = arith.constant 0 : i32
      %dma_start3A_251 = tpu.memref_slice %arg8[%arg0, %add3A_92, %dma_start3A_250] : memref<2x10240x128xf32, #tpu.memory_space<hbm>> -> memref<1x64x128xf32, #tpu.memory_space<hbm>>
      %dma_start3A_252 = tpu.memref_squeeze %dma_start3A_251 : memref<1x64x128xf32, #tpu.memory_space<hbm>> -> memref<64x128xf32, #tpu.memory_space<hbm>>
      tpu.enqueue_dma source(%arg11 : memref<64x128xf32, #tpu.memory_space<vmem>>) target(%dma_start3A_252 : memref<64x128xf32, #tpu.memory_space<hbm>>) target_semaphore(%run_scoped3A : memref<!tpu.dma_semaphore, #tpu.memory_space<semaphore_mem>>)
      %dma_wait3A_253 = arith.constant 0 : i32
      %dma_wait3A_254 = tpu.memref_slice %arg8[%arg0, %add3A_92, %dma_wait3A_253] : memref<2x10240x128xf32, #tpu.memory_space<hbm>> -> memref<1x64x128xf32, #tpu.memory_space<hbm>>
      %dma_wait3A_255 = tpu.memref_squeeze %dma_wait3A_254 : memref<1x64x128xf32, #tpu.memory_space<hbm>> -> memref<64x128xf32, #tpu.memory_space<hbm>>
      %dma_wait3A_256 = arith.constant 0 : i32
      %dma_wait3A_257 = tpu.memref_slice %arg8[%arg0, %add3A_92, %dma_wait3A_256] : memref<2x10240x128xf32, #tpu.memory_space<hbm>> -> memref<1x64x128xf32, #tpu.memory_space<hbm>>
      %dma_wait3A_258 = tpu.memref_squeeze %dma_wait3A_257 : memref<1x64x128xf32, #tpu.memory_space<hbm>> -> memref<64x128xf32, #tpu.memory_space<hbm>>
      tpu.wait_dma2 semaphore(%run_scoped3A : memref<!tpu.dma_semaphore, #tpu.memory_space<semaphore_mem>>) src(%arg11 : memref<64x128xf32, #tpu.memory_space<vmem>>) dst(%dma_wait3A_258 : memref<64x128xf32, #tpu.memory_space<hbm>>)
      tpu.yield
    }) : () -> ()
    %mul3A_93 = arith.constant 640 : i32
    %mul3A_94 = arith.muli %arg1, %mul3A_93 : i32
    %add3A_95 = arith.constant 192 : i32
    %add3A_96 = arith.addi %mul3A_94, %add3A_95 : i32
    "tpu.region"() ({
      %run_scoped3A = tpu.sem_alloc : memref<!tpu.dma_semaphore, #tpu.memory_space<semaphore_mem>>
      %dma_start3A_247 = arith.constant 0 : i32
      %dma_start3A_248 = tpu.memref_slice %arg10[%add3A_96, %dma_start3A_247] : memref<10240x128xf32, #tpu.memory_space<vmem_shared>> -> memref<64x128xf32, #tpu.memory_space<vmem_shared>>
      %dma_start3A_249 = arith.constant 0 : i32
      %dma_start3A_250 = tpu.memref_slice %arg10[%add3A_96, %dma_start3A_249] : memref<10240x128xf32, #tpu.memory_space<vmem_shared>> -> memref<64x128xf32, #tpu.memory_space<vmem_shared>>
      tpu.enqueue_dma source(%dma_start3A_250 : memref<64x128xf32, #tpu.memory_space<vmem_shared>>) target(%arg11 : memref<64x128xf32, #tpu.memory_space<vmem>>) target_semaphore(%run_scoped3A : memref<!tpu.dma_semaphore, #tpu.memory_space<semaphore_mem>>)
      %dma_wait3A_251 = arith.constant 0 : i32
      %dma_wait3A_252 = tpu.memref_slice %arg10[%add3A_96, %dma_wait3A_251] : memref<10240x128xf32, #tpu.memory_space<vmem_shared>> -> memref<64x128xf32, #tpu.memory_space<vmem_shared>>
      %dma_wait3A_253 = arith.constant 0 : i32
      %dma_wait3A_254 = tpu.memref_slice %arg10[%add3A_96, %dma_wait3A_253] : memref<10240x128xf32, #tpu.memory_space<vmem_shared>> -> memref<64x128xf32, #tpu.memory_space<vmem_shared>>
      tpu.wait_dma2 semaphore(%run_scoped3A : memref<!tpu.dma_semaphore, #tpu.memory_space<semaphore_mem>>) src(%dma_wait3A_254 : memref<64x128xf32, #tpu.memory_space<vmem_shared>>) dst(%arg11 : memref<64x128xf32, #tpu.memory_space<vmem>>)
      tpu.yield
    }) : () -> ()
    "tpu.region"() ({
      %run_scoped3A = tpu.sem_alloc : memref<!tpu.dma_semaphore, #tpu.memory_space<semaphore_mem>>
      %dma_start3A_247 = arith.constant 0 : i32
      %dma_start3A_248 = tpu.memref_slice %arg8[%arg0, %add3A_96, %dma_start3A_247] : memref<2x10240x128xf32, #tpu.memory_space<hbm>> -> memref<1x64x128xf32, #tpu.memory_space<hbm>>
      %dma_start3A_249 = tpu.memref_squeeze %dma_start3A_248 : memref<1x64x128xf32, #tpu.memory_space<hbm>> -> memref<64x128xf32, #tpu.memory_space<hbm>>
      %dma_start3A_250 = arith.constant 0 : i32
      %dma_start3A_251 = tpu.memref_slice %arg8[%arg0, %add3A_96, %dma_start3A_250] : memref<2x10240x128xf32, #tpu.memory_space<hbm>> -> memref<1x64x128xf32, #tpu.memory_space<hbm>>
      %dma_start3A_252 = tpu.memref_squeeze %dma_start3A_251 : memref<1x64x128xf32, #tpu.memory_space<hbm>> -> memref<64x128xf32, #tpu.memory_space<hbm>>
      tpu.enqueue_dma source(%arg11 : memref<64x128xf32, #tpu.memory_space<vmem>>) target(%dma_start3A_252 : memref<64x128xf32, #tpu.memory_space<hbm>>) target_semaphore(%run_scoped3A : memref<!tpu.dma_semaphore, #tpu.memory_space<semaphore_mem>>)
      %dma_wait3A_253 = arith.constant 0 : i32
      %dma_wait3A_254 = tpu.memref_slice %arg8[%arg0, %add3A_96, %dma_wait3A_253] : memref<2x10240x128xf32, #tpu.memory_space<hbm>> -> memref<1x64x128xf32, #tpu.memory_space<hbm>>
      %dma_wait3A_255 = tpu.memref_squeeze %dma_wait3A_254 : memref<1x64x128xf32, #tpu.memory_space<hbm>> -> memref<64x128xf32, #tpu.memory_space<hbm>>
      %dma_wait3A_256 = arith.constant 0 : i32
      %dma_wait3A_257 = tpu.memref_slice %arg8[%arg0, %add3A_96, %dma_wait3A_256] : memref<2x10240x128xf32, #tpu.memory_space<hbm>> -> memref<1x64x128xf32, #tpu.memory_space<hbm>>
      %dma_wait3A_258 = tpu.memref_squeeze %dma_wait3A_257 : memref<1x64x128xf32, #tpu.memory_space<hbm>> -> memref<64x128xf32, #tpu.memory_space<hbm>>
      tpu.wait_dma2 semaphore(%run_scoped3A : memref<!tpu.dma_semaphore, #tpu.memory_space<semaphore_mem>>) src(%arg11 : memref<64x128xf32, #tpu.memory_space<vmem>>) dst(%dma_wait3A_258 : memref<64x128xf32, #tpu.memory_space<hbm>>)
      tpu.yield
    }) : () -> ()
    %mul3A_97 = arith.constant 640 : i32
    %mul3A_98 = arith.muli %arg1, %mul3A_97 : i32
    %add3A_99 = arith.constant 256 : i32
    %add3A_100 = arith.addi %mul3A_98, %add3A_99 : i32
    "tpu.region"() ({
      %run_scoped3A = tpu.sem_alloc : memref<!tpu.dma_semaphore, #tpu.memory_space<semaphore_mem>>
      %dma_start3A_247 = arith.constant 0 : i32
      %dma_start3A_248 = tpu.memref_slice %arg10[%add3A_100, %dma_start3A_247] : memref<10240x128xf32, #tpu.memory_space<vmem_shared>> -> memref<64x128xf32, #tpu.memory_space<vmem_shared>>
      %dma_start3A_249 = arith.constant 0 : i32
      %dma_start3A_250 = tpu.memref_slice %arg10[%add3A_100, %dma_start3A_249] : memref<10240x128xf32, #tpu.memory_space<vmem_shared>> -> memref<64x128xf32, #tpu.memory_space<vmem_shared>>
      tpu.enqueue_dma source(%dma_start3A_250 : memref<64x128xf32, #tpu.memory_space<vmem_shared>>) target(%arg11 : memref<64x128xf32, #tpu.memory_space<vmem>>) target_semaphore(%run_scoped3A : memref<!tpu.dma_semaphore, #tpu.memory_space<semaphore_mem>>)
      %dma_wait3A_251 = arith.constant 0 : i32
      %dma_wait3A_252 = tpu.memref_slice %arg10[%add3A_100, %dma_wait3A_251] : memref<10240x128xf32, #tpu.memory_space<vmem_shared>> -> memref<64x128xf32, #tpu.memory_space<vmem_shared>>
      %dma_wait3A_253 = arith.constant 0 : i32
      %dma_wait3A_254 = tpu.memref_slice %arg10[%add3A_100, %dma_wait3A_253] : memref<10240x128xf32, #tpu.memory_space<vmem_shared>> -> memref<64x128xf32, #tpu.memory_space<vmem_shared>>
      tpu.wait_dma2 semaphore(%run_scoped3A : memref<!tpu.dma_semaphore, #tpu.memory_space<semaphore_mem>>) src(%dma_wait3A_254 : memref<64x128xf32, #tpu.memory_space<vmem_shared>>) dst(%arg11 : memref<64x128xf32, #tpu.memory_space<vmem>>)
      tpu.yield
    }) : () -> ()
    "tpu.region"() ({
      %run_scoped3A = tpu.sem_alloc : memref<!tpu.dma_semaphore, #tpu.memory_space<semaphore_mem>>
      %dma_start3A_247 = arith.constant 0 : i32
      %dma_start3A_248 = tpu.memref_slice %arg8[%arg0, %add3A_100, %dma_start3A_247] : memref<2x10240x128xf32, #tpu.memory_space<hbm>> -> memref<1x64x128xf32, #tpu.memory_space<hbm>>
      %dma_start3A_249 = tpu.memref_squeeze %dma_start3A_248 : memref<1x64x128xf32, #tpu.memory_space<hbm>> -> memref<64x128xf32, #tpu.memory_space<hbm>>
      %dma_start3A_250 = arith.constant 0 : i32
      %dma_start3A_251 = tpu.memref_slice %arg8[%arg0, %add3A_100, %dma_start3A_250] : memref<2x10240x128xf32, #tpu.memory_space<hbm>> -> memref<1x64x128xf32, #tpu.memory_space<hbm>>
      %dma_start3A_252 = tpu.memref_squeeze %dma_start3A_251 : memref<1x64x128xf32, #tpu.memory_space<hbm>> -> memref<64x128xf32, #tpu.memory_space<hbm>>
      tpu.enqueue_dma source(%arg11 : memref<64x128xf32, #tpu.memory_space<vmem>>) target(%dma_start3A_252 : memref<64x128xf32, #tpu.memory_space<hbm>>) target_semaphore(%run_scoped3A : memref<!tpu.dma_semaphore, #tpu.memory_space<semaphore_mem>>)
      %dma_wait3A_253 = arith.constant 0 : i32
      %dma_wait3A_254 = tpu.memref_slice %arg8[%arg0, %add3A_100, %dma_wait3A_253] : memref<2x10240x128xf32, #tpu.memory_space<hbm>> -> memref<1x64x128xf32, #tpu.memory_space<hbm>>
      %dma_wait3A_255 = tpu.memref_squeeze %dma_wait3A_254 : memref<1x64x128xf32, #tpu.memory_space<hbm>> -> memref<64x128xf32, #tpu.memory_space<hbm>>
      %dma_wait3A_256 = arith.constant 0 : i32
      %dma_wait3A_257 = tpu.memref_slice %arg8[%arg0, %add3A_100, %dma_wait3A_256] : memref<2x10240x128xf32, #tpu.memory_space<hbm>> -> memref<1x64x128xf32, #tpu.memory_space<hbm>>
      %dma_wait3A_258 = tpu.memref_squeeze %dma_wait3A_257 : memref<1x64x128xf32, #tpu.memory_space<hbm>> -> memref<64x128xf32, #tpu.memory_space<hbm>>
      tpu.wait_dma2 semaphore(%run_scoped3A : memref<!tpu.dma_semaphore, #tpu.memory_space<semaphore_mem>>) src(%arg11 : memref<64x128xf32, #tpu.memory_space<vmem>>) dst(%dma_wait3A_258 : memref<64x128xf32, #tpu.memory_space<hbm>>)
      tpu.yield
    }) : () -> ()
    %mul3A_101 = arith.constant 640 : i32
    %mul3A_102 = arith.muli %arg1, %mul3A_101 : i32
    %add3A_103 = arith.constant 320 : i32
    %add3A_104 = arith.addi %mul3A_102, %add3A_103 : i32
    "tpu.region"() ({
      %run_scoped3A = tpu.sem_alloc : memref<!tpu.dma_semaphore, #tpu.memory_space<semaphore_mem>>
      %dma_start3A_247 = arith.constant 0 : i32
      %dma_start3A_248 = tpu.memref_slice %arg10[%add3A_104, %dma_start3A_247] : memref<10240x128xf32, #tpu.memory_space<vmem_shared>> -> memref<64x128xf32, #tpu.memory_space<vmem_shared>>
      %dma_start3A_249 = arith.constant 0 : i32
      %dma_start3A_250 = tpu.memref_slice %arg10[%add3A_104, %dma_start3A_249] : memref<10240x128xf32, #tpu.memory_space<vmem_shared>> -> memref<64x128xf32, #tpu.memory_space<vmem_shared>>
      tpu.enqueue_dma source(%dma_start3A_250 : memref<64x128xf32, #tpu.memory_space<vmem_shared>>) target(%arg11 : memref<64x128xf32, #tpu.memory_space<vmem>>) target_semaphore(%run_scoped3A : memref<!tpu.dma_semaphore, #tpu.memory_space<semaphore_mem>>)
      %dma_wait3A_251 = arith.constant 0 : i32
      %dma_wait3A_252 = tpu.memref_slice %arg10[%add3A_104, %dma_wait3A_251] : memref<10240x128xf32, #tpu.memory_space<vmem_shared>> -> memref<64x128xf32, #tpu.memory_space<vmem_shared>>
      %dma_wait3A_253 = arith.constant 0 : i32
      %dma_wait3A_254 = tpu.memref_slice %arg10[%add3A_104, %dma_wait3A_253] : memref<10240x128xf32, #tpu.memory_space<vmem_shared>> -> memref<64x128xf32, #tpu.memory_space<vmem_shared>>
      tpu.wait_dma2 semaphore(%run_scoped3A : memref<!tpu.dma_semaphore, #tpu.memory_space<semaphore_mem>>) src(%dma_wait3A_254 : memref<64x128xf32, #tpu.memory_space<vmem_shared>>) dst(%arg11 : memref<64x128xf32, #tpu.memory_space<vmem>>)
      tpu.yield
    }) : () -> ()
    "tpu.region"() ({
      %run_scoped3A = tpu.sem_alloc : memref<!tpu.dma_semaphore, #tpu.memory_space<semaphore_mem>>
      %dma_start3A_247 = arith.constant 0 : i32
      %dma_start3A_248 = tpu.memref_slice %arg8[%arg0, %add3A_104, %dma_start3A_247] : memref<2x10240x128xf32, #tpu.memory_space<hbm>> -> memref<1x64x128xf32, #tpu.memory_space<hbm>>
      %dma_start3A_249 = tpu.memref_squeeze %dma_start3A_248 : memref<1x64x128xf32, #tpu.memory_space<hbm>> -> memref<64x128xf32, #tpu.memory_space<hbm>>
      %dma_start3A_250 = arith.constant 0 : i32
      %dma_start3A_251 = tpu.memref_slice %arg8[%arg0, %add3A_104, %dma_start3A_250] : memref<2x10240x128xf32, #tpu.memory_space<hbm>> -> memref<1x64x128xf32, #tpu.memory_space<hbm>>
      %dma_start3A_252 = tpu.memref_squeeze %dma_start3A_251 : memref<1x64x128xf32, #tpu.memory_space<hbm>> -> memref<64x128xf32, #tpu.memory_space<hbm>>
      tpu.enqueue_dma source(%arg11 : memref<64x128xf32, #tpu.memory_space<vmem>>) target(%dma_start3A_252 : memref<64x128xf32, #tpu.memory_space<hbm>>) target_semaphore(%run_scoped3A : memref<!tpu.dma_semaphore, #tpu.memory_space<semaphore_mem>>)
      %dma_wait3A_253 = arith.constant 0 : i32
      %dma_wait3A_254 = tpu.memref_slice %arg8[%arg0, %add3A_104, %dma_wait3A_253] : memref<2x10240x128xf32, #tpu.memory_space<hbm>> -> memref<1x64x128xf32, #tpu.memory_space<hbm>>
      %dma_wait3A_255 = tpu.memref_squeeze %dma_wait3A_254 : memref<1x64x128xf32, #tpu.memory_space<hbm>> -> memref<64x128xf32, #tpu.memory_space<hbm>>
      %dma_wait3A_256 = arith.constant 0 : i32
      %dma_wait3A_257 = tpu.memref_slice %arg8[%arg0, %add3A_104, %dma_wait3A_256] : memref<2x10240x128xf32, #tpu.memory_space<hbm>> -> memref<1x64x128xf32, #tpu.memory_space<hbm>>
      %dma_wait3A_258 = tpu.memref_squeeze %dma_wait3A_257 : memref<1x64x128xf32, #tpu.memory_space<hbm>> -> memref<64x128xf32, #tpu.memory_space<hbm>>
      tpu.wait_dma2 semaphore(%run_scoped3A : memref<!tpu.dma_semaphore, #tpu.memory_space<semaphore_mem>>) src(%arg11 : memref<64x128xf32, #tpu.memory_space<vmem>>) dst(%dma_wait3A_258 : memref<64x128xf32, #tpu.memory_space<hbm>>)
      tpu.yield
    }) : () -> ()
    %mul3A_105 = arith.constant 640 : i32
    %mul3A_106 = arith.muli %arg1, %mul3A_105 : i32
    %add3A_107 = arith.constant 384 : i32
    %add3A_108 = arith.addi %mul3A_106, %add3A_107 : i32
    "tpu.region"() ({
      %run_scoped3A = tpu.sem_alloc : memref<!tpu.dma_semaphore, #tpu.memory_space<semaphore_mem>>
      %dma_start3A_247 = arith.constant 0 : i32
      %dma_start3A_248 = tpu.memref_slice %arg10[%add3A_108, %dma_start3A_247] : memref<10240x128xf32, #tpu.memory_space<vmem_shared>> -> memref<64x128xf32, #tpu.memory_space<vmem_shared>>
      %dma_start3A_249 = arith.constant 0 : i32
      %dma_start3A_250 = tpu.memref_slice %arg10[%add3A_108, %dma_start3A_249] : memref<10240x128xf32, #tpu.memory_space<vmem_shared>> -> memref<64x128xf32, #tpu.memory_space<vmem_shared>>
      tpu.enqueue_dma source(%dma_start3A_250 : memref<64x128xf32, #tpu.memory_space<vmem_shared>>) target(%arg11 : memref<64x128xf32, #tpu.memory_space<vmem>>) target_semaphore(%run_scoped3A : memref<!tpu.dma_semaphore, #tpu.memory_space<semaphore_mem>>)
      %dma_wait3A_251 = arith.constant 0 : i32
      %dma_wait3A_252 = tpu.memref_slice %arg10[%add3A_108, %dma_wait3A_251] : memref<10240x128xf32, #tpu.memory_space<vmem_shared>> -> memref<64x128xf32, #tpu.memory_space<vmem_shared>>
      %dma_wait3A_253 = arith.constant 0 : i32
      %dma_wait3A_254 = tpu.memref_slice %arg10[%add3A_108, %dma_wait3A_253] : memref<10240x128xf32, #tpu.memory_space<vmem_shared>> -> memref<64x128xf32, #tpu.memory_space<vmem_shared>>
      tpu.wait_dma2 semaphore(%run_scoped3A : memref<!tpu.dma_semaphore, #tpu.memory_space<semaphore_mem>>) src(%dma_wait3A_254 : memref<64x128xf32, #tpu.memory_space<vmem_shared>>) dst(%arg11 : memref<64x128xf32, #tpu.memory_space<vmem>>)
      tpu.yield
    }) : () -> ()
    "tpu.region"() ({
      %run_scoped3A = tpu.sem_alloc : memref<!tpu.dma_semaphore, #tpu.memory_space<semaphore_mem>>
      %dma_start3A_247 = arith.constant 0 : i32
      %dma_start3A_248 = tpu.memref_slice %arg8[%arg0, %add3A_108, %dma_start3A_247] : memref<2x10240x128xf32, #tpu.memory_space<hbm>> -> memref<1x64x128xf32, #tpu.memory_space<hbm>>
      %dma_start3A_249 = tpu.memref_squeeze %dma_start3A_248 : memref<1x64x128xf32, #tpu.memory_space<hbm>> -> memref<64x128xf32, #tpu.memory_space<hbm>>
      %dma_start3A_250 = arith.constant 0 : i32
      %dma_start3A_251 = tpu.memref_slice %arg8[%arg0, %add3A_108, %dma_start3A_250] : memref<2x10240x128xf32, #tpu.memory_space<hbm>> -> memref<1x64x128xf32, #tpu.memory_space<hbm>>
      %dma_start3A_252 = tpu.memref_squeeze %dma_start3A_251 : memref<1x64x128xf32, #tpu.memory_space<hbm>> -> memref<64x128xf32, #tpu.memory_space<hbm>>
      tpu.enqueue_dma source(%arg11 : memref<64x128xf32, #tpu.memory_space<vmem>>) target(%dma_start3A_252 : memref<64x128xf32, #tpu.memory_space<hbm>>) target_semaphore(%run_scoped3A : memref<!tpu.dma_semaphore, #tpu.memory_space<semaphore_mem>>)
      %dma_wait3A_253 = arith.constant 0 : i32
      %dma_wait3A_254 = tpu.memref_slice %arg8[%arg0, %add3A_108, %dma_wait3A_253] : memref<2x10240x128xf32, #tpu.memory_space<hbm>> -> memref<1x64x128xf32, #tpu.memory_space<hbm>>
      %dma_wait3A_255 = tpu.memref_squeeze %dma_wait3A_254 : memref<1x64x128xf32, #tpu.memory_space<hbm>> -> memref<64x128xf32, #tpu.memory_space<hbm>>
      %dma_wait3A_256 = arith.constant 0 : i32
      %dma_wait3A_257 = tpu.memref_slice %arg8[%arg0, %add3A_108, %dma_wait3A_256] : memref<2x10240x128xf32, #tpu.memory_space<hbm>> -> memref<1x64x128xf32, #tpu.memory_space<hbm>>
      %dma_wait3A_258 = tpu.memref_squeeze %dma_wait3A_257 : memref<1x64x128xf32, #tpu.memory_space<hbm>> -> memref<64x128xf32, #tpu.memory_space<hbm>>
      tpu.wait_dma2 semaphore(%run_scoped3A : memref<!tpu.dma_semaphore, #tpu.memory_space<semaphore_mem>>) src(%arg11 : memref<64x128xf32, #tpu.memory_space<vmem>>) dst(%dma_wait3A_258 : memref<64x128xf32, #tpu.memory_space<hbm>>)
      tpu.yield
    }) : () -> ()
    %mul3A_109 = arith.constant 640 : i32
    %mul3A_110 = arith.muli %arg1, %mul3A_109 : i32
    %add3A_111 = arith.constant 448 : i32
    %add3A_112 = arith.addi %mul3A_110, %add3A_111 : i32
    "tpu.region"() ({
      %run_scoped3A = tpu.sem_alloc : memref<!tpu.dma_semaphore, #tpu.memory_space<semaphore_mem>>
      %dma_start3A_247 = arith.constant 0 : i32
      %dma_start3A_248 = tpu.memref_slice %arg10[%add3A_112, %dma_start3A_247] : memref<10240x128xf32, #tpu.memory_space<vmem_shared>> -> memref<64x128xf32, #tpu.memory_space<vmem_shared>>
      %dma_start3A_249 = arith.constant 0 : i32
      %dma_start3A_250 = tpu.memref_slice %arg10[%add3A_112, %dma_start3A_249] : memref<10240x128xf32, #tpu.memory_space<vmem_shared>> -> memref<64x128xf32, #tpu.memory_space<vmem_shared>>
      tpu.enqueue_dma source(%dma_start3A_250 : memref<64x128xf32, #tpu.memory_space<vmem_shared>>) target(%arg11 : memref<64x128xf32, #tpu.memory_space<vmem>>) target_semaphore(%run_scoped3A : memref<!tpu.dma_semaphore, #tpu.memory_space<semaphore_mem>>)
      %dma_wait3A_251 = arith.constant 0 : i32
      %dma_wait3A_252 = tpu.memref_slice %arg10[%add3A_112, %dma_wait3A_251] : memref<10240x128xf32, #tpu.memory_space<vmem_shared>> -> memref<64x128xf32, #tpu.memory_space<vmem_shared>>
      %dma_wait3A_253 = arith.constant 0 : i32
      %dma_wait3A_254 = tpu.memref_slice %arg10[%add3A_112, %dma_wait3A_253] : memref<10240x128xf32, #tpu.memory_space<vmem_shared>> -> memref<64x128xf32, #tpu.memory_space<vmem_shared>>
      tpu.wait_dma2 semaphore(%run_scoped3A : memref<!tpu.dma_semaphore, #tpu.memory_space<semaphore_mem>>) src(%dma_wait3A_254 : memref<64x128xf32, #tpu.memory_space<vmem_shared>>) dst(%arg11 : memref<64x128xf32, #tpu.memory_space<vmem>>)
      tpu.yield
    }) : () -> ()
    "tpu.region"() ({
      %run_scoped3A = tpu.sem_alloc : memref<!tpu.dma_semaphore, #tpu.memory_space<semaphore_mem>>
      %dma_start3A_247 = arith.constant 0 : i32
      %dma_start3A_248 = tpu.memref_slice %arg8[%arg0, %add3A_112, %dma_start3A_247] : memref<2x10240x128xf32, #tpu.memory_space<hbm>> -> memref<1x64x128xf32, #tpu.memory_space<hbm>>
      %dma_start3A_249 = tpu.memref_squeeze %dma_start3A_248 : memref<1x64x128xf32, #tpu.memory_space<hbm>> -> memref<64x128xf32, #tpu.memory_space<hbm>>
      %dma_start3A_250 = arith.constant 0 : i32
      %dma_start3A_251 = tpu.memref_slice %arg8[%arg0, %add3A_112, %dma_start3A_250] : memref<2x10240x128xf32, #tpu.memory_space<hbm>> -> memref<1x64x128xf32, #tpu.memory_space<hbm>>
      %dma_start3A_252 = tpu.memref_squeeze %dma_start3A_251 : memref<1x64x128xf32, #tpu.memory_space<hbm>> -> memref<64x128xf32, #tpu.memory_space<hbm>>
      tpu.enqueue_dma source(%arg11 : memref<64x128xf32, #tpu.memory_space<vmem>>) target(%dma_start3A_252 : memref<64x128xf32, #tpu.memory_space<hbm>>) target_semaphore(%run_scoped3A : memref<!tpu.dma_semaphore, #tpu.memory_space<semaphore_mem>>)
      %dma_wait3A_253 = arith.constant 0 : i32
      %dma_wait3A_254 = tpu.memref_slice %arg8[%arg0, %add3A_112, %dma_wait3A_253] : memref<2x10240x128xf32, #tpu.memory_space<hbm>> -> memref<1x64x128xf32, #tpu.memory_space<hbm>>
      %dma_wait3A_255 = tpu.memref_squeeze %dma_wait3A_254 : memref<1x64x128xf32, #tpu.memory_space<hbm>> -> memref<64x128xf32, #tpu.memory_space<hbm>>
      %dma_wait3A_256 = arith.constant 0 : i32
      %dma_wait3A_257 = tpu.memref_slice %arg8[%arg0, %add3A_112, %dma_wait3A_256] : memref<2x10240x128xf32, #tpu.memory_space<hbm>> -> memref<1x64x128xf32, #tpu.memory_space<hbm>>
      %dma_wait3A_258 = tpu.memref_squeeze %dma_wait3A_257 : memref<1x64x128xf32, #tpu.memory_space<hbm>> -> memref<64x128xf32, #tpu.memory_space<hbm>>
      tpu.wait_dma2 semaphore(%run_scoped3A : memref<!tpu.dma_semaphore, #tpu.memory_space<semaphore_mem>>) src(%arg11 : memref<64x128xf32, #tpu.memory_space<vmem>>) dst(%dma_wait3A_258 : memref<64x128xf32, #tpu.memory_space<hbm>>)
      tpu.yield
    }) : () -> ()
    %mul3A_113 = arith.constant 640 : i32
    %mul3A_114 = arith.muli %arg1, %mul3A_113 : i32
    %add3A_115 = arith.constant 512 : i32
    %add3A_116 = arith.addi %mul3A_114, %add3A_115 : i32
    "tpu.region"() ({
      %run_scoped3A = tpu.sem_alloc : memref<!tpu.dma_semaphore, #tpu.memory_space<semaphore_mem>>
      %dma_start3A_247 = arith.constant 0 : i32
      %dma_start3A_248 = tpu.memref_slice %arg10[%add3A_116, %dma_start3A_247] : memref<10240x128xf32, #tpu.memory_space<vmem_shared>> -> memref<64x128xf32, #tpu.memory_space<vmem_shared>>
      %dma_start3A_249 = arith.constant 0 : i32
      %dma_start3A_250 = tpu.memref_slice %arg10[%add3A_116, %dma_start3A_249] : memref<10240x128xf32, #tpu.memory_space<vmem_shared>> -> memref<64x128xf32, #tpu.memory_space<vmem_shared>>
      tpu.enqueue_dma source(%dma_start3A_250 : memref<64x128xf32, #tpu.memory_space<vmem_shared>>) target(%arg11 : memref<64x128xf32, #tpu.memory_space<vmem>>) target_semaphore(%run_scoped3A : memref<!tpu.dma_semaphore, #tpu.memory_space<semaphore_mem>>)
      %dma_wait3A_251 = arith.constant 0 : i32
      %dma_wait3A_252 = tpu.memref_slice %arg10[%add3A_116, %dma_wait3A_251] : memref<10240x128xf32, #tpu.memory_space<vmem_shared>> -> memref<64x128xf32, #tpu.memory_space<vmem_shared>>
      %dma_wait3A_253 = arith.constant 0 : i32
      %dma_wait3A_254 = tpu.memref_slice %arg10[%add3A_116, %dma_wait3A_253] : memref<10240x128xf32, #tpu.memory_space<vmem_shared>> -> memref<64x128xf32, #tpu.memory_space<vmem_shared>>
      tpu.wait_dma2 semaphore(%run_scoped3A : memref<!tpu.dma_semaphore, #tpu.memory_space<semaphore_mem>>) src(%dma_wait3A_254 : memref<64x128xf32, #tpu.memory_space<vmem_shared>>) dst(%arg11 : memref<64x128xf32, #tpu.memory_space<vmem>>)
      tpu.yield
    }) : () -> ()
    "tpu.region"() ({
      %run_scoped3A = tpu.sem_alloc : memref<!tpu.dma_semaphore, #tpu.memory_space<semaphore_mem>>
      %dma_start3A_247 = arith.constant 0 : i32
      %dma_start3A_248 = tpu.memref_slice %arg8[%arg0, %add3A_116, %dma_start3A_247] : memref<2x10240x128xf32, #tpu.memory_space<hbm>> -> memref<1x64x128xf32, #tpu.memory_space<hbm>>
      %dma_start3A_249 = tpu.memref_squeeze %dma_start3A_248 : memref<1x64x128xf32, #tpu.memory_space<hbm>> -> memref<64x128xf32, #tpu.memory_space<hbm>>
      %dma_start3A_250 = arith.constant 0 : i32
      %dma_start3A_251 = tpu.memref_slice %arg8[%arg0, %add3A_116, %dma_start3A_250] : memref<2x10240x128xf32, #tpu.memory_space<hbm>> -> memref<1x64x128xf32, #tpu.memory_space<hbm>>
      %dma_start3A_252 = tpu.memref_squeeze %dma_start3A_251 : memref<1x64x128xf32, #tpu.memory_space<hbm>> -> memref<64x128xf32, #tpu.memory_space<hbm>>
      tpu.enqueue_dma source(%arg11 : memref<64x128xf32, #tpu.memory_space<vmem>>) target(%dma_start3A_252 : memref<64x128xf32, #tpu.memory_space<hbm>>) target_semaphore(%run_scoped3A : memref<!tpu.dma_semaphore, #tpu.memory_space<semaphore_mem>>)
      %dma_wait3A_253 = arith.constant 0 : i32
      %dma_wait3A_254 = tpu.memref_slice %arg8[%arg0, %add3A_116, %dma_wait3A_253] : memref<2x10240x128xf32, #tpu.memory_space<hbm>> -> memref<1x64x128xf32, #tpu.memory_space<hbm>>
      %dma_wait3A_255 = tpu.memref_squeeze %dma_wait3A_254 : memref<1x64x128xf32, #tpu.memory_space<hbm>> -> memref<64x128xf32, #tpu.memory_space<hbm>>
      %dma_wait3A_256 = arith.constant 0 : i32
      %dma_wait3A_257 = tpu.memref_slice %arg8[%arg0, %add3A_116, %dma_wait3A_256] : memref<2x10240x128xf32, #tpu.memory_space<hbm>> -> memref<1x64x128xf32, #tpu.memory_space<hbm>>
      %dma_wait3A_258 = tpu.memref_squeeze %dma_wait3A_257 : memref<1x64x128xf32, #tpu.memory_space<hbm>> -> memref<64x128xf32, #tpu.memory_space<hbm>>
      tpu.wait_dma2 semaphore(%run_scoped3A : memref<!tpu.dma_semaphore, #tpu.memory_space<semaphore_mem>>) src(%arg11 : memref<64x128xf32, #tpu.memory_space<vmem>>) dst(%dma_wait3A_258 : memref<64x128xf32, #tpu.memory_space<hbm>>)
      tpu.yield
    }) : () -> ()
    %mul3A_117 = arith.constant 640 : i32
    %mul3A_118 = arith.muli %arg1, %mul3A_117 : i32
    %add3A_119 = arith.constant 576 : i32
    %add3A_120 = arith.addi %mul3A_118, %add3A_119 : i32
    "tpu.region"() ({
      %run_scoped3A = tpu.sem_alloc : memref<!tpu.dma_semaphore, #tpu.memory_space<semaphore_mem>>
      %dma_start3A_247 = arith.constant 0 : i32
      %dma_start3A_248 = tpu.memref_slice %arg10[%add3A_120, %dma_start3A_247] : memref<10240x128xf32, #tpu.memory_space<vmem_shared>> -> memref<64x128xf32, #tpu.memory_space<vmem_shared>>
      %dma_start3A_249 = arith.constant 0 : i32
      %dma_start3A_250 = tpu.memref_slice %arg10[%add3A_120, %dma_start3A_249] : memref<10240x128xf32, #tpu.memory_space<vmem_shared>> -> memref<64x128xf32, #tpu.memory_space<vmem_shared>>
      tpu.enqueue_dma source(%dma_start3A_250 : memref<64x128xf32, #tpu.memory_space<vmem_shared>>) target(%arg11 : memref<64x128xf32, #tpu.memory_space<vmem>>) target_semaphore(%run_scoped3A : memref<!tpu.dma_semaphore, #tpu.memory_space<semaphore_mem>>)
      %dma_wait3A_251 = arith.constant 0 : i32
      %dma_wait3A_252 = tpu.memref_slice %arg10[%add3A_120, %dma_wait3A_251] : memref<10240x128xf32, #tpu.memory_space<vmem_shared>> -> memref<64x128xf32, #tpu.memory_space<vmem_shared>>
      %dma_wait3A_253 = arith.constant 0 : i32
      %dma_wait3A_254 = tpu.memref_slice %arg10[%add3A_120, %dma_wait3A_253] : memref<10240x128xf32, #tpu.memory_space<vmem_shared>> -> memref<64x128xf32, #tpu.memory_space<vmem_shared>>
      tpu.wait_dma2 semaphore(%run_scoped3A : memref<!tpu.dma_semaphore, #tpu.memory_space<semaphore_mem>>) src(%dma_wait3A_254 : memref<64x128xf32, #tpu.memory_space<vmem_shared>>) dst(%arg11 : memref<64x128xf32, #tpu.memory_space<vmem>>)
      tpu.yield
    }) : () -> ()
    "tpu.region"() ({
      %run_scoped3A = tpu.sem_alloc : memref<!tpu.dma_semaphore, #tpu.memory_space<semaphore_mem>>
      %dma_start3A_247 = arith.constant 0 : i32
      %dma_start3A_248 = tpu.memref_slice %arg8[%arg0, %add3A_120, %dma_start3A_247] : memref<2x10240x128xf32, #tpu.memory_space<hbm>> -> memref<1x64x128xf32, #tpu.memory_space<hbm>>
      %dma_start3A_249 = tpu.memref_squeeze %dma_start3A_248 : memref<1x64x128xf32, #tpu.memory_space<hbm>> -> memref<64x128xf32, #tpu.memory_space<hbm>>
      %dma_start3A_250 = arith.constant 0 : i32
      %dma_start3A_251 = tpu.memref_slice %arg8[%arg0, %add3A_120, %dma_start3A_250] : memref<2x10240x128xf32, #tpu.memory_space<hbm>> -> memref<1x64x128xf32, #tpu.memory_space<hbm>>
      %dma_start3A_252 = tpu.memref_squeeze %dma_start3A_251 : memref<1x64x128xf32, #tpu.memory_space<hbm>> -> memref<64x128xf32, #tpu.memory_space<hbm>>
      tpu.enqueue_dma source(%arg11 : memref<64x128xf32, #tpu.memory_space<vmem>>) target(%dma_start3A_252 : memref<64x128xf32, #tpu.memory_space<hbm>>) target_semaphore(%run_scoped3A : memref<!tpu.dma_semaphore, #tpu.memory_space<semaphore_mem>>)
      %dma_wait3A_253 = arith.constant 0 : i32
      %dma_wait3A_254 = tpu.memref_slice %arg8[%arg0, %add3A_120, %dma_wait3A_253] : memref<2x10240x128xf32, #tpu.memory_space<hbm>> -> memref<1x64x128xf32, #tpu.memory_space<hbm>>
      %dma_wait3A_255 = tpu.memref_squeeze %dma_wait3A_254 : memref<1x64x128xf32, #tpu.memory_space<hbm>> -> memref<64x128xf32, #tpu.memory_space<hbm>>
      %dma_wait3A_256 = arith.constant 0 : i32
      %dma_wait3A_257 = tpu.memref_slice %arg8[%arg0, %add3A_120, %dma_wait3A_256] : memref<2x10240x128xf32, #tpu.memory_space<hbm>> -> memref<1x64x128xf32, #tpu.memory_space<hbm>>
      %dma_wait3A_258 = tpu.memref_squeeze %dma_wait3A_257 : memref<1x64x128xf32, #tpu.memory_space<hbm>> -> memref<64x128xf32, #tpu.memory_space<hbm>>
      tpu.wait_dma2 semaphore(%run_scoped3A : memref<!tpu.dma_semaphore, #tpu.memory_space<semaphore_mem>>) src(%arg11 : memref<64x128xf32, #tpu.memory_space<vmem>>) dst(%dma_wait3A_258 : memref<64x128xf32, #tpu.memory_space<hbm>>)
      tpu.yield
    }) : () -> ()
    %barrier3A_121 = arith.constant 0 : index
    tpu.barrier barrier_id(%barrier3A_121)
    %scan3A_122 = arith.constant 0 : i32
    %scan3A_123 = arith.constant 0 : i32
    %scan3A_124 = arith.constant 512 : i32
    %scan3A_125 = arith.addi %scan3A_123, %scan3A_124 : i32
    %scan3A_126 = arith.constant 1 : i32
    %scan3A_127 = scf.for %scan3A_247 = %scan3A_123 to %scan3A_125 step %scan3A_126 iter_args(%scan3A_248 = %scan3A_122) -> (i32)  : i32 {
      %broadcast_in_dim3A = arith.constant 0.000000e+00 : f32
      %broadcast_in_dim3A_249 = vector.broadcast %broadcast_in_dim3A : f32 to vector<16xf32>
      %jit3A = arith.constant 8 : i32
      %div3A = arith.divsi %scan3A_247, %jit3A : i32
      %sign3A = arith.constant 0 : i32
      %sign3A_250 = arith.cmpi sgt, %scan3A_247, %sign3A : i32
      %sign3A_251 = arith.extui %sign3A_250 : i1 to i32
      %sign3A_252 = arith.constant 0 : i32
      %sign3A_253 = arith.cmpi slt, %scan3A_247, %sign3A_252 : i32
      %sign3A_254 = arith.extui %sign3A_253 : i1 to i32
      %sign3A_255 = arith.subi %sign3A_251, %sign3A_254 : i32
      %sign3A_256 = arith.constant 0 : i32
      %sign3A_257 = arith.cmpi sgt, %jit3A, %sign3A_256 : i32
      %sign3A_258 = arith.extui %sign3A_257 : i1 to i32
      %sign3A_259 = arith.constant 0 : i32
      %sign3A_260 = arith.cmpi slt, %jit3A, %sign3A_259 : i32
      %sign3A_261 = arith.extui %sign3A_260 : i1 to i32
      %sign3A_262 = arith.subi %sign3A_258, %sign3A_261 : i32
      %ne3A = arith.cmpi ne, %sign3A_255, %sign3A_262 : i32
      %rem3A = arith.remsi %scan3A_247, %jit3A : i32
      %ne3A_263 = arith.constant 0 : i32
      %ne3A_264 = arith.cmpi ne, %rem3A, %ne3A_263 : i32
      %and3A = arith.andi %ne3A, %ne3A_264 : i1
      %sub3A = arith.constant 1 : i32
      %sub3A_265 = arith.subi %div3A, %sub3A : i32
      %select_n3A = arith.select %and3A, %sub3A_265, %div3A : i32
      %jit3A_266 = arith.constant 8 : i32
      %eq3A = arith.constant 0 : i32
      %eq3A_267 = arith.cmpi eq, %jit3A_266, %eq3A : i32
      %jit3A_268 = arith.constant 1 : i32
      %select_n3A_269 = arith.select %eq3A_267, %jit3A_268, %jit3A_266 : i32
      %rem3A_270 = arith.remsi %scan3A_247, %select_n3A_269 : i32
      %ne3A_271 = arith.constant 0 : i32
      %ne3A_272 = arith.cmpi ne, %rem3A_270, %ne3A_271 : i32
      %lt3A = arith.constant 0 : i32
      %lt3A_273 = arith.cmpi slt, %rem3A_270, %lt3A : i32
      %lt3A_274 = arith.constant 0 : i32
      %lt3A_275 = arith.cmpi slt, %select_n3A_269, %lt3A_274 : i32
      %ne3A_276 = arith.xori %lt3A_273, %lt3A_275 : i1
      %and3A_277 = arith.andi %ne3A_276, %ne3A_272 : i1
      %add3A_278 = arith.addi %rem3A_270, %select_n3A_269 : i32
      %select_n3A_279 = arith.select %and3A_277, %add3A_278, %rem3A_270 : i32
      %mul3A_280 = arith.constant 16 : i32
      %mul3A_281 = arith.muli %select_n3A_279, %mul3A_280 : i32
      %swap3A = arith.index_cast %select_n3A : i32 to index
      %swap3A_282 = arith.index_cast %mul3A_281 : i32 to index
      %swap3A_283 = tpu.vector_load %arg11[%swap3A, %swap3A_282] {strides = array<i32>} : memref<64x128xf32, #tpu.memory_space<vmem>>, vector<16xf32>,
      tpu.vector_store %arg11[%swap3A, %swap3A_282], %broadcast_in_dim3A_249 {strides = array<i32>} : memref<64x128xf32, #tpu.memory_space<vmem>>, vector<16xf32>,
      %scan3A_284 = arith.constant 0 : i32
      scf.yield %scan3A_284 : i32
    }
    %scan3A_128 = arith.constant 512 : i32
    %mul3A_129 = arith.constant 640 : i32
    %mul3A_130 = arith.muli %arg1, %mul3A_129 : i32
    %add3A_131 = arith.constant 0 : i32
    %add3A_132 = arith.addi %mul3A_130, %add3A_131 : i32
    "tpu.region"() ({
      %run_scoped3A = tpu.sem_alloc : memref<!tpu.dma_semaphore, #tpu.memory_space<semaphore_mem>>
      %dma_start3A_247 = arith.constant 0 : i32
      %dma_start3A_248 = tpu.memref_slice %arg10[%add3A_132, %dma_start3A_247] : memref<10240x128xf32, #tpu.memory_space<vmem_shared>> -> memref<64x128xf32, #tpu.memory_space<vmem_shared>>
      %dma_start3A_249 = arith.constant 0 : i32
      %dma_start3A_250 = tpu.memref_slice %arg10[%add3A_132, %dma_start3A_249] : memref<10240x128xf32, #tpu.memory_space<vmem_shared>> -> memref<64x128xf32, #tpu.memory_space<vmem_shared>>
      tpu.enqueue_dma source(%arg11 : memref<64x128xf32, #tpu.memory_space<vmem>>) target(%dma_start3A_250 : memref<64x128xf32, #tpu.memory_space<vmem_shared>>) target_semaphore(%run_scoped3A : memref<!tpu.dma_semaphore, #tpu.memory_space<semaphore_mem>>)
      %dma_wait3A_251 = arith.constant 0 : i32
      %dma_wait3A_252 = tpu.memref_slice %arg10[%add3A_132, %dma_wait3A_251] : memref<10240x128xf32, #tpu.memory_space<vmem_shared>> -> memref<64x128xf32, #tpu.memory_space<vmem_shared>>
      %dma_wait3A_253 = arith.constant 0 : i32
      %dma_wait3A_254 = tpu.memref_slice %arg10[%add3A_132, %dma_wait3A_253] : memref<10240x128xf32, #tpu.memory_space<vmem_shared>> -> memref<64x128xf32, #tpu.memory_space<vmem_shared>>
      tpu.wait_dma2 semaphore(%run_scoped3A : memref<!tpu.dma_semaphore, #tpu.memory_space<semaphore_mem>>) src(%arg11 : memref<64x128xf32, #tpu.memory_space<vmem>>) dst(%dma_wait3A_254 : memref<64x128xf32, #tpu.memory_space<vmem_shared>>)
      tpu.yield
    }) : () -> ()
    %mul3A_133 = arith.constant 640 : i32
    %mul3A_134 = arith.muli %arg1, %mul3A_133 : i32
    %add3A_135 = arith.constant 64 : i32
    %add3A_136 = arith.addi %mul3A_134, %add3A_135 : i32
    "tpu.region"() ({
      %run_scoped3A = tpu.sem_alloc : memref<!tpu.dma_semaphore, #tpu.memory_space<semaphore_mem>>
      %dma_start3A_247 = arith.constant 0 : i32
      %dma_start3A_248 = tpu.memref_slice %arg10[%add3A_136, %dma_start3A_247] : memref<10240x128xf32, #tpu.memory_space<vmem_shared>> -> memref<64x128xf32, #tpu.memory_space<vmem_shared>>
      %dma_start3A_249 = arith.constant 0 : i32
      %dma_start3A_250 = tpu.memref_slice %arg10[%add3A_136, %dma_start3A_249] : memref<10240x128xf32, #tpu.memory_space<vmem_shared>> -> memref<64x128xf32, #tpu.memory_space<vmem_shared>>
      tpu.enqueue_dma source(%arg11 : memref<64x128xf32, #tpu.memory_space<vmem>>) target(%dma_start3A_250 : memref<64x128xf32, #tpu.memory_space<vmem_shared>>) target_semaphore(%run_scoped3A : memref<!tpu.dma_semaphore, #tpu.memory_space<semaphore_mem>>)
      %dma_wait3A_251 = arith.constant 0 : i32
      %dma_wait3A_252 = tpu.memref_slice %arg10[%add3A_136, %dma_wait3A_251] : memref<10240x128xf32, #tpu.memory_space<vmem_shared>> -> memref<64x128xf32, #tpu.memory_space<vmem_shared>>
      %dma_wait3A_253 = arith.constant 0 : i32
      %dma_wait3A_254 = tpu.memref_slice %arg10[%add3A_136, %dma_wait3A_253] : memref<10240x128xf32, #tpu.memory_space<vmem_shared>> -> memref<64x128xf32, #tpu.memory_space<vmem_shared>>
      tpu.wait_dma2 semaphore(%run_scoped3A : memref<!tpu.dma_semaphore, #tpu.memory_space<semaphore_mem>>) src(%arg11 : memref<64x128xf32, #tpu.memory_space<vmem>>) dst(%dma_wait3A_254 : memref<64x128xf32, #tpu.memory_space<vmem_shared>>)
      tpu.yield
    }) : () -> ()
    %mul3A_137 = arith.constant 640 : i32
    %mul3A_138 = arith.muli %arg1, %mul3A_137 : i32
    %add3A_139 = arith.constant 128 : i32
    %add3A_140 = arith.addi %mul3A_138, %add3A_139 : i32
    "tpu.region"() ({
      %run_scoped3A = tpu.sem_alloc : memref<!tpu.dma_semaphore, #tpu.memory_space<semaphore_mem>>
      %dma_start3A_247 = arith.constant 0 : i32
      %dma_start3A_248 = tpu.memref_slice %arg10[%add3A_140, %dma_start3A_247] : memref<10240x128xf32, #tpu.memory_space<vmem_shared>> -> memref<64x128xf32, #tpu.memory_space<vmem_shared>>
      %dma_start3A_249 = arith.constant 0 : i32
      %dma_start3A_250 = tpu.memref_slice %arg10[%add3A_140, %dma_start3A_249] : memref<10240x128xf32, #tpu.memory_space<vmem_shared>> -> memref<64x128xf32, #tpu.memory_space<vmem_shared>>
      tpu.enqueue_dma source(%arg11 : memref<64x128xf32, #tpu.memory_space<vmem>>) target(%dma_start3A_250 : memref<64x128xf32, #tpu.memory_space<vmem_shared>>) target_semaphore(%run_scoped3A : memref<!tpu.dma_semaphore, #tpu.memory_space<semaphore_mem>>)
      %dma_wait3A_251 = arith.constant 0 : i32
      %dma_wait3A_252 = tpu.memref_slice %arg10[%add3A_140, %dma_wait3A_251] : memref<10240x128xf32, #tpu.memory_space<vmem_shared>> -> memref<64x128xf32, #tpu.memory_space<vmem_shared>>
      %dma_wait3A_253 = arith.constant 0 : i32
      %dma_wait3A_254 = tpu.memref_slice %arg10[%add3A_140, %dma_wait3A_253] : memref<10240x128xf32, #tpu.memory_space<vmem_shared>> -> memref<64x128xf32, #tpu.memory_space<vmem_shared>>
      tpu.wait_dma2 semaphore(%run_scoped3A : memref<!tpu.dma_semaphore, #tpu.memory_space<semaphore_mem>>) src(%arg11 : memref<64x128xf32, #tpu.memory_space<vmem>>) dst(%dma_wait3A_254 : memref<64x128xf32, #tpu.memory_space<vmem_shared>>)
      tpu.yield
    }) : () -> ()
    %mul3A_141 = arith.constant 640 : i32
    %mul3A_142 = arith.muli %arg1, %mul3A_141 : i32
    %add3A_143 = arith.constant 192 : i32
    %add3A_144 = arith.addi %mul3A_142, %add3A_143 : i32
    "tpu.region"() ({
      %run_scoped3A = tpu.sem_alloc : memref<!tpu.dma_semaphore, #tpu.memory_space<semaphore_mem>>
      %dma_start3A_247 = arith.constant 0 : i32
      %dma_start3A_248 = tpu.memref_slice %arg10[%add3A_144, %dma_start3A_247] : memref<10240x128xf32, #tpu.memory_space<vmem_shared>> -> memref<64x128xf32, #tpu.memory_space<vmem_shared>>
      %dma_start3A_249 = arith.constant 0 : i32
      %dma_start3A_250 = tpu.memref_slice %arg10[%add3A_144, %dma_start3A_249] : memref<10240x128xf32, #tpu.memory_space<vmem_shared>> -> memref<64x128xf32, #tpu.memory_space<vmem_shared>>
      tpu.enqueue_dma source(%arg11 : memref<64x128xf32, #tpu.memory_space<vmem>>) target(%dma_start3A_250 : memref<64x128xf32, #tpu.memory_space<vmem_shared>>) target_semaphore(%run_scoped3A : memref<!tpu.dma_semaphore, #tpu.memory_space<semaphore_mem>>)
      %dma_wait3A_251 = arith.constant 0 : i32
      %dma_wait3A_252 = tpu.memref_slice %arg10[%add3A_144, %dma_wait3A_251] : memref<10240x128xf32, #tpu.memory_space<vmem_shared>> -> memref<64x128xf32, #tpu.memory_space<vmem_shared>>
      %dma_wait3A_253 = arith.constant 0 : i32
      %dma_wait3A_254 = tpu.memref_slice %arg10[%add3A_144, %dma_wait3A_253] : memref<10240x128xf32, #tpu.memory_space<vmem_shared>> -> memref<64x128xf32, #tpu.memory_space<vmem_shared>>
      tpu.wait_dma2 semaphore(%run_scoped3A : memref<!tpu.dma_semaphore, #tpu.memory_space<semaphore_mem>>) src(%arg11 : memref<64x128xf32, #tpu.memory_space<vmem>>) dst(%dma_wait3A_254 : memref<64x128xf32, #tpu.memory_space<vmem_shared>>)
      tpu.yield
    }) : () -> ()
    %mul3A_145 = arith.constant 640 : i32
    %mul3A_146 = arith.muli %arg1, %mul3A_145 : i32
    %add3A_147 = arith.constant 256 : i32
    %add3A_148 = arith.addi %mul3A_146, %add3A_147 : i32
    "tpu.region"() ({
      %run_scoped3A = tpu.sem_alloc : memref<!tpu.dma_semaphore, #tpu.memory_space<semaphore_mem>>
      %dma_start3A_247 = arith.constant 0 : i32
      %dma_start3A_248 = tpu.memref_slice %arg10[%add3A_148, %dma_start3A_247] : memref<10240x128xf32, #tpu.memory_space<vmem_shared>> -> memref<64x128xf32, #tpu.memory_space<vmem_shared>>
      %dma_start3A_249 = arith.constant 0 : i32
      %dma_start3A_250 = tpu.memref_slice %arg10[%add3A_148, %dma_start3A_249] : memref<10240x128xf32, #tpu.memory_space<vmem_shared>> -> memref<64x128xf32, #tpu.memory_space<vmem_shared>>
      tpu.enqueue_dma source(%arg11 : memref<64x128xf32, #tpu.memory_space<vmem>>) target(%dma_start3A_250 : memref<64x128xf32, #tpu.memory_space<vmem_shared>>) target_semaphore(%run_scoped3A : memref<!tpu.dma_semaphore, #tpu.memory_space<semaphore_mem>>)
      %dma_wait3A_251 = arith.constant 0 : i32
      %dma_wait3A_252 = tpu.memref_slice %arg10[%add3A_148, %dma_wait3A_251] : memref<10240x128xf32, #tpu.memory_space<vmem_shared>> -> memref<64x128xf32, #tpu.memory_space<vmem_shared>>
      %dma_wait3A_253 = arith.constant 0 : i32
      %dma_wait3A_254 = tpu.memref_slice %arg10[%add3A_148, %dma_wait3A_253] : memref<10240x128xf32, #tpu.memory_space<vmem_shared>> -> memref<64x128xf32, #tpu.memory_space<vmem_shared>>
      tpu.wait_dma2 semaphore(%run_scoped3A : memref<!tpu.dma_semaphore, #tpu.memory_space<semaphore_mem>>) src(%arg11 : memref<64x128xf32, #tpu.memory_space<vmem>>) dst(%dma_wait3A_254 : memref<64x128xf32, #tpu.memory_space<vmem_shared>>)
      tpu.yield
    }) : () -> ()
    %mul3A_149 = arith.constant 640 : i32
    %mul3A_150 = arith.muli %arg1, %mul3A_149 : i32
    %add3A_151 = arith.constant 320 : i32
    %add3A_152 = arith.addi %mul3A_150, %add3A_151 : i32
    "tpu.region"() ({
      %run_scoped3A = tpu.sem_alloc : memref<!tpu.dma_semaphore, #tpu.memory_space<semaphore_mem>>
      %dma_start3A_247 = arith.constant 0 : i32
      %dma_start3A_248 = tpu.memref_slice %arg10[%add3A_152, %dma_start3A_247] : memref<10240x128xf32, #tpu.memory_space<vmem_shared>> -> memref<64x128xf32, #tpu.memory_space<vmem_shared>>
      %dma_start3A_249 = arith.constant 0 : i32
      %dma_start3A_250 = tpu.memref_slice %arg10[%add3A_152, %dma_start3A_249] : memref<10240x128xf32, #tpu.memory_space<vmem_shared>> -> memref<64x128xf32, #tpu.memory_space<vmem_shared>>
      tpu.enqueue_dma source(%arg11 : memref<64x128xf32, #tpu.memory_space<vmem>>) target(%dma_start3A_250 : memref<64x128xf32, #tpu.memory_space<vmem_shared>>) target_semaphore(%run_scoped3A : memref<!tpu.dma_semaphore, #tpu.memory_space<semaphore_mem>>)
      %dma_wait3A_251 = arith.constant 0 : i32
      %dma_wait3A_252 = tpu.memref_slice %arg10[%add3A_152, %dma_wait3A_251] : memref<10240x128xf32, #tpu.memory_space<vmem_shared>> -> memref<64x128xf32, #tpu.memory_space<vmem_shared>>
      %dma_wait3A_253 = arith.constant 0 : i32
      %dma_wait3A_254 = tpu.memref_slice %arg10[%add3A_152, %dma_wait3A_253] : memref<10240x128xf32, #tpu.memory_space<vmem_shared>> -> memref<64x128xf32, #tpu.memory_space<vmem_shared>>
      tpu.wait_dma2 semaphore(%run_scoped3A : memref<!tpu.dma_semaphore, #tpu.memory_space<semaphore_mem>>) src(%arg11 : memref<64x128xf32, #tpu.memory_space<vmem>>) dst(%dma_wait3A_254 : memref<64x128xf32, #tpu.memory_space<vmem_shared>>)
      tpu.yield
    }) : () -> ()
    %mul3A_153 = arith.constant 640 : i32
    %mul3A_154 = arith.muli %arg1, %mul3A_153 : i32
    %add3A_155 = arith.constant 384 : i32
    %add3A_156 = arith.addi %mul3A_154, %add3A_155 : i32
    "tpu.region"() ({
      %run_scoped3A = tpu.sem_alloc : memref<!tpu.dma_semaphore, #tpu.memory_space<semaphore_mem>>
      %dma_start3A_247 = arith.constant 0 : i32
      %dma_start3A_248 = tpu.memref_slice %arg10[%add3A_156, %dma_start3A_247] : memref<10240x128xf32, #tpu.memory_space<vmem_shared>> -> memref<64x128xf32, #tpu.memory_space<vmem_shared>>
      %dma_start3A_249 = arith.constant 0 : i32
      %dma_start3A_250 = tpu.memref_slice %arg10[%add3A_156, %dma_start3A_249] : memref<10240x128xf32, #tpu.memory_space<vmem_shared>> -> memref<64x128xf32, #tpu.memory_space<vmem_shared>>
      tpu.enqueue_dma source(%arg11 : memref<64x128xf32, #tpu.memory_space<vmem>>) target(%dma_start3A_250 : memref<64x128xf32, #tpu.memory_space<vmem_shared>>) target_semaphore(%run_scoped3A : memref<!tpu.dma_semaphore, #tpu.memory_space<semaphore_mem>>)
      %dma_wait3A_251 = arith.constant 0 : i32
      %dma_wait3A_252 = tpu.memref_slice %arg10[%add3A_156, %dma_wait3A_251] : memref<10240x128xf32, #tpu.memory_space<vmem_shared>> -> memref<64x128xf32, #tpu.memory_space<vmem_shared>>
      %dma_wait3A_253 = arith.constant 0 : i32
      %dma_wait3A_254 = tpu.memref_slice %arg10[%add3A_156, %dma_wait3A_253] : memref<10240x128xf32, #tpu.memory_space<vmem_shared>> -> memref<64x128xf32, #tpu.memory_space<vmem_shared>>
      tpu.wait_dma2 semaphore(%run_scoped3A : memref<!tpu.dma_semaphore, #tpu.memory_space<semaphore_mem>>) src(%arg11 : memref<64x128xf32, #tpu.memory_space<vmem>>) dst(%dma_wait3A_254 : memref<64x128xf32, #tpu.memory_space<vmem_shared>>)
      tpu.yield
    }) : () -> ()
    %mul3A_157 = arith.constant 640 : i32
    %mul3A_158 = arith.muli %arg1, %mul3A_157 : i32
    %add3A_159 = arith.constant 448 : i32
    %add3A_160 = arith.addi %mul3A_158, %add3A_159 : i32
    "tpu.region"() ({
      %run_scoped3A = tpu.sem_alloc : memref<!tpu.dma_semaphore, #tpu.memory_space<semaphore_mem>>
      %dma_start3A_247 = arith.constant 0 : i32
      %dma_start3A_248 = tpu.memref_slice %arg10[%add3A_160, %dma_start3A_247] : memref<10240x128xf32, #tpu.memory_space<vmem_shared>> -> memref<64x128xf32, #tpu.memory_space<vmem_shared>>
      %dma_start3A_249 = arith.constant 0 : i32
      %dma_start3A_250 = tpu.memref_slice %arg10[%add3A_160, %dma_start3A_249] : memref<10240x128xf32, #tpu.memory_space<vmem_shared>> -> memref<64x128xf32, #tpu.memory_space<vmem_shared>>
      tpu.enqueue_dma source(%arg11 : memref<64x128xf32, #tpu.memory_space<vmem>>) target(%dma_start3A_250 : memref<64x128xf32, #tpu.memory_space<vmem_shared>>) target_semaphore(%run_scoped3A : memref<!tpu.dma_semaphore, #tpu.memory_space<semaphore_mem>>)
      %dma_wait3A_251 = arith.constant 0 : i32
      %dma_wait3A_252 = tpu.memref_slice %arg10[%add3A_160, %dma_wait3A_251] : memref<10240x128xf32, #tpu.memory_space<vmem_shared>> -> memref<64x128xf32, #tpu.memory_space<vmem_shared>>
      %dma_wait3A_253 = arith.constant 0 : i32
      %dma_wait3A_254 = tpu.memref_slice %arg10[%add3A_160, %dma_wait3A_253] : memref<10240x128xf32, #tpu.memory_space<vmem_shared>> -> memref<64x128xf32, #tpu.memory_space<vmem_shared>>
      tpu.wait_dma2 semaphore(%run_scoped3A : memref<!tpu.dma_semaphore, #tpu.memory_space<semaphore_mem>>) src(%arg11 : memref<64x128xf32, #tpu.memory_space<vmem>>) dst(%dma_wait3A_254 : memref<64x128xf32, #tpu.memory_space<vmem_shared>>)
      tpu.yield
    }) : () -> ()
    %mul3A_161 = arith.constant 640 : i32
    %mul3A_162 = arith.muli %arg1, %mul3A_161 : i32
    %add3A_163 = arith.constant 512 : i32
    %add3A_164 = arith.addi %mul3A_162, %add3A_163 : i32
    "tpu.region"() ({
      %run_scoped3A = tpu.sem_alloc : memref<!tpu.dma_semaphore, #tpu.memory_space<semaphore_mem>>
      %dma_start3A_247 = arith.constant 0 : i32
      %dma_start3A_248 = tpu.memref_slice %arg10[%add3A_164, %dma_start3A_247] : memref<10240x128xf32, #tpu.memory_space<vmem_shared>> -> memref<64x128xf32, #tpu.memory_space<vmem_shared>>
      %dma_start3A_249 = arith.constant 0 : i32
      %dma_start3A_250 = tpu.memref_slice %arg10[%add3A_164, %dma_start3A_249] : memref<10240x128xf32, #tpu.memory_space<vmem_shared>> -> memref<64x128xf32, #tpu.memory_space<vmem_shared>>
      tpu.enqueue_dma source(%arg11 : memref<64x128xf32, #tpu.memory_space<vmem>>) target(%dma_start3A_250 : memref<64x128xf32, #tpu.memory_space<vmem_shared>>) target_semaphore(%run_scoped3A : memref<!tpu.dma_semaphore, #tpu.memory_space<semaphore_mem>>)
      %dma_wait3A_251 = arith.constant 0 : i32
      %dma_wait3A_252 = tpu.memref_slice %arg10[%add3A_164, %dma_wait3A_251] : memref<10240x128xf32, #tpu.memory_space<vmem_shared>> -> memref<64x128xf32, #tpu.memory_space<vmem_shared>>
      %dma_wait3A_253 = arith.constant 0 : i32
      %dma_wait3A_254 = tpu.memref_slice %arg10[%add3A_164, %dma_wait3A_253] : memref<10240x128xf32, #tpu.memory_space<vmem_shared>> -> memref<64x128xf32, #tpu.memory_space<vmem_shared>>
      tpu.wait_dma2 semaphore(%run_scoped3A : memref<!tpu.dma_semaphore, #tpu.memory_space<semaphore_mem>>) src(%arg11 : memref<64x128xf32, #tpu.memory_space<vmem>>) dst(%dma_wait3A_254 : memref<64x128xf32, #tpu.memory_space<vmem_shared>>)
      tpu.yield
    }) : () -> ()
    %mul3A_165 = arith.constant 640 : i32
    %mul3A_166 = arith.muli %arg1, %mul3A_165 : i32
    %add3A_167 = arith.constant 576 : i32
    %add3A_168 = arith.addi %mul3A_166, %add3A_167 : i32
    "tpu.region"() ({
      %run_scoped3A = tpu.sem_alloc : memref<!tpu.dma_semaphore, #tpu.memory_space<semaphore_mem>>
      %dma_start3A_247 = arith.constant 0 : i32
      %dma_start3A_248 = tpu.memref_slice %arg10[%add3A_168, %dma_start3A_247] : memref<10240x128xf32, #tpu.memory_space<vmem_shared>> -> memref<64x128xf32, #tpu.memory_space<vmem_shared>>
      %dma_start3A_249 = arith.constant 0 : i32
      %dma_start3A_250 = tpu.memref_slice %arg10[%add3A_168, %dma_start3A_249] : memref<10240x128xf32, #tpu.memory_space<vmem_shared>> -> memref<64x128xf32, #tpu.memory_space<vmem_shared>>
      tpu.enqueue_dma source(%arg11 : memref<64x128xf32, #tpu.memory_space<vmem>>) target(%dma_start3A_250 : memref<64x128xf32, #tpu.memory_space<vmem_shared>>) target_semaphore(%run_scoped3A : memref<!tpu.dma_semaphore, #tpu.memory_space<semaphore_mem>>)
      %dma_wait3A_251 = arith.constant 0 : i32
      %dma_wait3A_252 = tpu.memref_slice %arg10[%add3A_168, %dma_wait3A_251] : memref<10240x128xf32, #tpu.memory_space<vmem_shared>> -> memref<64x128xf32, #tpu.memory_space<vmem_shared>>
      %dma_wait3A_253 = arith.constant 0 : i32
      %dma_wait3A_254 = tpu.memref_slice %arg10[%add3A_168, %dma_wait3A_253] : memref<10240x128xf32, #tpu.memory_space<vmem_shared>> -> memref<64x128xf32, #tpu.memory_space<vmem_shared>>
      tpu.wait_dma2 semaphore(%run_scoped3A : memref<!tpu.dma_semaphore, #tpu.memory_space<semaphore_mem>>) src(%arg11 : memref<64x128xf32, #tpu.memory_space<vmem>>) dst(%dma_wait3A_254 : memref<64x128xf32, #tpu.memory_space<vmem_shared>>)
      tpu.yield
    }) : () -> ()
    %barrier3A_169 = arith.constant 0 : index
    tpu.barrier barrier_id(%barrier3A_169)
    %mul3A_170 = arith.constant 10240 : i32
    %mul3A_171 = arith.muli %add3A, %mul3A_170 : i32
    %add3A_172 = arith.constant 0 : i32
    %add3A_173 = arith.addi %mul3A_171, %add3A_172 : i32
    "tpu.region"() ({
      %run_scoped3A = tpu.sem_alloc : memref<!tpu.dma_semaphore, #tpu.memory_space<semaphore_mem>>
      %dma_start3A_247 = tpu.memref_slice %arg6[%add3A_173] : memref<327680xi32, #tpu.memory_space<hbm>> -> memref<128xi32, #tpu.memory_space<hbm>>
      %dma_start3A_248 = tpu.memref_slice %arg6[%add3A_173] : memref<327680xi32, #tpu.memory_space<hbm>> -> memref<128xi32, #tpu.memory_space<hbm>>
      tpu.enqueue_dma source(%dma_start3A_248 : memref<128xi32, #tpu.memory_space<hbm>>) target(%arg14 : memref<128xi32, #tpu.memory_space<vmem>>) target_semaphore(%run_scoped3A : memref<!tpu.dma_semaphore, #tpu.memory_space<semaphore_mem>>)
      %dma_wait3A_249 = tpu.memref_slice %arg6[%add3A_173] : memref<327680xi32, #tpu.memory_space<hbm>> -> memref<128xi32, #tpu.memory_space<hbm>>
      %dma_wait3A_250 = tpu.memref_slice %arg6[%add3A_173] : memref<327680xi32, #tpu.memory_space<hbm>> -> memref<128xi32, #tpu.memory_space<hbm>>
      tpu.wait_dma2 semaphore(%run_scoped3A : memref<!tpu.dma_semaphore, #tpu.memory_space<semaphore_mem>>) src(%dma_wait3A_250 : memref<128xi32, #tpu.memory_space<hbm>>) dst(%arg14 : memref<128xi32, #tpu.memory_space<vmem>>)
      tpu.yield
    }) : () -> ()
    %mul3A_174 = arith.constant 10240 : i32
    %mul3A_175 = arith.muli %add3A, %mul3A_174 : i32
    %add3A_176 = arith.constant 0 : i32
    %add3A_177 = arith.addi %mul3A_175, %add3A_176 : i32
    "tpu.region"() ({
      %run_scoped3A = tpu.sem_alloc : memref<!tpu.dma_semaphore, #tpu.memory_space<semaphore_mem>>
      %dma_start3A_247 = tpu.memref_slice %arg7[%add3A_177] : memref<327680xi32, #tpu.memory_space<hbm>> -> memref<128xi32, #tpu.memory_space<hbm>>
      %dma_start3A_248 = tpu.memref_slice %arg7[%add3A_177] : memref<327680xi32, #tpu.memory_space<hbm>> -> memref<128xi32, #tpu.memory_space<hbm>>
      tpu.enqueue_dma source(%dma_start3A_248 : memref<128xi32, #tpu.memory_space<hbm>>) target(%arg16 : memref<128xi32, #tpu.memory_space<vmem>>) target_semaphore(%run_scoped3A : memref<!tpu.dma_semaphore, #tpu.memory_space<semaphore_mem>>)
      %dma_wait3A_249 = tpu.memref_slice %arg7[%add3A_177] : memref<327680xi32, #tpu.memory_space<hbm>> -> memref<128xi32, #tpu.memory_space<hbm>>
      %dma_wait3A_250 = tpu.memref_slice %arg7[%add3A_177] : memref<327680xi32, #tpu.memory_space<hbm>> -> memref<128xi32, #tpu.memory_space<hbm>>
      tpu.wait_dma2 semaphore(%run_scoped3A : memref<!tpu.dma_semaphore, #tpu.memory_space<semaphore_mem>>) src(%dma_wait3A_250 : memref<128xi32, #tpu.memory_space<hbm>>) dst(%arg16 : memref<128xi32, #tpu.memory_space<vmem>>)
      tpu.yield
    }) : () -> ()
    %dma_start3A_178 = arith.constant 0 : i32
    %dma_start3A_179 = arith.constant 0 : i32
    %dma_start3A_180 = tpu.memref_slice %arg3[%dma_start3A_178, %dma_start3A_179] : memref<10000x128xf32, #tpu.memory_space<hbm>> -> memref<10000x128xf32, #tpu.memory_space<hbm>>
    tpu.enqueue_indirect_dma source(%dma_start3A_180 : memref<10000x128xf32, #tpu.memory_space<hbm>>) target(%arg12 : memref<128x128xf32, #tpu.memory_space<vmem>>) offsets(%arg14 : memref<128xi32, #tpu.memory_space<vmem>>) semaphore(%arg18 : memref<!tpu.dma_semaphore, #tpu.memory_space<semaphore_mem>>)
    %mul3A_181 = arith.constant 10240 : i32
    %mul3A_182 = arith.muli %add3A, %mul3A_181 : i32
    %add3A_183 = arith.constant 128 : i32
    %add3A_184 = arith.addi %mul3A_182, %add3A_183 : i32
    "tpu.region"() ({
      %run_scoped3A = tpu.sem_alloc : memref<!tpu.dma_semaphore, #tpu.memory_space<semaphore_mem>>
      %dma_start3A_247 = tpu.memref_slice %arg6[%add3A_184] : memref<327680xi32, #tpu.memory_space<hbm>> -> memref<128xi32, #tpu.memory_space<hbm>>
      %dma_start3A_248 = tpu.memref_slice %arg6[%add3A_184] : memref<327680xi32, #tpu.memory_space<hbm>> -> memref<128xi32, #tpu.memory_space<hbm>>
      tpu.enqueue_dma source(%dma_start3A_248 : memref<128xi32, #tpu.memory_space<hbm>>) target(%arg15 : memref<128xi32, #tpu.memory_space<vmem>>) target_semaphore(%run_scoped3A : memref<!tpu.dma_semaphore, #tpu.memory_space<semaphore_mem>>)
      %dma_wait3A_249 = tpu.memref_slice %arg6[%add3A_184] : memref<327680xi32, #tpu.memory_space<hbm>> -> memref<128xi32, #tpu.memory_space<hbm>>
      %dma_wait3A_250 = tpu.memref_slice %arg6[%add3A_184] : memref<327680xi32, #tpu.memory_space<hbm>> -> memref<128xi32, #tpu.memory_space<hbm>>
      tpu.wait_dma2 semaphore(%run_scoped3A : memref<!tpu.dma_semaphore, #tpu.memory_space<semaphore_mem>>) src(%dma_wait3A_250 : memref<128xi32, #tpu.memory_space<hbm>>) dst(%arg15 : memref<128xi32, #tpu.memory_space<vmem>>)
      tpu.yield
    }) : () -> ()
    %mul3A_185 = arith.constant 10240 : i32
    %mul3A_186 = arith.muli %add3A, %mul3A_185 : i32
    %add3A_187 = arith.constant 128 : i32
    %add3A_188 = arith.addi %mul3A_186, %add3A_187 : i32
    "tpu.region"() ({
      %run_scoped3A = tpu.sem_alloc : memref<!tpu.dma_semaphore, #tpu.memory_space<semaphore_mem>>
      %dma_start3A_247 = tpu.memref_slice %arg7[%add3A_188] : memref<327680xi32, #tpu.memory_space<hbm>> -> memref<128xi32, #tpu.memory_space<hbm>>
      %dma_start3A_248 = tpu.memref_slice %arg7[%add3A_188] : memref<327680xi32, #tpu.memory_space<hbm>> -> memref<128xi32, #tpu.memory_space<hbm>>
      tpu.enqueue_dma source(%dma_start3A_248 : memref<128xi32, #tpu.memory_space<hbm>>) target(%arg17 : memref<128xi32, #tpu.memory_space<vmem>>) target_semaphore(%run_scoped3A : memref<!tpu.dma_semaphore, #tpu.memory_space<semaphore_mem>>)
      %dma_wait3A_249 = tpu.memref_slice %arg7[%add3A_188] : memref<327680xi32, #tpu.memory_space<hbm>> -> memref<128xi32, #tpu.memory_space<hbm>>
      %dma_wait3A_250 = tpu.memref_slice %arg7[%add3A_188] : memref<327680xi32, #tpu.memory_space<hbm>> -> memref<128xi32, #tpu.memory_space<hbm>>
      tpu.wait_dma2 semaphore(%run_scoped3A : memref<!tpu.dma_semaphore, #tpu.memory_space<semaphore_mem>>) src(%dma_wait3A_250 : memref<128xi32, #tpu.memory_space<hbm>>) dst(%arg17 : memref<128xi32, #tpu.memory_space<vmem>>)
      tpu.yield
    }) : () -> ()
    %dma_start3A_189 = arith.constant 0 : i32
    %dma_start3A_190 = arith.constant 0 : i32
    %dma_start3A_191 = tpu.memref_slice %arg3[%dma_start3A_189, %dma_start3A_190] : memref<10000x128xf32, #tpu.memory_space<hbm>> -> memref<10000x128xf32, #tpu.memory_space<hbm>>
    tpu.enqueue_indirect_dma source(%dma_start3A_191 : memref<10000x128xf32, #tpu.memory_space<hbm>>) target(%arg13 : memref<128x128xf32, #tpu.memory_space<vmem>>) offsets(%arg15 : memref<128xi32, #tpu.memory_space<vmem>>) semaphore(%arg19 : memref<!tpu.dma_semaphore, #tpu.memory_space<semaphore_mem>>)
    %scan3A_192 = arith.constant 0 : i32
    %scan3A_193 = arith.constant 0 : i32
    %scan3A_194 = arith.constant 39 : i32
    %scan3A_195 = arith.addi %scan3A_193, %scan3A_194 : i32
    %scan3A_196 = arith.constant 1 : i32
    %scan3A_197 = scf.for %scan3A_247 = %scan3A_193 to %scan3A_195 step %scan3A_196 iter_args(%scan3A_248 = %scan3A_192) -> (i32)  : i32 {
      %mul3A_249 = arith.constant 2 : i32
      %mul3A_250 = arith.muli %scan3A_247, %mul3A_249 : i32
      %add3A_251 = arith.constant 0 : i32
      %add3A_252 = arith.addi %mul3A_250, %add3A_251 : i32
      %dma_wait3A_253 = arith.constant 0 : i32
      %dma_wait3A_254 = arith.constant 0 : i32
      %dma_wait3A_255 = tpu.memref_slice %arg3[%dma_wait3A_253, %dma_wait3A_254] : memref<10000x128xf32, #tpu.memory_space<hbm>> -> memref<10000x128xf32, #tpu.memory_space<hbm>>
      tpu.wait_indirect_dma semaphore(%arg18 : memref<!tpu.dma_semaphore, #tpu.memory_space<semaphore_mem>>) src(%dma_wait3A_255 : memref<10000x128xf32, #tpu.memory_space<hbm>>) dst(%arg12 : memref<128x128xf32, #tpu.memory_space<vmem>>)
      %mul3A_256 = arith.constant 10240 : i32
      %mul3A_257 = arith.muli %add3A, %mul3A_256 : i32
      %add3A_258 = arith.constant 2 : i32
      %add3A_259 = arith.addi %add3A_252, %add3A_258 : i32
      %mul3A_260 = arith.constant 128 : i32
      %mul3A_261 = arith.muli %add3A_259, %mul3A_260 : i32
      %add3A_262 = arith.addi %mul3A_257, %mul3A_261 : i32
      %dma_start3A_263 = tpu.memref_slice %arg6[%add3A_262] : memref<327680xi32, #tpu.memory_space<hbm>> -> memref<128xi32, #tpu.memory_space<hbm>>
      %dma_start3A_264 = tpu.memref_slice %arg6[%add3A_262] : memref<327680xi32, #tpu.memory_space<hbm>> -> memref<128xi32, #tpu.memory_space<hbm>>
      tpu.enqueue_dma source(%dma_start3A_264 : memref<128xi32, #tpu.memory_space<hbm>>) target(%arg14 : memref<128xi32, #tpu.memory_space<vmem>>) target_semaphore(%arg20 : memref<!tpu.dma_semaphore, #tpu.memory_space<semaphore_mem>>)
      "tpu.region"() ({
        %run_scoped3A = tpu.sem_alloc : memref<!tpu.dma_semaphore, #tpu.memory_space<semaphore_mem>>
        %dma_start3A_314 = arith.constant 0 : i32
        %dma_start3A_315 = arith.constant 0 : i32
        %dma_start3A_316 = tpu.memref_slice %arg10[%dma_start3A_314, %dma_start3A_315] : memref<10240x128xf32, #tpu.memory_space<vmem_shared>> -> memref<10240x128xf32, #tpu.memory_space<vmem_shared>>
        tpu.enqueue_indirect_dma source(%arg12 : memref<128x128xf32, #tpu.memory_space<vmem>>) target(%dma_start3A_316 : memref<10240x128xf32, #tpu.memory_space<vmem_shared>>) offsets(%arg16 : memref<128xi32, #tpu.memory_space<vmem>>) semaphore(%run_scoped3A : memref<!tpu.dma_semaphore, #tpu.memory_space<semaphore_mem>>) {add = true}
        %dma_wait3A_317 = arith.constant 0 : i32
        %dma_wait3A_318 = arith.constant 0 : i32
        %dma_wait3A_319 = tpu.memref_slice %arg10[%dma_wait3A_317, %dma_wait3A_318] : memref<10240x128xf32, #tpu.memory_space<vmem_shared>> -> memref<10240x128xf32, #tpu.memory_space<vmem_shared>>
        tpu.wait_indirect_dma semaphore(%run_scoped3A : memref<!tpu.dma_semaphore, #tpu.memory_space<semaphore_mem>>) src(%arg12 : memref<128x128xf32, #tpu.memory_space<vmem>>) dst(%dma_wait3A_319 : memref<10240x128xf32, #tpu.memory_space<vmem_shared>>)
        tpu.yield
      }) : () -> ()
      %mul3A_265 = arith.constant 10240 : i32
      %mul3A_266 = arith.muli %add3A, %mul3A_265 : i32
      %add3A_267 = arith.constant 2 : i32
      %add3A_268 = arith.addi %add3A_252, %add3A_267 : i32
      %mul3A_269 = arith.constant 128 : i32
      %mul3A_270 = arith.muli %add3A_268, %mul3A_269 : i32
      %add3A_271 = arith.addi %mul3A_266, %mul3A_270 : i32
      %dma_start3A_272 = tpu.memref_slice %arg7[%add3A_271] : memref<327680xi32, #tpu.memory_space<hbm>> -> memref<128xi32, #tpu.memory_space<hbm>>
      %dma_start3A_273 = tpu.memref_slice %arg7[%add3A_271] : memref<327680xi32, #tpu.memory_space<hbm>> -> memref<128xi32, #tpu.memory_space<hbm>>
      tpu.enqueue_dma source(%dma_start3A_273 : memref<128xi32, #tpu.memory_space<hbm>>) target(%arg16 : memref<128xi32, #tpu.memory_space<vmem>>) target_semaphore(%arg22 : memref<!tpu.dma_semaphore, #tpu.memory_space<semaphore_mem>>)
      %dma_wait3A_274 = tpu.memref_slice %arg6[%add3A_271] : memref<327680xi32, #tpu.memory_space<hbm>> -> memref<128xi32, #tpu.memory_space<hbm>>
      %dma_wait3A_275 = tpu.memref_slice %arg6[%add3A_271] : memref<327680xi32, #tpu.memory_space<hbm>> -> memref<128xi32, #tpu.memory_space<hbm>>
      tpu.wait_dma2 semaphore(%arg20 : memref<!tpu.dma_semaphore, #tpu.memory_space<semaphore_mem>>) src(%dma_wait3A_275 : memref<128xi32, #tpu.memory_space<hbm>>) dst(%arg14 : memref<128xi32, #tpu.memory_space<vmem>>)
      %dma_start3A_276 = arith.constant 0 : i32
      %dma_start3A_277 = arith.constant 0 : i32
      %dma_start3A_278 = tpu.memref_slice %arg3[%dma_start3A_276, %dma_start3A_277] : memref<10000x128xf32, #tpu.memory_space<hbm>> -> memref<10000x128xf32, #tpu.memory_space<hbm>>
      tpu.enqueue_indirect_dma source(%dma_start3A_278 : memref<10000x128xf32, #tpu.memory_space<hbm>>) target(%arg12 : memref<128x128xf32, #tpu.memory_space<vmem>>) offsets(%arg14 : memref<128xi32, #tpu.memory_space<vmem>>) semaphore(%arg18 : memref<!tpu.dma_semaphore, #tpu.memory_space<semaphore_mem>>)
      %dma_wait3A_279 = tpu.memref_slice %arg7[%add3A_271] : memref<327680xi32, #tpu.memory_space<hbm>> -> memref<128xi32, #tpu.memory_space<hbm>>
      %dma_wait3A_280 = tpu.memref_slice %arg7[%add3A_271] : memref<327680xi32, #tpu.memory_space<hbm>> -> memref<128xi32, #tpu.memory_space<hbm>>
      tpu.wait_dma2 semaphore(%arg22 : memref<!tpu.dma_semaphore, #tpu.memory_space<semaphore_mem>>) src(%dma_wait3A_280 : memref<128xi32, #tpu.memory_space<hbm>>) dst(%arg16 : memref<128xi32, #tpu.memory_space<vmem>>)
      %mul3A_281 = arith.constant 2 : i32
      %mul3A_282 = arith.muli %scan3A_247, %mul3A_281 : i32
      %add3A_283 = arith.constant 1 : i32
      %add3A_284 = arith.addi %mul3A_282, %add3A_283 : i32
      %dma_wait3A_285 = arith.constant 0 : i32
      %dma_wait3A_286 = arith.constant 0 : i32
      %dma_wait3A_287 = tpu.memref_slice %arg3[%dma_wait3A_285, %dma_wait3A_286] : memref<10000x128xf32, #tpu.memory_space<hbm>> -> memref<10000x128xf32, #tpu.memory_space<hbm>>
      tpu.wait_indirect_dma semaphore(%arg19 : memref<!tpu.dma_semaphore, #tpu.memory_space<semaphore_mem>>) src(%dma_wait3A_287 : memref<10000x128xf32, #tpu.memory_space<hbm>>) dst(%arg13 : memref<128x128xf32, #tpu.memory_space<vmem>>)
      %mul3A_288 = arith.constant 10240 : i32
      %mul3A_289 = arith.muli %add3A, %mul3A_288 : i32
      %add3A_290 = arith.constant 2 : i32
      %add3A_291 = arith.addi %add3A_284, %add3A_290 : i32
      %mul3A_292 = arith.constant 128 : i32
      %mul3A_293 = arith.muli %add3A_291, %mul3A_292 : i32
      %add3A_294 = arith.addi %mul3A_289, %mul3A_293 : i32
      %dma_start3A_295 = tpu.memref_slice %arg6[%add3A_294] : memref<327680xi32, #tpu.memory_space<hbm>> -> memref<128xi32, #tpu.memory_space<hbm>>
      %dma_start3A_296 = tpu.memref_slice %arg6[%add3A_294] : memref<327680xi32, #tpu.memory_space<hbm>> -> memref<128xi32, #tpu.memory_space<hbm>>
      tpu.enqueue_dma source(%dma_start3A_296 : memref<128xi32, #tpu.memory_space<hbm>>) target(%arg15 : memref<128xi32, #tpu.memory_space<vmem>>) target_semaphore(%arg21 : memref<!tpu.dma_semaphore, #tpu.memory_space<semaphore_mem>>)
      "tpu.region"() ({
        %run_scoped3A = tpu.sem_alloc : memref<!tpu.dma_semaphore, #tpu.memory_space<semaphore_mem>>
        %dma_start3A_314 = arith.constant 0 : i32
        %dma_start3A_315 = arith.constant 0 : i32
        %dma_start3A_316 = tpu.memref_slice %arg10[%dma_start3A_314, %dma_start3A_315] : memref<10240x128xf32, #tpu.memory_space<vmem_shared>> -> memref<10240x128xf32, #tpu.memory_space<vmem_shared>>
        tpu.enqueue_indirect_dma source(%arg13 : memref<128x128xf32, #tpu.memory_space<vmem>>) target(%dma_start3A_316 : memref<10240x128xf32, #tpu.memory_space<vmem_shared>>) offsets(%arg17 : memref<128xi32, #tpu.memory_space<vmem>>) semaphore(%run_scoped3A : memref<!tpu.dma_semaphore, #tpu.memory_space<semaphore_mem>>) {add = true}
        %dma_wait3A_317 = arith.constant 0 : i32
        %dma_wait3A_318 = arith.constant 0 : i32
        %dma_wait3A_319 = tpu.memref_slice %arg10[%dma_wait3A_317, %dma_wait3A_318] : memref<10240x128xf32, #tpu.memory_space<vmem_shared>> -> memref<10240x128xf32, #tpu.memory_space<vmem_shared>>
        tpu.wait_indirect_dma semaphore(%run_scoped3A : memref<!tpu.dma_semaphore, #tpu.memory_space<semaphore_mem>>) src(%arg13 : memref<128x128xf32, #tpu.memory_space<vmem>>) dst(%dma_wait3A_319 : memref<10240x128xf32, #tpu.memory_space<vmem_shared>>)
        tpu.yield
      }) : () -> ()
      %mul3A_297 = arith.constant 10240 : i32
      %mul3A_298 = arith.muli %add3A, %mul3A_297 : i32
      %add3A_299 = arith.constant 2 : i32
      %add3A_300 = arith.addi %add3A_284, %add3A_299 : i32
      %mul3A_301 = arith.constant 128 : i32
      %mul3A_302 = arith.muli %add3A_300, %mul3A_301 : i32
      %add3A_303 = arith.addi %mul3A_298, %mul3A_302 : i32
      %dma_start3A_304 = tpu.memref_slice %arg7[%add3A_303] : memref<327680xi32, #tpu.memory_space<hbm>> -> memref<128xi32, #tpu.memory_space<hbm>>
      %dma_start3A_305 = tpu.memref_slice %arg7[%add3A_303] : memref<327680xi32, #tpu.memory_space<hbm>> -> memref<128xi32, #tpu.memory_space<hbm>>
      tpu.enqueue_dma source(%dma_start3A_305 : memref<128xi32, #tpu.memory_space<hbm>>) target(%arg17 : memref<128xi32, #tpu.memory_space<vmem>>) target_semaphore(%arg23 : memref<!tpu.dma_semaphore, #tpu.memory_space<semaphore_mem>>)
      %dma_wait3A_306 = tpu.memref_slice %arg6[%add3A_303] : memref<327680xi32, #tpu.memory_space<hbm>> -> memref<128xi32, #tpu.memory_space<hbm>>
      %dma_wait3A_307 = tpu.memref_slice %arg6[%add3A_303] : memref<327680xi32, #tpu.memory_space<hbm>> -> memref<128xi32, #tpu.memory_space<hbm>>
      tpu.wait_dma2 semaphore(%arg21 : memref<!tpu.dma_semaphore, #tpu.memory_space<semaphore_mem>>) src(%dma_wait3A_307 : memref<128xi32, #tpu.memory_space<hbm>>) dst(%arg15 : memref<128xi32, #tpu.memory_space<vmem>>)
      %dma_start3A_308 = arith.constant 0 : i32
      %dma_start3A_309 = arith.constant 0 : i32
      %dma_start3A_310 = tpu.memref_slice %arg3[%dma_start3A_308, %dma_start3A_309] : memref<10000x128xf32, #tpu.memory_space<hbm>> -> memref<10000x128xf32, #tpu.memory_space<hbm>>
      tpu.enqueue_indirect_dma source(%dma_start3A_310 : memref<10000x128xf32, #tpu.memory_space<hbm>>) target(%arg13 : memref<128x128xf32, #tpu.memory_space<vmem>>) offsets(%arg15 : memref<128xi32, #tpu.memory_space<vmem>>) semaphore(%arg19 : memref<!tpu.dma_semaphore, #tpu.memory_space<semaphore_mem>>)
      %dma_wait3A_311 = tpu.memref_slice %arg7[%add3A_303] : memref<327680xi32, #tpu.memory_space<hbm>> -> memref<128xi32, #tpu.memory_space<hbm>>
      %dma_wait3A_312 = tpu.memref_slice %arg7[%add3A_303] : memref<327680xi32, #tpu.memory_space<hbm>> -> memref<128xi32, #tpu.memory_space<hbm>>
      tpu.wait_dma2 semaphore(%arg23 : memref<!tpu.dma_semaphore, #tpu.memory_space<semaphore_mem>>) src(%dma_wait3A_312 : memref<128xi32, #tpu.memory_space<hbm>>) dst(%arg17 : memref<128xi32, #tpu.memory_space<vmem>>)
      %scan3A_313 = arith.constant 0 : i32
      scf.yield %scan3A_313 : i32
    }
    %scan3A_198 = arith.constant 39 : i32
    %dma_wait3A_199 = arith.constant 0 : i32
    %dma_wait3A_200 = arith.constant 0 : i32
    %dma_wait3A_201 = tpu.memref_slice %arg3[%dma_wait3A_199, %dma_wait3A_200] : memref<10000x128xf32, #tpu.memory_space<hbm>> -> memref<10000x128xf32, #tpu.memory_space<hbm>>
    tpu.wait_indirect_dma semaphore(%arg18 : memref<!tpu.dma_semaphore, #tpu.memory_space<semaphore_mem>>) src(%dma_wait3A_201 : memref<10000x128xf32, #tpu.memory_space<hbm>>) dst(%arg12 : memref<128x128xf32, #tpu.memory_space<vmem>>)
    "tpu.region"() ({
      %run_scoped3A = tpu.sem_alloc : memref<!tpu.dma_semaphore, #tpu.memory_space<semaphore_mem>>
      %dma_start3A_247 = arith.constant 0 : i32
      %dma_start3A_248 = arith.constant 0 : i32
      %dma_start3A_249 = tpu.memref_slice %arg10[%dma_start3A_247, %dma_start3A_248] : memref<10240x128xf32, #tpu.memory_space<vmem_shared>> -> memref<10240x128xf32, #tpu.memory_space<vmem_shared>>
      tpu.enqueue_indirect_dma source(%arg12 : memref<128x128xf32, #tpu.memory_space<vmem>>) target(%dma_start3A_249 : memref<10240x128xf32, #tpu.memory_space<vmem_shared>>) offsets(%arg16 : memref<128xi32, #tpu.memory_space<vmem>>) semaphore(%run_scoped3A : memref<!tpu.dma_semaphore, #tpu.memory_space<semaphore_mem>>) {add = true}
      %dma_wait3A_250 = arith.constant 0 : i32
      %dma_wait3A_251 = arith.constant 0 : i32
      %dma_wait3A_252 = tpu.memref_slice %arg10[%dma_wait3A_250, %dma_wait3A_251] : memref<10240x128xf32, #tpu.memory_space<vmem_shared>> -> memref<10240x128xf32, #tpu.memory_space<vmem_shared>>
      tpu.wait_indirect_dma semaphore(%run_scoped3A : memref<!tpu.dma_semaphore, #tpu.memory_space<semaphore_mem>>) src(%arg12 : memref<128x128xf32, #tpu.memory_space<vmem>>) dst(%dma_wait3A_252 : memref<10240x128xf32, #tpu.memory_space<vmem_shared>>)
      tpu.yield
    }) : () -> ()
    %dma_wait3A_202 = arith.constant 0 : i32
    %dma_wait3A_203 = arith.constant 0 : i32
    %dma_wait3A_204 = tpu.memref_slice %arg3[%dma_wait3A_202, %dma_wait3A_203] : memref<10000x128xf32, #tpu.memory_space<hbm>> -> memref<10000x128xf32, #tpu.memory_space<hbm>>
    tpu.wait_indirect_dma semaphore(%arg19 : memref<!tpu.dma_semaphore, #tpu.memory_space<semaphore_mem>>) src(%dma_wait3A_204 : memref<10000x128xf32, #tpu.memory_space<hbm>>) dst(%arg13 : memref<128x128xf32, #tpu.memory_space<vmem>>)
    "tpu.region"() ({
      %run_scoped3A = tpu.sem_alloc : memref<!tpu.dma_semaphore, #tpu.memory_space<semaphore_mem>>
      %dma_start3A_247 = arith.constant 0 : i32
      %dma_start3A_248 = arith.constant 0 : i32
      %dma_start3A_249 = tpu.memref_slice %arg10[%dma_start3A_247, %dma_start3A_248] : memref<10240x128xf32, #tpu.memory_space<vmem_shared>> -> memref<10240x128xf32, #tpu.memory_space<vmem_shared>>
      tpu.enqueue_indirect_dma source(%arg13 : memref<128x128xf32, #tpu.memory_space<vmem>>) target(%dma_start3A_249 : memref<10240x128xf32, #tpu.memory_space<vmem_shared>>) offsets(%arg17 : memref<128xi32, #tpu.memory_space<vmem>>) semaphore(%run_scoped3A : memref<!tpu.dma_semaphore, #tpu.memory_space<semaphore_mem>>) {add = true}
      %dma_wait3A_250 = arith.constant 0 : i32
      %dma_wait3A_251 = arith.constant 0 : i32
      %dma_wait3A_252 = tpu.memref_slice %arg10[%dma_wait3A_250, %dma_wait3A_251] : memref<10240x128xf32, #tpu.memory_space<vmem_shared>> -> memref<10240x128xf32, #tpu.memory_space<vmem_shared>>
      tpu.wait_indirect_dma semaphore(%run_scoped3A : memref<!tpu.dma_semaphore, #tpu.memory_space<semaphore_mem>>) src(%arg13 : memref<128x128xf32, #tpu.memory_space<vmem>>) dst(%dma_wait3A_252 : memref<10240x128xf32, #tpu.memory_space<vmem_shared>>)
      tpu.yield
    }) : () -> ()
    %barrier3A_205 = arith.constant 0 : index
    tpu.barrier barrier_id(%barrier3A_205)
    %mul3A_206 = arith.constant 640 : i32
    %mul3A_207 = arith.muli %arg1, %mul3A_206 : i32
    %add3A_208 = arith.constant 0 : i32
    %add3A_209 = arith.addi %mul3A_207, %add3A_208 : i32
    "tpu.region"() ({
      %run_scoped3A = tpu.sem_alloc : memref<!tpu.dma_semaphore, #tpu.memory_space<semaphore_mem>>
      %dma_start3A_247 = arith.constant 0 : i32
      %dma_start3A_248 = tpu.memref_slice %arg10[%add3A_209, %dma_start3A_247] : memref<10240x128xf32, #tpu.memory_space<vmem_shared>> -> memref<64x128xf32, #tpu.memory_space<vmem_shared>>
      %dma_start3A_249 = arith.constant 0 : i32
      %dma_start3A_250 = tpu.memref_slice %arg10[%add3A_209, %dma_start3A_249] : memref<10240x128xf32, #tpu.memory_space<vmem_shared>> -> memref<64x128xf32, #tpu.memory_space<vmem_shared>>
      tpu.enqueue_dma source(%dma_start3A_250 : memref<64x128xf32, #tpu.memory_space<vmem_shared>>) target(%arg11 : memref<64x128xf32, #tpu.memory_space<vmem>>) target_semaphore(%run_scoped3A : memref<!tpu.dma_semaphore, #tpu.memory_space<semaphore_mem>>)
      %dma_wait3A_251 = arith.constant 0 : i32
      %dma_wait3A_252 = tpu.memref_slice %arg10[%add3A_209, %dma_wait3A_251] : memref<10240x128xf32, #tpu.memory_space<vmem_shared>> -> memref<64x128xf32, #tpu.memory_space<vmem_shared>>
      %dma_wait3A_253 = arith.constant 0 : i32
      %dma_wait3A_254 = tpu.memref_slice %arg10[%add3A_209, %dma_wait3A_253] : memref<10240x128xf32, #tpu.memory_space<vmem_shared>> -> memref<64x128xf32, #tpu.memory_space<vmem_shared>>
      tpu.wait_dma2 semaphore(%run_scoped3A : memref<!tpu.dma_semaphore, #tpu.memory_space<semaphore_mem>>) src(%dma_wait3A_254 : memref<64x128xf32, #tpu.memory_space<vmem_shared>>) dst(%arg11 : memref<64x128xf32, #tpu.memory_space<vmem>>)
      tpu.yield
    }) : () -> ()
    "tpu.region"() ({
      %run_scoped3A = tpu.sem_alloc : memref<!tpu.dma_semaphore, #tpu.memory_space<semaphore_mem>>
      %dma_start3A_247 = arith.constant 0 : i32
      %dma_start3A_248 = tpu.memref_slice %arg9[%arg0, %add3A_209, %dma_start3A_247] : memref<2x10240x128xf32, #tpu.memory_space<hbm>> -> memref<1x64x128xf32, #tpu.memory_space<hbm>>
      %dma_start3A_249 = tpu.memref_squeeze %dma_start3A_248 : memref<1x64x128xf32, #tpu.memory_space<hbm>> -> memref<64x128xf32, #tpu.memory_space<hbm>>
      %dma_start3A_250 = arith.constant 0 : i32
      %dma_start3A_251 = tpu.memref_slice %arg9[%arg0, %add3A_209, %dma_start3A_250] : memref<2x10240x128xf32, #tpu.memory_space<hbm>> -> memref<1x64x128xf32, #tpu.memory_space<hbm>>
      %dma_start3A_252 = tpu.memref_squeeze %dma_start3A_251 : memref<1x64x128xf32, #tpu.memory_space<hbm>> -> memref<64x128xf32, #tpu.memory_space<hbm>>
      tpu.enqueue_dma source(%arg11 : memref<64x128xf32, #tpu.memory_space<vmem>>) target(%dma_start3A_252 : memref<64x128xf32, #tpu.memory_space<hbm>>) target_semaphore(%run_scoped3A : memref<!tpu.dma_semaphore, #tpu.memory_space<semaphore_mem>>)
      %dma_wait3A_253 = arith.constant 0 : i32
      %dma_wait3A_254 = tpu.memref_slice %arg9[%arg0, %add3A_209, %dma_wait3A_253] : memref<2x10240x128xf32, #tpu.memory_space<hbm>> -> memref<1x64x128xf32, #tpu.memory_space<hbm>>
      %dma_wait3A_255 = tpu.memref_squeeze %dma_wait3A_254 : memref<1x64x128xf32, #tpu.memory_space<hbm>> -> memref<64x128xf32, #tpu.memory_space<hbm>>
      %dma_wait3A_256 = arith.constant 0 : i32
      %dma_wait3A_257 = tpu.memref_slice %arg9[%arg0, %add3A_209, %dma_wait3A_256] : memref<2x10240x128xf32, #tpu.memory_space<hbm>> -> memref<1x64x128xf32, #tpu.memory_space<hbm>>
      %dma_wait3A_258 = tpu.memref_squeeze %dma_wait3A_257 : memref<1x64x128xf32, #tpu.memory_space<hbm>> -> memref<64x128xf32, #tpu.memory_space<hbm>>
      tpu.wait_dma2 semaphore(%run_scoped3A : memref<!tpu.dma_semaphore, #tpu.memory_space<semaphore_mem>>) src(%arg11 : memref<64x128xf32, #tpu.memory_space<vmem>>) dst(%dma_wait3A_258 : memref<64x128xf32, #tpu.memory_space<hbm>>)
      tpu.yield
    }) : () -> ()
    %mul3A_210 = arith.constant 640 : i32
    %mul3A_211 = arith.muli %arg1, %mul3A_210 : i32
    %add3A_212 = arith.constant 64 : i32
    %add3A_213 = arith.addi %mul3A_211, %add3A_212 : i32
    "tpu.region"() ({
      %run_scoped3A = tpu.sem_alloc : memref<!tpu.dma_semaphore, #tpu.memory_space<semaphore_mem>>
      %dma_start3A_247 = arith.constant 0 : i32
      %dma_start3A_248 = tpu.memref_slice %arg10[%add3A_213, %dma_start3A_247] : memref<10240x128xf32, #tpu.memory_space<vmem_shared>> -> memref<64x128xf32, #tpu.memory_space<vmem_shared>>
      %dma_start3A_249 = arith.constant 0 : i32
      %dma_start3A_250 = tpu.memref_slice %arg10[%add3A_213, %dma_start3A_249] : memref<10240x128xf32, #tpu.memory_space<vmem_shared>> -> memref<64x128xf32, #tpu.memory_space<vmem_shared>>
      tpu.enqueue_dma source(%dma_start3A_250 : memref<64x128xf32, #tpu.memory_space<vmem_shared>>) target(%arg11 : memref<64x128xf32, #tpu.memory_space<vmem>>) target_semaphore(%run_scoped3A : memref<!tpu.dma_semaphore, #tpu.memory_space<semaphore_mem>>)
      %dma_wait3A_251 = arith.constant 0 : i32
      %dma_wait3A_252 = tpu.memref_slice %arg10[%add3A_213, %dma_wait3A_251] : memref<10240x128xf32, #tpu.memory_space<vmem_shared>> -> memref<64x128xf32, #tpu.memory_space<vmem_shared>>
      %dma_wait3A_253 = arith.constant 0 : i32
      %dma_wait3A_254 = tpu.memref_slice %arg10[%add3A_213, %dma_wait3A_253] : memref<10240x128xf32, #tpu.memory_space<vmem_shared>> -> memref<64x128xf32, #tpu.memory_space<vmem_shared>>
      tpu.wait_dma2 semaphore(%run_scoped3A : memref<!tpu.dma_semaphore, #tpu.memory_space<semaphore_mem>>) src(%dma_wait3A_254 : memref<64x128xf32, #tpu.memory_space<vmem_shared>>) dst(%arg11 : memref<64x128xf32, #tpu.memory_space<vmem>>)
      tpu.yield
    }) : () -> ()
    "tpu.region"() ({
      %run_scoped3A = tpu.sem_alloc : memref<!tpu.dma_semaphore, #tpu.memory_space<semaphore_mem>>
      %dma_start3A_247 = arith.constant 0 : i32
      %dma_start3A_248 = tpu.memref_slice %arg9[%arg0, %add3A_213, %dma_start3A_247] : memref<2x10240x128xf32, #tpu.memory_space<hbm>> -> memref<1x64x128xf32, #tpu.memory_space<hbm>>
      %dma_start3A_249 = tpu.memref_squeeze %dma_start3A_248 : memref<1x64x128xf32, #tpu.memory_space<hbm>> -> memref<64x128xf32, #tpu.memory_space<hbm>>
      %dma_start3A_250 = arith.constant 0 : i32
      %dma_start3A_251 = tpu.memref_slice %arg9[%arg0, %add3A_213, %dma_start3A_250] : memref<2x10240x128xf32, #tpu.memory_space<hbm>> -> memref<1x64x128xf32, #tpu.memory_space<hbm>>
      %dma_start3A_252 = tpu.memref_squeeze %dma_start3A_251 : memref<1x64x128xf32, #tpu.memory_space<hbm>> -> memref<64x128xf32, #tpu.memory_space<hbm>>
      tpu.enqueue_dma source(%arg11 : memref<64x128xf32, #tpu.memory_space<vmem>>) target(%dma_start3A_252 : memref<64x128xf32, #tpu.memory_space<hbm>>) target_semaphore(%run_scoped3A : memref<!tpu.dma_semaphore, #tpu.memory_space<semaphore_mem>>)
      %dma_wait3A_253 = arith.constant 0 : i32
      %dma_wait3A_254 = tpu.memref_slice %arg9[%arg0, %add3A_213, %dma_wait3A_253] : memref<2x10240x128xf32, #tpu.memory_space<hbm>> -> memref<1x64x128xf32, #tpu.memory_space<hbm>>
      %dma_wait3A_255 = tpu.memref_squeeze %dma_wait3A_254 : memref<1x64x128xf32, #tpu.memory_space<hbm>> -> memref<64x128xf32, #tpu.memory_space<hbm>>
      %dma_wait3A_256 = arith.constant 0 : i32
      %dma_wait3A_257 = tpu.memref_slice %arg9[%arg0, %add3A_213, %dma_wait3A_256] : memref<2x10240x128xf32, #tpu.memory_space<hbm>> -> memref<1x64x128xf32, #tpu.memory_space<hbm>>
      %dma_wait3A_258 = tpu.memref_squeeze %dma_wait3A_257 : memref<1x64x128xf32, #tpu.memory_space<hbm>> -> memref<64x128xf32, #tpu.memory_space<hbm>>
      tpu.wait_dma2 semaphore(%run_scoped3A : memref<!tpu.dma_semaphore, #tpu.memory_space<semaphore_mem>>) src(%arg11 : memref<64x128xf32, #tpu.memory_space<vmem>>) dst(%dma_wait3A_258 : memref<64x128xf32, #tpu.memory_space<hbm>>)
      tpu.yield
    }) : () -> ()
    %mul3A_214 = arith.constant 640 : i32
    %mul3A_215 = arith.muli %arg1, %mul3A_214 : i32
    %add3A_216 = arith.constant 128 : i32
    %add3A_217 = arith.addi %mul3A_215, %add3A_216 : i32
    "tpu.region"() ({
      %run_scoped3A = tpu.sem_alloc : memref<!tpu.dma_semaphore, #tpu.memory_space<semaphore_mem>>
      %dma_start3A_247 = arith.constant 0 : i32
      %dma_start3A_248 = tpu.memref_slice %arg10[%add3A_217, %dma_start3A_247] : memref<10240x128xf32, #tpu.memory_space<vmem_shared>> -> memref<64x128xf32, #tpu.memory_space<vmem_shared>>
      %dma_start3A_249 = arith.constant 0 : i32
      %dma_start3A_250 = tpu.memref_slice %arg10[%add3A_217, %dma_start3A_249] : memref<10240x128xf32, #tpu.memory_space<vmem_shared>> -> memref<64x128xf32, #tpu.memory_space<vmem_shared>>
      tpu.enqueue_dma source(%dma_start3A_250 : memref<64x128xf32, #tpu.memory_space<vmem_shared>>) target(%arg11 : memref<64x128xf32, #tpu.memory_space<vmem>>) target_semaphore(%run_scoped3A : memref<!tpu.dma_semaphore, #tpu.memory_space<semaphore_mem>>)
      %dma_wait3A_251 = arith.constant 0 : i32
      %dma_wait3A_252 = tpu.memref_slice %arg10[%add3A_217, %dma_wait3A_251] : memref<10240x128xf32, #tpu.memory_space<vmem_shared>> -> memref<64x128xf32, #tpu.memory_space<vmem_shared>>
      %dma_wait3A_253 = arith.constant 0 : i32
      %dma_wait3A_254 = tpu.memref_slice %arg10[%add3A_217, %dma_wait3A_253] : memref<10240x128xf32, #tpu.memory_space<vmem_shared>> -> memref<64x128xf32, #tpu.memory_space<vmem_shared>>
      tpu.wait_dma2 semaphore(%run_scoped3A : memref<!tpu.dma_semaphore, #tpu.memory_space<semaphore_mem>>) src(%dma_wait3A_254 : memref<64x128xf32, #tpu.memory_space<vmem_shared>>) dst(%arg11 : memref<64x128xf32, #tpu.memory_space<vmem>>)
      tpu.yield
    }) : () -> ()
    "tpu.region"() ({
      %run_scoped3A = tpu.sem_alloc : memref<!tpu.dma_semaphore, #tpu.memory_space<semaphore_mem>>
      %dma_start3A_247 = arith.constant 0 : i32
      %dma_start3A_248 = tpu.memref_slice %arg9[%arg0, %add3A_217, %dma_start3A_247] : memref<2x10240x128xf32, #tpu.memory_space<hbm>> -> memref<1x64x128xf32, #tpu.memory_space<hbm>>
      %dma_start3A_249 = tpu.memref_squeeze %dma_start3A_248 : memref<1x64x128xf32, #tpu.memory_space<hbm>> -> memref<64x128xf32, #tpu.memory_space<hbm>>
      %dma_start3A_250 = arith.constant 0 : i32
      %dma_start3A_251 = tpu.memref_slice %arg9[%arg0, %add3A_217, %dma_start3A_250] : memref<2x10240x128xf32, #tpu.memory_space<hbm>> -> memref<1x64x128xf32, #tpu.memory_space<hbm>>
      %dma_start3A_252 = tpu.memref_squeeze %dma_start3A_251 : memref<1x64x128xf32, #tpu.memory_space<hbm>> -> memref<64x128xf32, #tpu.memory_space<hbm>>
      tpu.enqueue_dma source(%arg11 : memref<64x128xf32, #tpu.memory_space<vmem>>) target(%dma_start3A_252 : memref<64x128xf32, #tpu.memory_space<hbm>>) target_semaphore(%run_scoped3A : memref<!tpu.dma_semaphore, #tpu.memory_space<semaphore_mem>>)
      %dma_wait3A_253 = arith.constant 0 : i32
      %dma_wait3A_254 = tpu.memref_slice %arg9[%arg0, %add3A_217, %dma_wait3A_253] : memref<2x10240x128xf32, #tpu.memory_space<hbm>> -> memref<1x64x128xf32, #tpu.memory_space<hbm>>
      %dma_wait3A_255 = tpu.memref_squeeze %dma_wait3A_254 : memref<1x64x128xf32, #tpu.memory_space<hbm>> -> memref<64x128xf32, #tpu.memory_space<hbm>>
      %dma_wait3A_256 = arith.constant 0 : i32
      %dma_wait3A_257 = tpu.memref_slice %arg9[%arg0, %add3A_217, %dma_wait3A_256] : memref<2x10240x128xf32, #tpu.memory_space<hbm>> -> memref<1x64x128xf32, #tpu.memory_space<hbm>>
      %dma_wait3A_258 = tpu.memref_squeeze %dma_wait3A_257 : memref<1x64x128xf32, #tpu.memory_space<hbm>> -> memref<64x128xf32, #tpu.memory_space<hbm>>
      tpu.wait_dma2 semaphore(%run_scoped3A : memref<!tpu.dma_semaphore, #tpu.memory_space<semaphore_mem>>) src(%arg11 : memref<64x128xf32, #tpu.memory_space<vmem>>) dst(%dma_wait3A_258 : memref<64x128xf32, #tpu.memory_space<hbm>>)
      tpu.yield
    }) : () -> ()
    %mul3A_218 = arith.constant 640 : i32
    %mul3A_219 = arith.muli %arg1, %mul3A_218 : i32
    %add3A_220 = arith.constant 192 : i32
    %add3A_221 = arith.addi %mul3A_219, %add3A_220 : i32
    "tpu.region"() ({
      %run_scoped3A = tpu.sem_alloc : memref<!tpu.dma_semaphore, #tpu.memory_space<semaphore_mem>>
      %dma_start3A_247 = arith.constant 0 : i32
      %dma_start3A_248 = tpu.memref_slice %arg10[%add3A_221, %dma_start3A_247] : memref<10240x128xf32, #tpu.memory_space<vmem_shared>> -> memref<64x128xf32, #tpu.memory_space<vmem_shared>>
      %dma_start3A_249 = arith.constant 0 : i32
      %dma_start3A_250 = tpu.memref_slice %arg10[%add3A_221, %dma_start3A_249] : memref<10240x128xf32, #tpu.memory_space<vmem_shared>> -> memref<64x128xf32, #tpu.memory_space<vmem_shared>>
      tpu.enqueue_dma source(%dma_start3A_250 : memref<64x128xf32, #tpu.memory_space<vmem_shared>>) target(%arg11 : memref<64x128xf32, #tpu.memory_space<vmem>>) target_semaphore(%run_scoped3A : memref<!tpu.dma_semaphore, #tpu.memory_space<semaphore_mem>>)
      %dma_wait3A_251 = arith.constant 0 : i32
      %dma_wait3A_252 = tpu.memref_slice %arg10[%add3A_221, %dma_wait3A_251] : memref<10240x128xf32, #tpu.memory_space<vmem_shared>> -> memref<64x128xf32, #tpu.memory_space<vmem_shared>>
      %dma_wait3A_253 = arith.constant 0 : i32
      %dma_wait3A_254 = tpu.memref_slice %arg10[%add3A_221, %dma_wait3A_253] : memref<10240x128xf32, #tpu.memory_space<vmem_shared>> -> memref<64x128xf32, #tpu.memory_space<vmem_shared>>
      tpu.wait_dma2 semaphore(%run_scoped3A : memref<!tpu.dma_semaphore, #tpu.memory_space<semaphore_mem>>) src(%dma_wait3A_254 : memref<64x128xf32, #tpu.memory_space<vmem_shared>>) dst(%arg11 : memref<64x128xf32, #tpu.memory_space<vmem>>)
      tpu.yield
    }) : () -> ()
    "tpu.region"() ({
      %run_scoped3A = tpu.sem_alloc : memref<!tpu.dma_semaphore, #tpu.memory_space<semaphore_mem>>
      %dma_start3A_247 = arith.constant 0 : i32
      %dma_start3A_248 = tpu.memref_slice %arg9[%arg0, %add3A_221, %dma_start3A_247] : memref<2x10240x128xf32, #tpu.memory_space<hbm>> -> memref<1x64x128xf32, #tpu.memory_space<hbm>>
      %dma_start3A_249 = tpu.memref_squeeze %dma_start3A_248 : memref<1x64x128xf32, #tpu.memory_space<hbm>> -> memref<64x128xf32, #tpu.memory_space<hbm>>
      %dma_start3A_250 = arith.constant 0 : i32
      %dma_start3A_251 = tpu.memref_slice %arg9[%arg0, %add3A_221, %dma_start3A_250] : memref<2x10240x128xf32, #tpu.memory_space<hbm>> -> memref<1x64x128xf32, #tpu.memory_space<hbm>>
      %dma_start3A_252 = tpu.memref_squeeze %dma_start3A_251 : memref<1x64x128xf32, #tpu.memory_space<hbm>> -> memref<64x128xf32, #tpu.memory_space<hbm>>
      tpu.enqueue_dma source(%arg11 : memref<64x128xf32, #tpu.memory_space<vmem>>) target(%dma_start3A_252 : memref<64x128xf32, #tpu.memory_space<hbm>>) target_semaphore(%run_scoped3A : memref<!tpu.dma_semaphore, #tpu.memory_space<semaphore_mem>>)
      %dma_wait3A_253 = arith.constant 0 : i32
      %dma_wait3A_254 = tpu.memref_slice %arg9[%arg0, %add3A_221, %dma_wait3A_253] : memref<2x10240x128xf32, #tpu.memory_space<hbm>> -> memref<1x64x128xf32, #tpu.memory_space<hbm>>
      %dma_wait3A_255 = tpu.memref_squeeze %dma_wait3A_254 : memref<1x64x128xf32, #tpu.memory_space<hbm>> -> memref<64x128xf32, #tpu.memory_space<hbm>>
      %dma_wait3A_256 = arith.constant 0 : i32
      %dma_wait3A_257 = tpu.memref_slice %arg9[%arg0, %add3A_221, %dma_wait3A_256] : memref<2x10240x128xf32, #tpu.memory_space<hbm>> -> memref<1x64x128xf32, #tpu.memory_space<hbm>>
      %dma_wait3A_258 = tpu.memref_squeeze %dma_wait3A_257 : memref<1x64x128xf32, #tpu.memory_space<hbm>> -> memref<64x128xf32, #tpu.memory_space<hbm>>
      tpu.wait_dma2 semaphore(%run_scoped3A : memref<!tpu.dma_semaphore, #tpu.memory_space<semaphore_mem>>) src(%arg11 : memref<64x128xf32, #tpu.memory_space<vmem>>) dst(%dma_wait3A_258 : memref<64x128xf32, #tpu.memory_space<hbm>>)
      tpu.yield
    }) : () -> ()
    %mul3A_222 = arith.constant 640 : i32
    %mul3A_223 = arith.muli %arg1, %mul3A_222 : i32
    %add3A_224 = arith.constant 256 : i32
    %add3A_225 = arith.addi %mul3A_223, %add3A_224 : i32
    "tpu.region"() ({
      %run_scoped3A = tpu.sem_alloc : memref<!tpu.dma_semaphore, #tpu.memory_space<semaphore_mem>>
      %dma_start3A_247 = arith.constant 0 : i32
      %dma_start3A_248 = tpu.memref_slice %arg10[%add3A_225, %dma_start3A_247] : memref<10240x128xf32, #tpu.memory_space<vmem_shared>> -> memref<64x128xf32, #tpu.memory_space<vmem_shared>>
      %dma_start3A_249 = arith.constant 0 : i32
      %dma_start3A_250 = tpu.memref_slice %arg10[%add3A_225, %dma_start3A_249] : memref<10240x128xf32, #tpu.memory_space<vmem_shared>> -> memref<64x128xf32, #tpu.memory_space<vmem_shared>>
      tpu.enqueue_dma source(%dma_start3A_250 : memref<64x128xf32, #tpu.memory_space<vmem_shared>>) target(%arg11 : memref<64x128xf32, #tpu.memory_space<vmem>>) target_semaphore(%run_scoped3A : memref<!tpu.dma_semaphore, #tpu.memory_space<semaphore_mem>>)
      %dma_wait3A_251 = arith.constant 0 : i32
      %dma_wait3A_252 = tpu.memref_slice %arg10[%add3A_225, %dma_wait3A_251] : memref<10240x128xf32, #tpu.memory_space<vmem_shared>> -> memref<64x128xf32, #tpu.memory_space<vmem_shared>>
      %dma_wait3A_253 = arith.constant 0 : i32
      %dma_wait3A_254 = tpu.memref_slice %arg10[%add3A_225, %dma_wait3A_253] : memref<10240x128xf32, #tpu.memory_space<vmem_shared>> -> memref<64x128xf32, #tpu.memory_space<vmem_shared>>
      tpu.wait_dma2 semaphore(%run_scoped3A : memref<!tpu.dma_semaphore, #tpu.memory_space<semaphore_mem>>) src(%dma_wait3A_254 : memref<64x128xf32, #tpu.memory_space<vmem_shared>>) dst(%arg11 : memref<64x128xf32, #tpu.memory_space<vmem>>)
      tpu.yield
    }) : () -> ()
    "tpu.region"() ({
      %run_scoped3A = tpu.sem_alloc : memref<!tpu.dma_semaphore, #tpu.memory_space<semaphore_mem>>
      %dma_start3A_247 = arith.constant 0 : i32
      %dma_start3A_248 = tpu.memref_slice %arg9[%arg0, %add3A_225, %dma_start3A_247] : memref<2x10240x128xf32, #tpu.memory_space<hbm>> -> memref<1x64x128xf32, #tpu.memory_space<hbm>>
      %dma_start3A_249 = tpu.memref_squeeze %dma_start3A_248 : memref<1x64x128xf32, #tpu.memory_space<hbm>> -> memref<64x128xf32, #tpu.memory_space<hbm>>
      %dma_start3A_250 = arith.constant 0 : i32
      %dma_start3A_251 = tpu.memref_slice %arg9[%arg0, %add3A_225, %dma_start3A_250] : memref<2x10240x128xf32, #tpu.memory_space<hbm>> -> memref<1x64x128xf32, #tpu.memory_space<hbm>>
      %dma_start3A_252 = tpu.memref_squeeze %dma_start3A_251 : memref<1x64x128xf32, #tpu.memory_space<hbm>> -> memref<64x128xf32, #tpu.memory_space<hbm>>
      tpu.enqueue_dma source(%arg11 : memref<64x128xf32, #tpu.memory_space<vmem>>) target(%dma_start3A_252 : memref<64x128xf32, #tpu.memory_space<hbm>>) target_semaphore(%run_scoped3A : memref<!tpu.dma_semaphore, #tpu.memory_space<semaphore_mem>>)
      %dma_wait3A_253 = arith.constant 0 : i32
      %dma_wait3A_254 = tpu.memref_slice %arg9[%arg0, %add3A_225, %dma_wait3A_253] : memref<2x10240x128xf32, #tpu.memory_space<hbm>> -> memref<1x64x128xf32, #tpu.memory_space<hbm>>
      %dma_wait3A_255 = tpu.memref_squeeze %dma_wait3A_254 : memref<1x64x128xf32, #tpu.memory_space<hbm>> -> memref<64x128xf32, #tpu.memory_space<hbm>>
      %dma_wait3A_256 = arith.constant 0 : i32
      %dma_wait3A_257 = tpu.memref_slice %arg9[%arg0, %add3A_225, %dma_wait3A_256] : memref<2x10240x128xf32, #tpu.memory_space<hbm>> -> memref<1x64x128xf32, #tpu.memory_space<hbm>>
      %dma_wait3A_258 = tpu.memref_squeeze %dma_wait3A_257 : memref<1x64x128xf32, #tpu.memory_space<hbm>> -> memref<64x128xf32, #tpu.memory_space<hbm>>
      tpu.wait_dma2 semaphore(%run_scoped3A : memref<!tpu.dma_semaphore, #tpu.memory_space<semaphore_mem>>) src(%arg11 : memref<64x128xf32, #tpu.memory_space<vmem>>) dst(%dma_wait3A_258 : memref<64x128xf32, #tpu.memory_space<hbm>>)
      tpu.yield
    }) : () -> ()
    %mul3A_226 = arith.constant 640 : i32
    %mul3A_227 = arith.muli %arg1, %mul3A_226 : i32
    %add3A_228 = arith.constant 320 : i32
    %add3A_229 = arith.addi %mul3A_227, %add3A_228 : i32
    "tpu.region"() ({
      %run_scoped3A = tpu.sem_alloc : memref<!tpu.dma_semaphore, #tpu.memory_space<semaphore_mem>>
      %dma_start3A_247 = arith.constant 0 : i32
      %dma_start3A_248 = tpu.memref_slice %arg10[%add3A_229, %dma_start3A_247] : memref<10240x128xf32, #tpu.memory_space<vmem_shared>> -> memref<64x128xf32, #tpu.memory_space<vmem_shared>>
      %dma_start3A_249 = arith.constant 0 : i32
      %dma_start3A_250 = tpu.memref_slice %arg10[%add3A_229, %dma_start3A_249] : memref<10240x128xf32, #tpu.memory_space<vmem_shared>> -> memref<64x128xf32, #tpu.memory_space<vmem_shared>>
      tpu.enqueue_dma source(%dma_start3A_250 : memref<64x128xf32, #tpu.memory_space<vmem_shared>>) target(%arg11 : memref<64x128xf32, #tpu.memory_space<vmem>>) target_semaphore(%run_scoped3A : memref<!tpu.dma_semaphore, #tpu.memory_space<semaphore_mem>>)
      %dma_wait3A_251 = arith.constant 0 : i32
      %dma_wait3A_252 = tpu.memref_slice %arg10[%add3A_229, %dma_wait3A_251] : memref<10240x128xf32, #tpu.memory_space<vmem_shared>> -> memref<64x128xf32, #tpu.memory_space<vmem_shared>>
      %dma_wait3A_253 = arith.constant 0 : i32
      %dma_wait3A_254 = tpu.memref_slice %arg10[%add3A_229, %dma_wait3A_253] : memref<10240x128xf32, #tpu.memory_space<vmem_shared>> -> memref<64x128xf32, #tpu.memory_space<vmem_shared>>
      tpu.wait_dma2 semaphore(%run_scoped3A : memref<!tpu.dma_semaphore, #tpu.memory_space<semaphore_mem>>) src(%dma_wait3A_254 : memref<64x128xf32, #tpu.memory_space<vmem_shared>>) dst(%arg11 : memref<64x128xf32, #tpu.memory_space<vmem>>)
      tpu.yield
    }) : () -> ()
    "tpu.region"() ({
      %run_scoped3A = tpu.sem_alloc : memref<!tpu.dma_semaphore, #tpu.memory_space<semaphore_mem>>
      %dma_start3A_247 = arith.constant 0 : i32
      %dma_start3A_248 = tpu.memref_slice %arg9[%arg0, %add3A_229, %dma_start3A_247] : memref<2x10240x128xf32, #tpu.memory_space<hbm>> -> memref<1x64x128xf32, #tpu.memory_space<hbm>>
      %dma_start3A_249 = tpu.memref_squeeze %dma_start3A_248 : memref<1x64x128xf32, #tpu.memory_space<hbm>> -> memref<64x128xf32, #tpu.memory_space<hbm>>
      %dma_start3A_250 = arith.constant 0 : i32
      %dma_start3A_251 = tpu.memref_slice %arg9[%arg0, %add3A_229, %dma_start3A_250] : memref<2x10240x128xf32, #tpu.memory_space<hbm>> -> memref<1x64x128xf32, #tpu.memory_space<hbm>>
      %dma_start3A_252 = tpu.memref_squeeze %dma_start3A_251 : memref<1x64x128xf32, #tpu.memory_space<hbm>> -> memref<64x128xf32, #tpu.memory_space<hbm>>
      tpu.enqueue_dma source(%arg11 : memref<64x128xf32, #tpu.memory_space<vmem>>) target(%dma_start3A_252 : memref<64x128xf32, #tpu.memory_space<hbm>>) target_semaphore(%run_scoped3A : memref<!tpu.dma_semaphore, #tpu.memory_space<semaphore_mem>>)
      %dma_wait3A_253 = arith.constant 0 : i32
      %dma_wait3A_254 = tpu.memref_slice %arg9[%arg0, %add3A_229, %dma_wait3A_253] : memref<2x10240x128xf32, #tpu.memory_space<hbm>> -> memref<1x64x128xf32, #tpu.memory_space<hbm>>
      %dma_wait3A_255 = tpu.memref_squeeze %dma_wait3A_254 : memref<1x64x128xf32, #tpu.memory_space<hbm>> -> memref<64x128xf32, #tpu.memory_space<hbm>>
      %dma_wait3A_256 = arith.constant 0 : i32
      %dma_wait3A_257 = tpu.memref_slice %arg9[%arg0, %add3A_229, %dma_wait3A_256] : memref<2x10240x128xf32, #tpu.memory_space<hbm>> -> memref<1x64x128xf32, #tpu.memory_space<hbm>>
      %dma_wait3A_258 = tpu.memref_squeeze %dma_wait3A_257 : memref<1x64x128xf32, #tpu.memory_space<hbm>> -> memref<64x128xf32, #tpu.memory_space<hbm>>
      tpu.wait_dma2 semaphore(%run_scoped3A : memref<!tpu.dma_semaphore, #tpu.memory_space<semaphore_mem>>) src(%arg11 : memref<64x128xf32, #tpu.memory_space<vmem>>) dst(%dma_wait3A_258 : memref<64x128xf32, #tpu.memory_space<hbm>>)
      tpu.yield
    }) : () -> ()
    %mul3A_230 = arith.constant 640 : i32
    %mul3A_231 = arith.muli %arg1, %mul3A_230 : i32
    %add3A_232 = arith.constant 384 : i32
    %add3A_233 = arith.addi %mul3A_231, %add3A_232 : i32
    "tpu.region"() ({
      %run_scoped3A = tpu.sem_alloc : memref<!tpu.dma_semaphore, #tpu.memory_space<semaphore_mem>>
      %dma_start3A_247 = arith.constant 0 : i32
      %dma_start3A_248 = tpu.memref_slice %arg10[%add3A_233, %dma_start3A_247] : memref<10240x128xf32, #tpu.memory_space<vmem_shared>> -> memref<64x128xf32, #tpu.memory_space<vmem_shared>>
      %dma_start3A_249 = arith.constant 0 : i32
      %dma_start3A_250 = tpu.memref_slice %arg10[%add3A_233, %dma_start3A_249] : memref<10240x128xf32, #tpu.memory_space<vmem_shared>> -> memref<64x128xf32, #tpu.memory_space<vmem_shared>>
      tpu.enqueue_dma source(%dma_start3A_250 : memref<64x128xf32, #tpu.memory_space<vmem_shared>>) target(%arg11 : memref<64x128xf32, #tpu.memory_space<vmem>>) target_semaphore(%run_scoped3A : memref<!tpu.dma_semaphore, #tpu.memory_space<semaphore_mem>>)
      %dma_wait3A_251 = arith.constant 0 : i32
      %dma_wait3A_252 = tpu.memref_slice %arg10[%add3A_233, %dma_wait3A_251] : memref<10240x128xf32, #tpu.memory_space<vmem_shared>> -> memref<64x128xf32, #tpu.memory_space<vmem_shared>>
      %dma_wait3A_253 = arith.constant 0 : i32
      %dma_wait3A_254 = tpu.memref_slice %arg10[%add3A_233, %dma_wait3A_253] : memref<10240x128xf32, #tpu.memory_space<vmem_shared>> -> memref<64x128xf32, #tpu.memory_space<vmem_shared>>
      tpu.wait_dma2 semaphore(%run_scoped3A : memref<!tpu.dma_semaphore, #tpu.memory_space<semaphore_mem>>) src(%dma_wait3A_254 : memref<64x128xf32, #tpu.memory_space<vmem_shared>>) dst(%arg11 : memref<64x128xf32, #tpu.memory_space<vmem>>)
      tpu.yield
    }) : () -> ()
    "tpu.region"() ({
      %run_scoped3A = tpu.sem_alloc : memref<!tpu.dma_semaphore, #tpu.memory_space<semaphore_mem>>
      %dma_start3A_247 = arith.constant 0 : i32
      %dma_start3A_248 = tpu.memref_slice %arg9[%arg0, %add3A_233, %dma_start3A_247] : memref<2x10240x128xf32, #tpu.memory_space<hbm>> -> memref<1x64x128xf32, #tpu.memory_space<hbm>>
      %dma_start3A_249 = tpu.memref_squeeze %dma_start3A_248 : memref<1x64x128xf32, #tpu.memory_space<hbm>> -> memref<64x128xf32, #tpu.memory_space<hbm>>
      %dma_start3A_250 = arith.constant 0 : i32
      %dma_start3A_251 = tpu.memref_slice %arg9[%arg0, %add3A_233, %dma_start3A_250] : memref<2x10240x128xf32, #tpu.memory_space<hbm>> -> memref<1x64x128xf32, #tpu.memory_space<hbm>>
      %dma_start3A_252 = tpu.memref_squeeze %dma_start3A_251 : memref<1x64x128xf32, #tpu.memory_space<hbm>> -> memref<64x128xf32, #tpu.memory_space<hbm>>
      tpu.enqueue_dma source(%arg11 : memref<64x128xf32, #tpu.memory_space<vmem>>) target(%dma_start3A_252 : memref<64x128xf32, #tpu.memory_space<hbm>>) target_semaphore(%run_scoped3A : memref<!tpu.dma_semaphore, #tpu.memory_space<semaphore_mem>>)
      %dma_wait3A_253 = arith.constant 0 : i32
      %dma_wait3A_254 = tpu.memref_slice %arg9[%arg0, %add3A_233, %dma_wait3A_253] : memref<2x10240x128xf32, #tpu.memory_space<hbm>> -> memref<1x64x128xf32, #tpu.memory_space<hbm>>
      %dma_wait3A_255 = tpu.memref_squeeze %dma_wait3A_254 : memref<1x64x128xf32, #tpu.memory_space<hbm>> -> memref<64x128xf32, #tpu.memory_space<hbm>>
      %dma_wait3A_256 = arith.constant 0 : i32
      %dma_wait3A_257 = tpu.memref_slice %arg9[%arg0, %add3A_233, %dma_wait3A_256] : memref<2x10240x128xf32, #tpu.memory_space<hbm>> -> memref<1x64x128xf32, #tpu.memory_space<hbm>>
      %dma_wait3A_258 = tpu.memref_squeeze %dma_wait3A_257 : memref<1x64x128xf32, #tpu.memory_space<hbm>> -> memref<64x128xf32, #tpu.memory_space<hbm>>
      tpu.wait_dma2 semaphore(%run_scoped3A : memref<!tpu.dma_semaphore, #tpu.memory_space<semaphore_mem>>) src(%arg11 : memref<64x128xf32, #tpu.memory_space<vmem>>) dst(%dma_wait3A_258 : memref<64x128xf32, #tpu.memory_space<hbm>>)
      tpu.yield
    }) : () -> ()
    %mul3A_234 = arith.constant 640 : i32
    %mul3A_235 = arith.muli %arg1, %mul3A_234 : i32
    %add3A_236 = arith.constant 448 : i32
    %add3A_237 = arith.addi %mul3A_235, %add3A_236 : i32
    "tpu.region"() ({
      %run_scoped3A = tpu.sem_alloc : memref<!tpu.dma_semaphore, #tpu.memory_space<semaphore_mem>>
      %dma_start3A_247 = arith.constant 0 : i32
      %dma_start3A_248 = tpu.memref_slice %arg10[%add3A_237, %dma_start3A_247] : memref<10240x128xf32, #tpu.memory_space<vmem_shared>> -> memref<64x128xf32, #tpu.memory_space<vmem_shared>>
      %dma_start3A_249 = arith.constant 0 : i32
      %dma_start3A_250 = tpu.memref_slice %arg10[%add3A_237, %dma_start3A_249] : memref<10240x128xf32, #tpu.memory_space<vmem_shared>> -> memref<64x128xf32, #tpu.memory_space<vmem_shared>>
      tpu.enqueue_dma source(%dma_start3A_250 : memref<64x128xf32, #tpu.memory_space<vmem_shared>>) target(%arg11 : memref<64x128xf32, #tpu.memory_space<vmem>>) target_semaphore(%run_scoped3A : memref<!tpu.dma_semaphore, #tpu.memory_space<semaphore_mem>>)
      %dma_wait3A_251 = arith.constant 0 : i32
      %dma_wait3A_252 = tpu.memref_slice %arg10[%add3A_237, %dma_wait3A_251] : memref<10240x128xf32, #tpu.memory_space<vmem_shared>> -> memref<64x128xf32, #tpu.memory_space<vmem_shared>>
      %dma_wait3A_253 = arith.constant 0 : i32
      %dma_wait3A_254 = tpu.memref_slice %arg10[%add3A_237, %dma_wait3A_253] : memref<10240x128xf32, #tpu.memory_space<vmem_shared>> -> memref<64x128xf32, #tpu.memory_space<vmem_shared>>
      tpu.wait_dma2 semaphore(%run_scoped3A : memref<!tpu.dma_semaphore, #tpu.memory_space<semaphore_mem>>) src(%dma_wait3A_254 : memref<64x128xf32, #tpu.memory_space<vmem_shared>>) dst(%arg11 : memref<64x128xf32, #tpu.memory_space<vmem>>)
      tpu.yield
    }) : () -> ()
    "tpu.region"() ({
      %run_scoped3A = tpu.sem_alloc : memref<!tpu.dma_semaphore, #tpu.memory_space<semaphore_mem>>
      %dma_start3A_247 = arith.constant 0 : i32
      %dma_start3A_248 = tpu.memref_slice %arg9[%arg0, %add3A_237, %dma_start3A_247] : memref<2x10240x128xf32, #tpu.memory_space<hbm>> -> memref<1x64x128xf32, #tpu.memory_space<hbm>>
      %dma_start3A_249 = tpu.memref_squeeze %dma_start3A_248 : memref<1x64x128xf32, #tpu.memory_space<hbm>> -> memref<64x128xf32, #tpu.memory_space<hbm>>
      %dma_start3A_250 = arith.constant 0 : i32
      %dma_start3A_251 = tpu.memref_slice %arg9[%arg0, %add3A_237, %dma_start3A_250] : memref<2x10240x128xf32, #tpu.memory_space<hbm>> -> memref<1x64x128xf32, #tpu.memory_space<hbm>>
      %dma_start3A_252 = tpu.memref_squeeze %dma_start3A_251 : memref<1x64x128xf32, #tpu.memory_space<hbm>> -> memref<64x128xf32, #tpu.memory_space<hbm>>
      tpu.enqueue_dma source(%arg11 : memref<64x128xf32, #tpu.memory_space<vmem>>) target(%dma_start3A_252 : memref<64x128xf32, #tpu.memory_space<hbm>>) target_semaphore(%run_scoped3A : memref<!tpu.dma_semaphore, #tpu.memory_space<semaphore_mem>>)
      %dma_wait3A_253 = arith.constant 0 : i32
      %dma_wait3A_254 = tpu.memref_slice %arg9[%arg0, %add3A_237, %dma_wait3A_253] : memref<2x10240x128xf32, #tpu.memory_space<hbm>> -> memref<1x64x128xf32, #tpu.memory_space<hbm>>
      %dma_wait3A_255 = tpu.memref_squeeze %dma_wait3A_254 : memref<1x64x128xf32, #tpu.memory_space<hbm>> -> memref<64x128xf32, #tpu.memory_space<hbm>>
      %dma_wait3A_256 = arith.constant 0 : i32
      %dma_wait3A_257 = tpu.memref_slice %arg9[%arg0, %add3A_237, %dma_wait3A_256] : memref<2x10240x128xf32, #tpu.memory_space<hbm>> -> memref<1x64x128xf32, #tpu.memory_space<hbm>>
      %dma_wait3A_258 = tpu.memref_squeeze %dma_wait3A_257 : memref<1x64x128xf32, #tpu.memory_space<hbm>> -> memref<64x128xf32, #tpu.memory_space<hbm>>
      tpu.wait_dma2 semaphore(%run_scoped3A : memref<!tpu.dma_semaphore, #tpu.memory_space<semaphore_mem>>) src(%arg11 : memref<64x128xf32, #tpu.memory_space<vmem>>) dst(%dma_wait3A_258 : memref<64x128xf32, #tpu.memory_space<hbm>>)
      tpu.yield
    }) : () -> ()
    %mul3A_238 = arith.constant 640 : i32
    %mul3A_239 = arith.muli %arg1, %mul3A_238 : i32
    %add3A_240 = arith.constant 512 : i32
    %add3A_241 = arith.addi %mul3A_239, %add3A_240 : i32
    "tpu.region"() ({
      %run_scoped3A = tpu.sem_alloc : memref<!tpu.dma_semaphore, #tpu.memory_space<semaphore_mem>>
      %dma_start3A_247 = arith.constant 0 : i32
      %dma_start3A_248 = tpu.memref_slice %arg10[%add3A_241, %dma_start3A_247] : memref<10240x128xf32, #tpu.memory_space<vmem_shared>> -> memref<64x128xf32, #tpu.memory_space<vmem_shared>>
      %dma_start3A_249 = arith.constant 0 : i32
      %dma_start3A_250 = tpu.memref_slice %arg10[%add3A_241, %dma_start3A_249] : memref<10240x128xf32, #tpu.memory_space<vmem_shared>> -> memref<64x128xf32, #tpu.memory_space<vmem_shared>>
      tpu.enqueue_dma source(%dma_start3A_250 : memref<64x128xf32, #tpu.memory_space<vmem_shared>>) target(%arg11 : memref<64x128xf32, #tpu.memory_space<vmem>>) target_semaphore(%run_scoped3A : memref<!tpu.dma_semaphore, #tpu.memory_space<semaphore_mem>>)
      %dma_wait3A_251 = arith.constant 0 : i32
      %dma_wait3A_252 = tpu.memref_slice %arg10[%add3A_241, %dma_wait3A_251] : memref<10240x128xf32, #tpu.memory_space<vmem_shared>> -> memref<64x128xf32, #tpu.memory_space<vmem_shared>>
      %dma_wait3A_253 = arith.constant 0 : i32
      %dma_wait3A_254 = tpu.memref_slice %arg10[%add3A_241, %dma_wait3A_253] : memref<10240x128xf32, #tpu.memory_space<vmem_shared>> -> memref<64x128xf32, #tpu.memory_space<vmem_shared>>
      tpu.wait_dma2 semaphore(%run_scoped3A : memref<!tpu.dma_semaphore, #tpu.memory_space<semaphore_mem>>) src(%dma_wait3A_254 : memref<64x128xf32, #tpu.memory_space<vmem_shared>>) dst(%arg11 : memref<64x128xf32, #tpu.memory_space<vmem>>)
      tpu.yield
    }) : () -> ()
    "tpu.region"() ({
      %run_scoped3A = tpu.sem_alloc : memref<!tpu.dma_semaphore, #tpu.memory_space<semaphore_mem>>
      %dma_start3A_247 = arith.constant 0 : i32
      %dma_start3A_248 = tpu.memref_slice %arg9[%arg0, %add3A_241, %dma_start3A_247] : memref<2x10240x128xf32, #tpu.memory_space<hbm>> -> memref<1x64x128xf32, #tpu.memory_space<hbm>>
      %dma_start3A_249 = tpu.memref_squeeze %dma_start3A_248 : memref<1x64x128xf32, #tpu.memory_space<hbm>> -> memref<64x128xf32, #tpu.memory_space<hbm>>
      %dma_start3A_250 = arith.constant 0 : i32
      %dma_start3A_251 = tpu.memref_slice %arg9[%arg0, %add3A_241, %dma_start3A_250] : memref<2x10240x128xf32, #tpu.memory_space<hbm>> -> memref<1x64x128xf32, #tpu.memory_space<hbm>>
      %dma_start3A_252 = tpu.memref_squeeze %dma_start3A_251 : memref<1x64x128xf32, #tpu.memory_space<hbm>> -> memref<64x128xf32, #tpu.memory_space<hbm>>
      tpu.enqueue_dma source(%arg11 : memref<64x128xf32, #tpu.memory_space<vmem>>) target(%dma_start3A_252 : memref<64x128xf32, #tpu.memory_space<hbm>>) target_semaphore(%run_scoped3A : memref<!tpu.dma_semaphore, #tpu.memory_space<semaphore_mem>>)
      %dma_wait3A_253 = arith.constant 0 : i32
      %dma_wait3A_254 = tpu.memref_slice %arg9[%arg0, %add3A_241, %dma_wait3A_253] : memref<2x10240x128xf32, #tpu.memory_space<hbm>> -> memref<1x64x128xf32, #tpu.memory_space<hbm>>
      %dma_wait3A_255 = tpu.memref_squeeze %dma_wait3A_254 : memref<1x64x128xf32, #tpu.memory_space<hbm>> -> memref<64x128xf32, #tpu.memory_space<hbm>>
      %dma_wait3A_256 = arith.constant 0 : i32
      %dma_wait3A_257 = tpu.memref_slice %arg9[%arg0, %add3A_241, %dma_wait3A_256] : memref<2x10240x128xf32, #tpu.memory_space<hbm>> -> memref<1x64x128xf32, #tpu.memory_space<hbm>>
      %dma_wait3A_258 = tpu.memref_squeeze %dma_wait3A_257 : memref<1x64x128xf32, #tpu.memory_space<hbm>> -> memref<64x128xf32, #tpu.memory_space<hbm>>
      tpu.wait_dma2 semaphore(%run_scoped3A : memref<!tpu.dma_semaphore, #tpu.memory_space<semaphore_mem>>) src(%arg11 : memref<64x128xf32, #tpu.memory_space<vmem>>) dst(%dma_wait3A_258 : memref<64x128xf32, #tpu.memory_space<hbm>>)
      tpu.yield
    }) : () -> ()
    %mul3A_242 = arith.constant 640 : i32
    %mul3A_243 = arith.muli %arg1, %mul3A_242 : i32
    %add3A_244 = arith.constant 576 : i32
    %add3A_245 = arith.addi %mul3A_243, %add3A_244 : i32
    "tpu.region"() ({
      %run_scoped3A = tpu.sem_alloc : memref<!tpu.dma_semaphore, #tpu.memory_space<semaphore_mem>>
      %dma_start3A_247 = arith.constant 0 : i32
      %dma_start3A_248 = tpu.memref_slice %arg10[%add3A_245, %dma_start3A_247] : memref<10240x128xf32, #tpu.memory_space<vmem_shared>> -> memref<64x128xf32, #tpu.memory_space<vmem_shared>>
      %dma_start3A_249 = arith.constant 0 : i32
      %dma_start3A_250 = tpu.memref_slice %arg10[%add3A_245, %dma_start3A_249] : memref<10240x128xf32, #tpu.memory_space<vmem_shared>> -> memref<64x128xf32, #tpu.memory_space<vmem_shared>>
      tpu.enqueue_dma source(%dma_start3A_250 : memref<64x128xf32, #tpu.memory_space<vmem_shared>>) target(%arg11 : memref<64x128xf32, #tpu.memory_space<vmem>>) target_semaphore(%run_scoped3A : memref<!tpu.dma_semaphore, #tpu.memory_space<semaphore_mem>>)
      %dma_wait3A_251 = arith.constant 0 : i32
      %dma_wait3A_252 = tpu.memref_slice %arg10[%add3A_245, %dma_wait3A_251] : memref<10240x128xf32, #tpu.memory_space<vmem_shared>> -> memref<64x128xf32, #tpu.memory_space<vmem_shared>>
      %dma_wait3A_253 = arith.constant 0 : i32
      %dma_wait3A_254 = tpu.memref_slice %arg10[%add3A_245, %dma_wait3A_253] : memref<10240x128xf32, #tpu.memory_space<vmem_shared>> -> memref<64x128xf32, #tpu.memory_space<vmem_shared>>
      tpu.wait_dma2 semaphore(%run_scoped3A : memref<!tpu.dma_semaphore, #tpu.memory_space<semaphore_mem>>) src(%dma_wait3A_254 : memref<64x128xf32, #tpu.memory_space<vmem_shared>>) dst(%arg11 : memref<64x128xf32, #tpu.memory_space<vmem>>)
      tpu.yield
    }) : () -> ()
    "tpu.region"() ({
      %run_scoped3A = tpu.sem_alloc : memref<!tpu.dma_semaphore, #tpu.memory_space<semaphore_mem>>
      %dma_start3A_247 = arith.constant 0 : i32
      %dma_start3A_248 = tpu.memref_slice %arg9[%arg0, %add3A_245, %dma_start3A_247] : memref<2x10240x128xf32, #tpu.memory_space<hbm>> -> memref<1x64x128xf32, #tpu.memory_space<hbm>>
      %dma_start3A_249 = tpu.memref_squeeze %dma_start3A_248 : memref<1x64x128xf32, #tpu.memory_space<hbm>> -> memref<64x128xf32, #tpu.memory_space<hbm>>
      %dma_start3A_250 = arith.constant 0 : i32
      %dma_start3A_251 = tpu.memref_slice %arg9[%arg0, %add3A_245, %dma_start3A_250] : memref<2x10240x128xf32, #tpu.memory_space<hbm>> -> memref<1x64x128xf32, #tpu.memory_space<hbm>>
      %dma_start3A_252 = tpu.memref_squeeze %dma_start3A_251 : memref<1x64x128xf32, #tpu.memory_space<hbm>> -> memref<64x128xf32, #tpu.memory_space<hbm>>
      tpu.enqueue_dma source(%arg11 : memref<64x128xf32, #tpu.memory_space<vmem>>) target(%dma_start3A_252 : memref<64x128xf32, #tpu.memory_space<hbm>>) target_semaphore(%run_scoped3A : memref<!tpu.dma_semaphore, #tpu.memory_space<semaphore_mem>>)
      %dma_wait3A_253 = arith.constant 0 : i32
      %dma_wait3A_254 = tpu.memref_slice %arg9[%arg0, %add3A_245, %dma_wait3A_253] : memref<2x10240x128xf32, #tpu.memory_space<hbm>> -> memref<1x64x128xf32, #tpu.memory_space<hbm>>
      %dma_wait3A_255 = tpu.memref_squeeze %dma_wait3A_254 : memref<1x64x128xf32, #tpu.memory_space<hbm>> -> memref<64x128xf32, #tpu.memory_space<hbm>>
      %dma_wait3A_256 = arith.constant 0 : i32
      %dma_wait3A_257 = tpu.memref_slice %arg9[%arg0, %add3A_245, %dma_wait3A_256] : memref<2x10240x128xf32, #tpu.memory_space<hbm>> -> memref<1x64x128xf32, #tpu.memory_space<hbm>>
      %dma_wait3A_258 = tpu.memref_squeeze %dma_wait3A_257 : memref<1x64x128xf32, #tpu.memory_space<hbm>> -> memref<64x128xf32, #tpu.memory_space<hbm>>
      tpu.wait_dma2 semaphore(%run_scoped3A : memref<!tpu.dma_semaphore, #tpu.memory_space<semaphore_mem>>) src(%arg11 : memref<64x128xf32, #tpu.memory_space<vmem>>) dst(%dma_wait3A_258 : memref<64x128xf32, #tpu.memory_space<hbm>>)
      tpu.yield
    }) : () -> ()
    %barrier3A_246 = arith.constant 0 : index
    tpu.barrier barrier_id(%barrier3A_246)
    return
  }
}

module attributes {stable_mosaic.version = 14 : i64} {
  func.func @_tc_degscale_body(%arg0: memref<32x4x10240xf32, #tpu.memory_space<vmem>>, %arg1: memref<4x10240xf32, #tpu.memory_space<vmem>>) attributes {dimension_semantics = [], scalar_prefetch = 0 : i64, scratch_operands = 0 : i64, tpu.core_type = #tpu.core_type<tc>} {
    %get3A = arith.constant 0 : index
    %get3A_0 = arith.constant 0 : index
    %get3A_1 = arith.constant 0 : index
    %get3A_2 = vector.load %arg0[%get3A, %get3A_0, %get3A_1] : memref<32x4x10240xf32, #tpu.memory_space<vmem>>, vector<32x4x10240xf32>
    %reduce_sum3A = arith.constant dense<0.000000e+00> : vector<4x10240xf32>
    %reduce_sum3A_3 = vector.multi_reduction <add>, %get3A_2, %reduce_sum3A [0] : vector<32x4x10240xf32> to vector<4x10240xf32>
    %max3A = arith.constant 1.000000e+00 : f32
    %max3A_4 = vector.broadcast %max3A : f32 to vector<4x10240xf32>
    %max3A_5 = arith.maximumf %reduce_sum3A_3, %max3A_4 : vector<4x10240xf32>
    %rsqrt3A = math.rsqrt %max3A_5 : vector<4x10240xf32>
    %swap3A = arith.constant 0 : index
    %swap3A_6 = arith.constant 0 : index
    %swap3A_7 = vector.load %arg1[%swap3A, %swap3A_6] : memref<4x10240xf32, #tpu.memory_space<vmem>>, vector<4x10240xf32>
    tpu.vector_store %arg1[%swap3A, %swap3A_6], %rsqrt3A {strides = array<i32>} : memref<4x10240xf32, #tpu.memory_space<vmem>>, vector<4x10240xf32>,
    return
  }
}

module attributes {stable_mosaic.version = 14 : i64} {
  func.func @_tc_scale_body(%arg0: i32, %arg1: memref<2000x128xf32, #tpu.memory_space<vmem>>, %arg2: memref<2000x128xf32, #tpu.memory_space<vmem>>, %arg3: memref<2000x1xf32, #tpu.memory_space<vmem>>, %arg4: memref<2000x1xf32, #tpu.memory_space<vmem>>, %arg5: memref<2000x128xf32, #tpu.memory_space<vmem>>, %arg6: memref<2000x128xf32, #tpu.memory_space<vmem>>) attributes {dimension_semantics = [#tpu.dimension_semantics<arbitrary>], iteration_bounds = array<i64: 5>, scalar_prefetch = 0 : i64, scratch_operands = 0 : i64, tpu.core_type = #tpu.core_type<tc>, window_params = [{transform_indices = @transform_0, window_bounds = array<i64: 2000, 128>}, {transform_indices = @transform_1, window_bounds = array<i64: 2000, 128>}, {transform_indices = @transform_2, window_bounds = array<i64: 2000, 1>}, {transform_indices = @transform_3, window_bounds = array<i64: 2000, 1>}, {transform_indices = @transform_4, window_bounds = array<i64: 2000, 128>}, {transform_indices = @transform_5, window_bounds = array<i64: 2000, 128>}]} {
    %get3A = arith.constant 0 : index
    %get3A_0 = arith.constant 0 : index
    %get3A_1 = vector.load %arg1[%get3A, %get3A_0] : memref<2000x128xf32, #tpu.memory_space<vmem>>, vector<2000x128xf32>
    %get3A_2 = arith.constant 0 : index
    %get3A_3 = arith.constant 0 : index
    %get3A_4 = vector.load %arg3[%get3A_2, %get3A_3] : memref<2000x1xf32, #tpu.memory_space<vmem>>, vector<2000x1xf32>
    %mul3A = vector.broadcast %get3A_4 : vector<2000x1xf32> to vector<2000x128xf32>
    %mul3A_5 = arith.mulf %get3A_1, %mul3A : vector<2000x128xf32>
    %swap3A = arith.constant 0 : index
    %swap3A_6 = arith.constant 0 : index
    %swap3A_7 = vector.load %arg5[%swap3A, %swap3A_6] : memref<2000x128xf32, #tpu.memory_space<vmem>>, vector<2000x128xf32>
    tpu.vector_store %arg5[%swap3A, %swap3A_6], %mul3A_5 {strides = array<i32>} : memref<2000x128xf32, #tpu.memory_space<vmem>>, vector<2000x128xf32>,
    %get3A_8 = arith.constant 0 : index
    %get3A_9 = arith.constant 0 : index
    %get3A_10 = vector.load %arg2[%get3A_8, %get3A_9] : memref<2000x128xf32, #tpu.memory_space<vmem>>, vector<2000x128xf32>
    %get3A_11 = arith.constant 0 : index
    %get3A_12 = arith.constant 0 : index
    %get3A_13 = vector.load %arg4[%get3A_11, %get3A_12] : memref<2000x1xf32, #tpu.memory_space<vmem>>, vector<2000x1xf32>
    %mul3A_14 = vector.broadcast %get3A_13 : vector<2000x1xf32> to vector<2000x128xf32>
    %mul3A_15 = arith.mulf %get3A_10, %mul3A_14 : vector<2000x128xf32>
    %swap3A_16 = arith.constant 0 : index
    %swap3A_17 = arith.constant 0 : index
    %swap3A_18 = vector.load %arg6[%swap3A_16, %swap3A_17] : memref<2000x128xf32, #tpu.memory_space<vmem>>, vector<2000x128xf32>
    tpu.vector_store %arg6[%swap3A_16, %swap3A_17], %mul3A_15 {strides = array<i32>} : memref<2000x128xf32, #tpu.memory_space<vmem>>, vector<2000x128xf32>,
    return
  }
  func.func @transform_0(%arg0: i32) -> (i32, i32) {
    %c0_i32 = arith.constant 0 : i32
    %c0_i32_0 = arith.constant 0 : i32
    return %arg0, %c0_i32 : i32, i32
  }
  func.func @transform_1(%arg0: i32) -> (i32, i32) {
    %c0_i32 = arith.constant 0 : i32
    %c0_i32_0 = arith.constant 0 : i32
    return %arg0, %c0_i32 : i32, i32
  }
  func.func @transform_2(%arg0: i32) -> (i32, i32) {
    %c0_i32 = arith.constant 0 : i32
    %c0_i32_0 = arith.constant 0 : i32
    return %arg0, %c0_i32 : i32, i32
  }
  func.func @transform_3(%arg0: i32) -> (i32, i32) {
    %c0_i32 = arith.constant 0 : i32
    %c0_i32_0 = arith.constant 0 : i32
    return %arg0, %c0_i32 : i32, i32
  }
  func.func @transform_4(%arg0: i32) -> (i32, i32) {
    %c0_i32 = arith.constant 0 : i32
    %c0_i32_0 = arith.constant 0 : i32
    return %arg0, %c0_i32 : i32, i32
  }
  func.func @transform_5(%arg0: i32) -> (i32, i32) {
    %c0_i32 = arith.constant 0 : i32
    %c0_i32_0 = arith.constant 0 : i32
    return %arg0, %c0_i32 : i32, i32
  }
}

module attributes {stable_mosaic.version = 14 : i64} {
  func.func @_tc_final_body(%arg0: i32, %arg1: memref<2x2000x128xf32, #tpu.memory_space<vmem>>, %arg2: memref<2x2000x128xf32, #tpu.memory_space<vmem>>, %arg3: memref<2000x128xf32, #tpu.memory_space<vmem>>, %arg4: memref<2000x128xf32, #tpu.memory_space<vmem>>, %arg5: memref<2000x1xf32, #tpu.memory_space<vmem>>, %arg6: memref<2000x1xf32, #tpu.memory_space<vmem>>, %arg7: memref<128x128xf32, #tpu.memory_space<vmem>>, %arg8: memref<128x128xf32, #tpu.memory_space<vmem>>, %arg9: memref<2000x128xf32, #tpu.memory_space<vmem>>, %arg10: memref<2000x128xf32, #tpu.memory_space<vmem>>) attributes {dimension_semantics = [#tpu.dimension_semantics<arbitrary>], iteration_bounds = array<i64: 5>, scalar_prefetch = 0 : i64, scratch_operands = 0 : i64, tpu.core_type = #tpu.core_type<tc>, window_params = [{transform_indices = @transform_0, window_bounds = array<i64: 2, 2000, 128>}, {transform_indices = @transform_1, window_bounds = array<i64: 2, 2000, 128>}, {transform_indices = @transform_2, window_bounds = array<i64: 2000, 128>}, {transform_indices = @transform_3, window_bounds = array<i64: 2000, 128>}, {transform_indices = @transform_4, window_bounds = array<i64: 2000, 1>}, {transform_indices = @transform_5, window_bounds = array<i64: 2000, 1>}, {pipeline_mode = #tpu.pipeline_mode<synchronous>, transform_indices = @transform_6, window_bounds = array<i64: 128, 128>}, {pipeline_mode = #tpu.pipeline_mode<synchronous>, transform_indices = @transform_7, window_bounds = array<i64: 128, 128>}, {transform_indices = @transform_8, window_bounds = array<i64: 2000, 128>}, {transform_indices = @transform_9, window_bounds = array<i64: 2000, 128>}]} {
    %get3A = arith.constant 0 : index
    %get3A_0 = arith.constant 0 : index
    %get3A_1 = vector.load %arg7[%get3A, %get3A_0] : memref<128x128xf32, #tpu.memory_space<vmem>>, vector<128x128xf32>
    %get3A_2 = arith.constant 0 : index
    %get3A_3 = arith.constant 0 : index
    %get3A_4 = vector.load %arg8[%get3A_2, %get3A_3] : memref<128x128xf32, #tpu.memory_space<vmem>>, vector<128x128xf32>
    %get3A_5 = arith.constant 0 : index
    %get3A_6 = arith.constant 0 : index
    %get3A_7 = vector.load %arg3[%get3A_5, %get3A_6] : memref<2000x128xf32, #tpu.memory_space<vmem>>, vector<2000x128xf32>
    %get3A_8 = arith.constant 0 : index
    %get3A_9 = arith.constant 0 : index
    %get3A_10 = arith.constant 0 : index
    %get3A_11 = vector.load %arg1[%get3A_8, %get3A_9, %get3A_10] : memref<2x2000x128xf32, #tpu.memory_space<vmem>>, vector<1x2000x128xf32>
    %get3A_12 = vector.shape_cast %get3A_11 : vector<1x2000x128xf32> to vector<2000x128xf32>
    %get3A_13 = arith.constant 1 : index
    %get3A_14 = arith.constant 0 : index
    %get3A_15 = arith.constant 0 : index
    %get3A_16 = vector.load %arg1[%get3A_13, %get3A_14, %get3A_15] : memref<2x2000x128xf32, #tpu.memory_space<vmem>>, vector<1x2000x128xf32>
    %get3A_17 = vector.shape_cast %get3A_16 : vector<1x2000x128xf32> to vector<2000x128xf32>
    %add3A = arith.addf %get3A_12, %get3A_17 : vector<2000x128xf32>
    %get3A_18 = arith.constant 0 : index
    %get3A_19 = arith.constant 0 : index
    %get3A_20 = vector.load %arg5[%get3A_18, %get3A_19] : memref<2000x1xf32, #tpu.memory_space<vmem>>, vector<2000x1xf32>
    %mul3A = vector.broadcast %get3A_20 : vector<2000x1xf32> to vector<2000x128xf32>
    %mul3A_21 = arith.mulf %add3A, %mul3A : vector<2000x128xf32>
    %add3A_22 = arith.addf %get3A_7, %mul3A_21 : vector<2000x128xf32>
    %dot_general3A = arith.constant dense<0.000000e+00> : vector<2000x128xf32>
    %dot_general3A_23 = tpu.matmul %add3A_22, %get3A_1, %dot_general3A {dimension_numbers = #tpu.dot_dimension_numbers<[1], [0], [0], [1], [0, 0, 1, 1], [], []>, transpose_lhs_hint = false} : vector<2000x128xf32>, vector<128x128xf32>, vector<2000x128xf32> -> vector<2000x128xf32>
    %mul3A_24 = arith.mulf %mul3A_21, %get3A_7 : vector<2000x128xf32>
    %dot_general3A_25 = arith.constant dense<0.000000e+00> : vector<2000x128xf32>
    %dot_general3A_26 = tpu.matmul %mul3A_24, %get3A_4, %dot_general3A_25 {dimension_numbers = #tpu.dot_dimension_numbers<[1], [0], [0], [1], [0, 0, 1, 1], [], []>, transpose_lhs_hint = false} : vector<2000x128xf32>, vector<128x128xf32>, vector<2000x128xf32> -> vector<2000x128xf32>
    %add3A_27 = arith.addf %dot_general3A_23, %dot_general3A_26 : vector<2000x128xf32>
    %mul3A_28 = arith.constant 5.000000e-01 : f32
    %mul3A_29 = vector.broadcast %mul3A_28 : f32 to vector<2000x128xf32>
    %mul3A_30 = arith.mulf %mul3A_29, %get3A_7 : vector<2000x128xf32>
    %ge3A = arith.constant 0.000000e+00 : f32
    %ge3A_31 = vector.broadcast %ge3A : f32 to vector<2000x128xf32>
    %ge3A_32 = arith.cmpf oge, %add3A_27, %ge3A_31 : vector<2000x128xf32>
    %mul3A_33 = arith.constant 0.00999999977 : f32
    %mul3A_34 = vector.broadcast %mul3A_33 : f32 to vector<2000x128xf32>
    %mul3A_35 = arith.mulf %mul3A_34, %add3A_27 : vector<2000x128xf32>
    %select_n3A = arith.select %ge3A_32, %add3A_27, %mul3A_35 : vector<2000x128xi1>, vector<2000x128xf32>
    %mul3A_36 = arith.constant 5.000000e-01 : f32
    %mul3A_37 = vector.broadcast %mul3A_36 : f32 to vector<2000x128xf32>
    %mul3A_38 = arith.mulf %mul3A_37, %select_n3A : vector<2000x128xf32>
    %add3A_39 = arith.addf %mul3A_30, %mul3A_38 : vector<2000x128xf32>
    %swap3A = arith.constant 0 : index
    %swap3A_40 = arith.constant 0 : index
    %swap3A_41 = vector.load %arg9[%swap3A, %swap3A_40] : memref<2000x128xf32, #tpu.memory_space<vmem>>, vector<2000x128xf32>
    tpu.vector_store %arg9[%swap3A, %swap3A_40], %add3A_39 {strides = array<i32>} : memref<2000x128xf32, #tpu.memory_space<vmem>>, vector<2000x128xf32>,
    %get3A_42 = arith.constant 0 : index
    %get3A_43 = arith.constant 0 : index
    %get3A_44 = vector.load %arg4[%get3A_42, %get3A_43] : memref<2000x128xf32, #tpu.memory_space<vmem>>, vector<2000x128xf32>
    %get3A_45 = arith.constant 0 : index
    %get3A_46 = arith.constant 0 : index
    %get3A_47 = arith.constant 0 : index
    %get3A_48 = vector.load %arg2[%get3A_45, %get3A_46, %get3A_47] : memref<2x2000x128xf32, #tpu.memory_space<vmem>>, vector<1x2000x128xf32>
    %get3A_49 = vector.shape_cast %get3A_48 : vector<1x2000x128xf32> to vector<2000x128xf32>
    %get3A_50 = arith.constant 1 : index
    %get3A_51 = arith.constant 0 : index
    %get3A_52 = arith.constant 0 : index
    %get3A_53 = vector.load %arg2[%get3A_50, %get3A_51, %get3A_52] : memref<2x2000x128xf32, #tpu.memory_space<vmem>>, vector<1x2000x128xf32>
    %get3A_54 = vector.shape_cast %get3A_53 : vector<1x2000x128xf32> to vector<2000x128xf32>
    %add3A_55 = arith.addf %get3A_49, %get3A_54 : vector<2000x128xf32>
    %get3A_56 = arith.constant 0 : index
    %get3A_57 = arith.constant 0 : index
    %get3A_58 = vector.load %arg6[%get3A_56, %get3A_57] : memref<2000x1xf32, #tpu.memory_space<vmem>>, vector<2000x1xf32>
    %mul3A_59 = vector.broadcast %get3A_58 : vector<2000x1xf32> to vector<2000x128xf32>
    %mul3A_60 = arith.mulf %add3A_55, %mul3A_59 : vector<2000x128xf32>
    %add3A_61 = arith.addf %get3A_44, %mul3A_60 : vector<2000x128xf32>
    %dot_general3A_62 = arith.constant dense<0.000000e+00> : vector<2000x128xf32>
    %dot_general3A_63 = tpu.matmul %add3A_61, %get3A_1, %dot_general3A_62 {dimension_numbers = #tpu.dot_dimension_numbers<[1], [0], [0], [1], [0, 0, 1, 1], [], []>, transpose_lhs_hint = false} : vector<2000x128xf32>, vector<128x128xf32>, vector<2000x128xf32> -> vector<2000x128xf32>
    %mul3A_64 = arith.mulf %mul3A_60, %get3A_44 : vector<2000x128xf32>
    %dot_general3A_65 = arith.constant dense<0.000000e+00> : vector<2000x128xf32>
    %dot_general3A_66 = tpu.matmul %mul3A_64, %get3A_4, %dot_general3A_65 {dimension_numbers = #tpu.dot_dimension_numbers<[1], [0], [0], [1], [0, 0, 1, 1], [], []>, transpose_lhs_hint = false} : vector<2000x128xf32>, vector<128x128xf32>, vector<2000x128xf32> -> vector<2000x128xf32>
    %add3A_67 = arith.addf %dot_general3A_63, %dot_general3A_66 : vector<2000x128xf32>
    %mul3A_68 = arith.constant 5.000000e-01 : f32
    %mul3A_69 = vector.broadcast %mul3A_68 : f32 to vector<2000x128xf32>
    %mul3A_70 = arith.mulf %mul3A_69, %get3A_44 : vector<2000x128xf32>
    %ge3A_71 = arith.constant 0.000000e+00 : f32
    %ge3A_72 = vector.broadcast %ge3A_71 : f32 to vector<2000x128xf32>
    %ge3A_73 = arith.cmpf oge, %add3A_67, %ge3A_72 : vector<2000x128xf32>
    %mul3A_74 = arith.constant 0.00999999977 : f32
    %mul3A_75 = vector.broadcast %mul3A_74 : f32 to vector<2000x128xf32>
    %mul3A_76 = arith.mulf %mul3A_75, %add3A_67 : vector<2000x128xf32>
    %select_n3A_77 = arith.select %ge3A_73, %add3A_67, %mul3A_76 : vector<2000x128xi1>, vector<2000x128xf32>
    %mul3A_78 = arith.constant 5.000000e-01 : f32
    %mul3A_79 = vector.broadcast %mul3A_78 : f32 to vector<2000x128xf32>
    %mul3A_80 = arith.mulf %mul3A_79, %select_n3A_77 : vector<2000x128xf32>
    %add3A_81 = arith.addf %mul3A_70, %mul3A_80 : vector<2000x128xf32>
    %swap3A_82 = arith.constant 0 : index
    %swap3A_83 = arith.constant 0 : index
    %swap3A_84 = vector.load %arg10[%swap3A_82, %swap3A_83] : memref<2000x128xf32, #tpu.memory_space<vmem>>, vector<2000x128xf32>
    tpu.vector_store %arg10[%swap3A_82, %swap3A_83], %add3A_81 {strides = array<i32>} : memref<2000x128xf32, #tpu.memory_space<vmem>>, vector<2000x128xf32>,
    return
  }
  func.func @transform_0(%arg0: i32) -> (i32, i32, i32) {
    %c0_i32 = arith.constant 0 : i32
    %c0_i32_0 = arith.constant 0 : i32
    %c0_i32_1 = arith.constant 0 : i32
    return %c0_i32, %arg0, %c0_i32_0 : i32, i32, i32
  }
  func.func @transform_1(%arg0: i32) -> (i32, i32, i32) {
    %c0_i32 = arith.constant 0 : i32
    %c0_i32_0 = arith.constant 0 : i32
    %c0_i32_1 = arith.constant 0 : i32
    return %c0_i32, %arg0, %c0_i32_0 : i32, i32, i32
  }
  func.func @transform_2(%arg0: i32) -> (i32, i32) {
    %c0_i32 = arith.constant 0 : i32
    %c0_i32_0 = arith.constant 0 : i32
    return %arg0, %c0_i32 : i32, i32
  }
  func.func @transform_3(%arg0: i32) -> (i32, i32) {
    %c0_i32 = arith.constant 0 : i32
    %c0_i32_0 = arith.constant 0 : i32
    return %arg0, %c0_i32 : i32, i32
  }
  func.func @transform_4(%arg0: i32) -> (i32, i32) {
    %c0_i32 = arith.constant 0 : i32
    %c0_i32_0 = arith.constant 0 : i32
    return %arg0, %c0_i32 : i32, i32
  }
  func.func @transform_5(%arg0: i32) -> (i32, i32) {
    %c0_i32 = arith.constant 0 : i32
    %c0_i32_0 = arith.constant 0 : i32
    return %arg0, %c0_i32 : i32, i32
  }
  func.func @transform_6(%arg0: i32) -> (i32, i32) {
    %c0_i32 = arith.constant 0 : i32
    %c0_i32_0 = arith.constant 0 : i32
    %c0_i32_1 = arith.constant 0 : i32
    return %c0_i32, %c0_i32_0 : i32, i32
  }
  func.func @transform_7(%arg0: i32) -> (i32, i32) {
    %c0_i32 = arith.constant 0 : i32
    %c0_i32_0 = arith.constant 0 : i32
    %c0_i32_1 = arith.constant 0 : i32
    return %c0_i32, %c0_i32_0 : i32, i32
  }
  func.func @transform_8(%arg0: i32) -> (i32, i32) {
    %c0_i32 = arith.constant 0 : i32
    %c0_i32_0 = arith.constant 0 : i32
    return %arg0, %c0_i32 : i32, i32
  }
  func.func @transform_9(%arg0: i32) -> (i32, i32) {
    %c0_i32 = arith.constant 0 : i32
    %c0_i32_0 = arith.constant 0 : i32
    return %arg0, %c0_i32 : i32, i32
  }
}

</mosaic_0001>

<sc_bundles>
// kernel: kernel.10.cloned.1.call-start
scs
__scs_entry_jumppad:
0x0: {  	(pc) =	sbr.rel $0x88, $3  }
0x1: {  	(tag) =	ssettag $0x0;
	lr =	simm.s32 $0x1  }
0x2: {  	[smem:$0x3F99] =	sst lr;
	_ =	strace $0xD0000000  }
0x3: {  	_ = 	snop  }
0x4: {  	_ = 	snop  }
0x5: {  	_ = 	snop  }
0x6: {  	_ = 	snop  }
0x7: {  	_ = 	snop  }
__scs_overlays_trampoline_lowered:
0x8: {  	[smem:$0x3FA8] =	sst s0  }
0x9: {  	[smem:$0x3FA9] =	sst s1  }
0xa: {  	[smem:$0x3FAA] =	sst s2  }
0xb: {  	[smem:$0x3FAB] =	sst s3  }
0xc: {  	[smem:$0x3FAC] =	sst s4  }
0xd: {  	[smem:$0x3FAD] =	sst s5  }
0xe: {  	[smem:$0x3FAE] =	sst s6  }
0xf: {  	[smem:$0x3FAF] =	sst s7  }
0x10: {  	[smem:$0x3FB0] =	sst s8  }
0x11: {  	[smem:$0x3FB1] =	sst s9;
	s0 =	simm.s32 @!p0 $0x0  }
0x12: {  	s1 =	sld [smem:$0x3F97];
	s0 =	simm.s32 @p0 $0x1  }
0x13: {  	[smem:$0x3FB2] =	sst s0;
	s0 =	simm.s32 @!p1 $0x0  }
0x14: {  	s2 =	sld [smem:$0x3F96];
	s0 =	simm.s32 @p1 $0x1  }
0x15: {  	[smem:$0x3FB3] =	sst s0;
	s0 =	simm.s32 @!p2 $0x0  }
0x16: {  	s3 =	sld [smem:$0x3FDB];
	s0 =	simm.s32 @p2 $0x1  }
0x17: {  	s4 =	simm.s32 $0x1BF5;
	[smem:$0x3FB5] =	sst s0  }
0x18: {  	s0 =	sld [smem:$0x3F98];
	_ =	swait.ge [sflag:s4], $0x0  }
0x19: {  	s7 =	sld [smem:$0x3F99]  }
0x1a: {  	s8 =	sadd.s32 $0xFFFFE003, lr  }
0x1b: {  	s9 =	sadd.s32 $0xFFFFFEF7, lr;
	s5 =	simm.s32 $0xFFFFFFFF;
	p2 =	slt.u32 s8, $0xFFFFF086  }
0x1c: {  	p1 =	slt.u32 s9, $0xF7A;
	s5 =	simm.s32 @!p2 $0x0  }
0x1d: {  	s5 =	simm.s32 @p1 $0x1;
	p0 =	seq.s32 s7, s2  }
0x1e: {  	s7 =	smul.u32 @!p0 $0xF7A, s2;
	p2 =	seq.s32 @!p0 s5, $0x0  }
0x1f: {  	s9 =	smul.u32 $0xF7A, s1;
	s8 =	simm.s32 @!p0 $0x1BF5;
	p2 =	por !p2, p0  }
0x20: {  	[sflag:s8] =	ssyncset.s32 @!p0 $0xFFFFF086;
	s6 =	sadd.s32 @!p0 s3, s7;
	s7 =	simm.s32 @!p0 $0x108  }
0x21: {  	s3 =	sadd.s32 s3, s9;
	s6 =	sadd.s32 @!p0 $0x88, s6;
	s7 =	simm.s32 @p2 $0x1082  }
0x22: {  	[simem:s7], [sflag:s8] =	dma.local @!p0 [hbm:s6], $0xF7A  }
0x23: {  	s9 =	sor.u32 $0xD0000000, s2;
	s6 =	simm.s32 $0x108;
	_ =	swait.ge @!p0 [sflag:s8], $0x0  }
0x24: {  	s3 =	sadd.s32 $0x88, s3;
	s6 =	simm.s32 @!p1 $0x1082;
	[sflag:s4] =	ssyncset.s32 $0xFFFFF086  }
0x25: {  	[simem:s6], [sflag:s4] =	dma.local [hbm:s3], $0xF7A  }
0x26: {  	[smem:$0x3F99] =	sst s1;
	(tag) =	ssettag s2;
	_ =	strace s9  }
0x27: {  	s1 =	sld [smem:$0x3FA9]  }
0x28: {  	s2 =	sld [smem:$0x3FAA]  }
0x29: {  	s4 =	sld [smem:$0x3FAC]  }
0x2a: {  	p0 =	seq.s32 s5, $0x0;
	s5 =	sld [smem:$0x3FAD]  }
0x2b: {  	s6 =	sld [smem:$0x3FAE]  }
0x2c: {  	s7 =	sld [smem:$0x3FAF]  }
0x2d: {  	s3 =	simm.s32 $0x108;
	s8 =	sld [smem:$0x3FB0]  }
0x2e: {  	s3 =	simm.s32 @!p0 $0x1082;
	s9 =	sld [smem:$0x3FB1]  }
0x2f: {  	lr =	sadd.s32 s0, s3;
	s0 =	sld [smem:$0x3FA8]  }
0x30: {  	s3 =	sld [smem:$0x3FAB]  }
0x31: {  	[smem:$0x3FB4] =	sst s10  }
0x32: {  	s10 =	sld [smem:$0x3FB2];
	_ =	sdelay $0x3  }
0x33: {  	p0 =	seq.s32 s10, $0x1;
	s10 =	sld [smem:$0x3FB4];
	_ =	sdelay $0x3  }
0x34: {  	[smem:$0x3FB4] =	sst s10  }
0x35: {  	s10 =	sld [smem:$0x3FB3];
	_ =	sdelay $0x3  }
0x36: {  	p1 =	seq.s32 s10, $0x1;
	s10 =	sld [smem:$0x3FB4];
	_ =	sdelay $0x3  }
0x37: {  	[smem:$0x3FB4] =	sst s10  }
0x38: {  	s10 =	sld [smem:$0x3FB5]  }
0x39: {  	_ = 	snop;
	(pc) =	sbr.ind lr, $3  }
0x3a: {  	_ = 	snop  }
0x3b: {  	_ = 	snop  }
0x3c: {  	p2 =	seq.s32 s10, $0x1;
	s10 =	sld [smem:$0x3FB4]  }
0x3d: {  	_ =	shalt  }
0x3e: {  	_ =	shalt  }
0x3f: {  	_ =	shalt  }
0x40: {  	_ =	shalt  }
0x41: {  	_ =	shalt  }
0x42: {  	_ =	shalt  }
0x43: {  	_ =	shalt  }
0x44: {  	_ =	shalt  }
0x45: {  	_ =	shalt  }
0x46: {  	_ =	shalt  }
0x47: {  	_ =	shalt  }
0x48: {  	_ =	shalt  }
0x49: {  	_ =	shalt  }
0x4a: {  	_ =	shalt  }
0x4b: {  	_ =	shalt  }
0x4c: {  	_ =	shalt  }
0x4d: {  	_ =	shalt  }
0x4e: {  	_ =	shalt  }
0x4f: {  	_ =	shalt  }
0x50: {  	_ =	shalt  }
0x51: {  	_ =	shalt  }
0x52: {  	_ =	shalt  }
0x53: {  	_ =	shalt  }
0x54: {  	_ =	shalt  }
0x55: {  	_ =	shalt  }
0x56: {  	_ =	shalt  }
0x57: {  	_ =	shalt  }
0x58: {  	_ =	shalt  }
0x59: {  	_ =	shalt  }
0x5a: {  	_ =	shalt  }
0x5b: {  	_ =	shalt  }
0x5c: {  	_ =	shalt  }
0x5d: {  	_ =	shalt  }
0x5e: {  	_ =	shalt  }
0x5f: {  	_ =	shalt  }
0x60: {  	_ =	shalt  }
0x61: {  	_ =	shalt  }
0x62: {  	_ =	shalt  }
0x63: {  	_ =	shalt  }
0x64: {  	_ =	shalt  }
0x65: {  	_ =	shalt  }
0x66: {  	_ =	shalt  }
0x67: {  	_ =	shalt  }
0x68: {  	_ =	shalt  }
0x69: {  	_ =	shalt  }
0x6a: {  	_ =	shalt  }
0x6b: {  	_ =	shalt  }
0x6c: {  	_ =	shalt  }
0x6d: {  	_ =	shalt  }
0x6e: {  	_ =	shalt  }
0x6f: {  	_ =	shalt  }
0x70: {  	_ =	shalt  }
0x71: {  	_ =	shalt  }
0x72: {  	_ =	shalt  }
0x73: {  	_ =	shalt  }
0x74: {  	_ =	shalt  }
0x75: {  	_ =	shalt  }
0x76: {  	_ =	shalt  }
0x77: {  	_ =	shalt  }
0x78: {  	_ =	shalt  }
0x79: {  	_ =	shalt  }
0x7a: {  	_ =	shalt  }
0x7b: {  	_ =	shalt  }
0x7c: {  	_ =	shalt  }
0x7d: {  	_ =	shalt  }
0x7e: {  	_ =	shalt  }
0x7f: {  	_ =	shalt  }
0x80: {  	_ =	shalt  }
0x81: {  	_ =	shalt  }
0x82: {  	_ =	shalt  }
0x83: {  	_ =	shalt  }
0x84: {  	_ =	shalt  }
0x85: {  	_ =	shalt  }
0x86: {  	_ =	shalt  }
0x87: {  	_ =	shalt  }
.Lfunc_end0:
.L_simem_size_0:
called_computation.1_lowered:
.L_overlay_start_0:
0x88: {  	s2 =	sld [smem:$0x3FD9]  }
0x89: {  	s3 =	sld [smem:$0x3FFE];
	_ =	sdelay $0x1  }
0x8a: {  	s1 =	srdreg.scid  }
0x8b: {  	s0 =	sand.u32 $0x1, s1  }
0x8c: {  	s14 =	sshll.u32 s0, $0xA;
	s2 =	sadd.s32 s3, s2  }
0x8d: {  	s2 =	sadd.s32 s2, s14  }
0x8e: {  	[smem:$0x3FC0] =	sst s2  }
0x8f: {  	_ = 	snop  }
0x90: {  	s2 =	sld [smem:$0x3FD0];
	_ =	sdelay $0x2  }
0x91: {  	s15 =	simm.s32 $0xA;
	s4 =	simm.s32 $0x10  }
0x92: {  	[smem:s4], [sflag:s15] =	dma.local [hbm:s2], $0x1  }
0x93: {  	_ =	swait.eq [sflag:s15], $0x1  }
0x94: {  	[sflag:s15] =	ssyncset.done $0x0  }
0x95: {  	s16 =	sld [smem:$0x10];
	[sflag:s15] =	ssyncadd.s32 $0xFFFFFFFF  }
0x96: {  	s17 =	sld [smem:$0x11];
	(tm) =	ssettm $0x1  }
0x97: {  	s18 =	sld [smem:$0x3FFB];
	_ =	sdelay $0x3  }
0x98: {  	_ =	strace s18  }
0x99: {  	s4 =	sld [smem:$0x3FFC];
	_ =	sdelay $0x3  }
0x9a: {  	_ =	strace s4  }
0x9b: {  	s4 =	sld [smem:$0x3FFD];
	_ =	sdelay $0x3  }
0x9c: {  	_ =	strace s4  }
0x9d: {  	_ =	strace $0x8FFFFFFF  }
0x9e: {  	s19 =	sld [smem:$0x3FDB];
	_ =	sdelay $0x1  }
0x9f: {  	s5 =	simm.s32 $_scs_section_size  }
0xa0: {  	s6 =	simm.s32 $_size__tile_overlayer_lowered;
	s7 =	simm.s32 $_tile_overlayer_lowered  }
0xa1: {  	s22 =	simm.s32 $0x1BFF;
	s21 =	sshll.u32 s7, $0x1;
	s4 =	sadd.s32 s5, s19  }
0xa2: {  	s8 =	simm.s32 $0x0;
	s20 =	sshll.u32 s6, $0x1;
	s6 =	sadd.s32 s21, s4  }
0xa3: {  	[timem:s8], [sflag:s22] =	dma.local [hbm:s6], s20  }
0xa4: {  	_ =	swait.ge [sflag:s22], s20  }
0xa5: {  	s5 =	ssub.s32 $0x0, s20;
	[sflag:s22] =	ssyncset.done $0x0  }
0xa6: {  	[sflag:s22] =	ssyncadd.s32 s5;
	_ =	sdelay $0x1  }
0xa7: {  	s23 =	simm.s32 $0x1B8B  }
0xa8: {  	_ =	swait.ge [sflag:s23], $0x1  }
0xa9: {  	[sflag:s23] =	ssyncset.done $0x0  }
0xaa: {  	s25 =	simm.s32 $0x1B8E;
	s24 =	sld [smem:$0x3FFE];
	[sflag:s23] =	ssyncadd.s32 $0xFFFFFFFF  }
0xab: {  	s26 =	simm.s32 $execute0_lowered;
	[smem:$0x3FD2] =	sst s25  }
0xac: {  	s6 =	sshll.u32 s26, $0x1;
	_ =	strace $0x80000049;
	[dreg:$0x1] =	wrdreg $0xFFFFFFFF  }
0xad: {  	s28 =	simm.s32 $_size_execute0_lowered;
	s4 =	sadd.s32 s4, s6;
	[dreg:$0x0] =	wrdreg $0x0  }
0xae: {  	s6 =	sshll.u32 s28, $0x1;
	[dreg:$0x2] =	wrdreg s4  }
0xaf: {  	[dreg:$0x3] =	wrdreg s6  }
0xb0: {  	[dreg:$0x4] =	wrdreg $0xC0  }
0xb1: {  	_ =	task [dreg:s8], $0x5FFFF  }
0xb2: {  	[dreg:$0x1] =	wrdreg $0xFFFFFFFF  }
0xb3: {  	[dreg:$0x0] =	wrdreg $0x60  }
0xb4: {  	[dreg:$0x2] =	wrdreg s17  }
0xb5: {  	[dreg:$0x3] =	wrdreg s16  }
0xb6: {  	[dreg:$0x4] =	wrdreg s24  }
0xb7: {  	[dreg:$0x5] =	wrdreg $0x0  }
0xb8: {  	[dreg:$0x6] =	wrdreg $0x9  }
0xb9: {  	_ =	task.clear_ibuf [dreg:s8], $0x7FFFF;
	_ =	strace $0x90000049  }
0xba: {  	s29 =	simm.s32 $0x9;
	_ =	strace $0x8000004B  }
0xbb: {  	_ =	swait.ge [sflag:s29], $0x1  }
0xbc: {  	[sflag:s29] =	ssyncadd.s32 $0xFFFFFFFF  }
0xbd: {  	_ =	strace $0x9000004B  }
0xbe: {  	_ =	sfence  }
0xbf: {  	s30 =	sld [smem:$0x0];
	_ =	sdelay $0x2  }
0xc0: {  	s31 =	sshll.u32 s1, $0xD;
	s1 =	sshrl.u32 s1, $0x2  }
0xc1: {  	s3 =	sand.u32 $0x4000, s31;
	s1 =	sadd.s32 s1, s30  }
0xc2: {  	s0 =	sor.u32 s3, s0;
	s1 =	sshll.u32 s1, $0x11  }
0xc3: {  	s0 =	sor.u32 s1, s0  }
0xc4: {  	s0 =	sadd.s32 $0x8F2B, s0  }
0xc5: {  	[sflag:s0] =	ssyncadd.remote.s32 $0x1  }
0xc6: {  	_ =	sfence.sel $0xFFFF  }
0xc7: {  	[dreg:$0x0] =	wrdreg $0xFFFFFFFF;
	(pc) =	sbr.abs _section_cstart, $3  }
0xc8: {  	[dreg:$0x1] =	wrdreg $0xFFFFFFFF  }
0xc9: {  	_ =	task.clear_ibuf [dreg:s8], $0x2FFFF;
	_ =	strace $0x9FFFFFFF  }
0xca: {  	(tm) =	ssettm $0x7FFFFFFF  }
0xcb: {  	_ =	shalt  }
tec
execute0_lowered:
.L_overlay_start_1:
0x0: {  	(tag) =	ssettag $0x1  }
0x1: {  	s0 =	srdreg.scid  }
0x2: {  	s24 =	stileid.u32;
	s1 =	sand.u32 $0x1, s0  }
0x3: {  	s0 =	rddreg [dreg:$0x2];
	s4 =	sshll.u32 s24, $0x1;
	s5 =	smul.u32 $0x14000, s24  }
0x4: {  	s2 =	ssub.s32 $0x2, s1;
	s6 =	sadd.s32 $0xB7400, s0;
	s25 =	sor.u32 s1, s4  }
0x5: {  	s26 =	smul.u32 $0x140000, s1;
	s3 =	sshrl.u32 s2, $0x1;
	s11 =	sor.u32 $0x2000, s5  }
0x6: {  	s12 =	sadd.s32 $0x4000, s5;
	s13 =	sadd.s32 $0x6000, s5;
	s14 =	sadd.s32 $0x8000, s5  }
0x7: {  	s15 =	sadd.s32 $0xA000, s5;
	s16 =	sadd.s32 $0xC000, s5;
	s17 =	sadd.s32 $0xE000, s5  }
0x8: {  	s18 =	sadd.s32 $0x10000, s5;
	s19 =	sadd.s32 $0x12000, s5;
	s10 =	ssub.s32 s2, s3  }
0x9: {  	s22 =	sadd.s32 s5, s26;
	s2 =	smul.u32 $0x2800, s25;
	s25 =	sadd.s32 s26, s11  }
0xa: {  	s7 =	sadd.s32 s26, s12;
	s8 =	sadd.s32 s26, s13;
	s9 =	sadd.s32 s26, s14  }
0xb: {  	s20 =	sadd.s32 s26, s15;
	s21 =	sadd.s32 s26, s16;
	s3 =	sadd.s32 s26, s19  }
0xc: {  	s4 =	sshrl.u32 s22, $0x3;
	s5 =	sshrl.u32 s25, $0x3;
	s7 =	sshrl.u32 s7, $0x3  }
0xd: {  	s8 =	sshrl.u32 s8, $0x3;
	s9 =	sshrl.u32 s9, $0x3;
	s23 =	sadd.s32 s6, s4  }
0xe: {  	s22 =	sadd.s32 s26, s17;
	s25 =	sadd.s32 s6, s5;
	[dreg:$0x5] =	wrdreg s23  }
0xf: {  	s23 =	sadd.s32 s26, s18;
	[dreg:$0x6] =	wrdreg s25;
	s26 =	sadd.s32 s6, s7  }
0x10: {  	s20 =	sshrl.u32 s20, $0x3;
	[dreg:$0x7] =	wrdreg s26;
	s26 =	sadd.s32 s6, s8  }
0x11: {  	s21 =	sshrl.u32 s21, $0x3;
	[dreg:$0x8] =	wrdreg s26;
	s26 =	sadd.s32 s6, s9  }
0x12: {  	s3 =	sshrl.u32 s3, $0x3;
	[dreg:$0x9] =	wrdreg s26;
	s26 =	sadd.s32 s6, s20  }
0x13: {  	s22 =	sshrl.u32 s22, $0x3;
	[dreg:$0xa] =	wrdreg s26;
	s26 =	sadd.s32 s6, s21  }
0x14: {  	s23 =	sshrl.u32 s23, $0x3;
	[dreg:$0xb] =	wrdreg s26;
	s26 =	sadd.s32 s6, s22  }
0x15: {  	[dreg:$0xc] =	wrdreg s26;
	s26 =	sadd.s32 s6, s23;
	s6 =	sadd.s32 s6, s3  }
0x16: {  	[dreg:$0xe] =	wrdreg s6;
	s6 =	sadd.s32 $0x107400, s0  }
0x17: {  	[dreg:$0xd] =	wrdreg s26;
	s4 =	sadd.s32 s6, s4  }
0x18: {  	s5 =	sadd.s32 s6, s5;
	[dreg:$0xf] =	wrdreg s4  }
0x19: {  	s7 =	sadd.s32 s6, s7;
	[dreg:$0x10] =	wrdreg s5  }
0x1a: {  	s25 =	sadd.s32 s6, s8;
	[dreg:$0x11] =	wrdreg s7  }
0x1b: {  	s28 =	simm.s32 $0x16000;
	s26 =	sadd.s32 s6, s9;
	[dreg:$0x12] =	wrdreg s25  }
0x1c: {  	s29 =	simm.s32 $0x1E080;
	s9 =	sadd.s32 s6, s22;
	[dreg:$0x13] =	wrdreg s26  }
0x1d: {  	s30 =	simm.s32 $0x1E180;
	s3 =	sadd.s32 s6, s3;
	[dreg:$0x16] =	wrdreg s9  }
0x1e: {  	s1 =	smul.u32 $0x2800, s1;
	s5 =	sadd.s32 s6, s20;
	[dreg:$0x18] =	wrdreg s3  }
0x1f: {  	s10 =	smax.u32 s10, $0x1;
	s7 =	sadd.s32 s6, s21;
	[dreg:$0x14] =	wrdreg s5  }
0x20: {  	s2 =	sshrl.u32 s2, $0x3;
	s20 =	sadd.s32 s6, s23;
	[dreg:$0x15] =	wrdreg s7  }
0x21: {  	s8 =	smul.u32 $0x5000, s24;
	s3 =	sadd.s32 $0x99400, s0;
	[dreg:$0x17] =	wrdreg s20  }
0x22: {  	s4 =	sadd.s32 $0xA3400, s0;
	s20 =	simm.s32 $0x0;
	s5 =	rddreg [dreg:$0x3]  }
0x23: {  	s9 =	sadd.s32 $0x8F400, s0;
	s21 =	sadd.s32 s3, s2;
	[smem:$0x7FF] =	sst s20  }
0x24: {  	s23 =	sor.u32 $0x10, s2;
	s22 =	sadd.s32 s4, s2;
	[dreg:$0x19] =	wrdreg s21  }
0x25: {  	s1 =	sadd.s32 s1, s8;
	s25 =	sadd.s32 s9, s2;
	[dreg:$0x1a] =	wrdreg s22  }
0x26: {  	s8 =	sadd.s32 $0xAD400, s0;
	s6 =	sadd.s32 s3, s23;
	[dreg:$0x1b] =	wrdreg s25  }
0x27: {  	s7 =	sadd.s32 s4, s23;
	s2 =	sadd.s32 s8, s2;
	[dreg:$0x1d] =	wrdreg s6  }
0x28: {  	s26 =	sor.u32 $0x180, s1;
	s1 =	sor.u32 $0x100, s1;
	[dreg:$0x1e] =	wrdreg s7  }
0x29: {  	s21 =	sadd.s32 s9, s23;
	s0 =	sadd.s32 s8, s23;
	s25 =	smul.u32 $0x50000, s24  }
0x2a: {  	s11 =	sadd.s32 s11, s5;
	s12 =	sadd.s32 s12, s5;
	[dreg:$0x1c] =	wrdreg s2  }
0x2b: {  	s24 =	sadd.s32 s16, s5;
	s19 =	sadd.s32 s19, s5;
	[dreg:$0x1f] =	wrdreg s21  }
0x2c: {  	[smem:$0x7F2] =	sst s0;
	s22 =	sshrl.u32 s26, $0x3;
	s23 =	sshrl.u32 s1, $0x3  }
0x2d: {  	s1 =	rddreg [dreg:$0x0];
	s31 =	sadd.s32 s22, s4;
	s0 =	sadd.s32 s23, s4  }
0x2e: {  	s2 =	sadd.s32 s22, s3;
	s3 =	sadd.s32 s23, s3;
	s4 =	rddreg [dreg:$0x1]  }
0x2f: {  	s6 =	sadd.s32 s22, s8;
	s7 =	sadd.s32 s22, s9;
	s8 =	sadd.s32 s23, s8  }
0x30: {  	s9 =	sadd.s32 s23, s9;
	_ =	strace $0x8000004A;
	[smem:$0x7F4] =	sst s11  }
0x31: {  	s26 =	sshrl.u32 s25, $0x2;
	[smem:$0x7F5] =	sst s12;
	s22 =	sadd.s32 s14, s5  }
0x32: {  	s23 =	sadd.s32 s15, s5;
	[smem:$0x7F9] =	sst s24;
	s25 =	sadd.s32 s17, s5  }
0x33: {  	[smem:$0x7FC] =	sst s10;
	s24 =	simm.s32 $0x1E000;
	s10 =	simm.s32 $0x1  }
0x34: {  	s11 =	simm.s32 $0x3;
	s12 =	simm.s32 $0x5;
	[smem:$0x7FD] =	sst s19  }
0x35: {  	s14 =	simm.s32 $0x4;
	s15 =	simm.s32 $0x6;
	[smem:$0x7F7] =	sst s22  }
0x36: {  	s17 =	simm.s32 $0x0;
	s21 =	sadd.s32 s26, s5;
	[smem:$0x7F8] =	sst s23  }
0x37: {  	[smem:$0x7FA] =	sst s25;
	s26 =	sadd.s32 s18, s5;
	s22 =	simm.s32 $0x14000  }
0x38: {  	s23 =	simm.s32 $0x7;
	s25 =	simm.s32 $0x1E100;
	[smem:$0x7F3] =	sst s21  }
0x39: {  	s21 =	sadd.s32 s13, s5;
	[smem:$0x7FB] =	sst s26;
	s26 =	simm.s32 $0x80  }
0x3a: {  	v0 =	vimm.f32 $0.0e+00;
	s13 =	simm.s32 $0x2;
	[smem:$0x7F6] =	sst s21;
	s21 =	simm.s32 $0x1A000  }
.LBB2_1:
0x3b: {  	s19 =	sand.u32 $0x7E00, s20  }
0x3c: {  	[smem:$0x7F1] =	sst s17;
	s18 =	sand.u32 $0x70, s20;
	s19 =	sshrl.u32 s19, $0x2  }
0x3d: {  	s17 =	simm.s32 $0x40;
	s19 =	sor.u32 s18, s19;
	s18 =	simm.s32 $0x0  }
.LBB2_2:
0x3e: {  	p0 =	sne.s32 s17, $0x7FC0  }
0x3f: {  	[tilespmem:s19+$0x14000] =	vst v0;
	s18 =	sadd.s32 $0x10, s18;
	s19 =	smov.u32 s17;
	s17 =	sadd.s32 $0x40, s17  }
.Ltmp0:
0x40: {  	(pc) =	sbr.rel @p0 .LBB2_2-.Ltmp0, $4  }
0x41: {  	_ = 	snop  }
0x42: {  	s19 =	sand.u32 $0x7E00, s19  }
0x43: {  	s16 =	sand.u32 $0x70, s18;
	s19 =	sshrl.u32 s19, $0x2  }
0x44: {  	s19 =	sor.u32 s16, s19  }
0x45: {  	s16 =	sld [smem:$0x7F3];
	_ =	sdelay $0x1  }
0x46: {  	[tilespmem:s19+$0x14000] =	vst v0  }
0x47: {  	[spmem:s16] =	stream.linear.scatter [tilespmem:s22], [sflag:$0x7], $0x2000, $0x38;
	[tilespmem:$0x1E200] =	vst v63  }
0x48: {  	_ =	swait.ge [sflag:s23], $0x2000  }
0x49: {  	s19 =	sld [smem:$0x7F4]  }
0x4a: {  	[sflag:s23] =	ssyncset.done $0x0  }
0x4b: {  	[sflag:s23] =	ssyncadd.s32 $0xFFFFE000  }
0x4c: {  	[spmem:s19] =	stream.linear.scatter [tilespmem:s22], [sflag:$0x7], $0x2000, $0x38;
	[tilespmem:$0x1E200] =	vst v63  }
0x4d: {  	_ =	swait.ge [sflag:s23], $0x2000  }
0x4e: {  	s17 =	sld [smem:$0x7F5]  }
0x4f: {  	[sflag:s23] =	ssyncset.done $0x0  }
0x50: {  	[sflag:s23] =	ssyncadd.s32 $0xFFFFE000  }
0x51: {  	[spmem:s17] =	stream.linear.scatter [tilespmem:s22], [sflag:$0x7], $0x2000, $0x38;
	[tilespmem:$0x1E200] =	vst v63  }
0x52: {  	_ =	swait.ge [sflag:s23], $0x2000  }
0x53: {  	s18 =	sld [smem:$0x7F6]  }
0x54: {  	[sflag:s23] =	ssyncset.done $0x0  }
0x55: {  	[sflag:s23] =	ssyncadd.s32 $0xFFFFE000  }
0x56: {  	[spmem:s18] =	stream.linear.scatter [tilespmem:s22], [sflag:$0x7], $0x2000, $0x38;
	[tilespmem:$0x1E200] =	vst v63  }
0x57: {  	_ =	swait.ge [sflag:s23], $0x2000  }
0x58: {  	s19 =	sld [smem:$0x7F7]  }
0x59: {  	[sflag:s23] =	ssyncset.done $0x0  }
0x5a: {  	[sflag:s23] =	ssyncadd.s32 $0xFFFFE000  }
0x5b: {  	[spmem:s19] =	stream.linear.scatter [tilespmem:s22], [sflag:$0x7], $0x2000, $0x38;
	[tilespmem:$0x1E200] =	vst v63  }
0x5c: {  	_ =	swait.ge [sflag:s23], $0x2000  }
0x5d: {  	s17 =	sld [smem:$0x7F8]  }
0x5e: {  	[sflag:s23] =	ssyncset.done $0x0  }
0x5f: {  	[sflag:s23] =	ssyncadd.s32 $0xFFFFE000  }
0x60: {  	[spmem:s17] =	stream.linear.scatter [tilespmem:s22], [sflag:$0x7], $0x2000, $0x38;
	[tilespmem:$0x1E200] =	vst v63  }
0x61: {  	_ =	swait.ge [sflag:s23], $0x2000  }
0x62: {  	s18 =	sld [smem:$0x7F9]  }
0x63: {  	[sflag:s23] =	ssyncset.done $0x0  }
0x64: {  	[sflag:s23] =	ssyncadd.s32 $0xFFFFE000  }
0x65: {  	[spmem:s18] =	stream.linear.scatter [tilespmem:s22], [sflag:$0x7], $0x2000, $0x38;
	[tilespmem:$0x1E200] =	vst v63  }
0x66: {  	_ =	swait.ge [sflag:s23], $0x2000  }
0x67: {  	s19 =	sld [smem:$0x7FA]  }
0x68: {  	[sflag:s23] =	ssyncset.done $0x0  }
0x69: {  	[sflag:s23] =	ssyncadd.s32 $0xFFFFE000  }
0x6a: {  	[spmem:s19] =	stream.linear.scatter [tilespmem:s22], [sflag:$0x7], $0x2000, $0x38;
	[tilespmem:$0x1E200] =	vst v63  }
0x6b: {  	_ =	swait.ge [sflag:s23], $0x2000  }
0x6c: {  	s17 =	sld [smem:$0x7FB]  }
0x6d: {  	[sflag:s23] =	ssyncset.done $0x0  }
0x6e: {  	[sflag:s23] =	ssyncadd.s32 $0xFFFFE000  }
0x6f: {  	[spmem:s17] =	stream.linear.scatter [tilespmem:s22], [sflag:$0x7], $0x2000, $0x38;
	[tilespmem:$0x1E200] =	vst v63  }
0x70: {  	_ =	swait.ge [sflag:s23], $0x2000  }
0x71: {  	s19 =	sld [smem:$0x7FD]  }
0x72: {  	[sflag:s23] =	ssyncset.done $0x0  }
0x73: {  	[sflag:s23] =	ssyncadd.s32 $0xFFFFE000  }
0x74: {  	[spmem:s19] =	stream.linear.scatter [tilespmem:s22], [sflag:$0x7], $0x2000, $0x38;
	[tilespmem:$0x1E200] =	vst v63  }
0x75: {  	_ =	swait.ge [sflag:s23], $0x2000  }
0x76: {  	[sflag:s23] =	ssyncset.done $0x0  }
0x77: {  	[sflag:s23] =	ssyncadd.s32 $0xFFFFE000  }
0x78: {  	[bflag:$0x0] =	sbarrier.arrive $0xFFFF  }
0x79: {  	s16 =	simm.s32 $0x0;
	s17 =	rddreg [dreg:$0x19]  }
0x7a: {  	[tilespmem:s24], [sflag:$0x7] =	stream.linear.gather [hbm4b:s17+s16], $0x80, $0x38;
	[tilespmem:$0x1E200] =	vst v63  }
0x7b: {  	_ =	swait.ge [sflag:s23], $0x80  }
0x7c: {  	[sflag:s23] =	ssyncset.done $0x0  }
0x7d: {  	s18 =	rddreg [dreg:$0x1a];
	[sflag:s23] =	ssyncadd.s32 $0xFFFFFF80  }
0x7e: {  	[tilespmem:s25], [sflag:$0x7] =	stream.linear.gather [hbm4b:s18+s16], $0x80, $0x38;
	[tilespmem:$0x1E200] =	vst v63  }
0x7f: {  	_ =	swait.ge [sflag:s23], $0x80  }
0x80: {  	[sflag:s23] =	ssyncset.done $0x0  }
0x81: {  	[sflag:s23] =	ssyncadd.s32 $0xFFFFFF80  }
0x82: {  	[tilespmem:s28], [sflag:$0x1] =	stream.indirect.gather [hbm4b:s1+s26], $0x80, s24, s26, $0xb8;
	[tilespmem:$0x1E200] =	vst v63  }
0x83: {  	s18 =	rddreg [dreg:$0x1d]  }
0x84: {  	[tilespmem:s29], [sflag:$0x7] =	stream.linear.gather [hbm4b:s18+s16], $0x80, $0x38;
	[tilespmem:$0x1E200] =	vst v63  }
0x85: {  	_ =	swait.ge [sflag:s23], $0x80  }
0x86: {  	[sflag:s23] =	ssyncset.done $0x0  }
0x87: {  	s18 =	rddreg [dreg:$0x1e];
	[sflag:s23] =	ssyncadd.s32 $0xFFFFFF80  }
0x88: {  	[tilespmem:s30], [sflag:$0x7] =	stream.linear.gather [hbm4b:s18+s16], $0x80, $0x38;
	[tilespmem:$0x1E200] =	vst v63  }
0x89: {  	_ =	swait.ge [sflag:s23], $0x80  }
0x8a: {  	[sflag:s23] =	ssyncset.done $0x0  }
0x8b: {  	[sflag:s23] =	ssyncadd.s32 $0xFFFFFF80  }
0x8c: {  	[tilespmem:s21], [sflag:$0x2] =	stream.indirect.gather [hbm4b:s1+s26], $0x80, s29, s26, $0xb8;
	[tilespmem:$0x1E200] =	vst v63  }
0x8d: {  	_ =	swait.ge [sflag:s10], $0x4000  }
0x8e: {  	[sflag:s10] =	ssyncset.done $0x0  }
0x8f: {  	s17 =	sadd.s32 $0x0, s3;
	[sflag:s10] =	ssyncadd.s32 $0xFFFFC000  }
0x90: {  	[tilespmem:s24], [sflag:$0x3] =	stream.linear.gather [hbm4b:s17+s20], $0x80, $0x38;
	[tilespmem:$0x1E200] =	vst v63  }
0x91: {  	_ = 	snop  }
0x92: {  	[spmem:s5] =	stream.indirect.scatter.add.f32 [tilespmem:s28], [sflag:$0x7], $0x80, s25, s26, $0xb8;
	[tilespmem:$0x1E200] =	vst v63  }
0x93: {  	_ =	swait.ge [sflag:s23], $0x4000  }
0x94: {  	[sflag:s23] =	ssyncset.done $0x0  }
0x95: {  	s18 =	sadd.s32 $0x0, s0;
	[sflag:s23] =	ssyncadd.s32 $0xFFFFC000  }
0x96: {  	[tilespmem:s25], [sflag:$0x5] =	stream.linear.gather [hbm4b:s18+s20], $0x80, $0x38;
	[tilespmem:$0x1E200] =	vst v63  }
0x97: {  	_ =	swait.ge [sflag:s11], $0x80  }
0x98: {  	[sflag:s11] =	ssyncset.done $0x0  }
0x99: {  	[sflag:s11] =	ssyncadd.s32 $0xFFFFFF80  }
0x9a: {  	[tilespmem:s28], [sflag:$0x1] =	stream.indirect.gather [hbm4b:s1+s26], $0x80, s24, s26, $0xb8;
	[tilespmem:$0x1E200] =	vst v63  }
0x9b: {  	_ =	swait.ge [sflag:s12], $0x80  }
0x9c: {  	[sflag:s12] =	ssyncset.done $0x0  }
0x9d: {  	[sflag:s12] =	ssyncadd.s32 $0xFFFFFF80  }
0x9e: {  	_ =	swait.ge [sflag:s13], $0x4000  }
0x9f: {  	[sflag:s13] =	ssyncset.done $0x0  }
0xa0: {  	s17 =	sadd.s32 $0x0, s2;
	[sflag:s13] =	ssyncadd.s32 $0xFFFFC000  }
0xa1: {  	[tilespmem:s29], [sflag:$0x4] =	stream.linear.gather [hbm4b:s17+s20], $0x80, $0x38;
	[tilespmem:$0x1E200] =	vst v63  }
0xa2: {  	_ = 	snop  }
0xa3: {  	[spmem:s5] =	stream.indirect.scatter.add.f32 [tilespmem:s21], [sflag:$0x7], $0x80, s30, s26, $0xb8;
	[tilespmem:$0x1E200] =	vst v63  }
0xa4: {  	_ =	swait.ge [sflag:s23], $0x4000  }
0xa5: {  	[sflag:s23] =	ssyncset.done $0x0  }
0xa6: {  	s18 =	sadd.s32 $0x0, s31;
	[sflag:s23] =	ssyncadd.s32 $0xFFFFC000  }
0xa7: {  	[tilespmem:s30], [sflag:$0x6] =	stream.linear.gather [hbm4b:s18+s20], $0x80, $0x38;
	[tilespmem:$0x1E200] =	vst v63  }
0xa8: {  	_ =	swait.ge [sflag:s14], $0x80  }
0xa9: {  	[sflag:s14] =	ssyncset.done $0x0  }
0xaa: {  	[sflag:s14] =	ssyncadd.s32 $0xFFFFFF80  }
0xab: {  	[tilespmem:s21], [sflag:$0x2] =	stream.indirect.gather [hbm4b:s1+s26], $0x80, s29, s26, $0xb8;
	[tilespmem:$0x1E200] =	vst v63  }
0xac: {  	_ =	swait.ge [sflag:s15], $0x80  }
0xad: {  	s17 =	simm.s32 $0x20;
	[sflag:s15] =	ssyncset.done $0x0  }
.LBB2_4:
0xae: {  	p0 =	sne.s32 s17, $0x4C0  }
0xaf: {  	[sflag:s15] =	ssyncadd.s32 $0xFFFFFF80;
	s16 =	smov.u32 s17;
	s17 =	sadd.s32 $0x20, s17  }
0xb0: {  	_ =	swait.ge [sflag:s10], $0x4000  }
0xb1: {  	[sflag:s10] =	ssyncset.done $0x0  }
0xb2: {  	s18 =	sadd.s32 s16, s3;
	[sflag:s10] =	ssyncadd.s32 $0xFFFFC000  }
0xb3: {  	[tilespmem:s24], [sflag:$0x3] =	stream.linear.gather [hbm4b:s18+s20], $0x80, $0x38;
	[tilespmem:$0x1E200] =	vst v63  }
0xb4: {  	_ = 	snop  }
0xb5: {  	[spmem:s5] =	stream.indirect.scatter.add.f32 [tilespmem:s28], [sflag:$0x7], $0x80, s25, s26, $0xb8;
	[tilespmem:$0x1E200] =	vst v63  }
0xb6: {  	_ =	swait.ge [sflag:s23], $0x4000  }
0xb7: {  	[sflag:s23] =	ssyncset.done $0x0  }
0xb8: {  	s18 =	sadd.s32 s16, s0;
	[sflag:s23] =	ssyncadd.s32 $0xFFFFC000  }
0xb9: {  	[tilespmem:s25], [sflag:$0x5] =	stream.linear.gather [hbm4b:s18+s20], $0x80, $0x38;
	[tilespmem:$0x1E200] =	vst v63  }
0xba: {  	_ =	swait.ge [sflag:s11], $0x80  }
0xbb: {  	[sflag:s11] =	ssyncset.done $0x0  }
0xbc: {  	[sflag:s11] =	ssyncadd.s32 $0xFFFFFF80  }
0xbd: {  	[tilespmem:s28], [sflag:$0x1] =	stream.indirect.gather [hbm4b:s1+s26], $0x80, s24, s26, $0xb8;
	[tilespmem:$0x1E200] =	vst v63  }
0xbe: {  	_ =	swait.ge [sflag:s12], $0x80  }
0xbf: {  	[sflag:s12] =	ssyncset.done $0x0  }
0xc0: {  	[sflag:s12] =	ssyncadd.s32 $0xFFFFFF80  }
0xc1: {  	_ =	swait.ge [sflag:s13], $0x4000  }
0xc2: {  	[sflag:s13] =	ssyncset.done $0x0  }
0xc3: {  	s18 =	sadd.s32 s16, s2;
	[sflag:s13] =	ssyncadd.s32 $0xFFFFC000  }
0xc4: {  	[tilespmem:s29], [sflag:$0x4] =	stream.linear.gather [hbm4b:s18+s20], $0x80, $0x38;
	[tilespmem:$0x1E200] =	vst v63  }
0xc5: {  	_ = 	snop  }
0xc6: {  	[spmem:s5] =	stream.indirect.scatter.add.f32 [tilespmem:s21], [sflag:$0x7], $0x80, s30, s26, $0xb8;
	[tilespmem:$0x1E200] =	vst v63  }
0xc7: {  	_ =	swait.ge [sflag:s23], $0x4000  }
0xc8: {  	[sflag:s23] =	ssyncset.done $0x0  }
0xc9: {  	s16 =	sadd.s32 s16, s31;
	[sflag:s23] =	ssyncadd.s32 $0xFFFFC000  }
0xca: {  	[tilespmem:s30], [sflag:$0x6] =	stream.linear.gather [hbm4b:s16+s20], $0x80, $0x38;
	[tilespmem:$0x1E200] =	vst v63  }
0xcb: {  	_ =	swait.ge [sflag:s14], $0x80  }
.Ltmp1:
0xcc: {  	[sflag:s14] =	ssyncset.done $0x0;
	(pc) =	sbr.rel @p0 .LBB2_4-.Ltmp1, $4  }
0xcd: {  	[sflag:s14] =	ssyncadd.s32 $0xFFFFFF80  }
0xce: {  	[tilespmem:s21], [sflag:$0x2] =	stream.indirect.gather [hbm4b:s1+s26], $0x80, s29, s26, $0xb8;
	[tilespmem:$0x1E200] =	vst v63  }
0xcf: {  	_ =	swait.ge [sflag:s15], $0x80  }
0xd0: {  	[sflag:s15] =	ssyncset.done $0x0  }
0xd1: {  	[sflag:s15] =	ssyncadd.s32 $0xFFFFFF80  }
0xd2: {  	_ =	swait.ge [sflag:s10], $0x4000  }
0xd3: {  	[sflag:s10] =	ssyncset.done $0x0  }
0xd4: {  	[sflag:s10] =	ssyncadd.s32 $0xFFFFC000  }
0xd5: {  	[spmem:s5] =	stream.indirect.scatter.add.f32 [tilespmem:s28], [sflag:$0x7], $0x80, s25, s26, $0xb8;
	[tilespmem:$0x1E200] =	vst v63  }
0xd6: {  	_ =	swait.ge [sflag:s23], $0x4000  }
0xd7: {  	[sflag:s23] =	ssyncset.done $0x0  }
0xd8: {  	[sflag:s23] =	ssyncadd.s32 $0xFFFFC000  }
0xd9: {  	_ =	swait.ge [sflag:s13], $0x4000  }
0xda: {  	[sflag:s13] =	ssyncset.done $0x0  }
0xdb: {  	[sflag:s13] =	ssyncadd.s32 $0xFFFFC000  }
0xdc: {  	[spmem:s5] =	stream.indirect.scatter.add.f32 [tilespmem:s21], [sflag:$0x7], $0x80, s30, s26, $0xb8;
	[tilespmem:$0x1E200] =	vst v63  }
0xdd: {  	_ =	swait.ge [sflag:s23], $0x4000  }
0xde: {  	[sflag:s23] =	ssyncset.done $0x0  }
0xdf: {  	[sflag:s23] =	ssyncadd.s32 $0xFFFFC000  }
0xe0: {  	[bflag:$0x0] =	sbarrier.arrive $0xFFFF  }
0xe1: {  	s16 =	sld [smem:$0x7F3];
	_ =	sdelay $0x2  }
0xe2: {  	[tilespmem:s22], [sflag:$0x7] =	stream.linear.gather [spmem:s16], $0x2000, $0x38;
	[tilespmem:$0x1E200] =	vst v63  }
0xe3: {  	_ =	swait.ge [sflag:s23], $0x2000  }
0xe4: {  	[sflag:s23] =	ssyncset.done $0x0  }
0xe5: {  	s17 =	simm.s32 $0x0;
	s18 =	rddreg [dreg:$0x5];
	[sflag:s23] =	ssyncadd.s32 $0xFFFFE000  }
0xe6: {  	[hbm4b:s18+s17] =	stream.linear.scatter [tilespmem:s22], [sflag:$0x7], $0x2000, $0x38;
	[tilespmem:$0x1E200] =	vst v63  }
0xe7: {  	_ =	swait.ge [sflag:s23], $0x2000  }
0xe8: {  	s18 =	sld [smem:$0x7F4]  }
0xe9: {  	[sflag:s23] =	ssyncset.done $0x0  }
0xea: {  	[sflag:s23] =	ssyncadd.s32 $0xFFFFE000  }
0xeb: {  	[tilespmem:s22], [sflag:$0x7] =	stream.linear.gather [spmem:s18], $0x2000, $0x38;
	[tilespmem:$0x1E200] =	vst v63  }
0xec: {  	_ =	swait.ge [sflag:s23], $0x2000  }
0xed: {  	[sflag:s23] =	ssyncset.done $0x0  }
0xee: {  	s18 =	rddreg [dreg:$0x6];
	[sflag:s23] =	ssyncadd.s32 $0xFFFFE000  }
0xef: {  	[hbm4b:s18+s17] =	stream.linear.scatter [tilespmem:s22], [sflag:$0x7], $0x2000, $0x38;
	[tilespmem:$0x1E200] =	vst v63  }
0xf0: {  	_ =	swait.ge [sflag:s23], $0x2000  }
0xf1: {  	s18 =	sld [smem:$0x7F5]  }
0xf2: {  	[sflag:s23] =	ssyncset.done $0x0  }
0xf3: {  	[sflag:s23] =	ssyncadd.s32 $0xFFFFE000  }
0xf4: {  	[tilespmem:s22], [sflag:$0x7] =	stream.linear.gather [spmem:s18], $0x2000, $0x38;
	[tilespmem:$0x1E200] =	vst v63  }
0xf5: {  	_ =	swait.ge [sflag:s23], $0x2000  }
0xf6: {  	[sflag:s23] =	ssyncset.done $0x0  }
0xf7: {  	s18 =	rddreg [dreg:$0x7];
	[sflag:s23] =	ssyncadd.s32 $0xFFFFE000  }
0xf8: {  	[hbm4b:s18+s17] =	stream.linear.scatter [tilespmem:s22], [sflag:$0x7], $0x2000, $0x38;
	[tilespmem:$0x1E200] =	vst v63  }
0xf9: {  	_ =	swait.ge [sflag:s23], $0x2000  }
0xfa: {  	s18 =	sld [smem:$0x7F6]  }
0xfb: {  	[sflag:s23] =	ssyncset.done $0x0  }
0xfc: {  	[sflag:s23] =	ssyncadd.s32 $0xFFFFE000  }
0xfd: {  	[tilespmem:s22], [sflag:$0x7] =	stream.linear.gather [spmem:s18], $0x2000, $0x38;
	[tilespmem:$0x1E200] =	vst v63  }
0xfe: {  	_ =	swait.ge [sflag:s23], $0x2000  }
0xff: {  	[sflag:s23] =	ssyncset.done $0x0  }
0x100: {  	s18 =	rddreg [dreg:$0x8];
	[sflag:s23] =	ssyncadd.s32 $0xFFFFE000  }
0x101: {  	[hbm4b:s18+s17] =	stream.linear.scatter [tilespmem:s22], [sflag:$0x7], $0x2000, $0x38;
	[tilespmem:$0x1E200] =	vst v63  }
0x102: {  	_ =	swait.ge [sflag:s23], $0x2000  }
0x103: {  	s18 =	sld [smem:$0x7F7]  }
0x104: {  	[sflag:s23] =	ssyncset.done $0x0  }
0x105: {  	[sflag:s23] =	ssyncadd.s32 $0xFFFFE000  }
0x106: {  	[tilespmem:s22], [sflag:$0x7] =	stream.linear.gather [spmem:s18], $0x2000, $0x38;
	[tilespmem:$0x1E200] =	vst v63  }
0x107: {  	_ =	swait.ge [sflag:s23], $0x2000  }
0x108: {  	[sflag:s23] =	ssyncset.done $0x0  }
0x109: {  	s18 =	rddreg [dreg:$0x9];
	[sflag:s23] =	ssyncadd.s32 $0xFFFFE000  }
0x10a: {  	[hbm4b:s18+s17] =	stream.linear.scatter [tilespmem:s22], [sflag:$0x7], $0x2000, $0x38;
	[tilespmem:$0x1E200] =	vst v63  }
0x10b: {  	_ =	swait.ge [sflag:s23], $0x2000  }
0x10c: {  	s18 =	sld [smem:$0x7F8]  }
0x10d: {  	[sflag:s23] =	ssyncset.done $0x0  }
0x10e: {  	[sflag:s23] =	ssyncadd.s32 $0xFFFFE000  }
0x10f: {  	[tilespmem:s22], [sflag:$0x7] =	stream.linear.gather [spmem:s18], $0x2000, $0x38;
	[tilespmem:$0x1E200] =	vst v63  }
0x110: {  	_ =	swait.ge [sflag:s23], $0x2000  }
0x111: {  	[sflag:s23] =	ssyncset.done $0x0  }
0x112: {  	s18 =	rddreg [dreg:$0xa];
	[sflag:s23] =	ssyncadd.s32 $0xFFFFE000  }
0x113: {  	[hbm4b:s18+s17] =	stream.linear.scatter [tilespmem:s22], [sflag:$0x7], $0x2000, $0x38;
	[tilespmem:$0x1E200] =	vst v63  }
0x114: {  	_ =	swait.ge [sflag:s23], $0x2000  }
0x115: {  	s18 =	sld [smem:$0x7F9]  }
0x116: {  	[sflag:s23] =	ssyncset.done $0x0  }
0x117: {  	[sflag:s23] =	ssyncadd.s32 $0xFFFFE000  }
0x118: {  	[tilespmem:s22], [sflag:$0x7] =	stream.linear.gather [spmem:s18], $0x2000, $0x38;
	[tilespmem:$0x1E200] =	vst v63  }
0x119: {  	_ =	swait.ge [sflag:s23], $0x2000  }
0x11a: {  	[sflag:s23] =	ssyncset.done $0x0  }
0x11b: {  	s18 =	rddreg [dreg:$0xb];
	[sflag:s23] =	ssyncadd.s32 $0xFFFFE000  }
0x11c: {  	[hbm4b:s18+s17] =	stream.linear.scatter [tilespmem:s22], [sflag:$0x7], $0x2000, $0x38;
	[tilespmem:$0x1E200] =	vst v63  }
0x11d: {  	_ =	swait.ge [sflag:s23], $0x2000  }
0x11e: {  	s18 =	sld [smem:$0x7FA]  }
0x11f: {  	[sflag:s23] =	ssyncset.done $0x0  }
0x120: {  	[sflag:s23] =	ssyncadd.s32 $0xFFFFE000  }
0x121: {  	[tilespmem:s22], [sflag:$0x7] =	stream.linear.gather [spmem:s18], $0x2000, $0x38;
	[tilespmem:$0x1E200] =	vst v63  }
0x122: {  	_ =	swait.ge [sflag:s23], $0x2000  }
0x123: {  	[sflag:s23] =	ssyncset.done $0x0  }
0x124: {  	s18 =	rddreg [dreg:$0xc];
	[sflag:s23] =	ssyncadd.s32 $0xFFFFE000  }
0x125: {  	[hbm4b:s18+s17] =	stream.linear.scatter [tilespmem:s22], [sflag:$0x7], $0x2000, $0x38;
	[tilespmem:$0x1E200] =	vst v63  }
0x126: {  	_ =	swait.ge [sflag:s23], $0x2000  }
0x127: {  	s18 =	sld [smem:$0x7FB]  }
0x128: {  	[sflag:s23] =	ssyncset.done $0x0  }
0x129: {  	[sflag:s23] =	ssyncadd.s32 $0xFFFFE000  }
0x12a: {  	[tilespmem:s22], [sflag:$0x7] =	stream.linear.gather [spmem:s18], $0x2000, $0x38;
	[tilespmem:$0x1E200] =	vst v63  }
0x12b: {  	_ =	swait.ge [sflag:s23], $0x2000  }
0x12c: {  	[sflag:s23] =	ssyncset.done $0x0  }
0x12d: {  	s18 =	rddreg [dreg:$0xd];
	[sflag:s23] =	ssyncadd.s32 $0xFFFFE000  }
0x12e: {  	[hbm4b:s18+s17] =	stream.linear.scatter [tilespmem:s22], [sflag:$0x7], $0x2000, $0x38;
	[tilespmem:$0x1E200] =	vst v63  }
0x12f: {  	_ =	swait.ge [sflag:s23], $0x2000  }
0x130: {  	[sflag:s23] =	ssyncset.done $0x0  }
0x131: {  	[sflag:s23] =	ssyncadd.s32 $0xFFFFE000  }
0x132: {  	[tilespmem:s22], [sflag:$0x7] =	stream.linear.gather [spmem:s19], $0x2000, $0x38;
	[tilespmem:$0x1E200] =	vst v63  }
0x133: {  	_ =	swait.ge [sflag:s23], $0x2000  }
0x134: {  	[sflag:s23] =	ssyncset.done $0x0  }
0x135: {  	s18 =	rddreg [dreg:$0xe];
	[sflag:s23] =	ssyncadd.s32 $0xFFFFE000  }
0x136: {  	[hbm4b:s18+s17] =	stream.linear.scatter [tilespmem:s22], [sflag:$0x7], $0x2000, $0x38;
	[tilespmem:$0x1E200] =	vst v63  }
0x137: {  	_ =	swait.ge [sflag:s23], $0x2000  }
0x138: {  	s19 =	sand.u32 $0x7E00, s17;
	[sflag:s23] =	ssyncset.done $0x0  }
0x139: {  	s16 =	sshrl.u32 s19, $0x2;
	s18 =	sand.u32 $0x70, s17;
	[sflag:s23] =	ssyncadd.s32 $0xFFFFE000  }
0x13a: {  	s19 =	sor.u32 s18, s16;
	s18 =	simm.s32 $0x40;
	[bflag:$0x0] =	sbarrier.arrive $0xFFFF  }
.LBB2_6:
0x13b: {  	p0 =	sne.s32 s18, $0x7FC0  }
0x13c: {  	[tilespmem:s19+$0x14000] =	vst v0;
	s17 =	sadd.s32 $0x10, s17;
	s16 =	smov.u32 s18;
	s18 =	sadd.s32 $0x40, s18  }
.Ltmp2:
0x13d: {  	(pc) =	sbr.rel @p0 .LBB2_6-.Ltmp2, $4  }
0x13e: {  	_ = 	snop  }
0x13f: {  	s16 =	sand.u32 $0x7E00, s16  }
0x140: {  	s19 =	sand.u32 $0x70, s17;
	s16 =	sshrl.u32 s16, $0x2  }
0x141: {  	s19 =	sor.u32 s19, s16  }
0x142: {  	s16 =	sld [smem:$0x7F3];
	_ =	sdelay $0x1  }
0x143: {  	[tilespmem:s19+$0x14000] =	vst v0  }
0x144: {  	[spmem:s16] =	stream.linear.scatter [tilespmem:s22], [sflag:$0x7], $0x2000, $0x38;
	[tilespmem:$0x1E200] =	vst v63  }
0x145: {  	_ =	swait.ge [sflag:s23], $0x2000  }
0x146: {  	s19 =	sld [smem:$0x7F4]  }
0x147: {  	[sflag:s23] =	ssyncset.done $0x0  }
0x148: {  	[sflag:s23] =	ssyncadd.s32 $0xFFFFE000  }
0x149: {  	[spmem:s19] =	stream.linear.scatter [tilespmem:s22], [sflag:$0x7], $0x2000, $0x38;
	[tilespmem:$0x1E200] =	vst v63  }
0x14a: {  	_ =	swait.ge [sflag:s23], $0x2000  }
0x14b: {  	s17 =	sld [smem:$0x7F5]  }
0x14c: {  	[sflag:s23] =	ssyncset.done $0x0  }
0x14d: {  	[sflag:s23] =	ssyncadd.s32 $0xFFFFE000  }
0x14e: {  	[spmem:s17] =	stream.linear.scatter [tilespmem:s22], [sflag:$0x7], $0x2000, $0x38;
	[tilespmem:$0x1E200] =	vst v63  }
0x14f: {  	_ =	swait.ge [sflag:s23], $0x2000  }
0x150: {  	s18 =	sld [smem:$0x7F6]  }
0x151: {  	[sflag:s23] =	ssyncset.done $0x0  }
0x152: {  	[sflag:s23] =	ssyncadd.s32 $0xFFFFE000  }
0x153: {  	[spmem:s18] =	stream.linear.scatter [tilespmem:s22], [sflag:$0x7], $0x2000, $0x38;
	[tilespmem:$0x1E200] =	vst v63  }
0x154: {  	_ =	swait.ge [sflag:s23], $0x2000  }
0x155: {  	s19 =	sld [smem:$0x7F7]  }
0x156: {  	[sflag:s23] =	ssyncset.done $0x0  }
0x157: {  	[sflag:s23] =	ssyncadd.s32 $0xFFFFE000  }
0x158: {  	[spmem:s19] =	stream.linear.scatter [tilespmem:s22], [sflag:$0x7], $0x2000, $0x38;
	[tilespmem:$0x1E200] =	vst v63  }
0x159: {  	_ =	swait.ge [sflag:s23], $0x2000  }
0x15a: {  	s17 =	sld [smem:$0x7F8]  }
0x15b: {  	[sflag:s23] =	ssyncset.done $0x0  }
0x15c: {  	[sflag:s23] =	ssyncadd.s32 $0xFFFFE000  }
0x15d: {  	[spmem:s17] =	stream.linear.scatter [tilespmem:s22], [sflag:$0x7], $0x2000, $0x38;
	[tilespmem:$0x1E200] =	vst v63  }
0x15e: {  	_ =	swait.ge [sflag:s23], $0x2000  }
0x15f: {  	s18 =	sld [smem:$0x7F9]  }
0x160: {  	[sflag:s23] =	ssyncset.done $0x0  }
0x161: {  	[sflag:s23] =	ssyncadd.s32 $0xFFFFE000  }
0x162: {  	[spmem:s18] =	stream.linear.scatter [tilespmem:s22], [sflag:$0x7], $0x2000, $0x38;
	[tilespmem:$0x1E200] =	vst v63  }
0x163: {  	_ =	swait.ge [sflag:s23], $0x2000  }
0x164: {  	s19 =	sld [smem:$0x7FA]  }
0x165: {  	[sflag:s23] =	ssyncset.done $0x0  }
0x166: {  	[sflag:s23] =	ssyncadd.s32 $0xFFFFE000  }
0x167: {  	[spmem:s19] =	stream.linear.scatter [tilespmem:s22], [sflag:$0x7], $0x2000, $0x38;
	[tilespmem:$0x1E200] =	vst v63  }
0x168: {  	_ =	swait.ge [sflag:s23], $0x2000  }
0x169: {  	s17 =	sld [smem:$0x7FB]  }
0x16a: {  	[sflag:s23] =	ssyncset.done $0x0  }
0x16b: {  	[sflag:s23] =	ssyncadd.s32 $0xFFFFE000  }
0x16c: {  	[spmem:s17] =	stream.linear.scatter [tilespmem:s22], [sflag:$0x7], $0x2000, $0x38;
	[tilespmem:$0x1E200] =	vst v63  }
0x16d: {  	_ =	swait.ge [sflag:s23], $0x2000  }
0x16e: {  	s19 =	sld [smem:$0x7FD]  }
0x16f: {  	[sflag:s23] =	ssyncset.done $0x0  }
0x170: {  	[sflag:s23] =	ssyncadd.s32 $0xFFFFE000  }
0x171: {  	[spmem:s19] =	stream.linear.scatter [tilespmem:s22], [sflag:$0x7], $0x2000, $0x38;
	[tilespmem:$0x1E200] =	vst v63  }
0x172: {  	_ =	swait.ge [sflag:s23], $0x2000  }
0x173: {  	[sflag:s23] =	ssyncset.done $0x0  }
0x174: {  	[sflag:s23] =	ssyncadd.s32 $0xFFFFE000  }
0x175: {  	[bflag:$0x0] =	sbarrier.arrive $0xFFFF  }
0x176: {  	s16 =	simm.s32 $0x0;
	s17 =	rddreg [dreg:$0x1b]  }
0x177: {  	[tilespmem:s24], [sflag:$0x7] =	stream.linear.gather [hbm4b:s17+s16], $0x80, $0x38;
	[tilespmem:$0x1E200] =	vst v63  }
0x178: {  	_ =	swait.ge [sflag:s23], $0x80  }
0x179: {  	[sflag:s23] =	ssyncset.done $0x0  }
0x17a: {  	s18 =	rddreg [dreg:$0x1c];
	[sflag:s23] =	ssyncadd.s32 $0xFFFFFF80  }
0x17b: {  	[tilespmem:s25], [sflag:$0x7] =	stream.linear.gather [hbm4b:s18+s16], $0x80, $0x38;
	[tilespmem:$0x1E200] =	vst v63  }
0x17c: {  	_ =	swait.ge [sflag:s23], $0x80  }
0x17d: {  	[sflag:s23] =	ssyncset.done $0x0  }
0x17e: {  	[sflag:s23] =	ssyncadd.s32 $0xFFFFFF80  }
0x17f: {  	[tilespmem:s28], [sflag:$0x1] =	stream.indirect.gather [hbm4b:s4+s26], $0x80, s24, s26, $0xb8;
	[tilespmem:$0x1E200] =	vst v63  }
0x180: {  	s18 =	rddreg [dreg:$0x1f]  }
0x181: {  	[tilespmem:s29], [sflag:$0x7] =	stream.linear.gather [hbm4b:s18+s16], $0x80, $0x38;
	[tilespmem:$0x1E200] =	vst v63  }
0x182: {  	_ =	swait.ge [sflag:s23], $0x80  }
0x183: {  	s18 =	sld [smem:$0x7F2]  }
0x184: {  	[sflag:s23] =	ssyncset.done $0x0  }
0x185: {  	[sflag:s23] =	ssyncadd.s32 $0xFFFFFF80  }
0x186: {  	[tilespmem:s30], [sflag:$0x7] =	stream.linear.gather [hbm4b:s18+s16], $0x80, $0x38;
	[tilespmem:$0x1E200] =	vst v63  }
0x187: {  	_ =	swait.ge [sflag:s23], $0x80  }
0x188: {  	[sflag:s23] =	ssyncset.done $0x0  }
0x189: {  	[sflag:s23] =	ssyncadd.s32 $0xFFFFFF80  }
0x18a: {  	[tilespmem:s21], [sflag:$0x2] =	stream.indirect.gather [hbm4b:s4+s26], $0x80, s29, s26, $0xb8;
	[tilespmem:$0x1E200] =	vst v63  }
0x18b: {  	_ =	swait.ge [sflag:s10], $0x4000  }
0x18c: {  	[sflag:s10] =	ssyncset.done $0x0  }
0x18d: {  	s17 =	sadd.s32 $0x0, s9;
	[sflag:s10] =	ssyncadd.s32 $0xFFFFC000  }
0x18e: {  	[tilespmem:s24], [sflag:$0x3] =	stream.linear.gather [hbm4b:s17+s20], $0x80, $0x38;
	[tilespmem:$0x1E200] =	vst v63  }
0x18f: {  	_ = 	snop  }
0x190: {  	[spmem:s5] =	stream.indirect.scatter.add.f32 [tilespmem:s28], [sflag:$0x7], $0x80, s25, s26, $0xb8;
	[tilespmem:$0x1E200] =	vst v63  }
0x191: {  	_ =	swait.ge [sflag:s23], $0x4000  }
0x192: {  	[sflag:s23] =	ssyncset.done $0x0  }
0x193: {  	s18 =	sadd.s32 $0x0, s8;
	[sflag:s23] =	ssyncadd.s32 $0xFFFFC000  }
0x194: {  	[tilespmem:s25], [sflag:$0x5] =	stream.linear.gather [hbm4b:s18+s20], $0x80, $0x38;
	[tilespmem:$0x1E200] =	vst v63  }
0x195: {  	_ =	swait.ge [sflag:s11], $0x80  }
0x196: {  	[sflag:s11] =	ssyncset.done $0x0  }
0x197: {  	[sflag:s11] =	ssyncadd.s32 $0xFFFFFF80  }
0x198: {  	[tilespmem:s28], [sflag:$0x1] =	stream.indirect.gather [hbm4b:s4+s26], $0x80, s24, s26, $0xb8;
	[tilespmem:$0x1E200] =	vst v63  }
0x199: {  	_ =	swait.ge [sflag:s12], $0x80  }
0x19a: {  	[sflag:s12] =	ssyncset.done $0x0  }
0x19b: {  	[sflag:s12] =	ssyncadd.s32 $0xFFFFFF80  }
0x19c: {  	_ =	swait.ge [sflag:s13], $0x4000  }
0x19d: {  	[sflag:s13] =	ssyncset.done $0x0  }
0x19e: {  	s17 =	sadd.s32 $0x0, s7;
	[sflag:s13] =	ssyncadd.s32 $0xFFFFC000  }
0x19f: {  	[tilespmem:s29], [sflag:$0x4] =	stream.linear.gather [hbm4b:s17+s20], $0x80, $0x38;
	[tilespmem:$0x1E200] =	vst v63  }
0x1a0: {  	_ = 	snop  }
0x1a1: {  	[spmem:s5] =	stream.indirect.scatter.add.f32 [tilespmem:s21], [sflag:$0x7], $0x80, s30, s26, $0xb8;
	[tilespmem:$0x1E200] =	vst v63  }
0x1a2: {  	_ =	swait.ge [sflag:s23], $0x4000  }
0x1a3: {  	[sflag:s23] =	ssyncset.done $0x0  }
0x1a4: {  	s18 =	sadd.s32 $0x0, s6;
	[sflag:s23] =	ssyncadd.s32 $0xFFFFC000  }
0x1a5: {  	[tilespmem:s30], [sflag:$0x6] =	stream.linear.gather [hbm4b:s18+s20], $0x80, $0x38;
	[tilespmem:$0x1E200] =	vst v63  }
0x1a6: {  	_ =	swait.ge [sflag:s14], $0x80  }
0x1a7: {  	[sflag:s14] =	ssyncset.done $0x0  }
0x1a8: {  	[sflag:s14] =	ssyncadd.s32 $0xFFFFFF80  }
0x1a9: {  	[tilespmem:s21], [sflag:$0x2] =	stream.indirect.gather [hbm4b:s4+s26], $0x80, s29, s26, $0xb8;
	[tilespmem:$0x1E200] =	vst v63  }
0x1aa: {  	_ =	swait.ge [sflag:s15], $0x80  }
0x1ab: {  	s17 =	simm.s32 $0x20;
	[sflag:s15] =	ssyncset.done $0x0  }
.LBB2_8:
0x1ac: {  	p0 =	sne.s32 s17, $0x4C0  }
0x1ad: {  	[sflag:s15] =	ssyncadd.s32 $0xFFFFFF80;
	s16 =	smov.u32 s17;
	s17 =	sadd.s32 $0x20, s17  }
0x1ae: {  	_ =	swait.ge [sflag:s10], $0x4000  }
0x1af: {  	[sflag:s10] =	ssyncset.done $0x0  }
0x1b0: {  	s18 =	sadd.s32 s16, s9;
	[sflag:s10] =	ssyncadd.s32 $0xFFFFC000  }
0x1b1: {  	[tilespmem:s24], [sflag:$0x3] =	stream.linear.gather [hbm4b:s18+s20], $0x80, $0x38;
	[tilespmem:$0x1E200] =	vst v63  }
0x1b2: {  	_ = 	snop  }
0x1b3: {  	[spmem:s5] =	stream.indirect.scatter.add.f32 [tilespmem:s28], [sflag:$0x7], $0x80, s25, s26, $0xb8;
	[tilespmem:$0x1E200] =	vst v63  }
0x1b4: {  	_ =	swait.ge [sflag:s23], $0x4000  }
0x1b5: {  	[sflag:s23] =	ssyncset.done $0x0  }
0x1b6: {  	s18 =	sadd.s32 s16, s8;
	[sflag:s23] =	ssyncadd.s32 $0xFFFFC000  }
0x1b7: {  	[tilespmem:s25], [sflag:$0x5] =	stream.linear.gather [hbm4b:s18+s20], $0x80, $0x38;
	[tilespmem:$0x1E200] =	vst v63  }
0x1b8: {  	_ =	swait.ge [sflag:s11], $0x80  }
0x1b9: {  	[sflag:s11] =	ssyncset.done $0x0  }
0x1ba: {  	[sflag:s11] =	ssyncadd.s32 $0xFFFFFF80  }
0x1bb: {  	[tilespmem:s28], [sflag:$0x1] =	stream.indirect.gather [hbm4b:s4+s26], $0x80, s24, s26, $0xb8;
	[tilespmem:$0x1E200] =	vst v63  }
0x1bc: {  	_ =	swait.ge [sflag:s12], $0x80  }
0x1bd: {  	[sflag:s12] =	ssyncset.done $0x0  }
0x1be: {  	[sflag:s12] =	ssyncadd.s32 $0xFFFFFF80  }
0x1bf: {  	_ =	swait.ge [sflag:s13], $0x4000  }
0x1c0: {  	[sflag:s13] =	ssyncset.done $0x0  }
0x1c1: {  	s18 =	sadd.s32 s16, s7;
	[sflag:s13] =	ssyncadd.s32 $0xFFFFC000  }
0x1c2: {  	[tilespmem:s29], [sflag:$0x4] =	stream.linear.gather [hbm4b:s18+s20], $0x80, $0x38;
	[tilespmem:$0x1E200] =	vst v63  }
0x1c3: {  	_ = 	snop  }
0x1c4: {  	[spmem:s5] =	stream.indirect.scatter.add.f32 [tilespmem:s21], [sflag:$0x7], $0x80, s30, s26, $0xb8;
	[tilespmem:$0x1E200] =	vst v63  }
0x1c5: {  	_ =	swait.ge [sflag:s23], $0x4000  }
0x1c6: {  	[sflag:s23] =	ssyncset.done $0x0  }
0x1c7: {  	s16 =	sadd.s32 s16, s6;
	[sflag:s23] =	ssyncadd.s32 $0xFFFFC000  }
0x1c8: {  	[tilespmem:s30], [sflag:$0x6] =	stream.linear.gather [hbm4b:s16+s20], $0x80, $0x38;
	[tilespmem:$0x1E200] =	vst v63  }
0x1c9: {  	_ =	swait.ge [sflag:s14], $0x80  }
.Ltmp3:
0x1ca: {  	[sflag:s14] =	ssyncset.done $0x0;
	(pc) =	sbr.rel @p0 .LBB2_8-.Ltmp3, $4  }
0x1cb: {  	[sflag:s14] =	ssyncadd.s32 $0xFFFFFF80  }
0x1cc: {  	[tilespmem:s21], [sflag:$0x2] =	stream.indirect.gather [hbm4b:s4+s26], $0x80, s29, s26, $0xb8;
	[tilespmem:$0x1E200] =	vst v63  }
0x1cd: {  	_ =	swait.ge [sflag:s15], $0x80  }
0x1ce: {  	[sflag:s15] =	ssyncset.done $0x0  }
0x1cf: {  	[sflag:s15] =	ssyncadd.s32 $0xFFFFFF80  }
0x1d0: {  	_ =	swait.ge [sflag:s10], $0x4000  }
0x1d1: {  	[sflag:s10] =	ssyncset.done $0x0  }
0x1d2: {  	[sflag:s10] =	ssyncadd.s32 $0xFFFFC000  }
0x1d3: {  	[spmem:s5] =	stream.indirect.scatter.add.f32 [tilespmem:s28], [sflag:$0x7], $0x80, s25, s26, $0xb8;
	[tilespmem:$0x1E200] =	vst v63  }
0x1d4: {  	_ =	swait.ge [sflag:s23], $0x4000  }
0x1d5: {  	[sflag:s23] =	ssyncset.done $0x0  }
0x1d6: {  	[sflag:s23] =	ssyncadd.s32 $0xFFFFC000  }
0x1d7: {  	_ =	swait.ge [sflag:s13], $0x4000  }
0x1d8: {  	[sflag:s13] =	ssyncset.done $0x0  }
0x1d9: {  	[sflag:s13] =	ssyncadd.s32 $0xFFFFC000  }
0x1da: {  	[spmem:s5] =	stream.indirect.scatter.add.f32 [tilespmem:s21], [sflag:$0x7], $0x80, s30, s26, $0xb8;
	[tilespmem:$0x1E200] =	vst v63  }
0x1db: {  	_ =	swait.ge [sflag:s23], $0x4000  }
0x1dc: {  	[sflag:s23] =	ssyncset.done $0x0  }
0x1dd: {  	[sflag:s23] =	ssyncadd.s32 $0xFFFFC000  }
0x1de: {  	[bflag:$0x0] =	sbarrier.arrive $0xFFFF  }
0x1df: {  	s16 =	sld [smem:$0x7F3];
	_ =	sdelay $0x2  }
0x1e0: {  	[tilespmem:s22], [sflag:$0x7] =	stream.linear.gather [spmem:s16], $0x2000, $0x38;
	[tilespmem:$0x1E200] =	vst v63  }
0x1e1: {  	_ =	swait.ge [sflag:s23], $0x2000  }
0x1e2: {  	[sflag:s23] =	ssyncset.done $0x0  }
0x1e3: {  	s17 =	rddreg [dreg:$0xf];
	[sflag:s23] =	ssyncadd.s32 $0xFFFFE000  }
0x1e4: {  	[hbm4b:s17+s20] =	stream.linear.scatter [tilespmem:s22], [sflag:$0x7], $0x2000, $0x38;
	[tilespmem:$0x1E200] =	vst v63  }
0x1e5: {  	_ =	swait.ge [sflag:s23], $0x2000  }
0x1e6: {  	s18 =	sld [smem:$0x7F4]  }
0x1e7: {  	[sflag:s23] =	ssyncset.done $0x0  }
0x1e8: {  	[sflag:s23] =	ssyncadd.s32 $0xFFFFE000  }
0x1e9: {  	[tilespmem:s22], [sflag:$0x7] =	stream.linear.gather [spmem:s18], $0x2000, $0x38;
	[tilespmem:$0x1E200] =	vst v63  }
0x1ea: {  	_ =	swait.ge [sflag:s23], $0x2000  }
0x1eb: {  	[sflag:s23] =	ssyncset.done $0x0  }
0x1ec: {  	s17 =	rddreg [dreg:$0x10];
	[sflag:s23] =	ssyncadd.s32 $0xFFFFE000  }
0x1ed: {  	[hbm4b:s17+s20] =	stream.linear.scatter [tilespmem:s22], [sflag:$0x7], $0x2000, $0x38;
	[tilespmem:$0x1E200] =	vst v63  }
0x1ee: {  	_ =	swait.ge [sflag:s23], $0x2000  }
0x1ef: {  	s18 =	sld [smem:$0x7F5]  }
0x1f0: {  	[sflag:s23] =	ssyncset.done $0x0  }
0x1f1: {  	[sflag:s23] =	ssyncadd.s32 $0xFFFFE000  }
0x1f2: {  	[tilespmem:s22], [sflag:$0x7] =	stream.linear.gather [spmem:s18], $0x2000, $0x38;
	[tilespmem:$0x1E200] =	vst v63  }
0x1f3: {  	_ =	swait.ge [sflag:s23], $0x2000  }
0x1f4: {  	[sflag:s23] =	ssyncset.done $0x0  }
0x1f5: {  	s17 =	rddreg [dreg:$0x11];
	[sflag:s23] =	ssyncadd.s32 $0xFFFFE000  }
0x1f6: {  	[hbm4b:s17+s20] =	stream.linear.scatter [tilespmem:s22], [sflag:$0x7], $0x2000, $0x38;
	[tilespmem:$0x1E200] =	vst v63  }
0x1f7: {  	_ =	swait.ge [sflag:s23], $0x2000  }
0x1f8: {  	s18 =	sld [smem:$0x7F6]  }
0x1f9: {  	[sflag:s23] =	ssyncset.done $0x0  }
0x1fa: {  	[sflag:s23] =	ssyncadd.s32 $0xFFFFE000  }
0x1fb: {  	[tilespmem:s22], [sflag:$0x7] =	stream.linear.gather [spmem:s18], $0x2000, $0x38;
	[tilespmem:$0x1E200] =	vst v63  }
0x1fc: {  	_ =	swait.ge [sflag:s23], $0x2000  }
0x1fd: {  	[sflag:s23] =	ssyncset.done $0x0  }
0x1fe: {  	s17 =	rddreg [dreg:$0x12];
	[sflag:s23] =	ssyncadd.s32 $0xFFFFE000  }
0x1ff: {  	[hbm4b:s17+s20] =	stream.linear.scatter [tilespmem:s22], [sflag:$0x7], $0x2000, $0x38;
	[tilespmem:$0x1E200] =	vst v63  }
0x200: {  	_ =	swait.ge [sflag:s23], $0x2000  }
0x201: {  	s18 =	sld [smem:$0x7F7]  }
0x202: {  	[sflag:s23] =	ssyncset.done $0x0  }
0x203: {  	[sflag:s23] =	ssyncadd.s32 $0xFFFFE000  }
0x204: {  	[tilespmem:s22], [sflag:$0x7] =	stream.linear.gather [spmem:s18], $0x2000, $0x38;
	[tilespmem:$0x1E200] =	vst v63  }
0x205: {  	_ =	swait.ge [sflag:s23], $0x2000  }
0x206: {  	[sflag:s23] =	ssyncset.done $0x0  }
0x207: {  	s17 =	rddreg [dreg:$0x13];
	[sflag:s23] =	ssyncadd.s32 $0xFFFFE000  }
0x208: {  	[hbm4b:s17+s20] =	stream.linear.scatter [tilespmem:s22], [sflag:$0x7], $0x2000, $0x38;
	[tilespmem:$0x1E200] =	vst v63  }
0x209: {  	_ =	swait.ge [sflag:s23], $0x2000  }
0x20a: {  	s18 =	sld [smem:$0x7F8]  }
0x20b: {  	[sflag:s23] =	ssyncset.done $0x0  }
0x20c: {  	[sflag:s23] =	ssyncadd.s32 $0xFFFFE000  }
0x20d: {  	[tilespmem:s22], [sflag:$0x7] =	stream.linear.gather [spmem:s18], $0x2000, $0x38;
	[tilespmem:$0x1E200] =	vst v63  }
0x20e: {  	_ =	swait.ge [sflag:s23], $0x2000  }
0x20f: {  	[sflag:s23] =	ssyncset.done $0x0  }
0x210: {  	s17 =	rddreg [dreg:$0x14];
	[sflag:s23] =	ssyncadd.s32 $0xFFFFE000  }
0x211: {  	[hbm4b:s17+s20] =	stream.linear.scatter [tilespmem:s22], [sflag:$0x7], $0x2000, $0x38;
	[tilespmem:$0x1E200] =	vst v63  }
0x212: {  	_ =	swait.ge [sflag:s23], $0x2000  }
0x213: {  	s18 =	sld [smem:$0x7F9]  }
0x214: {  	[sflag:s23] =	ssyncset.done $0x0  }
0x215: {  	[sflag:s23] =	ssyncadd.s32 $0xFFFFE000  }
0x216: {  	[tilespmem:s22], [sflag:$0x7] =	stream.linear.gather [spmem:s18], $0x2000, $0x38;
	[tilespmem:$0x1E200] =	vst v63  }
0x217: {  	_ =	swait.ge [sflag:s23], $0x2000  }
0x218: {  	[sflag:s23] =	ssyncset.done $0x0  }
0x219: {  	s17 =	rddreg [dreg:$0x15];
	[sflag:s23] =	ssyncadd.s32 $0xFFFFE000  }
0x21a: {  	[hbm4b:s17+s20] =	stream.linear.scatter [tilespmem:s22], [sflag:$0x7], $0x2000, $0x38;
	[tilespmem:$0x1E200] =	vst v63  }
0x21b: {  	_ =	swait.ge [sflag:s23], $0x2000  }
0x21c: {  	s18 =	sld [smem:$0x7FA]  }
0x21d: {  	[sflag:s23] =	ssyncset.done $0x0  }
0x21e: {  	[sflag:s23] =	ssyncadd.s32 $0xFFFFE000  }
0x21f: {  	[tilespmem:s22], [sflag:$0x7] =	stream.linear.gather [spmem:s18], $0x2000, $0x38;
	[tilespmem:$0x1E200] =	vst v63  }
0x220: {  	_ =	swait.ge [sflag:s23], $0x2000  }
0x221: {  	[sflag:s23] =	ssyncset.done $0x0  }
0x222: {  	s17 =	rddreg [dreg:$0x16];
	[sflag:s23] =	ssyncadd.s32 $0xFFFFE000  }
0x223: {  	[hbm4b:s17+s20] =	stream.linear.scatter [tilespmem:s22], [sflag:$0x7], $0x2000, $0x38;
	[tilespmem:$0x1E200] =	vst v63  }
0x224: {  	_ =	swait.ge [sflag:s23], $0x2000  }
0x225: {  	s18 =	sld [smem:$0x7FB]  }
0x226: {  	[sflag:s23] =	ssyncset.done $0x0  }
0x227: {  	[sflag:s23] =	ssyncadd.s32 $0xFFFFE000  }
0x228: {  	[tilespmem:s22], [sflag:$0x7] =	stream.linear.gather [spmem:s18], $0x2000, $0x38;
	[tilespmem:$0x1E200] =	vst v63  }
0x229: {  	_ =	swait.ge [sflag:s23], $0x2000  }
0x22a: {  	[sflag:s23] =	ssyncset.done $0x0  }
0x22b: {  	s17 =	rddreg [dreg:$0x17];
	[sflag:s23] =	ssyncadd.s32 $0xFFFFE000  }
0x22c: {  	[hbm4b:s17+s20] =	stream.linear.scatter [tilespmem:s22], [sflag:$0x7], $0x2000, $0x38;
	[tilespmem:$0x1E200] =	vst v63  }
0x22d: {  	_ =	swait.ge [sflag:s23], $0x2000  }
0x22e: {  	[sflag:s23] =	ssyncset.done $0x0  }
0x22f: {  	[sflag:s23] =	ssyncadd.s32 $0xFFFFE000  }
0x230: {  	[tilespmem:s22], [sflag:$0x7] =	stream.linear.gather [spmem:s19], $0x2000, $0x38;
	[tilespmem:$0x1E200] =	vst v63  }
0x231: {  	_ =	swait.ge [sflag:s23], $0x2000  }
0x232: {  	[sflag:s23] =	ssyncset.done $0x0  }
0x233: {  	s18 =	rddreg [dreg:$0x18];
	[sflag:s23] =	ssyncadd.s32 $0xFFFFE000  }
0x234: {  	[hbm4b:s18+s20] =	stream.linear.scatter [tilespmem:s22], [sflag:$0x7], $0x2000, $0x38;
	[tilespmem:$0x1E200] =	vst v63  }
0x235: {  	_ =	swait.ge [sflag:s23], $0x2000  }
0x236: {  	s17 =	sld [smem:$0x7F1]  }
0x237: {  	s19 =	sld [smem:$0x7FC];
	_ =	sdelay $0x1  }
0x238: {  	s17 =	sadd.s32 $0x1, s17  }
0x239: {  	p0 =	sne.s32 s17, s19  }
.Ltmp4:
0x23a: {  	_ = 	snop;
	(pc) =	sbr.rel @p0 .LBB2_1-.Ltmp4, $3  }
0x23b: {  	[sflag:s23] =	ssyncset.done $0x0  }
0x23c: {  	[sflag:s23] =	ssyncadd.s32 $0xFFFFE000  }
0x23d: {  	[bflag:$0x0] =	sbarrier.arrive $0xFFFF;
	_ =	sdelay $0x1  }
0x23e: {  	_ =	sfence.sel $0x180000  }
0x23f: {  	[bflag:$0x0] =	sbarrier.arrive $0xFFFF  }
0x240: {  	_ =	strace $0x9000004A  }
0x241: {  	s0 =	stileid.u32;
	[bflag:$0x2] =	sbarrier.arrive $0xFFFF  }
0x242: {  	p0 =	sne.s32 s0, $0x0;
	s0 =	rddreg [dreg:$0x4]  }
0x243: {  	s0 =	sadd.s32 @!p0 $0x100000, s0  }
0x244: {  	[sflag:s0] =	ssyncadd.tile.s32 @!p0 $0x1;
	_ =	shalt  }
.Lfunc_end2:
_tile_overlayer_lowered:
.L_overlay_start_2:
0x245: {  	(tag) =	ssettag $0x2  }
0x246: {  	s0 =	rddreg [dreg:$0x0];
	s2 =	stileid.u32  }
0x247: {  	s1 =	rddreg [dreg:$0x1];
	p0 =	sne.s32 s2, $0x0  }
0x248: {  	s3 =	rddreg [dreg:$0x2];
	[bflag:$0x3] =	sbarrier.arrive $0xFFFF;
	s2 =	simm.s32 @!p0 $0x1C07  }
0x249: {  	[timem:s3], [sflag:s2] =	dma.local @!p0 [hbm:s0], s1  }
0x24a: {  	s0 =	simm.s32 @!p0 $0x7  }
0x24b: {  	_ =	swait.ge @!p0 [sflag:s0], s1  }
0x24c: {  	s1 =	ssub.s32 @!p0 $0x0, s1;
	[sflag:s0] =	ssyncset.done @!p0 $0x0  }
0x24d: {  	[sflag:s0] =	ssyncadd.s32 @!p0 s1  }
0x24e: {  	[bflag:$0x3] =	sbarrier.arrive $0xFFFF  }
0x24f: {  	_ =	shalt  }

// kernel: kernel.7.cloned.1.call-start
scs
__scs_entry_jumppad:
0x0: {  	(pc) =	sbr.rel $0x88, $3  }
0x1: {  	(tag) =	ssettag $0x0;
	lr =	simm.s32 $0x1  }
0x2: {  	[smem:$0x3F99] =	sst lr;
	_ =	strace $0xD0000000  }
0x3: {  	_ = 	snop  }
0x4: {  	_ = 	snop  }
0x5: {  	_ = 	snop  }
0x6: {  	_ = 	snop  }
0x7: {  	_ = 	snop  }
__scs_overlays_trampoline_lowered:
0x8: {  	[smem:$0x3FA8] =	sst s0  }
0x9: {  	[smem:$0x3FA9] =	sst s1  }
0xa: {  	[smem:$0x3FAA] =	sst s2  }
0xb: {  	[smem:$0x3FAB] =	sst s3  }
0xc: {  	[smem:$0x3FAC] =	sst s4  }
0xd: {  	[smem:$0x3FAD] =	sst s5  }
0xe: {  	[smem:$0x3FAE] =	sst s6  }
0xf: {  	[smem:$0x3FAF] =	sst s7  }
0x10: {  	[smem:$0x3FB0] =	sst s8  }
0x11: {  	[smem:$0x3FB1] =	sst s9;
	s0 =	simm.s32 @!p0 $0x0  }
0x12: {  	s1 =	sld [smem:$0x3F97];
	s0 =	simm.s32 @p0 $0x1  }
0x13: {  	[smem:$0x3FB2] =	sst s0;
	s0 =	simm.s32 @!p1 $0x0  }
0x14: {  	s2 =	sld [smem:$0x3F96];
	s0 =	simm.s32 @p1 $0x1  }
0x15: {  	[smem:$0x3FB3] =	sst s0;
	s0 =	simm.s32 @!p2 $0x0  }
0x16: {  	s3 =	sld [smem:$0x3FDB];
	s0 =	simm.s32 @p2 $0x1  }
0x17: {  	s4 =	simm.s32 $0x1BF5;
	[smem:$0x3FB5] =	sst s0  }
0x18: {  	s0 =	sld [smem:$0x3F98];
	_ =	swait.ge [sflag:s4], $0x0  }
0x19: {  	s7 =	sld [smem:$0x3F99]  }
0x1a: {  	s8 =	sadd.s32 $0xFFFFE003, lr  }
0x1b: {  	s9 =	sadd.s32 $0xFFFFFEF7, lr;
	s5 =	simm.s32 $0xFFFFFFFF;
	p2 =	slt.u32 s8, $0xFFFFF086  }
0x1c: {  	p1 =	slt.u32 s9, $0xF7A;
	s5 =	simm.s32 @!p2 $0x0  }
0x1d: {  	s5 =	simm.s32 @p1 $0x1;
	p0 =	seq.s32 s7, s2  }
0x1e: {  	s7 =	smul.u32 @!p0 $0xF7A, s2;
	p2 =	seq.s32 @!p0 s5, $0x0  }
0x1f: {  	s9 =	smul.u32 $0xF7A, s1;
	s8 =	simm.s32 @!p0 $0x1BF5;
	p2 =	por !p2, p0  }
0x20: {  	[sflag:s8] =	ssyncset.s32 @!p0 $0xFFFFF086;
	s6 =	sadd.s32 @!p0 s3, s7;
	s7 =	simm.s32 @!p0 $0x108  }
0x21: {  	s3 =	sadd.s32 s3, s9;
	s6 =	sadd.s32 @!p0 $0x88, s6;
	s7 =	simm.s32 @p2 $0x1082  }
0x22: {  	[simem:s7], [sflag:s8] =	dma.local @!p0 [hbm:s6], $0xF7A  }
0x23: {  	s9 =	sor.u32 $0xD0000000, s2;
	s6 =	simm.s32 $0x108;
	_ =	swait.ge @!p0 [sflag:s8], $0x0  }
0x24: {  	s3 =	sadd.s32 $0x88, s3;
	s6 =	simm.s32 @!p1 $0x1082;
	[sflag:s4] =	ssyncset.s32 $0xFFFFF086  }
0x25: {  	[simem:s6], [sflag:s4] =	dma.local [hbm:s3], $0xF7A  }
0x26: {  	[smem:$0x3F99] =	sst s1;
	(tag) =	ssettag s2;
	_ =	strace s9  }
0x27: {  	s1 =	sld [smem:$0x3FA9]  }
0x28: {  	s2 =	sld [smem:$0x3FAA]  }
0x29: {  	s4 =	sld [smem:$0x3FAC]  }
0x2a: {  	p0 =	seq.s32 s5, $0x0;
	s5 =	sld [smem:$0x3FAD]  }
0x2b: {  	s6 =	sld [smem:$0x3FAE]  }
0x2c: {  	s7 =	sld [smem:$0x3FAF]  }
0x2d: {  	s3 =	simm.s32 $0x108;
	s8 =	sld [smem:$0x3FB0]  }
0x2e: {  	s3 =	simm.s32 @!p0 $0x1082;
	s9 =	sld [smem:$0x3FB1]  }
0x2f: {  	lr =	sadd.s32 s0, s3;
	s0 =	sld [smem:$0x3FA8]  }
0x30: {  	s3 =	sld [smem:$0x3FAB]  }
0x31: {  	[smem:$0x3FB4] =	sst s10  }
0x32: {  	s10 =	sld [smem:$0x3FB2];
	_ =	sdelay $0x3  }
0x33: {  	p0 =	seq.s32 s10, $0x1;
	s10 =	sld [smem:$0x3FB4];
	_ =	sdelay $0x3  }
0x34: {  	[smem:$0x3FB4] =	sst s10  }
0x35: {  	s10 =	sld [smem:$0x3FB3];
	_ =	sdelay $0x3  }
0x36: {  	p1 =	seq.s32 s10, $0x1;
	s10 =	sld [smem:$0x3FB4];
	_ =	sdelay $0x3  }
0x37: {  	[smem:$0x3FB4] =	sst s10  }
0x38: {  	s10 =	sld [smem:$0x3FB5]  }
0x39: {  	_ = 	snop;
	(pc) =	sbr.ind lr, $3  }
0x3a: {  	_ = 	snop  }
0x3b: {  	_ = 	snop  }
0x3c: {  	p2 =	seq.s32 s10, $0x1;
	s10 =	sld [smem:$0x3FB4]  }
0x3d: {  	_ =	shalt  }
0x3e: {  	_ =	shalt  }
0x3f: {  	_ =	shalt  }
0x40: {  	_ =	shalt  }
0x41: {  	_ =	shalt  }
0x42: {  	_ =	shalt  }
0x43: {  	_ =	shalt  }
0x44: {  	_ =	shalt  }
0x45: {  	_ =	shalt  }
0x46: {  	_ =	shalt  }
0x47: {  	_ =	shalt  }
0x48: {  	_ =	shalt  }
0x49: {  	_ =	shalt  }
0x4a: {  	_ =	shalt  }
0x4b: {  	_ =	shalt  }
0x4c: {  	_ =	shalt  }
0x4d: {  	_ =	shalt  }
0x4e: {  	_ =	shalt  }
0x4f: {  	_ =	shalt  }
0x50: {  	_ =	shalt  }
0x51: {  	_ =	shalt  }
0x52: {  	_ =	shalt  }
0x53: {  	_ =	shalt  }
0x54: {  	_ =	shalt  }
0x55: {  	_ =	shalt  }
0x56: {  	_ =	shalt  }
0x57: {  	_ =	shalt  }
0x58: {  	_ =	shalt  }
0x59: {  	_ =	shalt  }
0x5a: {  	_ =	shalt  }
0x5b: {  	_ =	shalt  }
0x5c: {  	_ =	shalt  }
0x5d: {  	_ =	shalt  }
0x5e: {  	_ =	shalt  }
0x5f: {  	_ =	shalt  }
0x60: {  	_ =	shalt  }
0x61: {  	_ =	shalt  }
0x62: {  	_ =	shalt  }
0x63: {  	_ =	shalt  }
0x64: {  	_ =	shalt  }
0x65: {  	_ =	shalt  }
0x66: {  	_ =	shalt  }
0x67: {  	_ =	shalt  }
0x68: {  	_ =	shalt  }
0x69: {  	_ =	shalt  }
0x6a: {  	_ =	shalt  }
0x6b: {  	_ =	shalt  }
0x6c: {  	_ =	shalt  }
0x6d: {  	_ =	shalt  }
0x6e: {  	_ =	shalt  }
0x6f: {  	_ =	shalt  }
0x70: {  	_ =	shalt  }
0x71: {  	_ =	shalt  }
0x72: {  	_ =	shalt  }
0x73: {  	_ =	shalt  }
0x74: {  	_ =	shalt  }
0x75: {  	_ =	shalt  }
0x76: {  	_ =	shalt  }
0x77: {  	_ =	shalt  }
0x78: {  	_ =	shalt  }
0x79: {  	_ =	shalt  }
0x7a: {  	_ =	shalt  }
0x7b: {  	_ =	shalt  }
0x7c: {  	_ =	shalt  }
0x7d: {  	_ =	shalt  }
0x7e: {  	_ =	shalt  }
0x7f: {  	_ =	shalt  }
0x80: {  	_ =	shalt  }
0x81: {  	_ =	shalt  }
0x82: {  	_ =	shalt  }
0x83: {  	_ =	shalt  }
0x84: {  	_ =	shalt  }
0x85: {  	_ =	shalt  }
0x86: {  	_ =	shalt  }
0x87: {  	_ =	shalt  }
.Lfunc_end0:
.L_simem_size_0:
called_computation_lowered:
.L_overlay_start_0:
0x88: {  	s2 =	sld [smem:$0x3FD9]  }
0x89: {  	s3 =	sld [smem:$0x3FFE];
	_ =	sdelay $0x1  }
0x8a: {  	s1 =	srdreg.scid  }
0x8b: {  	s0 =	sand.u32 $0x1, s1  }
0x8c: {  	s14 =	sshll.u32 s0, $0xA;
	s2 =	sadd.s32 s3, s2  }
0x8d: {  	s2 =	sadd.s32 s2, s14  }
0x8e: {  	[smem:$0x3FC0] =	sst s2  }
0x8f: {  	_ = 	snop  }
0x90: {  	s2 =	sld [smem:$0x3FD0];
	_ =	sdelay $0x1  }
0x91: {  	s15 =	sld [smem:$0x3FC9]  }
0x92: {  	s5 =	simm.s32 $0xA;
	s6 =	simm.s32 $0x10;
	s4 =	sld [smem:$0x3FC8]  }
0x93: {  	[smem:s6], [sflag:s5] =	dma.local [hbm:s2], $0x1  }
0x94: {  	_ =	swait.eq [sflag:s5], $0x1  }
0x95: {  	[sflag:s5] =	ssyncset.done $0x0  }
0x96: {  	s16 =	sld [smem:$0x10];
	[sflag:s5] =	ssyncadd.s32 $0xFFFFFFFF  }
0x97: {  	s17 =	sld [smem:$0x11];
	(tm) =	ssettm $0x1  }
0x98: {  	s18 =	sld [smem:$0x3FFB];
	_ =	sdelay $0x3  }
0x99: {  	_ =	strace s18  }
0x9a: {  	s6 =	sld [smem:$0x3FFC];
	_ =	sdelay $0x3  }
0x9b: {  	_ =	strace s6  }
0x9c: {  	s6 =	sld [smem:$0x3FFD];
	_ =	sdelay $0x3  }
0x9d: {  	_ =	strace s6  }
0x9e: {  	_ =	strace $0x8FFFFFFF  }
0x9f: {  	s19 =	sld [smem:$0x3FDB];
	_ =	sdelay $0x1  }
0xa0: {  	s7 =	simm.s32 $_scs_section_size  }
0xa1: {  	s8 =	simm.s32 $_size__tile_overlayer_lowered;
	s9 =	simm.s32 $_tile_overlayer_lowered  }
0xa2: {  	s22 =	simm.s32 $0x1BFF;
	s21 =	sshll.u32 s9, $0x1;
	s6 =	sadd.s32 s7, s19  }
0xa3: {  	s10 =	simm.s32 $0x0;
	s20 =	sshll.u32 s8, $0x1;
	s8 =	sadd.s32 s21, s6  }
0xa4: {  	[timem:s10], [sflag:s22] =	dma.local [hbm:s8], s20  }
0xa5: {  	_ =	swait.ge [sflag:s22], s20  }
0xa6: {  	s7 =	ssub.s32 $0x0, s20;
	[sflag:s22] =	ssyncset.done $0x0  }
0xa7: {  	[sflag:s22] =	ssyncadd.s32 s7;
	_ =	sdelay $0x1  }
0xa8: {  	s23 =	simm.s32 $0x1B8B  }
0xa9: {  	_ =	swait.ge [sflag:s23], $0x1  }
0xaa: {  	[sflag:s23] =	ssyncset.done $0x0  }
0xab: {  	s25 =	simm.s32 $0x1B8E;
	s24 =	sld [smem:$0x3FFE];
	[sflag:s23] =	ssyncadd.s32 $0xFFFFFFFF  }
0xac: {  	s26 =	simm.s32 $execute0_lowered;
	[smem:$0x3FD2] =	sst s25  }
0xad: {  	s8 =	sshll.u32 s26, $0x1;
	_ =	strace $0x80000046;
	[dreg:$0x1] =	wrdreg $0xFFFFFFFF  }
0xae: {  	s28 =	simm.s32 $_size_execute0_lowered;
	s6 =	sadd.s32 s6, s8;
	[dreg:$0x0] =	wrdreg $0x0  }
0xaf: {  	s8 =	sshll.u32 s28, $0x1;
	[dreg:$0x2] =	wrdreg s6  }
0xb0: {  	[dreg:$0x3] =	wrdreg s8  }
0xb1: {  	[dreg:$0x4] =	wrdreg $0xC0  }
0xb2: {  	_ =	task [dreg:s10], $0x5FFFF  }
0xb3: {  	[dreg:$0x1] =	wrdreg $0xFFFFFFFF  }
0xb4: {  	[dreg:$0x0] =	wrdreg $0x60  }
0xb5: {  	[dreg:$0x2] =	wrdreg s15  }
0xb6: {  	[dreg:$0x3] =	wrdreg s4  }
0xb7: {  	[dreg:$0x4] =	wrdreg s24  }
0xb8: {  	[dreg:$0x5] =	wrdreg s16  }
0xb9: {  	[dreg:$0x6] =	wrdreg s17  }
0xba: {  	[dreg:$0x7] =	wrdreg $0x9  }
0xbb: {  	_ =	task.clear_ibuf [dreg:s10], $0x8FFFF;
	_ =	strace $0x90000046  }
0xbc: {  	s29 =	simm.s32 $0x9;
	_ =	strace $0x80000048  }
0xbd: {  	_ =	swait.ge [sflag:s29], $0x1  }
0xbe: {  	[sflag:s29] =	ssyncadd.s32 $0xFFFFFFFF  }
0xbf: {  	_ =	strace $0x90000048  }
0xc0: {  	_ =	sfence  }
0xc1: {  	s30 =	sld [smem:$0x0];
	_ =	sdelay $0x2  }
0xc2: {  	s31 =	sshll.u32 s1, $0xD;
	s1 =	sshrl.u32 s1, $0x2  }
0xc3: {  	s3 =	sand.u32 $0x4000, s31;
	s1 =	sadd.s32 s1, s30  }
0xc4: {  	s0 =	sor.u32 s3, s0;
	s1 =	sshll.u32 s1, $0x11  }
0xc5: {  	s0 =	sor.u32 s1, s0  }
0xc6: {  	s0 =	sadd.s32 $0x8F2B, s0  }
0xc7: {  	[sflag:s0] =	ssyncadd.remote.s32 $0x1  }
0xc8: {  	_ =	sfence.sel $0xFFFF  }
0xc9: {  	[dreg:$0x0] =	wrdreg $0xFFFFFFFF;
	(pc) =	sbr.abs _section_cstart, $3  }
0xca: {  	[dreg:$0x1] =	wrdreg $0xFFFFFFFF  }
0xcb: {  	_ =	task.clear_ibuf [dreg:s10], $0x2FFFF;
	_ =	strace $0x9FFFFFFF  }
0xcc: {  	(tm) =	ssettm $0x7FFFFFFF  }
0xcd: {  	_ =	shalt  }
tec
execute0_lowered:
.L_overlay_start_1:
0x0: {  	(tag) =	ssettag $0x1  }
0x1: {  	s1 =	rddreg [dreg:$0x0]  }
0x2: {  	s2 =	rddreg [dreg:$0x1]  }
0x3: {  	s0 =	rddreg [dreg:$0x2]  }
0x4: {  	s3 =	srdreg.scid;
	s5 =	rddreg [dreg:$0x3]  }
0x5: {  	s4 =	stileid.u32;
	s6 =	rddreg [dreg:$0x4]  }
0x6: {  	s28 =	simm.s32 $0x50;
	s3 =	sand.u32 $0x1, s3;
	s4 =	sshll.u32 s4, $0x1  }
0x7: {  	s29 =	simm.s32 $0x300;
	s30 =	simm.s32 $0x2B00;
	s7 =	sor.u32 s3, s4  }
0x8: {  	s31 =	simm.s32 $0x1;
	s12 =	sadd.s32 $0x67400, s0;
	s8 =	smul.u32 $0x28, s7  }
0x9: {  	s13 =	sadd.s32 $0x3F400, s0;
	s4 =	simm.s32 $0x0;
	s9 =	smul.u32 $0x4E2, s7  }
0xa: {  	s3 =	ssub.s32 $0x2, s3;
	[smem:$0x7FF] =	sst s4;
	s10 =	smul.u32 $0xA000, s7  }
0xb: {  	s14 =	sshrl.u32 s3, $0x1;
	s7 =	smul.u32 $0x1400, s7;
	_ =	strace $0x80000047  }
0xc: {  	s3 =	ssub.s32 s3, s14;
	s14 =	simm.s32 $0x200;
	s8 =	sadd.s32 s8, s0  }
0xd: {  	s11 =	sadd.s32 s9, s0;
	s10 =	sshrl.u32 s10, $0x3;
	s5 =	sadd.s32 s5, s9  }
0xe: {  	s17 =	sadd.s32 s12, s7;
	s7 =	sadd.s32 s13, s7;
	s24 =	sadd.s32 s6, s9  }
0xf: {  	s6 =	simm.s32 $0x7A80;
	s9 =	simm.s32 $0x6;
	[dreg:$0x6] =	wrdreg s5  }
0x10: {  	s0 =	sadd.s32 s10, s0;
	s15 =	sadd.s32 $0x16800, s8;
	[dreg:$0x9] =	wrdreg s17  }
0x11: {  	s16 =	sadd.s32 $0x16E00, s8;
	s18 =	sadd.s32 $0x500, s10;
	[dreg:$0xd] =	wrdreg s7  }
0x12: {  	s20 =	sadd.s32 $0xA00, s10;
	s10 =	sadd.s32 $0xF00, s10;
	[dreg:$0x11] =	wrdreg s24  }
0x13: {  	s25 =	sadd.s32 $0xCA00, s11;
	s26 =	sadd.s32 $0x2C00, s11;
	[dreg:$0x7] =	wrdreg s15  }
0x14: {  	s24 =	simm.s32 $0x5300;
	s7 =	simm.s32 $0x5;
	[dreg:$0x8] =	wrdreg s16  }
0x15: {  	s8 =	simm.s32 $0xA200;
	s11 =	simm.s32 $0xF200;
	[dreg:$0x12] =	wrdreg s25  }
0x16: {  	s19 =	sadd.s32 s12, s18;
	s21 =	sadd.s32 s12, s20;
	[dreg:$0x13] =	wrdreg s26  }
0x17: {  	s12 =	sadd.s32 s12, s10;
	s5 =	sadd.s32 s13, s18;
	[dreg:$0xa] =	wrdreg s19  }
0x18: {  	s22 =	sadd.s32 s13, s20;
	s23 =	sadd.s32 s13, s10;
	[dreg:$0xb] =	wrdreg s21  }
0x19: {  	s20 =	sadd.s32 $0x17410, s0;
	s25 =	simm.s32 $0x7;
	[dreg:$0xc] =	wrdreg s12  }
0x1a: {  	s26 =	simm.s32 $0x180;
	s10 =	simm.s32 $0xCA00;
	[dreg:$0xe] =	wrdreg s5  }
0x1b: {  	s13 =	simm.s32 $0x80;
	s15 =	simm.s32 $0x0;
	[dreg:$0xf] =	wrdreg s22  }
0x1c: {  	[dreg:$0x10] =	wrdreg s23;
	s19 =	sadd.s32 $0x17400, s0;
	s21 =	sadd.s32 $0x17420, s0  }
0x1d: {  	s22 =	sadd.s32 $0x17430, s0;
	s23 =	smax.u32 s3, $0x1;
	s3 =	simm.s32 $0x3  }
0x1e: {  	v0 =	vimm.f32 $0.0e+00;
	v1 =	vimm.f32 $1.000000000e+00;
	s0 =	simm.s32 $0x2;
	s5 =	simm.s32 $0x4;
	s12 =	simm.s32 $0x11A00  }
.LBB2_1:
0x1f: {  	s16 =	rddreg [dreg:$0x6]  }
0x20: {  	[tilespmem:s24], [sflag:$0x5] =	stream.linear.gather [hbm4b:s16+s4], $0x2710, $0x38;
	[tilespmem:$0x14200] =	vst v63  }
0x21: {  	s18 =	rddreg [dreg:$0x7]  }
0x22: {  	[tilespmem:s4], [sflag:$0x7] =	stream.linear.gather [hbm4b:s18+s4], $0x140, $0x38;
	[tilespmem:$0x14200] =	vst v63  }
0x23: {  	_ =	swait.ge [sflag:s25], $0x140  }
0x24: {  	[sflag:s25] =	ssyncset.done $0x0  }
0x25: {  	s17 =	rddreg [dreg:$0x8];
	[sflag:s25] =	ssyncadd.s32 $0xFFFFFEC0  }
0x26: {  	[tilespmem:s26], [sflag:$0x7] =	stream.linear.gather [hbm4b:s17+s4], $0x140, $0x38;
	[tilespmem:$0x14200] =	vst v63  }
0x27: {  	_ =	swait.ge [sflag:s25], $0x140  }
0x28: {  	[sflag:s25] =	ssyncset.done $0x0  }
0x29: {  	[sflag:s25] =	ssyncadd.s32 $0xFFFFFEC0  }
0x2a: {  	[tilespmem:s29], [sflag:$0x1] =	stream.indirect.gather [hbm4b:s1+s28], $0x80, s4, s28, $0xb8;
	[tilespmem:$0x14200] =	vst v63  }
0x2b: {  	_ = 	snop  }
0x2c: {  	[tilespmem:s30], [sflag:$0x2] =	stream.indirect.gather [hbm4b:s1+s28], $0x80, s28, s28, $0xb8;
	[tilespmem:$0x14200] =	vst v63  }
0x2d: {  	_ =	swait.ge [sflag:s31], $0x2800  }
0x2e: {  	[sflag:s31] =	ssyncset.done $0x0  }
0x2f: {  	s18 =	rddreg [dreg:$0x9];
	[sflag:s31] =	ssyncadd.s32 $0xFFFFD800  }
0x30: {  	[hbm4b:s18+s4] =	stream.linear.scatter [tilespmem:s29], [sflag:$0x3], $0x2800, $0x38;
	[tilespmem:$0x14200] =	vst v63  }
0x31: {  	_ =	swait.ge [sflag:s3], $0x2800  }
0x32: {  	[sflag:s3] =	ssyncset.done $0x0  }
0x33: {  	s17 =	simm.s32 $0xA0;
	[sflag:s3] =	ssyncadd.s32 $0xFFFFD800  }
0x34: {  	[tilespmem:s29], [sflag:$0x1] =	stream.indirect.gather [hbm4b:s1+s28], $0x80, s17, s28, $0xb8;
	[tilespmem:$0x14200] =	vst v63  }
0x35: {  	_ =	swait.ge [sflag:s0], $0x2800  }
0x36: {  	[sflag:s0] =	ssyncset.done $0x0  }
0x37: {  	s18 =	rddreg [dreg:$0xa];
	[sflag:s0] =	ssyncadd.s32 $0xFFFFD800  }
0x38: {  	[hbm4b:s18+s4] =	stream.linear.scatter [tilespmem:s30], [sflag:$0x4], $0x2800, $0x38;
	[tilespmem:$0x14200] =	vst v63  }
0x39: {  	_ =	swait.ge [sflag:s5], $0x2800  }
0x3a: {  	[sflag:s5] =	ssyncset.done $0x0  }
0x3b: {  	s17 =	simm.s32 $0xF0;
	[sflag:s5] =	ssyncadd.s32 $0xFFFFD800  }
0x3c: {  	[tilespmem:s30], [sflag:$0x2] =	stream.indirect.gather [hbm4b:s1+s28], $0x80, s17, s28, $0xb8;
	[tilespmem:$0x14200] =	vst v63  }
0x3d: {  	_ =	swait.ge [sflag:s31], $0x2800  }
0x3e: {  	[sflag:s31] =	ssyncset.done $0x0  }
0x3f: {  	s18 =	rddreg [dreg:$0xb];
	[sflag:s31] =	ssyncadd.s32 $0xFFFFD800  }
0x40: {  	[hbm4b:s18+s4] =	stream.linear.scatter [tilespmem:s29], [sflag:$0x3], $0x2800, $0x38;
	[tilespmem:$0x14200] =	vst v63  }
0x41: {  	_ =	swait.ge [sflag:s3], $0x2800  }
0x42: {  	[sflag:s3] =	ssyncset.done $0x0  }
0x43: {  	[sflag:s3] =	ssyncadd.s32 $0xFFFFD800  }
0x44: {  	[tilespmem:s29], [sflag:$0x1] =	stream.indirect.gather [hbm4b:s2+s28], $0x80, s26, s28, $0xb8;
	[tilespmem:$0x14200] =	vst v63  }
0x45: {  	_ =	swait.ge [sflag:s0], $0x2800  }
0x46: {  	[sflag:s0] =	ssyncset.done $0x0  }
0x47: {  	s17 =	rddreg [dreg:$0xc];
	[sflag:s0] =	ssyncadd.s32 $0xFFFFD800  }
0x48: {  	[hbm4b:s17+s4] =	stream.linear.scatter [tilespmem:s30], [sflag:$0x4], $0x2800, $0x38;
	[tilespmem:$0x14200] =	vst v63  }
0x49: {  	_ =	swait.ge [sflag:s5], $0x2800  }
0x4a: {  	[sflag:s5] =	ssyncset.done $0x0  }
0x4b: {  	s18 =	simm.s32 $0x1D0;
	[sflag:s5] =	ssyncadd.s32 $0xFFFFD800  }
0x4c: {  	[tilespmem:s30], [sflag:$0x2] =	stream.indirect.gather [hbm4b:s2+s28], $0x80, s18, s28, $0xb8;
	[tilespmem:$0x14200] =	vst v63  }
0x4d: {  	_ =	swait.ge [sflag:s31], $0x2800  }
0x4e: {  	[sflag:s31] =	ssyncset.done $0x0  }
0x4f: {  	s17 =	rddreg [dreg:$0xd];
	[sflag:s31] =	ssyncadd.s32 $0xFFFFD800  }
0x50: {  	[hbm4b:s17+s4] =	stream.linear.scatter [tilespmem:s29], [sflag:$0x3], $0x2800, $0x38;
	[tilespmem:$0x14200] =	vst v63  }
0x51: {  	_ =	swait.ge [sflag:s3], $0x2800  }
0x52: {  	[sflag:s3] =	ssyncset.done $0x0  }
0x53: {  	s18 =	simm.s32 $0x220;
	[sflag:s3] =	ssyncadd.s32 $0xFFFFD800  }
0x54: {  	[tilespmem:s29], [sflag:$0x1] =	stream.indirect.gather [hbm4b:s2+s28], $0x80, s18, s28, $0xb8;
	[tilespmem:$0x14200] =	vst v63  }
0x55: {  	_ =	swait.ge [sflag:s0], $0x2800  }
0x56: {  	[sflag:s0] =	ssyncset.done $0x0  }
0x57: {  	s17 =	rddreg [dreg:$0xe];
	[sflag:s0] =	ssyncadd.s32 $0xFFFFD800  }
0x58: {  	[hbm4b:s17+s4] =	stream.linear.scatter [tilespmem:s30], [sflag:$0x4], $0x2800, $0x38;
	[tilespmem:$0x14200] =	vst v63  }
0x59: {  	_ =	swait.ge [sflag:s5], $0x2800  }
0x5a: {  	[sflag:s5] =	ssyncset.done $0x0  }
0x5b: {  	s18 =	simm.s32 $0x270;
	[sflag:s5] =	ssyncadd.s32 $0xFFFFD800  }
0x5c: {  	[tilespmem:s30], [sflag:$0x2] =	stream.indirect.gather [hbm4b:s2+s28], $0x80, s18, s28, $0xb8;
	[tilespmem:$0x14200] =	vst v63  }
0x5d: {  	_ =	swait.ge [sflag:s31], $0x2800  }
0x5e: {  	[sflag:s31] =	ssyncset.done $0x0  }
0x5f: {  	s17 =	rddreg [dreg:$0xf];
	[sflag:s31] =	ssyncadd.s32 $0xFFFFD800  }
0x60: {  	[hbm4b:s17+s4] =	stream.linear.scatter [tilespmem:s29], [sflag:$0x3], $0x2800, $0x38;
	[tilespmem:$0x14200] =	vst v63  }
0x61: {  	_ =	swait.ge [sflag:s0], $0x2800  }
0x62: {  	[sflag:s0] =	ssyncset.done $0x0  }
0x63: {  	s18 =	rddreg [dreg:$0x10];
	[sflag:s0] =	ssyncadd.s32 $0xFFFFD800  }
0x64: {  	[hbm4b:s18+s4] =	stream.linear.scatter [tilespmem:s30], [sflag:$0x4], $0x2800, $0x38;
	[tilespmem:$0x14200] =	vst v63  }
0x65: {  	_ =	swait.ge [sflag:s3], $0x2800  }
0x66: {  	[sflag:s3] =	ssyncset.done $0x0  }
0x67: {  	[sflag:s3] =	ssyncadd.s32 $0xFFFFD800  }
0x68: {  	_ =	swait.ge [sflag:s5], $0x2800  }
0x69: {  	[sflag:s5] =	ssyncset.done $0x0  }
0x6a: {  	s16 =	simm.s32 $0x40;
	s17 =	simm.s32 $0x0;
	[sflag:s5] =	ssyncadd.s32 $0xFFFFD800  }
.LBB2_2:
0x6b: {  	p0 =	sne.s32 s16, $0x9FC0;
	[tilespmem:s17+$0xA200] =	vst v0;
	s17 =	smov.u32 s16;
	s16 =	sadd.s32 $0x40, s16  }
.Ltmp0:
0x6c: {  	(pc) =	sbr.rel @p0 .LBB2_2-.Ltmp0, $2  }
0x6d: {  	_ =	sdelay $0x2  }
0x6e: {  	s17 =	sshra.s32 s17, $0x2  }
0x6f: {  	[tilespmem:s17+$0xA200] =	vst v0;
	s16 =	simm.s32 $0x0;
	s17 =	simm.s32 $0x40;
	s18 =	simm.s32 $0x0  }
.LBB2_4:
0x70: {  	p0 =	sne.s32 s17, $0x9FC0;
	[tilespmem:s18+$0xCA00] =	vst v0;
	s18 =	smov.u32 s17;
	s17 =	sadd.s32 $0x40, s17  }
.Ltmp1:
0x71: {  	(pc) =	sbr.rel @p0 .LBB2_4-.Ltmp1, $2  }
0x72: {  	_ =	sdelay $0x2  }
0x73: {  	s18 =	sshra.s32 s18, $0x2  }
0x74: {  	[tilespmem:s18+$0xCA00] =	vst v0  }
.LBB2_6:
0x75: {  	p0 =	sne.s32 s16, $0x9FC0  }
.Ltmp2:
0x76: {  	_ = 	snop;
	(pc) =	sbr.rel @p0 .LBB2_6-.Ltmp2, $3  }
0x77: {  	_ =	sdelay $0x1  }
0x78: {  	s17 =	sshra.s32 s16, $0x2  }
0x79: {  	s16 =	sadd.s32 $0x40, s16;
	[tilespmem:s17+$0xF200] =	vst v0  }
0x7a: {  	s16 =	simm.s32 $0x40;
	s17 =	simm.s32 $0x0  }
.LBB2_8:
0x7b: {  	p0 =	sne.s32 s16, $0x9FC0;
	[tilespmem:s17+$0x11A00] =	vst v0;
	s17 =	smov.u32 s16;
	s16 =	sadd.s32 $0x40, s16  }
.Ltmp3:
0x7c: {  	(pc) =	sbr.rel @p0 .LBB2_8-.Ltmp3, $2  }
0x7d: {  	_ =	sdelay $0x2  }
0x7e: {  	s17 =	sshra.s32 s17, $0x2  }
0x7f: {  	[tilespmem:s17+$0x11A00] =	vst v0;
	s16 =	simm.s32 $0x0;
	s18 =	rddreg [dreg:$0x11]  }
0x80: {  	[tilespmem:s6], [sflag:$0x6] =	stream.linear.gather [hbm4b:s18+s16], $0x2710, $0x38;
	[tilespmem:$0x14200] =	vst v63  }
0x81: {  	_ =	swait.ge [sflag:s7], $0x2710  }
0x82: {  	[sflag:s7] =	ssyncset.done $0x0  }
0x83: {  	s17 =	simm.s32 $0x0;
	s16 =	simm.s32 $0x40;
	[sflag:s7] =	ssyncadd.s32 $0xFFFFD8F0  }
.LBB2_10:
0x84: {  	p0 =	sne.s32 s16, $0x9C00;
	v2 =	vld [tilespmem:s17+$0x5300];
	_ =	sdelay $0x3  }
.Ltmp4:
0x85: {  	(pc) =	sbr.rel @p0 .LBB2_10-.Ltmp4, $2  }
0x86: {  	_ =	sdelay $0x2  }
0x87: {  	s17 =	sshra.s32 s16, $0x2;
	s16 =	sadd.s32 $0x40, s16;
	[tilespmem:v2+s8+$0x0] =	vst.idx.add.f32.msk $0xffff, v1  }
0x88: {  	v2 =	vld [tilespmem:s17+$0x5300];
	_ =	sdelay $0x7  }
0x89: {  	s16 =	simm.s32 $0x0;
	s18 =	rddreg [dreg:$0x12];
	[tilespmem:v2+s8+$0x0] =	vst.idx.add.f32.msk $0xffff, v1  }
0x8a: {  	[tilespmem:s24], [sflag:$0x5] =	stream.linear.gather [hbm4b:s18+s16], $0x2710, $0x38;
	[tilespmem:$0x14200] =	vst v63  }
0x8b: {  	_ =	swait.ge [sflag:s9], $0x2710  }
0x8c: {  	[sflag:s9] =	ssyncset.done $0x0  }
0x8d: {  	s17 =	simm.s32 $0x0;
	s16 =	simm.s32 $0x40;
	[sflag:s9] =	ssyncadd.s32 $0xFFFFD8F0  }
.LBB2_12:
0x8e: {  	p0 =	sne.s32 s16, $0x9C00;
	v2 =	vld [tilespmem:s17+$0x7A80];
	_ =	sdelay $0x3  }
.Ltmp5:
0x8f: {  	(pc) =	sbr.rel @p0 .LBB2_12-.Ltmp5, $2  }
0x90: {  	_ =	sdelay $0x2  }
0x91: {  	s17 =	sshra.s32 s16, $0x2;
	s16 =	sadd.s32 $0x40, s16;
	[tilespmem:v2+s10+$0x0] =	vst.idx.add.f32.msk $0xffff, v1  }
0x92: {  	v2 =	vld [tilespmem:s17+$0x7A80];
	_ =	sdelay $0x7  }
0x93: {  	s16 =	simm.s32 $0x0;
	s18 =	rddreg [dreg:$0x13];
	[tilespmem:v2+s10+$0x0] =	vst.idx.add.f32.msk $0xffff, v1  }
0x94: {  	[tilespmem:s6], [sflag:$0x6] =	stream.linear.gather [hbm4b:s18+s16], $0x2710, $0x38;
	[tilespmem:$0x14200] =	vst v63  }
0x95: {  	_ =	swait.ge [sflag:s7], $0x2710  }
0x96: {  	[sflag:s7] =	ssyncset.done $0x0  }
0x97: {  	s17 =	simm.s32 $0x0;
	s16 =	simm.s32 $0x40;
	[sflag:s7] =	ssyncadd.s32 $0xFFFFD8F0  }
.LBB2_14:
0x98: {  	p0 =	sne.s32 s16, $0x9C00;
	v2 =	vld [tilespmem:s17+$0x5300];
	_ =	sdelay $0x3  }
.Ltmp6:
0x99: {  	(pc) =	sbr.rel @p0 .LBB2_14-.Ltmp6, $2  }
0x9a: {  	_ =	sdelay $0x2  }
0x9b: {  	s17 =	sshra.s32 s16, $0x2;
	s16 =	sadd.s32 $0x40, s16;
	[tilespmem:v2+s11+$0x0] =	vst.idx.add.f32.msk $0xffff, v1  }
0x9c: {  	v2 =	vld [tilespmem:s17+$0x5300];
	_ =	sdelay $0x7  }
0x9d: {  	[tilespmem:v2+s11+$0x0] =	vst.idx.add.f32.msk $0xffff, v1  }
0x9e: {  	_ =	swait.ge [sflag:s9], $0x2710  }
0x9f: {  	[sflag:s9] =	ssyncset.done $0x0  }
0xa0: {  	s17 =	simm.s32 $0x0;
	s16 =	simm.s32 $0x40;
	[sflag:s9] =	ssyncadd.s32 $0xFFFFD8F0  }
.LBB2_16:
0xa1: {  	p0 =	sne.s32 s16, $0x9C00;
	v2 =	vld [tilespmem:s17+$0x7A80];
	_ =	sdelay $0x3  }
.Ltmp7:
0xa2: {  	(pc) =	sbr.rel @p0 .LBB2_16-.Ltmp7, $2  }
0xa3: {  	_ =	sdelay $0x2  }
0xa4: {  	s17 =	sshra.s32 s16, $0x2;
	s16 =	sadd.s32 $0x40, s16;
	[tilespmem:v2+s12+$0x0] =	vst.idx.add.f32.msk $0xffff, v1  }
0xa5: {  	v2 =	vld [tilespmem:s17+$0x7A80];
	_ =	sdelay $0x7  }
0xa6: {  	[tilespmem:v2+s12+$0x0] =	vst.idx.add.f32.msk $0xffff, v1  }
0xa7: {  	[hbm4b:s19+s13] =	stream.strided.scatter [tilespmem:s8], [sflag:$0x5], $0x2800, s14, s13, $0x38;
	[tilespmem:$0x14200] =	vst v63  }
0xa8: {  	_ = 	snop  }
0xa9: {  	[hbm4b:s20+s13] =	stream.strided.scatter [tilespmem:s10], [sflag:$0x5], $0x2800, s14, s13, $0x38;
	[tilespmem:$0x14200] =	vst v63  }
0xaa: {  	_ = 	snop  }
0xab: {  	[hbm4b:s21+s13] =	stream.strided.scatter [tilespmem:s11], [sflag:$0x5], $0x2800, s14, s13, $0x38;
	[tilespmem:$0x14200] =	vst v63  }
0xac: {  	_ = 	snop  }
0xad: {  	[hbm4b:s22+s13] =	stream.strided.scatter [tilespmem:s12], [sflag:$0x5], $0x2800, s14, s13, $0x38;
	[tilespmem:$0x14200] =	vst v63  }
0xae: {  	_ =	swait.ge [sflag:s7], $0x2800  }
0xaf: {  	[sflag:s7] =	ssyncset.done $0x0  }
0xb0: {  	[sflag:s7] =	ssyncadd.s32 $0xFFFFD800  }
0xb1: {  	_ =	swait.ge [sflag:s7], $0x2800  }
0xb2: {  	[sflag:s7] =	ssyncset.done $0x0  }
0xb3: {  	s15 =	sadd.s32 $0x1, s15;
	[sflag:s7] =	ssyncadd.s32 $0xFFFFD800  }
0xb4: {  	p0 =	sne.s32 s15, s23;
	_ =	swait.ge [sflag:s7], $0x2800  }
.Ltmp8:
0xb5: {  	[sflag:s7] =	ssyncset.done $0x0;
	(pc) =	sbr.rel @p0 .LBB2_1-.Ltmp8, $4  }
0xb6: {  	[sflag:s7] =	ssyncadd.s32 $0xFFFFD800  }
0xb7: {  	_ =	swait.ge [sflag:s7], $0x2800  }
0xb8: {  	[sflag:s7] =	ssyncset.done $0x0  }
0xb9: {  	[sflag:s7] =	ssyncadd.s32 $0xFFFFD800  }
0xba: {  	_ =	sfence.sel $0x180000  }
0xbb: {  	[bflag:$0x0] =	sbarrier.arrive $0xFFFF  }
0xbc: {  	_ =	strace $0x90000047  }
0xbd: {  	s0 =	stileid.u32;
	[bflag:$0x2] =	sbarrier.arrive $0xFFFF  }
0xbe: {  	p0 =	sne.s32 s0, $0x0;
	s0 =	rddreg [dreg:$0x5]  }
0xbf: {  	s0 =	sadd.s32 @!p0 $0x100000, s0  }
0xc0: {  	[sflag:s0] =	ssyncadd.tile.s32 @!p0 $0x1;
	_ =	shalt  }
.Lfunc_end2:
_tile_overlayer_lowered:
.L_overlay_start_2:
0xc1: {  	(tag) =	ssettag $0x2  }
0xc2: {  	s0 =	rddreg [dreg:$0x0];
	s2 =	stileid.u32  }
0xc3: {  	s1 =	rddreg [dreg:$0x1];
	p0 =	sne.s32 s2, $0x0  }
0xc4: {  	s3 =	rddreg [dreg:$0x2];
	[bflag:$0x3] =	sbarrier.arrive $0xFFFF;
	s2 =	simm.s32 @!p0 $0x1C07  }
0xc5: {  	[timem:s3], [sflag:s2] =	dma.local @!p0 [hbm:s0], s1  }
0xc6: {  	s0 =	simm.s32 @!p0 $0x7  }
0xc7: {  	_ =	swait.ge @!p0 [sflag:s0], s1  }
0xc8: {  	s1 =	ssub.s32 @!p0 $0x0, s1;
	[sflag:s0] =	ssyncset.done @!p0 $0x0  }
0xc9: {  	[sflag:s0] =	ssyncadd.s32 @!p0 s1  }
0xca: {  	[bflag:$0x3] =	sbarrier.arrive $0xFFFF  }
0xcb: {  	_ =	shalt  }

</sc_bundles>
